<compile_context>
chip_gen: v7x
topology: tpu7x:2x2x1
jax: 0.10.2.dev20260603
libtpu: 0.0.44.dev20260713+nightly
codegen_flags: <defaults>
</compile_context>

<pallas_src>
import functools

import numpy as np
import jax
import jax.numpy as jnp
from jax import lax
from jax.experimental import pallas as pl
from jax.experimental.pallas import tpu as pltpu
from jax.experimental.pallas import tpu_sc as plsc

_N_NODES = 100000
_N_EDGES = 3200000
_D_EDGE = 16
_K = 16
_R_MIN = 0.0
_R_MAX = 4.0

_NC = 2
_NS = 16
_NW = _NC * _NS
_NT = _N_EDGES // 128
_T = 8
_BE = _T * 128
_NGRP = _BE // 16
_BPW = -(-_NT // (_NW * _T))
_SPAN = _BPW * _T
_ATTR_W = _N_EDGES * _D_EDGE // _NW

_DELTA = (_R_MAX - _R_MIN) / _K
_GAMMA = np.float32(1.0 / (2.0 * _DELTA ** 2 + 1e-09))


def _rsqrt(x):
    bi = lax.bitcast_convert_type(x, jnp.int32)
    yi = jnp.int32(0x5F3759DF) - lax.shift_right_logical(bi, 1)
    y = lax.bitcast_convert_type(yi, jnp.float32)
    h = x * jnp.float32(0.5)
    for _ in range(3):
        y = y * (jnp.float32(1.5) - h * y * y)
    return y


def _body(pos_hbm, ei_hbm, attr_hbm, out_hbm,
          idx_v, ex_v, ey_v, ez_v, fx_v, fy_v, fz_v,
          rx_v, ry_v, rz_v, cx_v, cy_v, cz_v, out_v, ab_v,
          pf_sh, isem, gsem, osem, arsem, awsem):
    c = lax.axis_index("c")
    s = lax.axis_index("s")
    wid = s * _NC + c
    t0 = jnp.minimum(wid * _SPAN, _NT - _SPAN)

    @pl.when(s == 0)
    def _stage():
        pltpu.sync_copy(pos_hbm, pf_sh)

    plsc.subcore_barrier()

    _ACH = 16384
    alast = wid * _ATTR_W + (_ATTR_W - _ACH)

    def attr_off(b):
        return jnp.minimum(wid * _ATTR_W + b * _ACH, alast)

    def fire_aread(b, p):
        pltpu.async_copy(attr_hbm.at[pl.ds(attr_off(b), _ACH)], ab_v[p],
                         arsem[p])

    def drain_aread(p):
        pltpu.make_async_copy(attr_hbm.at[pl.ds(0, _ACH)], ab_v[p],
                              arsem[p]).wait()

    def fire_awrite(b, p):
        pltpu.async_copy(ab_v[p], out_hbm.at[pl.ds(attr_off(b), _ACH)],
                         awsem[p])

    def drain_awrite(p):
        pltpu.make_async_copy(ab_v[p], out_hbm.at[pl.ds(0, _ACH)],
                              awsem[p]).wait()

    neg_gamma = jnp.float32(-_GAMMA)
    kstep = jnp.float32((_R_MAX - _R_MIN) / (_K - 1))

    coord = [(rx_v[0], ry_v[0], rz_v[0], cx_v[0], cy_v[0], cz_v[0]),
             (rx_v[1], ry_v[1], rz_v[1], cx_v[1], cy_v[1], cz_v[1])]
    gidx = [(ex_v[0], ey_v[0], ez_v[0], fx_v[0], fy_v[0], fz_v[0]),
            (ex_v[1], ey_v[1], ez_v[1], fx_v[1], fy_v[1], fz_v[1])]

    def fire_idx(b, p):
        pltpu.async_copy(
            ei_hbm.at[pl.ds((t0 + b * _T) * 256, _T * 256)], idx_v[p],
            isem[p])

    def drain_idx(p):
        pltpu.make_async_copy(
            ei_hbm.at[pl.ds(0, _T * 256)], idx_v[p], isem[p]).wait()

    def transform_idx(p):
        ex, ey, ez, fx, fy, fz = gidx[p]
        iv = idx_v[p]

        def tf_body(g, carry2):
            base = (g >> 3) * 256 + (g & 7) * 16
            sl = pl.ds(g * 16, 16)
            r3 = iv[pl.ds(base, 16)] * 3
            c3 = iv[pl.ds(base + 128, 16)] * 3
            ex[sl] = r3
            ey[sl] = r3 + 1
            ez[sl] = r3 + 2
            fx[sl] = c3
            fy[sl] = c3 + 1
            fz[sl] = c3 + 2
            return carry2

        lax.fori_loop(0, _NGRP, tf_body, 0)

    def fire_gathers(p):
        for t in range(6):
            pltpu.async_copy(pf_sh.at[gidx[p][t]], coord[p][t], gsem[p])

    def drain_gathers(p):
        for t in range(6):
            pltpu.make_async_copy(
                pf_sh.at[gidx[p][t]], coord[p][t], gsem[p]).wait()

    def fire_out(b, p):
        tb = t0 + b * _T
        pltpu.async_copy(
            out_v[p].at[pl.ds(0, _T * 1024)],
            out_hbm.at[pl.ds((2 * _NT + tb) * 1024, _T * 1024)], osem[p])
        pltpu.async_copy(
            out_v[p].at[pl.ds(_T * 1024, _T * 1024)],
            out_hbm.at[pl.ds((3 * _NT + tb) * 1024, _T * 1024)], osem[p])

    def drain_out(p):
        pltpu.make_async_copy(
            out_v[p].at[pl.ds(0, _T * 1024)],
            out_hbm.at[pl.ds(0, _T * 1024)], osem[p]).wait()
        pltpu.make_async_copy(
            out_v[p].at[pl.ds(_T * 1024, _T * 1024)],
            out_hbm.at[pl.ds(0, _T * 1024)], osem[p]).wait()

    def compute(p):
        rx, ry, rz, cx, cy, cz = coord[p]
        ov = out_v[p]

        def grp_body(g, carry2):
            sl = pl.ds(g * 16, 16)
            dx = rx[sl] - cx[sl]
            dy = ry[sl] - cy[sl]
            dz = rz[sl] - cz[sl]
            d2 = dx * dx + dy * dy + dz * dz
            dist = d2 * _rsqrt(d2)
            obase = (g >> 3) * 1024 + (g & 7) * 16
            for j in range(_K):
                t = dist - jnp.float32(j) * kstep
                off = obase + (j // 8) * (_T * 1024) + (j % 8) * 128
                ov[pl.ds(off, 16)] = jnp.exp(t * t * neg_gamma)
            return carry2

        lax.fori_loop(0, _NGRP, grp_body, 0)

    def half_step(b, p, with_out_drain):
        q = 1 - p
        nxt2 = jnp.minimum(b + 2, _BPW - 1)
        drain_gathers(p)
        drain_idx(q)
        if with_out_drain:
            drain_awrite(p)
        fire_aread(b, p)
        transform_idx(q)
        fire_gathers(q)
        fire_idx(nxt2, p)
        if with_out_drain:
            drain_out(p)
        compute(p)
        drain_aread(p)
        fire_awrite(b, p)
        fire_out(b, p)

    pltpu.sync_copy(ei_hbm.at[pl.ds(t0 * 256, _T * 256)], idx_v[0])
    transform_idx(0)
    fire_gathers(0)
    fire_idx(1, 1)

    half_step(jnp.int32(0), 0, False)
    half_step(jnp.int32(1), 1, False)

    def pair_body(i, carry):
        b = i * 2
        half_step(b, 0, True)
        half_step(b + 1, 1, True)
        return carry

    lax.fori_loop(1, _BPW // 2, pair_body, 0)

    drain_gathers(0)
    drain_idx(1)
    drain_out(1)
    drain_out(0)
    drain_awrite(0)
    drain_awrite(1)


@jax.jit
def kernel(pos, edge_index, edge_attr):
    mesh = plsc.VectorSubcoreMesh(core_axis_name="c", subcore_axis_name="s")
    ivec = pltpu.VMEM((_BE,), jnp.int32)
    fvec = pltpu.VMEM((_BE,), jnp.float32)
    f = pl.kernel(
        _body,
        out_type=jax.ShapeDtypeStruct((_N_EDGES * (_D_EDGE + _K),),
                                      jnp.float32),
        mesh=mesh,
        scratch_types=[
            (pltpu.VMEM((_T * 256,), jnp.int32),
             pltpu.VMEM((_T * 256,), jnp.int32)),
            (ivec, ivec), (ivec, ivec), (ivec, ivec),
            (ivec, ivec), (ivec, ivec), (ivec, ivec),
            (fvec, fvec), (fvec, fvec), (fvec, fvec),
            (fvec, fvec), (fvec, fvec), (fvec, fvec),
            (pltpu.VMEM((2 * _T * 1024,), jnp.float32),
             pltpu.VMEM((2 * _T * 1024,), jnp.float32)),
            (pltpu.VMEM((16384,), jnp.float32),
             pltpu.VMEM((16384,), jnp.float32)),
            pltpu.VMEM_SHARED((3 * _N_NODES,), jnp.float32),
            (pltpu.SemaphoreType.DMA, pltpu.SemaphoreType.DMA),
            (pltpu.SemaphoreType.DMA, pltpu.SemaphoreType.DMA),
            (pltpu.SemaphoreType.DMA, pltpu.SemaphoreType.DMA),
            (pltpu.SemaphoreType.DMA, pltpu.SemaphoreType.DMA),
            (pltpu.SemaphoreType.DMA, pltpu.SemaphoreType.DMA),
        ],
        compiler_params=pltpu.CompilerParams(use_tc_tiling_on_sc=False),
    )
    ei_phys = edge_index.reshape(2, _NT, 128).transpose(1, 0, 2).reshape(-1)
    attr_phys = edge_attr.reshape(_NT, 128, _D_EDGE // 8, 8).transpose(
        2, 0, 3, 1).reshape(-1)
    raw = f(pos.reshape(-1), ei_phys, attr_phys)
    out = raw.reshape(4, _NT, 8, 128).transpose(1, 3, 0, 2).reshape(
        _N_EDGES, _D_EDGE + _K)
    return out

# --- scband reference (transcript-rebuilt; emitter-appended) ---
"""Pipeline reference for scband-geometry-featurizer-57234734186659 (READ-ONLY COPY).

The authoritative reference and input builder live on the scoring server;
editing this copy changes nothing except your own understanding.
"""

import jax, jax.numpy as jnp
import numpy as np

N_NODES = 100000
N_EDGES = 3200000
D_EDGE = 16
K = 16
R_MIN = 0.0
R_MAX = 4.0


def setup_inputs(seed: int = 0) -> dict:
    key = jax.random.key(seed)
    k1, k2, k3 = jax.random.split(key, 3)
    pos = jax.random.normal(k1, (N_NODES, 3), dtype=jnp.float32)
    edge_index = jax.random.randint(k2, (2, N_EDGES), 0, N_NODES, dtype=jnp.int32)
    edge_attr = jax.random.normal(k3, (N_EDGES, D_EDGE), dtype=jnp.float32)
    return {"pos": pos, "edge_index": edge_index, "edge_attr": edge_attr}


def reference(pos, edge_index, edge_attr):
    # buffers derived from init kwargs
    centers = jnp.linspace(R_MIN, R_MAX, K, dtype=jnp.float32).reshape(1, K)
    delta = (R_MAX - R_MIN) / K
    gamma = jnp.float32(1.0 / (2.0 * delta ** 2 + 1e-09))
    # _pair_dist (computed under torch.no_grad in the original -> stop_gradient)
    row = edge_index[0]
    col = edge_index[1]
    diff = jnp.take(pos, row, axis=0) - jnp.take(pos, col, axis=0)
    dist = jnp.linalg.norm(diff, axis=-1, keepdims=True)
    dist = jax.lax.stop_gradient(dist)
    rbf = jnp.exp(-gamma * (dist - centers) ** 2)
    # concat_original=True and edge_attr is not None
    return jnp.concatenate([edge_attr, rbf], axis=-1)

if __name__ == "__main__":
    import jax
    _d = setup_inputs()
    print(jax.jit(kernel)(*tuple(_d.values())))

</pallas_src>

<mosaic_0001>
#map = affine_map<(d0, d1) -> (0)>
module attributes {stable_mosaic.version = 14 : i64} {
  func.func @_body(%arg0: i32, %arg1: i32, %arg2: memref<300000xf32, #tpu.memory_space<hbm>>, %arg3: memref<6400000xi32, #tpu.memory_space<hbm>>, %arg4: memref<51200000xf32, #tpu.memory_space<hbm>>, %arg5: memref<102400000xf32, #tpu.memory_space<hbm>>, %arg6: memref<2048xi32, #tpu.memory_space<vmem>>, %arg7: memref<2048xi32, #tpu.memory_space<vmem>>, %arg8: memref<1024xi32, #tpu.memory_space<vmem>>, %arg9: memref<1024xi32, #tpu.memory_space<vmem>>, %arg10: memref<1024xi32, #tpu.memory_space<vmem>>, %arg11: memref<1024xi32, #tpu.memory_space<vmem>>, %arg12: memref<1024xi32, #tpu.memory_space<vmem>>, %arg13: memref<1024xi32, #tpu.memory_space<vmem>>, %arg14: memref<1024xi32, #tpu.memory_space<vmem>>, %arg15: memref<1024xi32, #tpu.memory_space<vmem>>, %arg16: memref<1024xi32, #tpu.memory_space<vmem>>, %arg17: memref<1024xi32, #tpu.memory_space<vmem>>, %arg18: memref<1024xi32, #tpu.memory_space<vmem>>, %arg19: memref<1024xi32, #tpu.memory_space<vmem>>, %arg20: memref<1024xf32, #tpu.memory_space<vmem>>, %arg21: memref<1024xf32, #tpu.memory_space<vmem>>, %arg22: memref<1024xf32, #tpu.memory_space<vmem>>, %arg23: memref<1024xf32, #tpu.memory_space<vmem>>, %arg24: memref<1024xf32, #tpu.memory_space<vmem>>, %arg25: memref<1024xf32, #tpu.memory_space<vmem>>, %arg26: memref<1024xf32, #tpu.memory_space<vmem>>, %arg27: memref<1024xf32, #tpu.memory_space<vmem>>, %arg28: memref<1024xf32, #tpu.memory_space<vmem>>, %arg29: memref<1024xf32, #tpu.memory_space<vmem>>, %arg30: memref<1024xf32, #tpu.memory_space<vmem>>, %arg31: memref<1024xf32, #tpu.memory_space<vmem>>, %arg32: memref<16384xf32, #tpu.memory_space<vmem>>, %arg33: memref<16384xf32, #tpu.memory_space<vmem>>, %arg34: memref<16384xf32, #tpu.memory_space<vmem>>, %arg35: memref<16384xf32, #tpu.memory_space<vmem>>, %arg36: memref<300000xf32, #tpu.memory_space<vmem_shared>>, %arg37: memref<!tpu.dma_semaphore, #tpu.memory_space<semaphore_mem>>, %arg38: memref<!tpu.dma_semaphore, #tpu.memory_space<semaphore_mem>>, %arg39: memref<!tpu.dma_semaphore, #tpu.memory_space<semaphore_mem>>, %arg40: memref<!tpu.dma_semaphore, #tpu.memory_space<semaphore_mem>>, %arg41: memref<!tpu.dma_semaphore, #tpu.memory_space<semaphore_mem>>, %arg42: memref<!tpu.dma_semaphore, #tpu.memory_space<semaphore_mem>>, %arg43: memref<!tpu.dma_semaphore, #tpu.memory_space<semaphore_mem>>, %arg44: memref<!tpu.dma_semaphore, #tpu.memory_space<semaphore_mem>>, %arg45: memref<!tpu.dma_semaphore, #tpu.memory_space<semaphore_mem>>, %arg46: memref<!tpu.dma_semaphore, #tpu.memory_space<semaphore_mem>>) attributes {dimension_semantics = [#tpu.dimension_semantics<core_parallel>, #tpu.dimension_semantics<subcore_parallel>], iteration_bounds = array<i64: 2, 16>, scalar_prefetch = 0 : i64, scratch_operands = 41 : i64, tpu.core_type = #tpu.core_type<sc_vector_subcore>, window_params = [{transform_indices = #map}, {transform_indices = #map}, {transform_indices = #map}, {transform_indices = #map}]} {
    %mul3A = arith.constant 2 : i32
    %mul3A_0 = arith.muli %arg1, %mul3A : i32
    %add3A = arith.addi %mul3A_0, %arg0 : i32
    %mul3A_1 = arith.constant 784 : i32
    %mul3A_2 = arith.muli %add3A, %mul3A_1 : i32
    %min3A = arith.constant 24216 : i32
    %min3A_3 = arith.minsi %mul3A_2, %min3A : i32
    %eq3A = arith.constant 0 : i32
    %eq3A_4 = arith.cmpi eq, %arg1, %eq3A : i32
    %convert_element_type3A = arith.extui %eq3A_4 : i1 to i32
    %cond3A = arith.constant 0 : i32
    %cond3A_5 = arith.cmpi ne, %convert_element_type3A, %cond3A : i32
    scf.if %cond3A_5 {
      "tpu.region"() ({
        %run_scoped3A = tpu.sem_alloc : memref<!tpu.dma_semaphore, #tpu.memory_space<semaphore_mem>>
        tpu.enqueue_dma source(%arg2 : memref<300000xf32, #tpu.memory_space<hbm>>) target(%arg36 : memref<300000xf32, #tpu.memory_space<vmem_shared>>) target_semaphore(%run_scoped3A : memref<!tpu.dma_semaphore, #tpu.memory_space<semaphore_mem>>)
        tpu.wait_dma2 semaphore(%run_scoped3A : memref<!tpu.dma_semaphore, #tpu.memory_space<semaphore_mem>>) src(%arg2 : memref<300000xf32, #tpu.memory_space<hbm>>) dst(%arg36 : memref<300000xf32, #tpu.memory_space<vmem_shared>>)
        tpu.yield
      }) : () -> ()
    } else {
    }
    %barrier3A = arith.constant 0 : index
    tpu.barrier barrier_id(%barrier3A)
    %mul3A_6 = arith.constant 1600000 : i32
    %mul3A_7 = arith.muli %add3A, %mul3A_6 : i32
    %add3A_8 = arith.constant 1583616 : i32
    %add3A_9 = arith.addi %mul3A_7, %add3A_8 : i32
    %mul3A_10 = arith.constant 256 : i32
    %mul3A_11 = arith.muli %min3A_3, %mul3A_10 : i32
    "tpu.region"() ({
      %run_scoped3A = tpu.sem_alloc : memref<!tpu.dma_semaphore, #tpu.memory_space<semaphore_mem>>
      %dma_start3A_297 = tpu.memref_slice %arg3[%mul3A_11] : memref<6400000xi32, #tpu.memory_space<hbm>> -> memref<2048xi32, #tpu.memory_space<hbm>>
      %dma_start3A_298 = tpu.memref_slice %arg3[%mul3A_11] : memref<6400000xi32, #tpu.memory_space<hbm>> -> memref<2048xi32, #tpu.memory_space<hbm>>
      tpu.enqueue_dma source(%dma_start3A_298 : memref<2048xi32, #tpu.memory_space<hbm>>) target(%arg6 : memref<2048xi32, #tpu.memory_space<vmem>>) target_semaphore(%run_scoped3A : memref<!tpu.dma_semaphore, #tpu.memory_space<semaphore_mem>>)
      %dma_wait3A_299 = tpu.memref_slice %arg3[%mul3A_11] : memref<6400000xi32, #tpu.memory_space<hbm>> -> memref<2048xi32, #tpu.memory_space<hbm>>
      %dma_wait3A_300 = tpu.memref_slice %arg3[%mul3A_11] : memref<6400000xi32, #tpu.memory_space<hbm>> -> memref<2048xi32, #tpu.memory_space<hbm>>
      tpu.wait_dma2 semaphore(%run_scoped3A : memref<!tpu.dma_semaphore, #tpu.memory_space<semaphore_mem>>) src(%dma_wait3A_300 : memref<2048xi32, #tpu.memory_space<hbm>>) dst(%arg6 : memref<2048xi32, #tpu.memory_space<vmem>>)
      tpu.yield
    }) : () -> ()
    %scan3A = arith.constant 0 : i32
    %scan3A_12 = arith.constant 0 : i32
    %scan3A_13 = arith.constant 64 : i32
    %scan3A_14 = arith.addi %scan3A_12, %scan3A_13 : i32
    %scan3A_15 = arith.constant 1 : i32
    scf.for %scan3A_297 = %scan3A_12 to %scan3A_14 step %scan3A_15  : i32 {
      %shift_right_arithmetic3A = arith.constant 3 : i32
      %shift_right_arithmetic3A_298 = arith.shrsi %scan3A_297, %shift_right_arithmetic3A : i32
      %mul3A_299 = arith.constant 256 : i32
      %mul3A_300 = arith.muli %shift_right_arithmetic3A_298, %mul3A_299 : i32
      %and3A = arith.constant 7 : i32
      %and3A_301 = arith.andi %scan3A_297, %and3A : i32
      %mul3A_302 = arith.constant 16 : i32
      %mul3A_303 = arith.muli %and3A_301, %mul3A_302 : i32
      %add3A_304 = arith.addi %mul3A_300, %mul3A_303 : i32
      %mul3A_305 = arith.constant 16 : i32
      %mul3A_306 = arith.muli %scan3A_297, %mul3A_305 : i32
      %get3A = arith.index_cast %add3A_304 : i32 to index
      %get3A_307 = tpu.vector_load %arg6[%get3A] {strides = array<i32>} : memref<2048xi32, #tpu.memory_space<vmem>>, vector<16xi32>,
      %get3A_308 = vector.shape_cast %get3A_307 : vector<16xi32> to vector<16xi32>
      %mul3A_309 = arith.constant 3 : i32
      %mul3A_310 = vector.broadcast %mul3A_309 : i32 to vector<16xi32>
      %mul3A_311 = arith.muli %get3A_308, %mul3A_310 : vector<16xi32>
      %add3A_312 = arith.constant 128 : i32
      %add3A_313 = arith.addi %add3A_304, %add3A_312 : i32
      %get3A_314 = arith.index_cast %add3A_313 : i32 to index
      %get3A_315 = tpu.vector_load %arg6[%get3A_314] {strides = array<i32>} : memref<2048xi32, #tpu.memory_space<vmem>>, vector<16xi32>,
      %get3A_316 = vector.shape_cast %get3A_315 : vector<16xi32> to vector<16xi32>
      %mul3A_317 = arith.constant 3 : i32
      %mul3A_318 = vector.broadcast %mul3A_317 : i32 to vector<16xi32>
      %mul3A_319 = arith.muli %get3A_316, %mul3A_318 : vector<16xi32>
      %swap3A = arith.index_cast %mul3A_306 : i32 to index
      %swap3A_320 = tpu.vector_load %arg8[%swap3A] {strides = array<i32>} : memref<1024xi32, #tpu.memory_space<vmem>>, vector<16xi32>,
      %swap3A_321 = vector.shape_cast %swap3A_320 : vector<16xi32> to vector<16xi32>
      %swap3A_322 = vector.shape_cast %mul3A_311 : vector<16xi32> to vector<16xi32>
      tpu.vector_store %arg8[%swap3A], %swap3A_322 {strides = array<i32>} : memref<1024xi32, #tpu.memory_space<vmem>>, vector<16xi32>,
      %add3A_323 = arith.constant 1 : i32
      %add3A_324 = vector.broadcast %add3A_323 : i32 to vector<16xi32>
      %add3A_325 = arith.addi %mul3A_311, %add3A_324 : vector<16xi32>
      %swap3A_326 = arith.index_cast %mul3A_306 : i32 to index
      %swap3A_327 = tpu.vector_load %arg10[%swap3A_326] {strides = array<i32>} : memref<1024xi32, #tpu.memory_space<vmem>>, vector<16xi32>,
      %swap3A_328 = vector.shape_cast %swap3A_327 : vector<16xi32> to vector<16xi32>
      %swap3A_329 = vector.shape_cast %add3A_325 : vector<16xi32> to vector<16xi32>
      tpu.vector_store %arg10[%swap3A_326], %swap3A_329 {strides = array<i32>} : memref<1024xi32, #tpu.memory_space<vmem>>, vector<16xi32>,
      %add3A_330 = arith.constant 2 : i32
      %add3A_331 = vector.broadcast %add3A_330 : i32 to vector<16xi32>
      %add3A_332 = arith.addi %mul3A_311, %add3A_331 : vector<16xi32>
      %swap3A_333 = arith.index_cast %mul3A_306 : i32 to index
      %swap3A_334 = tpu.vector_load %arg12[%swap3A_333] {strides = array<i32>} : memref<1024xi32, #tpu.memory_space<vmem>>, vector<16xi32>,
      %swap3A_335 = vector.shape_cast %swap3A_334 : vector<16xi32> to vector<16xi32>
      %swap3A_336 = vector.shape_cast %add3A_332 : vector<16xi32> to vector<16xi32>
      tpu.vector_store %arg12[%swap3A_333], %swap3A_336 {strides = array<i32>} : memref<1024xi32, #tpu.memory_space<vmem>>, vector<16xi32>,
      %swap3A_337 = arith.index_cast %mul3A_306 : i32 to index
      %swap3A_338 = tpu.vector_load %arg14[%swap3A_337] {strides = array<i32>} : memref<1024xi32, #tpu.memory_space<vmem>>, vector<16xi32>,
      %swap3A_339 = vector.shape_cast %swap3A_338 : vector<16xi32> to vector<16xi32>
      %swap3A_340 = vector.shape_cast %mul3A_319 : vector<16xi32> to vector<16xi32>
      tpu.vector_store %arg14[%swap3A_337], %swap3A_340 {strides = array<i32>} : memref<1024xi32, #tpu.memory_space<vmem>>, vector<16xi32>,
      %add3A_341 = arith.constant 1 : i32
      %add3A_342 = vector.broadcast %add3A_341 : i32 to vector<16xi32>
      %add3A_343 = arith.addi %mul3A_319, %add3A_342 : vector<16xi32>
      %swap3A_344 = arith.index_cast %mul3A_306 : i32 to index
      %swap3A_345 = tpu.vector_load %arg16[%swap3A_344] {strides = array<i32>} : memref<1024xi32, #tpu.memory_space<vmem>>, vector<16xi32>,
      %swap3A_346 = vector.shape_cast %swap3A_345 : vector<16xi32> to vector<16xi32>
      %swap3A_347 = vector.shape_cast %add3A_343 : vector<16xi32> to vector<16xi32>
      tpu.vector_store %arg16[%swap3A_344], %swap3A_347 {strides = array<i32>} : memref<1024xi32, #tpu.memory_space<vmem>>, vector<16xi32>,
      %add3A_348 = arith.constant 2 : i32
      %add3A_349 = vector.broadcast %add3A_348 : i32 to vector<16xi32>
      %add3A_350 = arith.addi %mul3A_319, %add3A_349 : vector<16xi32>
      %swap3A_351 = arith.index_cast %mul3A_306 : i32 to index
      %swap3A_352 = tpu.vector_load %arg18[%swap3A_351] {strides = array<i32>} : memref<1024xi32, #tpu.memory_space<vmem>>, vector<16xi32>,
      %swap3A_353 = vector.shape_cast %swap3A_352 : vector<16xi32> to vector<16xi32>
      %swap3A_354 = vector.shape_cast %add3A_350 : vector<16xi32> to vector<16xi32>
      tpu.vector_store %arg18[%swap3A_351], %swap3A_354 {strides = array<i32>} : memref<1024xi32, #tpu.memory_space<vmem>>, vector<16xi32>,
    }
    %scan3A_16 = arith.constant 64 : i32
    %dma_start3A = arith.constant 0 : i32
    %dma_start3A_17 = tpu.memref_slice %arg36[%dma_start3A] : memref<300000xf32, #tpu.memory_space<vmem_shared>> -> memref<300000xf32, #tpu.memory_space<vmem_shared>>
    tpu.enqueue_indirect_dma source(%dma_start3A_17 : memref<300000xf32, #tpu.memory_space<vmem_shared>>) target(%arg20 : memref<1024xf32, #tpu.memory_space<vmem>>) offsets(%arg8 : memref<1024xi32, #tpu.memory_space<vmem>>) semaphore(%arg39 : memref<!tpu.dma_semaphore, #tpu.memory_space<semaphore_mem>>)
    %dma_start3A_18 = arith.constant 0 : i32
    %dma_start3A_19 = tpu.memref_slice %arg36[%dma_start3A_18] : memref<300000xf32, #tpu.memory_space<vmem_shared>> -> memref<300000xf32, #tpu.memory_space<vmem_shared>>
    tpu.enqueue_indirect_dma source(%dma_start3A_19 : memref<300000xf32, #tpu.memory_space<vmem_shared>>) target(%arg22 : memref<1024xf32, #tpu.memory_space<vmem>>) offsets(%arg10 : memref<1024xi32, #tpu.memory_space<vmem>>) semaphore(%arg39 : memref<!tpu.dma_semaphore, #tpu.memory_space<semaphore_mem>>)
    %dma_start3A_20 = arith.constant 0 : i32
    %dma_start3A_21 = tpu.memref_slice %arg36[%dma_start3A_20] : memref<300000xf32, #tpu.memory_space<vmem_shared>> -> memref<300000xf32, #tpu.memory_space<vmem_shared>>
    tpu.enqueue_indirect_dma source(%dma_start3A_21 : memref<300000xf32, #tpu.memory_space<vmem_shared>>) target(%arg24 : memref<1024xf32, #tpu.memory_space<vmem>>) offsets(%arg12 : memref<1024xi32, #tpu.memory_space<vmem>>) semaphore(%arg39 : memref<!tpu.dma_semaphore, #tpu.memory_space<semaphore_mem>>)
    %dma_start3A_22 = arith.constant 0 : i32
    %dma_start3A_23 = tpu.memref_slice %arg36[%dma_start3A_22] : memref<300000xf32, #tpu.memory_space<vmem_shared>> -> memref<300000xf32, #tpu.memory_space<vmem_shared>>
    tpu.enqueue_indirect_dma source(%dma_start3A_23 : memref<300000xf32, #tpu.memory_space<vmem_shared>>) target(%arg26 : memref<1024xf32, #tpu.memory_space<vmem>>) offsets(%arg14 : memref<1024xi32, #tpu.memory_space<vmem>>) semaphore(%arg39 : memref<!tpu.dma_semaphore, #tpu.memory_space<semaphore_mem>>)
    %dma_start3A_24 = arith.constant 0 : i32
    %dma_start3A_25 = tpu.memref_slice %arg36[%dma_start3A_24] : memref<300000xf32, #tpu.memory_space<vmem_shared>> -> memref<300000xf32, #tpu.memory_space<vmem_shared>>
    tpu.enqueue_indirect_dma source(%dma_start3A_25 : memref<300000xf32, #tpu.memory_space<vmem_shared>>) target(%arg28 : memref<1024xf32, #tpu.memory_space<vmem>>) offsets(%arg16 : memref<1024xi32, #tpu.memory_space<vmem>>) semaphore(%arg39 : memref<!tpu.dma_semaphore, #tpu.memory_space<semaphore_mem>>)
    %dma_start3A_26 = arith.constant 0 : i32
    %dma_start3A_27 = tpu.memref_slice %arg36[%dma_start3A_26] : memref<300000xf32, #tpu.memory_space<vmem_shared>> -> memref<300000xf32, #tpu.memory_space<vmem_shared>>
    tpu.enqueue_indirect_dma source(%dma_start3A_27 : memref<300000xf32, #tpu.memory_space<vmem_shared>>) target(%arg30 : memref<1024xf32, #tpu.memory_space<vmem>>) offsets(%arg18 : memref<1024xi32, #tpu.memory_space<vmem>>) semaphore(%arg39 : memref<!tpu.dma_semaphore, #tpu.memory_space<semaphore_mem>>)
    %add3A_28 = arith.constant 8 : i32
    %add3A_29 = arith.addi %min3A_3, %add3A_28 : i32
    %mul3A_30 = arith.constant 256 : i32
    %mul3A_31 = arith.muli %add3A_29, %mul3A_30 : i32
    %dma_start3A_32 = tpu.memref_slice %arg3[%mul3A_31] : memref<6400000xi32, #tpu.memory_space<hbm>> -> memref<2048xi32, #tpu.memory_space<hbm>>
    %dma_start3A_33 = tpu.memref_slice %arg3[%mul3A_31] : memref<6400000xi32, #tpu.memory_space<hbm>> -> memref<2048xi32, #tpu.memory_space<hbm>>
    tpu.enqueue_dma source(%dma_start3A_33 : memref<2048xi32, #tpu.memory_space<hbm>>) target(%arg7 : memref<2048xi32, #tpu.memory_space<vmem>>) target_semaphore(%arg38 : memref<!tpu.dma_semaphore, #tpu.memory_space<semaphore_mem>>)
    %add3A_34 = arith.constant 0 : i32
    %add3A_35 = arith.constant 2 : i32
    %add3A_36 = arith.addi %add3A_34, %add3A_35 : i32
    %min3A_37 = arith.constant 97 : i32
    %min3A_38 = arith.minsi %add3A_36, %min3A_37 : i32
    %dma_wait3A = arith.constant 0 : i32
    %dma_wait3A_39 = tpu.memref_slice %arg36[%dma_wait3A] : memref<300000xf32, #tpu.memory_space<vmem_shared>> -> memref<300000xf32, #tpu.memory_space<vmem_shared>>
    tpu.wait_indirect_dma semaphore(%arg39 : memref<!tpu.dma_semaphore, #tpu.memory_space<semaphore_mem>>) src(%dma_wait3A_39 : memref<300000xf32, #tpu.memory_space<vmem_shared>>) dst(%arg20 : memref<1024xf32, #tpu.memory_space<vmem>>)
    %dma_wait3A_40 = arith.constant 0 : i32
    %dma_wait3A_41 = tpu.memref_slice %arg36[%dma_wait3A_40] : memref<300000xf32, #tpu.memory_space<vmem_shared>> -> memref<300000xf32, #tpu.memory_space<vmem_shared>>
    tpu.wait_indirect_dma semaphore(%arg39 : memref<!tpu.dma_semaphore, #tpu.memory_space<semaphore_mem>>) src(%dma_wait3A_41 : memref<300000xf32, #tpu.memory_space<vmem_shared>>) dst(%arg22 : memref<1024xf32, #tpu.memory_space<vmem>>)
    %dma_wait3A_42 = arith.constant 0 : i32
    %dma_wait3A_43 = tpu.memref_slice %arg36[%dma_wait3A_42] : memref<300000xf32, #tpu.memory_space<vmem_shared>> -> memref<300000xf32, #tpu.memory_space<vmem_shared>>
    tpu.wait_indirect_dma semaphore(%arg39 : memref<!tpu.dma_semaphore, #tpu.memory_space<semaphore_mem>>) src(%dma_wait3A_43 : memref<300000xf32, #tpu.memory_space<vmem_shared>>) dst(%arg24 : memref<1024xf32, #tpu.memory_space<vmem>>)
    %dma_wait3A_44 = arith.constant 0 : i32
    %dma_wait3A_45 = tpu.memref_slice %arg36[%dma_wait3A_44] : memref<300000xf32, #tpu.memory_space<vmem_shared>> -> memref<300000xf32, #tpu.memory_space<vmem_shared>>
    tpu.wait_indirect_dma semaphore(%arg39 : memref<!tpu.dma_semaphore, #tpu.memory_space<semaphore_mem>>) src(%dma_wait3A_45 : memref<300000xf32, #tpu.memory_space<vmem_shared>>) dst(%arg26 : memref<1024xf32, #tpu.memory_space<vmem>>)
    %dma_wait3A_46 = arith.constant 0 : i32
    %dma_wait3A_47 = tpu.memref_slice %arg36[%dma_wait3A_46] : memref<300000xf32, #tpu.memory_space<vmem_shared>> -> memref<300000xf32, #tpu.memory_space<vmem_shared>>
    tpu.wait_indirect_dma semaphore(%arg39 : memref<!tpu.dma_semaphore, #tpu.memory_space<semaphore_mem>>) src(%dma_wait3A_47 : memref<300000xf32, #tpu.memory_space<vmem_shared>>) dst(%arg28 : memref<1024xf32, #tpu.memory_space<vmem>>)
    %dma_wait3A_48 = arith.constant 0 : i32
    %dma_wait3A_49 = tpu.memref_slice %arg36[%dma_wait3A_48] : memref<300000xf32, #tpu.memory_space<vmem_shared>> -> memref<300000xf32, #tpu.memory_space<vmem_shared>>
    tpu.wait_indirect_dma semaphore(%arg39 : memref<!tpu.dma_semaphore, #tpu.memory_space<semaphore_mem>>) src(%dma_wait3A_49 : memref<300000xf32, #tpu.memory_space<vmem_shared>>) dst(%arg30 : memref<1024xf32, #tpu.memory_space<vmem>>)
    %dma_wait3A_50 = arith.constant 0 : i32
    %dma_wait3A_51 = tpu.memref_slice %arg3[%dma_wait3A_50] : memref<6400000xi32, #tpu.memory_space<hbm>> -> memref<2048xi32, #tpu.memory_space<hbm>>
    %dma_wait3A_52 = arith.constant 0 : i32
    %dma_wait3A_53 = tpu.memref_slice %arg3[%dma_wait3A_52] : memref<6400000xi32, #tpu.memory_space<hbm>> -> memref<2048xi32, #tpu.memory_space<hbm>>
    tpu.wait_dma2 semaphore(%arg38 : memref<!tpu.dma_semaphore, #tpu.memory_space<semaphore_mem>>) src(%dma_wait3A_53 : memref<2048xi32, #tpu.memory_space<hbm>>) dst(%arg7 : memref<2048xi32, #tpu.memory_space<vmem>>)
    %mul3A_54 = arith.constant 1600000 : i32
    %mul3A_55 = arith.muli %add3A, %mul3A_54 : i32
    %mul3A_56 = arith.constant 0 : i32
    %mul3A_57 = arith.constant 16384 : i32
    %mul3A_58 = arith.muli %mul3A_56, %mul3A_57 : i32
    %add3A_59 = arith.addi %mul3A_55, %mul3A_58 : i32
    %min3A_60 = arith.minsi %add3A_59, %add3A_9 : i32
    %dma_start3A_61 = tpu.memref_slice %arg4[%min3A_60] : memref<51200000xf32, #tpu.memory_space<hbm>> -> memref<16384xf32, #tpu.memory_space<hbm>>
    %dma_start3A_62 = tpu.memref_slice %arg4[%min3A_60] : memref<51200000xf32, #tpu.memory_space<hbm>> -> memref<16384xf32, #tpu.memory_space<hbm>>
    tpu.enqueue_dma source(%dma_start3A_62 : memref<16384xf32, #tpu.memory_space<hbm>>) target(%arg34 : memref<16384xf32, #tpu.memory_space<vmem>>) target_semaphore(%arg43 : memref<!tpu.dma_semaphore, #tpu.memory_space<semaphore_mem>>)
    %scan3A_63 = arith.constant 0 : i32
    %scan3A_64 = arith.constant 0 : i32
    %scan3A_65 = arith.constant 64 : i32
    %scan3A_66 = arith.addi %scan3A_64, %scan3A_65 : i32
    %scan3A_67 = arith.constant 1 : i32
    scf.for %scan3A_297 = %scan3A_64 to %scan3A_66 step %scan3A_67  : i32 {
      %shift_right_arithmetic3A = arith.constant 3 : i32
      %shift_right_arithmetic3A_298 = arith.shrsi %scan3A_297, %shift_right_arithmetic3A : i32
      %mul3A_299 = arith.constant 256 : i32
      %mul3A_300 = arith.muli %shift_right_arithmetic3A_298, %mul3A_299 : i32
      %and3A = arith.constant 7 : i32
      %and3A_301 = arith.andi %scan3A_297, %and3A : i32
      %mul3A_302 = arith.constant 16 : i32
      %mul3A_303 = arith.muli %and3A_301, %mul3A_302 : i32
      %add3A_304 = arith.addi %mul3A_300, %mul3A_303 : i32
      %mul3A_305 = arith.constant 16 : i32
      %mul3A_306 = arith.muli %scan3A_297, %mul3A_305 : i32
      %get3A = arith.index_cast %add3A_304 : i32 to index
      %get3A_307 = tpu.vector_load %arg7[%get3A] {strides = array<i32>} : memref<2048xi32, #tpu.memory_space<vmem>>, vector<16xi32>,
      %get3A_308 = vector.shape_cast %get3A_307 : vector<16xi32> to vector<16xi32>
      %mul3A_309 = arith.constant 3 : i32
      %mul3A_310 = vector.broadcast %mul3A_309 : i32 to vector<16xi32>
      %mul3A_311 = arith.muli %get3A_308, %mul3A_310 : vector<16xi32>
      %add3A_312 = arith.constant 128 : i32
      %add3A_313 = arith.addi %add3A_304, %add3A_312 : i32
      %get3A_314 = arith.index_cast %add3A_313 : i32 to index
      %get3A_315 = tpu.vector_load %arg7[%get3A_314] {strides = array<i32>} : memref<2048xi32, #tpu.memory_space<vmem>>, vector<16xi32>,
      %get3A_316 = vector.shape_cast %get3A_315 : vector<16xi32> to vector<16xi32>
      %mul3A_317 = arith.constant 3 : i32
      %mul3A_318 = vector.broadcast %mul3A_317 : i32 to vector<16xi32>
      %mul3A_319 = arith.muli %get3A_316, %mul3A_318 : vector<16xi32>
      %swap3A = arith.index_cast %mul3A_306 : i32 to index
      %swap3A_320 = tpu.vector_load %arg9[%swap3A] {strides = array<i32>} : memref<1024xi32, #tpu.memory_space<vmem>>, vector<16xi32>,
      %swap3A_321 = vector.shape_cast %swap3A_320 : vector<16xi32> to vector<16xi32>
      %swap3A_322 = vector.shape_cast %mul3A_311 : vector<16xi32> to vector<16xi32>
      tpu.vector_store %arg9[%swap3A], %swap3A_322 {strides = array<i32>} : memref<1024xi32, #tpu.memory_space<vmem>>, vector<16xi32>,
      %add3A_323 = arith.constant 1 : i32
      %add3A_324 = vector.broadcast %add3A_323 : i32 to vector<16xi32>
      %add3A_325 = arith.addi %mul3A_311, %add3A_324 : vector<16xi32>
      %swap3A_326 = arith.index_cast %mul3A_306 : i32 to index
      %swap3A_327 = tpu.vector_load %arg11[%swap3A_326] {strides = array<i32>} : memref<1024xi32, #tpu.memory_space<vmem>>, vector<16xi32>,
      %swap3A_328 = vector.shape_cast %swap3A_327 : vector<16xi32> to vector<16xi32>
      %swap3A_329 = vector.shape_cast %add3A_325 : vector<16xi32> to vector<16xi32>
      tpu.vector_store %arg11[%swap3A_326], %swap3A_329 {strides = array<i32>} : memref<1024xi32, #tpu.memory_space<vmem>>, vector<16xi32>,
      %add3A_330 = arith.constant 2 : i32
      %add3A_331 = vector.broadcast %add3A_330 : i32 to vector<16xi32>
      %add3A_332 = arith.addi %mul3A_311, %add3A_331 : vector<16xi32>
      %swap3A_333 = arith.index_cast %mul3A_306 : i32 to index
      %swap3A_334 = tpu.vector_load %arg13[%swap3A_333] {strides = array<i32>} : memref<1024xi32, #tpu.memory_space<vmem>>, vector<16xi32>,
      %swap3A_335 = vector.shape_cast %swap3A_334 : vector<16xi32> to vector<16xi32>
      %swap3A_336 = vector.shape_cast %add3A_332 : vector<16xi32> to vector<16xi32>
      tpu.vector_store %arg13[%swap3A_333], %swap3A_336 {strides = array<i32>} : memref<1024xi32, #tpu.memory_space<vmem>>, vector<16xi32>,
      %swap3A_337 = arith.index_cast %mul3A_306 : i32 to index
      %swap3A_338 = tpu.vector_load %arg15[%swap3A_337] {strides = array<i32>} : memref<1024xi32, #tpu.memory_space<vmem>>, vector<16xi32>,
      %swap3A_339 = vector.shape_cast %swap3A_338 : vector<16xi32> to vector<16xi32>
      %swap3A_340 = vector.shape_cast %mul3A_319 : vector<16xi32> to vector<16xi32>
      tpu.vector_store %arg15[%swap3A_337], %swap3A_340 {strides = array<i32>} : memref<1024xi32, #tpu.memory_space<vmem>>, vector<16xi32>,
      %add3A_341 = arith.constant 1 : i32
      %add3A_342 = vector.broadcast %add3A_341 : i32 to vector<16xi32>
      %add3A_343 = arith.addi %mul3A_319, %add3A_342 : vector<16xi32>
      %swap3A_344 = arith.index_cast %mul3A_306 : i32 to index
      %swap3A_345 = tpu.vector_load %arg17[%swap3A_344] {strides = array<i32>} : memref<1024xi32, #tpu.memory_space<vmem>>, vector<16xi32>,
      %swap3A_346 = vector.shape_cast %swap3A_345 : vector<16xi32> to vector<16xi32>
      %swap3A_347 = vector.shape_cast %add3A_343 : vector<16xi32> to vector<16xi32>
      tpu.vector_store %arg17[%swap3A_344], %swap3A_347 {strides = array<i32>} : memref<1024xi32, #tpu.memory_space<vmem>>, vector<16xi32>,
      %add3A_348 = arith.constant 2 : i32
      %add3A_349 = vector.broadcast %add3A_348 : i32 to vector<16xi32>
      %add3A_350 = arith.addi %mul3A_319, %add3A_349 : vector<16xi32>
      %swap3A_351 = arith.index_cast %mul3A_306 : i32 to index
      %swap3A_352 = tpu.vector_load %arg19[%swap3A_351] {strides = array<i32>} : memref<1024xi32, #tpu.memory_space<vmem>>, vector<16xi32>,
      %swap3A_353 = vector.shape_cast %swap3A_352 : vector<16xi32> to vector<16xi32>
      %swap3A_354 = vector.shape_cast %add3A_350 : vector<16xi32> to vector<16xi32>
      tpu.vector_store %arg19[%swap3A_351], %swap3A_354 {strides = array<i32>} : memref<1024xi32, #tpu.memory_space<vmem>>, vector<16xi32>,
    }
    %scan3A_68 = arith.constant 64 : i32
    %dma_start3A_69 = arith.constant 0 : i32
    %dma_start3A_70 = tpu.memref_slice %arg36[%dma_start3A_69] : memref<300000xf32, #tpu.memory_space<vmem_shared>> -> memref<300000xf32, #tpu.memory_space<vmem_shared>>
    tpu.enqueue_indirect_dma source(%dma_start3A_70 : memref<300000xf32, #tpu.memory_space<vmem_shared>>) target(%arg21 : memref<1024xf32, #tpu.memory_space<vmem>>) offsets(%arg9 : memref<1024xi32, #tpu.memory_space<vmem>>) semaphore(%arg40 : memref<!tpu.dma_semaphore, #tpu.memory_space<semaphore_mem>>)
    %dma_start3A_71 = arith.constant 0 : i32
    %dma_start3A_72 = tpu.memref_slice %arg36[%dma_start3A_71] : memref<300000xf32, #tpu.memory_space<vmem_shared>> -> memref<300000xf32, #tpu.memory_space<vmem_shared>>
    tpu.enqueue_indirect_dma source(%dma_start3A_72 : memref<300000xf32, #tpu.memory_space<vmem_shared>>) target(%arg23 : memref<1024xf32, #tpu.memory_space<vmem>>) offsets(%arg11 : memref<1024xi32, #tpu.memory_space<vmem>>) semaphore(%arg40 : memref<!tpu.dma_semaphore, #tpu.memory_space<semaphore_mem>>)
    %dma_start3A_73 = arith.constant 0 : i32
    %dma_start3A_74 = tpu.memref_slice %arg36[%dma_start3A_73] : memref<300000xf32, #tpu.memory_space<vmem_shared>> -> memref<300000xf32, #tpu.memory_space<vmem_shared>>
    tpu.enqueue_indirect_dma source(%dma_start3A_74 : memref<300000xf32, #tpu.memory_space<vmem_shared>>) target(%arg25 : memref<1024xf32, #tpu.memory_space<vmem>>) offsets(%arg13 : memref<1024xi32, #tpu.memory_space<vmem>>) semaphore(%arg40 : memref<!tpu.dma_semaphore, #tpu.memory_space<semaphore_mem>>)
    %dma_start3A_75 = arith.constant 0 : i32
    %dma_start3A_76 = tpu.memref_slice %arg36[%dma_start3A_75] : memref<300000xf32, #tpu.memory_space<vmem_shared>> -> memref<300000xf32, #tpu.memory_space<vmem_shared>>
    tpu.enqueue_indirect_dma source(%dma_start3A_76 : memref<300000xf32, #tpu.memory_space<vmem_shared>>) target(%arg27 : memref<1024xf32, #tpu.memory_space<vmem>>) offsets(%arg15 : memref<1024xi32, #tpu.memory_space<vmem>>) semaphore(%arg40 : memref<!tpu.dma_semaphore, #tpu.memory_space<semaphore_mem>>)
    %dma_start3A_77 = arith.constant 0 : i32
    %dma_start3A_78 = tpu.memref_slice %arg36[%dma_start3A_77] : memref<300000xf32, #tpu.memory_space<vmem_shared>> -> memref<300000xf32, #tpu.memory_space<vmem_shared>>
    tpu.enqueue_indirect_dma source(%dma_start3A_78 : memref<300000xf32, #tpu.memory_space<vmem_shared>>) target(%arg29 : memref<1024xf32, #tpu.memory_space<vmem>>) offsets(%arg17 : memref<1024xi32, #tpu.memory_space<vmem>>) semaphore(%arg40 : memref<!tpu.dma_semaphore, #tpu.memory_space<semaphore_mem>>)
    %dma_start3A_79 = arith.constant 0 : i32
    %dma_start3A_80 = tpu.memref_slice %arg36[%dma_start3A_79] : memref<300000xf32, #tpu.memory_space<vmem_shared>> -> memref<300000xf32, #tpu.memory_space<vmem_shared>>
    tpu.enqueue_indirect_dma source(%dma_start3A_80 : memref<300000xf32, #tpu.memory_space<vmem_shared>>) target(%arg31 : memref<1024xf32, #tpu.memory_space<vmem>>) offsets(%arg19 : memref<1024xi32, #tpu.memory_space<vmem>>) semaphore(%arg40 : memref<!tpu.dma_semaphore, #tpu.memory_space<semaphore_mem>>)
    %mul3A_81 = arith.constant 8 : i32
    %mul3A_82 = arith.muli %min3A_38, %mul3A_81 : i32
    %add3A_83 = arith.addi %min3A_3, %mul3A_82 : i32
    %mul3A_84 = arith.constant 256 : i32
    %mul3A_85 = arith.muli %add3A_83, %mul3A_84 : i32
    %dma_start3A_86 = tpu.memref_slice %arg3[%mul3A_85] : memref<6400000xi32, #tpu.memory_space<hbm>> -> memref<2048xi32, #tpu.memory_space<hbm>>
    %dma_start3A_87 = tpu.memref_slice %arg3[%mul3A_85] : memref<6400000xi32, #tpu.memory_space<hbm>> -> memref<2048xi32, #tpu.memory_space<hbm>>
    tpu.enqueue_dma source(%dma_start3A_87 : memref<2048xi32, #tpu.memory_space<hbm>>) target(%arg6 : memref<2048xi32, #tpu.memory_space<vmem>>) target_semaphore(%arg37 : memref<!tpu.dma_semaphore, #tpu.memory_space<semaphore_mem>>)
    %scan3A_88 = arith.constant 0 : i32
    %scan3A_89 = arith.constant 0.266666681 : f32
    %scan3A_90 = arith.constant -8.000000e+00 : f32
    %scan3A_91 = arith.constant 0 : i32
    %scan3A_92 = arith.constant 64 : i32
    %scan3A_93 = arith.addi %scan3A_91, %scan3A_92 : i32
    %scan3A_94 = arith.constant 1 : i32
    scf.for %scan3A_297 = %scan3A_91 to %scan3A_93 step %scan3A_94  : i32 {
      %mul3A_298 = arith.constant 16 : i32
      %mul3A_299 = arith.muli %scan3A_297, %mul3A_298 : i32
      %get3A = arith.index_cast %mul3A_299 : i32 to index
      %get3A_300 = tpu.vector_load %arg20[%get3A] {strides = array<i32>} : memref<1024xf32, #tpu.memory_space<vmem>>, vector<16xf32>,
      %get3A_301 = vector.shape_cast %get3A_300 : vector<16xf32> to vector<16xf32>
      %get3A_302 = arith.index_cast %mul3A_299 : i32 to index
      %get3A_303 = tpu.vector_load %arg26[%get3A_302] {strides = array<i32>} : memref<1024xf32, #tpu.memory_space<vmem>>, vector<16xf32>,
      %get3A_304 = vector.shape_cast %get3A_303 : vector<16xf32> to vector<16xf32>
      %sub3A = arith.subf %get3A_301, %get3A_304 : vector<16xf32>
      %get3A_305 = arith.index_cast %mul3A_299 : i32 to index
      %get3A_306 = tpu.vector_load %arg22[%get3A_305] {strides = array<i32>} : memref<1024xf32, #tpu.memory_space<vmem>>, vector<16xf32>,
      %get3A_307 = vector.shape_cast %get3A_306 : vector<16xf32> to vector<16xf32>
      %get3A_308 = arith.index_cast %mul3A_299 : i32 to index
      %get3A_309 = tpu.vector_load %arg28[%get3A_308] {strides = array<i32>} : memref<1024xf32, #tpu.memory_space<vmem>>, vector<16xf32>,
      %get3A_310 = vector.shape_cast %get3A_309 : vector<16xf32> to vector<16xf32>
      %sub3A_311 = arith.subf %get3A_307, %get3A_310 : vector<16xf32>
      %get3A_312 = arith.index_cast %mul3A_299 : i32 to index
      %get3A_313 = tpu.vector_load %arg24[%get3A_312] {strides = array<i32>} : memref<1024xf32, #tpu.memory_space<vmem>>, vector<16xf32>,
      %get3A_314 = vector.shape_cast %get3A_313 : vector<16xf32> to vector<16xf32>
      %get3A_315 = arith.index_cast %mul3A_299 : i32 to index
      %get3A_316 = tpu.vector_load %arg30[%get3A_315] {strides = array<i32>} : memref<1024xf32, #tpu.memory_space<vmem>>, vector<16xf32>,
      %get3A_317 = vector.shape_cast %get3A_316 : vector<16xf32> to vector<16xf32>
      %sub3A_318 = arith.subf %get3A_314, %get3A_317 : vector<16xf32>
      %mul3A_319 = arith.mulf %sub3A, %sub3A : vector<16xf32>
      %mul3A_320 = arith.mulf %sub3A_311, %sub3A_311 : vector<16xf32>
      %add3A_321 = arith.addf %mul3A_319, %mul3A_320 : vector<16xf32>
      %mul3A_322 = arith.mulf %sub3A_318, %sub3A_318 : vector<16xf32>
      %add3A_323 = arith.addf %add3A_321, %mul3A_322 : vector<16xf32>
      %bitcast_convert_type3A = tpu.bitcast %add3A_323 : vector<16xf32> -> vector<16xi32>
      %shift_right_logical3A = arith.constant 1 : i32
      %shift_right_logical3A_324 = vector.broadcast %shift_right_logical3A : i32 to vector<16xi32>
      %shift_right_logical3A_325 = arith.shrui %bitcast_convert_type3A, %shift_right_logical3A_324 : vector<16xi32>
      %sub3A_326 = arith.constant 1597463007 : i32
      %sub3A_327 = vector.broadcast %sub3A_326 : i32 to vector<16xi32>
      %sub3A_328 = arith.subi %sub3A_327, %shift_right_logical3A_325 : vector<16xi32>
      %bitcast_convert_type3A_329 = tpu.bitcast %sub3A_328 : vector<16xi32> -> vector<16xf32>
      %mul3A_330 = arith.constant 5.000000e-01 : f32
      %mul3A_331 = vector.broadcast %mul3A_330 : f32 to vector<16xf32>
      %mul3A_332 = arith.mulf %add3A_323, %mul3A_331 : vector<16xf32>
      %mul3A_333 = arith.mulf %mul3A_332, %bitcast_convert_type3A_329 : vector<16xf32>
      %mul3A_334 = arith.mulf %mul3A_333, %bitcast_convert_type3A_329 : vector<16xf32>
      %sub3A_335 = arith.constant 1.500000e+00 : f32
      %sub3A_336 = vector.broadcast %sub3A_335 : f32 to vector<16xf32>
      %sub3A_337 = arith.subf %sub3A_336, %mul3A_334 : vector<16xf32>
      %mul3A_338 = arith.mulf %bitcast_convert_type3A_329, %sub3A_337 : vector<16xf32>
      %mul3A_339 = arith.mulf %mul3A_332, %mul3A_338 : vector<16xf32>
      %mul3A_340 = arith.mulf %mul3A_339, %mul3A_338 : vector<16xf32>
      %sub3A_341 = arith.constant 1.500000e+00 : f32
      %sub3A_342 = vector.broadcast %sub3A_341 : f32 to vector<16xf32>
      %sub3A_343 = arith.subf %sub3A_342, %mul3A_340 : vector<16xf32>
      %mul3A_344 = arith.mulf %mul3A_338, %sub3A_343 : vector<16xf32>
      %mul3A_345 = arith.mulf %mul3A_332, %mul3A_344 : vector<16xf32>
      %mul3A_346 = arith.mulf %mul3A_345, %mul3A_344 : vector<16xf32>
      %sub3A_347 = arith.constant 1.500000e+00 : f32
      %sub3A_348 = vector.broadcast %sub3A_347 : f32 to vector<16xf32>
      %sub3A_349 = arith.subf %sub3A_348, %mul3A_346 : vector<16xf32>
      %mul3A_350 = arith.mulf %mul3A_344, %sub3A_349 : vector<16xf32>
      %mul3A_351 = arith.mulf %add3A_323, %mul3A_350 : vector<16xf32>
      %shift_right_arithmetic3A = arith.constant 3 : i32
      %shift_right_arithmetic3A_352 = arith.shrsi %scan3A_297, %shift_right_arithmetic3A : i32
      %mul3A_353 = arith.constant 1024 : i32
      %mul3A_354 = arith.muli %shift_right_arithmetic3A_352, %mul3A_353 : i32
      %and3A = arith.constant 7 : i32
      %and3A_355 = arith.andi %scan3A_297, %and3A : i32
      %mul3A_356 = arith.constant 16 : i32
      %mul3A_357 = arith.muli %and3A_355, %mul3A_356 : i32
      %add3A_358 = arith.addi %mul3A_354, %mul3A_357 : i32
      %mul3A_359 = arith.constant 0.000000e+00 : f32
      %mul3A_360 = arith.mulf %mul3A_359, %scan3A_89 : f32
      %sub3A_361 = vector.broadcast %mul3A_360 : f32 to vector<16xf32>
      %sub3A_362 = arith.subf %mul3A_351, %sub3A_361 : vector<16xf32>
      %add3A_363 = arith.constant 0 : i32
      %add3A_364 = arith.addi %add3A_358, %add3A_363 : i32
      %add3A_365 = arith.constant 0 : i32
      %add3A_366 = arith.addi %add3A_364, %add3A_365 : i32
      %mul3A_367 = arith.mulf %sub3A_362, %sub3A_362 : vector<16xf32>
      %mul3A_368 = vector.broadcast %scan3A_90 : f32 to vector<16xf32>
      %mul3A_369 = arith.mulf %mul3A_367, %mul3A_368 : vector<16xf32>
      %exp3A = math.exp %mul3A_369 : vector<16xf32>
      %swap3A = arith.index_cast %add3A_366 : i32 to index
      %swap3A_370 = tpu.vector_load %arg32[%swap3A] {strides = array<i32>} : memref<16384xf32, #tpu.memory_space<vmem>>, vector<16xf32>,
      %swap3A_371 = vector.shape_cast %swap3A_370 : vector<16xf32> to vector<16xf32>
      %swap3A_372 = vector.shape_cast %exp3A : vector<16xf32> to vector<16xf32>
      tpu.vector_store %arg32[%swap3A], %swap3A_372 {strides = array<i32>} : memref<16384xf32, #tpu.memory_space<vmem>>, vector<16xf32>,
      %mul3A_373 = arith.constant 1.000000e+00 : f32
      %mul3A_374 = arith.mulf %mul3A_373, %scan3A_89 : f32
      %sub3A_375 = vector.broadcast %mul3A_374 : f32 to vector<16xf32>
      %sub3A_376 = arith.subf %mul3A_351, %sub3A_375 : vector<16xf32>
      %add3A_377 = arith.constant 0 : i32
      %add3A_378 = arith.addi %add3A_358, %add3A_377 : i32
      %add3A_379 = arith.constant 128 : i32
      %add3A_380 = arith.addi %add3A_378, %add3A_379 : i32
      %mul3A_381 = arith.mulf %sub3A_376, %sub3A_376 : vector<16xf32>
      %mul3A_382 = vector.broadcast %scan3A_90 : f32 to vector<16xf32>
      %mul3A_383 = arith.mulf %mul3A_381, %mul3A_382 : vector<16xf32>
      %exp3A_384 = math.exp %mul3A_383 : vector<16xf32>
      %swap3A_385 = arith.index_cast %add3A_380 : i32 to index
      %swap3A_386 = tpu.vector_load %arg32[%swap3A_385] {strides = array<i32>} : memref<16384xf32, #tpu.memory_space<vmem>>, vector<16xf32>,
      %swap3A_387 = vector.shape_cast %swap3A_386 : vector<16xf32> to vector<16xf32>
      %swap3A_388 = vector.shape_cast %exp3A_384 : vector<16xf32> to vector<16xf32>
      tpu.vector_store %arg32[%swap3A_385], %swap3A_388 {strides = array<i32>} : memref<16384xf32, #tpu.memory_space<vmem>>, vector<16xf32>,
      %mul3A_389 = arith.constant 2.000000e+00 : f32
      %mul3A_390 = arith.mulf %mul3A_389, %scan3A_89 : f32
      %sub3A_391 = vector.broadcast %mul3A_390 : f32 to vector<16xf32>
      %sub3A_392 = arith.subf %mul3A_351, %sub3A_391 : vector<16xf32>
      %add3A_393 = arith.constant 0 : i32
      %add3A_394 = arith.addi %add3A_358, %add3A_393 : i32
      %add3A_395 = arith.constant 256 : i32
      %add3A_396 = arith.addi %add3A_394, %add3A_395 : i32
      %mul3A_397 = arith.mulf %sub3A_392, %sub3A_392 : vector<16xf32>
      %mul3A_398 = vector.broadcast %scan3A_90 : f32 to vector<16xf32>
      %mul3A_399 = arith.mulf %mul3A_397, %mul3A_398 : vector<16xf32>
      %exp3A_400 = math.exp %mul3A_399 : vector<16xf32>
      %swap3A_401 = arith.index_cast %add3A_396 : i32 to index
      %swap3A_402 = tpu.vector_load %arg32[%swap3A_401] {strides = array<i32>} : memref<16384xf32, #tpu.memory_space<vmem>>, vector<16xf32>,
      %swap3A_403 = vector.shape_cast %swap3A_402 : vector<16xf32> to vector<16xf32>
      %swap3A_404 = vector.shape_cast %exp3A_400 : vector<16xf32> to vector<16xf32>
      tpu.vector_store %arg32[%swap3A_401], %swap3A_404 {strides = array<i32>} : memref<16384xf32, #tpu.memory_space<vmem>>, vector<16xf32>,
      %mul3A_405 = arith.constant 3.000000e+00 : f32
      %mul3A_406 = arith.mulf %mul3A_405, %scan3A_89 : f32
      %sub3A_407 = vector.broadcast %mul3A_406 : f32 to vector<16xf32>
      %sub3A_408 = arith.subf %mul3A_351, %sub3A_407 : vector<16xf32>
      %add3A_409 = arith.constant 0 : i32
      %add3A_410 = arith.addi %add3A_358, %add3A_409 : i32
      %add3A_411 = arith.constant 384 : i32
      %add3A_412 = arith.addi %add3A_410, %add3A_411 : i32
      %mul3A_413 = arith.mulf %sub3A_408, %sub3A_408 : vector<16xf32>
      %mul3A_414 = vector.broadcast %scan3A_90 : f32 to vector<16xf32>
      %mul3A_415 = arith.mulf %mul3A_413, %mul3A_414 : vector<16xf32>
      %exp3A_416 = math.exp %mul3A_415 : vector<16xf32>
      %swap3A_417 = arith.index_cast %add3A_412 : i32 to index
      %swap3A_418 = tpu.vector_load %arg32[%swap3A_417] {strides = array<i32>} : memref<16384xf32, #tpu.memory_space<vmem>>, vector<16xf32>,
      %swap3A_419 = vector.shape_cast %swap3A_418 : vector<16xf32> to vector<16xf32>
      %swap3A_420 = vector.shape_cast %exp3A_416 : vector<16xf32> to vector<16xf32>
      tpu.vector_store %arg32[%swap3A_417], %swap3A_420 {strides = array<i32>} : memref<16384xf32, #tpu.memory_space<vmem>>, vector<16xf32>,
      %mul3A_421 = arith.constant 4.000000e+00 : f32
      %mul3A_422 = arith.mulf %mul3A_421, %scan3A_89 : f32
      %sub3A_423 = vector.broadcast %mul3A_422 : f32 to vector<16xf32>
      %sub3A_424 = arith.subf %mul3A_351, %sub3A_423 : vector<16xf32>
      %add3A_425 = arith.constant 0 : i32
      %add3A_426 = arith.addi %add3A_358, %add3A_425 : i32
      %add3A_427 = arith.constant 512 : i32
      %add3A_428 = arith.addi %add3A_426, %add3A_427 : i32
      %mul3A_429 = arith.mulf %sub3A_424, %sub3A_424 : vector<16xf32>
      %mul3A_430 = vector.broadcast %scan3A_90 : f32 to vector<16xf32>
      %mul3A_431 = arith.mulf %mul3A_429, %mul3A_430 : vector<16xf32>
      %exp3A_432 = math.exp %mul3A_431 : vector<16xf32>
      %swap3A_433 = arith.index_cast %add3A_428 : i32 to index
      %swap3A_434 = tpu.vector_load %arg32[%swap3A_433] {strides = array<i32>} : memref<16384xf32, #tpu.memory_space<vmem>>, vector<16xf32>,
      %swap3A_435 = vector.shape_cast %swap3A_434 : vector<16xf32> to vector<16xf32>
      %swap3A_436 = vector.shape_cast %exp3A_432 : vector<16xf32> to vector<16xf32>
      tpu.vector_store %arg32[%swap3A_433], %swap3A_436 {strides = array<i32>} : memref<16384xf32, #tpu.memory_space<vmem>>, vector<16xf32>,
      %mul3A_437 = arith.constant 5.000000e+00 : f32
      %mul3A_438 = arith.mulf %mul3A_437, %scan3A_89 : f32
      %sub3A_439 = vector.broadcast %mul3A_438 : f32 to vector<16xf32>
      %sub3A_440 = arith.subf %mul3A_351, %sub3A_439 : vector<16xf32>
      %add3A_441 = arith.constant 0 : i32
      %add3A_442 = arith.addi %add3A_358, %add3A_441 : i32
      %add3A_443 = arith.constant 640 : i32
      %add3A_444 = arith.addi %add3A_442, %add3A_443 : i32
      %mul3A_445 = arith.mulf %sub3A_440, %sub3A_440 : vector<16xf32>
      %mul3A_446 = vector.broadcast %scan3A_90 : f32 to vector<16xf32>
      %mul3A_447 = arith.mulf %mul3A_445, %mul3A_446 : vector<16xf32>
      %exp3A_448 = math.exp %mul3A_447 : vector<16xf32>
      %swap3A_449 = arith.index_cast %add3A_444 : i32 to index
      %swap3A_450 = tpu.vector_load %arg32[%swap3A_449] {strides = array<i32>} : memref<16384xf32, #tpu.memory_space<vmem>>, vector<16xf32>,
      %swap3A_451 = vector.shape_cast %swap3A_450 : vector<16xf32> to vector<16xf32>
      %swap3A_452 = vector.shape_cast %exp3A_448 : vector<16xf32> to vector<16xf32>
      tpu.vector_store %arg32[%swap3A_449], %swap3A_452 {strides = array<i32>} : memref<16384xf32, #tpu.memory_space<vmem>>, vector<16xf32>,
      %mul3A_453 = arith.constant 6.000000e+00 : f32
      %mul3A_454 = arith.mulf %mul3A_453, %scan3A_89 : f32
      %sub3A_455 = vector.broadcast %mul3A_454 : f32 to vector<16xf32>
      %sub3A_456 = arith.subf %mul3A_351, %sub3A_455 : vector<16xf32>
      %add3A_457 = arith.constant 0 : i32
      %add3A_458 = arith.addi %add3A_358, %add3A_457 : i32
      %add3A_459 = arith.constant 768 : i32
      %add3A_460 = arith.addi %add3A_458, %add3A_459 : i32
      %mul3A_461 = arith.mulf %sub3A_456, %sub3A_456 : vector<16xf32>
      %mul3A_462 = vector.broadcast %scan3A_90 : f32 to vector<16xf32>
      %mul3A_463 = arith.mulf %mul3A_461, %mul3A_462 : vector<16xf32>
      %exp3A_464 = math.exp %mul3A_463 : vector<16xf32>
      %swap3A_465 = arith.index_cast %add3A_460 : i32 to index
      %swap3A_466 = tpu.vector_load %arg32[%swap3A_465] {strides = array<i32>} : memref<16384xf32, #tpu.memory_space<vmem>>, vector<16xf32>,
      %swap3A_467 = vector.shape_cast %swap3A_466 : vector<16xf32> to vector<16xf32>
      %swap3A_468 = vector.shape_cast %exp3A_464 : vector<16xf32> to vector<16xf32>
      tpu.vector_store %arg32[%swap3A_465], %swap3A_468 {strides = array<i32>} : memref<16384xf32, #tpu.memory_space<vmem>>, vector<16xf32>,
      %mul3A_469 = arith.constant 7.000000e+00 : f32
      %mul3A_470 = arith.mulf %mul3A_469, %scan3A_89 : f32
      %sub3A_471 = vector.broadcast %mul3A_470 : f32 to vector<16xf32>
      %sub3A_472 = arith.subf %mul3A_351, %sub3A_471 : vector<16xf32>
      %add3A_473 = arith.constant 0 : i32
      %add3A_474 = arith.addi %add3A_358, %add3A_473 : i32
      %add3A_475 = arith.constant 896 : i32
      %add3A_476 = arith.addi %add3A_474, %add3A_475 : i32
      %mul3A_477 = arith.mulf %sub3A_472, %sub3A_472 : vector<16xf32>
      %mul3A_478 = vector.broadcast %scan3A_90 : f32 to vector<16xf32>
      %mul3A_479 = arith.mulf %mul3A_477, %mul3A_478 : vector<16xf32>
      %exp3A_480 = math.exp %mul3A_479 : vector<16xf32>
      %swap3A_481 = arith.index_cast %add3A_476 : i32 to index
      %swap3A_482 = tpu.vector_load %arg32[%swap3A_481] {strides = array<i32>} : memref<16384xf32, #tpu.memory_space<vmem>>, vector<16xf32>,
      %swap3A_483 = vector.shape_cast %swap3A_482 : vector<16xf32> to vector<16xf32>
      %swap3A_484 = vector.shape_cast %exp3A_480 : vector<16xf32> to vector<16xf32>
      tpu.vector_store %arg32[%swap3A_481], %swap3A_484 {strides = array<i32>} : memref<16384xf32, #tpu.memory_space<vmem>>, vector<16xf32>,
      %mul3A_485 = arith.constant 8.000000e+00 : f32
      %mul3A_486 = arith.mulf %mul3A_485, %scan3A_89 : f32
      %sub3A_487 = vector.broadcast %mul3A_486 : f32 to vector<16xf32>
      %sub3A_488 = arith.subf %mul3A_351, %sub3A_487 : vector<16xf32>
      %add3A_489 = arith.constant 8192 : i32
      %add3A_490 = arith.addi %add3A_358, %add3A_489 : i32
      %add3A_491 = arith.constant 0 : i32
      %add3A_492 = arith.addi %add3A_490, %add3A_491 : i32
      %mul3A_493 = arith.mulf %sub3A_488, %sub3A_488 : vector<16xf32>
      %mul3A_494 = vector.broadcast %scan3A_90 : f32 to vector<16xf32>
      %mul3A_495 = arith.mulf %mul3A_493, %mul3A_494 : vector<16xf32>
      %exp3A_496 = math.exp %mul3A_495 : vector<16xf32>
      %swap3A_497 = arith.index_cast %add3A_492 : i32 to index
      %swap3A_498 = tpu.vector_load %arg32[%swap3A_497] {strides = array<i32>} : memref<16384xf32, #tpu.memory_space<vmem>>, vector<16xf32>,
      %swap3A_499 = vector.shape_cast %swap3A_498 : vector<16xf32> to vector<16xf32>
      %swap3A_500 = vector.shape_cast %exp3A_496 : vector<16xf32> to vector<16xf32>
      tpu.vector_store %arg32[%swap3A_497], %swap3A_500 {strides = array<i32>} : memref<16384xf32, #tpu.memory_space<vmem>>, vector<16xf32>,
      %mul3A_501 = arith.constant 9.000000e+00 : f32
      %mul3A_502 = arith.mulf %mul3A_501, %scan3A_89 : f32
      %sub3A_503 = vector.broadcast %mul3A_502 : f32 to vector<16xf32>
      %sub3A_504 = arith.subf %mul3A_351, %sub3A_503 : vector<16xf32>
      %add3A_505 = arith.constant 8192 : i32
      %add3A_506 = arith.addi %add3A_358, %add3A_505 : i32
      %add3A_507 = arith.constant 128 : i32
      %add3A_508 = arith.addi %add3A_506, %add3A_507 : i32
      %mul3A_509 = arith.mulf %sub3A_504, %sub3A_504 : vector<16xf32>
      %mul3A_510 = vector.broadcast %scan3A_90 : f32 to vector<16xf32>
      %mul3A_511 = arith.mulf %mul3A_509, %mul3A_510 : vector<16xf32>
      %exp3A_512 = math.exp %mul3A_511 : vector<16xf32>
      %swap3A_513 = arith.index_cast %add3A_508 : i32 to index
      %swap3A_514 = tpu.vector_load %arg32[%swap3A_513] {strides = array<i32>} : memref<16384xf32, #tpu.memory_space<vmem>>, vector<16xf32>,
      %swap3A_515 = vector.shape_cast %swap3A_514 : vector<16xf32> to vector<16xf32>
      %swap3A_516 = vector.shape_cast %exp3A_512 : vector<16xf32> to vector<16xf32>
      tpu.vector_store %arg32[%swap3A_513], %swap3A_516 {strides = array<i32>} : memref<16384xf32, #tpu.memory_space<vmem>>, vector<16xf32>,
      %mul3A_517 = arith.constant 1.000000e+01 : f32
      %mul3A_518 = arith.mulf %mul3A_517, %scan3A_89 : f32
      %sub3A_519 = vector.broadcast %mul3A_518 : f32 to vector<16xf32>
      %sub3A_520 = arith.subf %mul3A_351, %sub3A_519 : vector<16xf32>
      %add3A_521 = arith.constant 8192 : i32
      %add3A_522 = arith.addi %add3A_358, %add3A_521 : i32
      %add3A_523 = arith.constant 256 : i32
      %add3A_524 = arith.addi %add3A_522, %add3A_523 : i32
      %mul3A_525 = arith.mulf %sub3A_520, %sub3A_520 : vector<16xf32>
      %mul3A_526 = vector.broadcast %scan3A_90 : f32 to vector<16xf32>
      %mul3A_527 = arith.mulf %mul3A_525, %mul3A_526 : vector<16xf32>
      %exp3A_528 = math.exp %mul3A_527 : vector<16xf32>
      %swap3A_529 = arith.index_cast %add3A_524 : i32 to index
      %swap3A_530 = tpu.vector_load %arg32[%swap3A_529] {strides = array<i32>} : memref<16384xf32, #tpu.memory_space<vmem>>, vector<16xf32>,
      %swap3A_531 = vector.shape_cast %swap3A_530 : vector<16xf32> to vector<16xf32>
      %swap3A_532 = vector.shape_cast %exp3A_528 : vector<16xf32> to vector<16xf32>
      tpu.vector_store %arg32[%swap3A_529], %swap3A_532 {strides = array<i32>} : memref<16384xf32, #tpu.memory_space<vmem>>, vector<16xf32>,
      %mul3A_533 = arith.constant 1.100000e+01 : f32
      %mul3A_534 = arith.mulf %mul3A_533, %scan3A_89 : f32
      %sub3A_535 = vector.broadcast %mul3A_534 : f32 to vector<16xf32>
      %sub3A_536 = arith.subf %mul3A_351, %sub3A_535 : vector<16xf32>
      %add3A_537 = arith.constant 8192 : i32
      %add3A_538 = arith.addi %add3A_358, %add3A_537 : i32
      %add3A_539 = arith.constant 384 : i32
      %add3A_540 = arith.addi %add3A_538, %add3A_539 : i32
      %mul3A_541 = arith.mulf %sub3A_536, %sub3A_536 : vector<16xf32>
      %mul3A_542 = vector.broadcast %scan3A_90 : f32 to vector<16xf32>
      %mul3A_543 = arith.mulf %mul3A_541, %mul3A_542 : vector<16xf32>
      %exp3A_544 = math.exp %mul3A_543 : vector<16xf32>
      %swap3A_545 = arith.index_cast %add3A_540 : i32 to index
      %swap3A_546 = tpu.vector_load %arg32[%swap3A_545] {strides = array<i32>} : memref<16384xf32, #tpu.memory_space<vmem>>, vector<16xf32>,
      %swap3A_547 = vector.shape_cast %swap3A_546 : vector<16xf32> to vector<16xf32>
      %swap3A_548 = vector.shape_cast %exp3A_544 : vector<16xf32> to vector<16xf32>
      tpu.vector_store %arg32[%swap3A_545], %swap3A_548 {strides = array<i32>} : memref<16384xf32, #tpu.memory_space<vmem>>, vector<16xf32>,
      %mul3A_549 = arith.constant 1.200000e+01 : f32
      %mul3A_550 = arith.mulf %mul3A_549, %scan3A_89 : f32
      %sub3A_551 = vector.broadcast %mul3A_550 : f32 to vector<16xf32>
      %sub3A_552 = arith.subf %mul3A_351, %sub3A_551 : vector<16xf32>
      %add3A_553 = arith.constant 8192 : i32
      %add3A_554 = arith.addi %add3A_358, %add3A_553 : i32
      %add3A_555 = arith.constant 512 : i32
      %add3A_556 = arith.addi %add3A_554, %add3A_555 : i32
      %mul3A_557 = arith.mulf %sub3A_552, %sub3A_552 : vector<16xf32>
      %mul3A_558 = vector.broadcast %scan3A_90 : f32 to vector<16xf32>
      %mul3A_559 = arith.mulf %mul3A_557, %mul3A_558 : vector<16xf32>
      %exp3A_560 = math.exp %mul3A_559 : vector<16xf32>
      %swap3A_561 = arith.index_cast %add3A_556 : i32 to index
      %swap3A_562 = tpu.vector_load %arg32[%swap3A_561] {strides = array<i32>} : memref<16384xf32, #tpu.memory_space<vmem>>, vector<16xf32>,
      %swap3A_563 = vector.shape_cast %swap3A_562 : vector<16xf32> to vector<16xf32>
      %swap3A_564 = vector.shape_cast %exp3A_560 : vector<16xf32> to vector<16xf32>
      tpu.vector_store %arg32[%swap3A_561], %swap3A_564 {strides = array<i32>} : memref<16384xf32, #tpu.memory_space<vmem>>, vector<16xf32>,
      %mul3A_565 = arith.constant 1.300000e+01 : f32
      %mul3A_566 = arith.mulf %mul3A_565, %scan3A_89 : f32
      %sub3A_567 = vector.broadcast %mul3A_566 : f32 to vector<16xf32>
      %sub3A_568 = arith.subf %mul3A_351, %sub3A_567 : vector<16xf32>
      %add3A_569 = arith.constant 8192 : i32
      %add3A_570 = arith.addi %add3A_358, %add3A_569 : i32
      %add3A_571 = arith.constant 640 : i32
      %add3A_572 = arith.addi %add3A_570, %add3A_571 : i32
      %mul3A_573 = arith.mulf %sub3A_568, %sub3A_568 : vector<16xf32>
      %mul3A_574 = vector.broadcast %scan3A_90 : f32 to vector<16xf32>
      %mul3A_575 = arith.mulf %mul3A_573, %mul3A_574 : vector<16xf32>
      %exp3A_576 = math.exp %mul3A_575 : vector<16xf32>
      %swap3A_577 = arith.index_cast %add3A_572 : i32 to index
      %swap3A_578 = tpu.vector_load %arg32[%swap3A_577] {strides = array<i32>} : memref<16384xf32, #tpu.memory_space<vmem>>, vector<16xf32>,
      %swap3A_579 = vector.shape_cast %swap3A_578 : vector<16xf32> to vector<16xf32>
      %swap3A_580 = vector.shape_cast %exp3A_576 : vector<16xf32> to vector<16xf32>
      tpu.vector_store %arg32[%swap3A_577], %swap3A_580 {strides = array<i32>} : memref<16384xf32, #tpu.memory_space<vmem>>, vector<16xf32>,
      %mul3A_581 = arith.constant 1.400000e+01 : f32
      %mul3A_582 = arith.mulf %mul3A_581, %scan3A_89 : f32
      %sub3A_583 = vector.broadcast %mul3A_582 : f32 to vector<16xf32>
      %sub3A_584 = arith.subf %mul3A_351, %sub3A_583 : vector<16xf32>
      %add3A_585 = arith.constant 8192 : i32
      %add3A_586 = arith.addi %add3A_358, %add3A_585 : i32
      %add3A_587 = arith.constant 768 : i32
      %add3A_588 = arith.addi %add3A_586, %add3A_587 : i32
      %mul3A_589 = arith.mulf %sub3A_584, %sub3A_584 : vector<16xf32>
      %mul3A_590 = vector.broadcast %scan3A_90 : f32 to vector<16xf32>
      %mul3A_591 = arith.mulf %mul3A_589, %mul3A_590 : vector<16xf32>
      %exp3A_592 = math.exp %mul3A_591 : vector<16xf32>
      %swap3A_593 = arith.index_cast %add3A_588 : i32 to index
      %swap3A_594 = tpu.vector_load %arg32[%swap3A_593] {strides = array<i32>} : memref<16384xf32, #tpu.memory_space<vmem>>, vector<16xf32>,
      %swap3A_595 = vector.shape_cast %swap3A_594 : vector<16xf32> to vector<16xf32>
      %swap3A_596 = vector.shape_cast %exp3A_592 : vector<16xf32> to vector<16xf32>
      tpu.vector_store %arg32[%swap3A_593], %swap3A_596 {strides = array<i32>} : memref<16384xf32, #tpu.memory_space<vmem>>, vector<16xf32>,
      %mul3A_597 = arith.constant 1.500000e+01 : f32
      %mul3A_598 = arith.mulf %mul3A_597, %scan3A_89 : f32
      %sub3A_599 = vector.broadcast %mul3A_598 : f32 to vector<16xf32>
      %sub3A_600 = arith.subf %mul3A_351, %sub3A_599 : vector<16xf32>
      %add3A_601 = arith.constant 8192 : i32
      %add3A_602 = arith.addi %add3A_358, %add3A_601 : i32
      %add3A_603 = arith.constant 896 : i32
      %add3A_604 = arith.addi %add3A_602, %add3A_603 : i32
      %mul3A_605 = arith.mulf %sub3A_600, %sub3A_600 : vector<16xf32>
      %mul3A_606 = vector.broadcast %scan3A_90 : f32 to vector<16xf32>
      %mul3A_607 = arith.mulf %mul3A_605, %mul3A_606 : vector<16xf32>
      %exp3A_608 = math.exp %mul3A_607 : vector<16xf32>
      %swap3A_609 = arith.index_cast %add3A_604 : i32 to index
      %swap3A_610 = tpu.vector_load %arg32[%swap3A_609] {strides = array<i32>} : memref<16384xf32, #tpu.memory_space<vmem>>, vector<16xf32>,
      %swap3A_611 = vector.shape_cast %swap3A_610 : vector<16xf32> to vector<16xf32>
      %swap3A_612 = vector.shape_cast %exp3A_608 : vector<16xf32> to vector<16xf32>
      tpu.vector_store %arg32[%swap3A_609], %swap3A_612 {strides = array<i32>} : memref<16384xf32, #tpu.memory_space<vmem>>, vector<16xf32>,
    }
    %scan3A_95 = arith.constant 64 : i32
    %dma_wait3A_96 = arith.constant 0 : i32
    %dma_wait3A_97 = tpu.memref_slice %arg4[%dma_wait3A_96] : memref<51200000xf32, #tpu.memory_space<hbm>> -> memref<16384xf32, #tpu.memory_space<hbm>>
    %dma_wait3A_98 = arith.constant 0 : i32
    %dma_wait3A_99 = tpu.memref_slice %arg4[%dma_wait3A_98] : memref<51200000xf32, #tpu.memory_space<hbm>> -> memref<16384xf32, #tpu.memory_space<hbm>>
    tpu.wait_dma2 semaphore(%arg43 : memref<!tpu.dma_semaphore, #tpu.memory_space<semaphore_mem>>) src(%dma_wait3A_99 : memref<16384xf32, #tpu.memory_space<hbm>>) dst(%arg34 : memref<16384xf32, #tpu.memory_space<vmem>>)
    %mul3A_100 = arith.constant 1600000 : i32
    %mul3A_101 = arith.muli %add3A, %mul3A_100 : i32
    %mul3A_102 = arith.constant 0 : i32
    %mul3A_103 = arith.constant 16384 : i32
    %mul3A_104 = arith.muli %mul3A_102, %mul3A_103 : i32
    %add3A_105 = arith.addi %mul3A_101, %mul3A_104 : i32
    %min3A_106 = arith.minsi %add3A_105, %add3A_9 : i32
    %dma_start3A_107 = tpu.memref_slice %arg5[%min3A_106] : memref<102400000xf32, #tpu.memory_space<hbm>> -> memref<16384xf32, #tpu.memory_space<hbm>>
    %dma_start3A_108 = tpu.memref_slice %arg5[%min3A_106] : memref<102400000xf32, #tpu.memory_space<hbm>> -> memref<16384xf32, #tpu.memory_space<hbm>>
    tpu.enqueue_dma source(%arg34 : memref<16384xf32, #tpu.memory_space<vmem>>) target(%dma_start3A_108 : memref<16384xf32, #tpu.memory_space<hbm>>) target_semaphore(%arg45 : memref<!tpu.dma_semaphore, #tpu.memory_space<semaphore_mem>>)
    %mul3A_109 = arith.constant 0 : i32
    %mul3A_110 = arith.constant 8 : i32
    %mul3A_111 = arith.muli %mul3A_109, %mul3A_110 : i32
    %add3A_112 = arith.addi %min3A_3, %mul3A_111 : i32
    %add3A_113 = arith.constant 50000 : i32
    %add3A_114 = arith.addi %add3A_113, %add3A_112 : i32
    %mul3A_115 = arith.constant 1024 : i32
    %mul3A_116 = arith.muli %add3A_114, %mul3A_115 : i32
    %dma_start3A_117 = arith.constant 0 : i32
    %dma_start3A_118 = tpu.memref_slice %arg32[%dma_start3A_117] : memref<16384xf32, #tpu.memory_space<vmem>> -> memref<8192xf32, #tpu.memory_space<vmem>>
    %dma_start3A_119 = tpu.memref_slice %arg5[%mul3A_116] : memref<102400000xf32, #tpu.memory_space<hbm>> -> memref<8192xf32, #tpu.memory_space<hbm>>
    %dma_start3A_120 = tpu.memref_slice %arg5[%mul3A_116] : memref<102400000xf32, #tpu.memory_space<hbm>> -> memref<8192xf32, #tpu.memory_space<hbm>>
    %dma_start3A_121 = arith.constant 0 : i32
    %dma_start3A_122 = tpu.memref_slice %arg32[%dma_start3A_121] : memref<16384xf32, #tpu.memory_space<vmem>> -> memref<8192xf32, #tpu.memory_space<vmem>>
    tpu.enqueue_dma source(%dma_start3A_122 : memref<8192xf32, #tpu.memory_space<vmem>>) target(%dma_start3A_120 : memref<8192xf32, #tpu.memory_space<hbm>>) target_semaphore(%arg41 : memref<!tpu.dma_semaphore, #tpu.memory_space<semaphore_mem>>)
    %add3A_123 = arith.constant 75000 : i32
    %add3A_124 = arith.addi %add3A_123, %add3A_112 : i32
    %mul3A_125 = arith.constant 1024 : i32
    %mul3A_126 = arith.muli %add3A_124, %mul3A_125 : i32
    %dma_start3A_127 = arith.constant 8192 : i32
    %dma_start3A_128 = tpu.memref_slice %arg32[%dma_start3A_127] : memref<16384xf32, #tpu.memory_space<vmem>> -> memref<8192xf32, #tpu.memory_space<vmem>>
    %dma_start3A_129 = tpu.memref_slice %arg5[%mul3A_126] : memref<102400000xf32, #tpu.memory_space<hbm>> -> memref<8192xf32, #tpu.memory_space<hbm>>
    %dma_start3A_130 = tpu.memref_slice %arg5[%mul3A_126] : memref<102400000xf32, #tpu.memory_space<hbm>> -> memref<8192xf32, #tpu.memory_space<hbm>>
    %dma_start3A_131 = arith.constant 8192 : i32
    %dma_start3A_132 = tpu.memref_slice %arg32[%dma_start3A_131] : memref<16384xf32, #tpu.memory_space<vmem>> -> memref<8192xf32, #tpu.memory_space<vmem>>
    tpu.enqueue_dma source(%dma_start3A_132 : memref<8192xf32, #tpu.memory_space<vmem>>) target(%dma_start3A_130 : memref<8192xf32, #tpu.memory_space<hbm>>) target_semaphore(%arg41 : memref<!tpu.dma_semaphore, #tpu.memory_space<semaphore_mem>>)
    %add3A_133 = arith.constant 1 : i32
    %add3A_134 = arith.constant 2 : i32
    %add3A_135 = arith.addi %add3A_133, %add3A_134 : i32
    %min3A_136 = arith.constant 97 : i32
    %min3A_137 = arith.minsi %add3A_135, %min3A_136 : i32
    %dma_wait3A_138 = arith.constant 0 : i32
    %dma_wait3A_139 = tpu.memref_slice %arg36[%dma_wait3A_138] : memref<300000xf32, #tpu.memory_space<vmem_shared>> -> memref<300000xf32, #tpu.memory_space<vmem_shared>>
    tpu.wait_indirect_dma semaphore(%arg40 : memref<!tpu.dma_semaphore, #tpu.memory_space<semaphore_mem>>) src(%dma_wait3A_139 : memref<300000xf32, #tpu.memory_space<vmem_shared>>) dst(%arg21 : memref<1024xf32, #tpu.memory_space<vmem>>)
    %dma_wait3A_140 = arith.constant 0 : i32
    %dma_wait3A_141 = tpu.memref_slice %arg36[%dma_wait3A_140] : memref<300000xf32, #tpu.memory_space<vmem_shared>> -> memref<300000xf32, #tpu.memory_space<vmem_shared>>
    tpu.wait_indirect_dma semaphore(%arg40 : memref<!tpu.dma_semaphore, #tpu.memory_space<semaphore_mem>>) src(%dma_wait3A_141 : memref<300000xf32, #tpu.memory_space<vmem_shared>>) dst(%arg23 : memref<1024xf32, #tpu.memory_space<vmem>>)
    %dma_wait3A_142 = arith.constant 0 : i32
    %dma_wait3A_143 = tpu.memref_slice %arg36[%dma_wait3A_142] : memref<300000xf32, #tpu.memory_space<vmem_shared>> -> memref<300000xf32, #tpu.memory_space<vmem_shared>>
    tpu.wait_indirect_dma semaphore(%arg40 : memref<!tpu.dma_semaphore, #tpu.memory_space<semaphore_mem>>) src(%dma_wait3A_143 : memref<300000xf32, #tpu.memory_space<vmem_shared>>) dst(%arg25 : memref<1024xf32, #tpu.memory_space<vmem>>)
    %dma_wait3A_144 = arith.constant 0 : i32
    %dma_wait3A_145 = tpu.memref_slice %arg36[%dma_wait3A_144] : memref<300000xf32, #tpu.memory_space<vmem_shared>> -> memref<300000xf32, #tpu.memory_space<vmem_shared>>
    tpu.wait_indirect_dma semaphore(%arg40 : memref<!tpu.dma_semaphore, #tpu.memory_space<semaphore_mem>>) src(%dma_wait3A_145 : memref<300000xf32, #tpu.memory_space<vmem_shared>>) dst(%arg27 : memref<1024xf32, #tpu.memory_space<vmem>>)
    %dma_wait3A_146 = arith.constant 0 : i32
    %dma_wait3A_147 = tpu.memref_slice %arg36[%dma_wait3A_146] : memref<300000xf32, #tpu.memory_space<vmem_shared>> -> memref<300000xf32, #tpu.memory_space<vmem_shared>>
    tpu.wait_indirect_dma semaphore(%arg40 : memref<!tpu.dma_semaphore, #tpu.memory_space<semaphore_mem>>) src(%dma_wait3A_147 : memref<300000xf32, #tpu.memory_space<vmem_shared>>) dst(%arg29 : memref<1024xf32, #tpu.memory_space<vmem>>)
    %dma_wait3A_148 = arith.constant 0 : i32
    %dma_wait3A_149 = tpu.memref_slice %arg36[%dma_wait3A_148] : memref<300000xf32, #tpu.memory_space<vmem_shared>> -> memref<300000xf32, #tpu.memory_space<vmem_shared>>
    tpu.wait_indirect_dma semaphore(%arg40 : memref<!tpu.dma_semaphore, #tpu.memory_space<semaphore_mem>>) src(%dma_wait3A_149 : memref<300000xf32, #tpu.memory_space<vmem_shared>>) dst(%arg31 : memref<1024xf32, #tpu.memory_space<vmem>>)
    %dma_wait3A_150 = arith.constant 0 : i32
    %dma_wait3A_151 = tpu.memref_slice %arg3[%dma_wait3A_150] : memref<6400000xi32, #tpu.memory_space<hbm>> -> memref<2048xi32, #tpu.memory_space<hbm>>
    %dma_wait3A_152 = arith.constant 0 : i32
    %dma_wait3A_153 = tpu.memref_slice %arg3[%dma_wait3A_152] : memref<6400000xi32, #tpu.memory_space<hbm>> -> memref<2048xi32, #tpu.memory_space<hbm>>
    tpu.wait_dma2 semaphore(%arg37 : memref<!tpu.dma_semaphore, #tpu.memory_space<semaphore_mem>>) src(%dma_wait3A_153 : memref<2048xi32, #tpu.memory_space<hbm>>) dst(%arg6 : memref<2048xi32, #tpu.memory_space<vmem>>)
    %mul3A_154 = arith.constant 1600000 : i32
    %mul3A_155 = arith.muli %add3A, %mul3A_154 : i32
    %mul3A_156 = arith.constant 1 : i32
    %mul3A_157 = arith.constant 16384 : i32
    %mul3A_158 = arith.muli %mul3A_156, %mul3A_157 : i32
    %add3A_159 = arith.addi %mul3A_155, %mul3A_158 : i32
    %min3A_160 = arith.minsi %add3A_159, %add3A_9 : i32
    %dma_start3A_161 = tpu.memref_slice %arg4[%min3A_160] : memref<51200000xf32, #tpu.memory_space<hbm>> -> memref<16384xf32, #tpu.memory_space<hbm>>
    %dma_start3A_162 = tpu.memref_slice %arg4[%min3A_160] : memref<51200000xf32, #tpu.memory_space<hbm>> -> memref<16384xf32, #tpu.memory_space<hbm>>
    tpu.enqueue_dma source(%dma_start3A_162 : memref<16384xf32, #tpu.memory_space<hbm>>) target(%arg35 : memref<16384xf32, #tpu.memory_space<vmem>>) target_semaphore(%arg44 : memref<!tpu.dma_semaphore, #tpu.memory_space<semaphore_mem>>)
    %scan3A_163 = arith.constant 0 : i32
    %scan3A_164 = arith.constant 0 : i32
    %scan3A_165 = arith.constant 64 : i32
    %scan3A_166 = arith.addi %scan3A_164, %scan3A_165 : i32
    %scan3A_167 = arith.constant 1 : i32
    scf.for %scan3A_297 = %scan3A_164 to %scan3A_166 step %scan3A_167  : i32 {
      %shift_right_arithmetic3A = arith.constant 3 : i32
      %shift_right_arithmetic3A_298 = arith.shrsi %scan3A_297, %shift_right_arithmetic3A : i32
      %mul3A_299 = arith.constant 256 : i32
      %mul3A_300 = arith.muli %shift_right_arithmetic3A_298, %mul3A_299 : i32
      %and3A = arith.constant 7 : i32
      %and3A_301 = arith.andi %scan3A_297, %and3A : i32
      %mul3A_302 = arith.constant 16 : i32
      %mul3A_303 = arith.muli %and3A_301, %mul3A_302 : i32
      %add3A_304 = arith.addi %mul3A_300, %mul3A_303 : i32
      %mul3A_305 = arith.constant 16 : i32
      %mul3A_306 = arith.muli %scan3A_297, %mul3A_305 : i32
      %get3A = arith.index_cast %add3A_304 : i32 to index
      %get3A_307 = tpu.vector_load %arg6[%get3A] {strides = array<i32>} : memref<2048xi32, #tpu.memory_space<vmem>>, vector<16xi32>,
      %get3A_308 = vector.shape_cast %get3A_307 : vector<16xi32> to vector<16xi32>
      %mul3A_309 = arith.constant 3 : i32
      %mul3A_310 = vector.broadcast %mul3A_309 : i32 to vector<16xi32>
      %mul3A_311 = arith.muli %get3A_308, %mul3A_310 : vector<16xi32>
      %add3A_312 = arith.constant 128 : i32
      %add3A_313 = arith.addi %add3A_304, %add3A_312 : i32
      %get3A_314 = arith.index_cast %add3A_313 : i32 to index
      %get3A_315 = tpu.vector_load %arg6[%get3A_314] {strides = array<i32>} : memref<2048xi32, #tpu.memory_space<vmem>>, vector<16xi32>,
      %get3A_316 = vector.shape_cast %get3A_315 : vector<16xi32> to vector<16xi32>
      %mul3A_317 = arith.constant 3 : i32
      %mul3A_318 = vector.broadcast %mul3A_317 : i32 to vector<16xi32>
      %mul3A_319 = arith.muli %get3A_316, %mul3A_318 : vector<16xi32>
      %swap3A = arith.index_cast %mul3A_306 : i32 to index
      %swap3A_320 = tpu.vector_load %arg8[%swap3A] {strides = array<i32>} : memref<1024xi32, #tpu.memory_space<vmem>>, vector<16xi32>,
      %swap3A_321 = vector.shape_cast %swap3A_320 : vector<16xi32> to vector<16xi32>
      %swap3A_322 = vector.shape_cast %mul3A_311 : vector<16xi32> to vector<16xi32>
      tpu.vector_store %arg8[%swap3A], %swap3A_322 {strides = array<i32>} : memref<1024xi32, #tpu.memory_space<vmem>>, vector<16xi32>,
      %add3A_323 = arith.constant 1 : i32
      %add3A_324 = vector.broadcast %add3A_323 : i32 to vector<16xi32>
      %add3A_325 = arith.addi %mul3A_311, %add3A_324 : vector<16xi32>
      %swap3A_326 = arith.index_cast %mul3A_306 : i32 to index
      %swap3A_327 = tpu.vector_load %arg10[%swap3A_326] {strides = array<i32>} : memref<1024xi32, #tpu.memory_space<vmem>>, vector<16xi32>,
      %swap3A_328 = vector.shape_cast %swap3A_327 : vector<16xi32> to vector<16xi32>
      %swap3A_329 = vector.shape_cast %add3A_325 : vector<16xi32> to vector<16xi32>
      tpu.vector_store %arg10[%swap3A_326], %swap3A_329 {strides = array<i32>} : memref<1024xi32, #tpu.memory_space<vmem>>, vector<16xi32>,
      %add3A_330 = arith.constant 2 : i32
      %add3A_331 = vector.broadcast %add3A_330 : i32 to vector<16xi32>
      %add3A_332 = arith.addi %mul3A_311, %add3A_331 : vector<16xi32>
      %swap3A_333 = arith.index_cast %mul3A_306 : i32 to index
      %swap3A_334 = tpu.vector_load %arg12[%swap3A_333] {strides = array<i32>} : memref<1024xi32, #tpu.memory_space<vmem>>, vector<16xi32>,
      %swap3A_335 = vector.shape_cast %swap3A_334 : vector<16xi32> to vector<16xi32>
      %swap3A_336 = vector.shape_cast %add3A_332 : vector<16xi32> to vector<16xi32>
      tpu.vector_store %arg12[%swap3A_333], %swap3A_336 {strides = array<i32>} : memref<1024xi32, #tpu.memory_space<vmem>>, vector<16xi32>,
      %swap3A_337 = arith.index_cast %mul3A_306 : i32 to index
      %swap3A_338 = tpu.vector_load %arg14[%swap3A_337] {strides = array<i32>} : memref<1024xi32, #tpu.memory_space<vmem>>, vector<16xi32>,
      %swap3A_339 = vector.shape_cast %swap3A_338 : vector<16xi32> to vector<16xi32>
      %swap3A_340 = vector.shape_cast %mul3A_319 : vector<16xi32> to vector<16xi32>
      tpu.vector_store %arg14[%swap3A_337], %swap3A_340 {strides = array<i32>} : memref<1024xi32, #tpu.memory_space<vmem>>, vector<16xi32>,
      %add3A_341 = arith.constant 1 : i32
      %add3A_342 = vector.broadcast %add3A_341 : i32 to vector<16xi32>
      %add3A_343 = arith.addi %mul3A_319, %add3A_342 : vector<16xi32>
      %swap3A_344 = arith.index_cast %mul3A_306 : i32 to index
      %swap3A_345 = tpu.vector_load %arg16[%swap3A_344] {strides = array<i32>} : memref<1024xi32, #tpu.memory_space<vmem>>, vector<16xi32>,
      %swap3A_346 = vector.shape_cast %swap3A_345 : vector<16xi32> to vector<16xi32>
      %swap3A_347 = vector.shape_cast %add3A_343 : vector<16xi32> to vector<16xi32>
      tpu.vector_store %arg16[%swap3A_344], %swap3A_347 {strides = array<i32>} : memref<1024xi32, #tpu.memory_space<vmem>>, vector<16xi32>,
      %add3A_348 = arith.constant 2 : i32
      %add3A_349 = vector.broadcast %add3A_348 : i32 to vector<16xi32>
      %add3A_350 = arith.addi %mul3A_319, %add3A_349 : vector<16xi32>
      %swap3A_351 = arith.index_cast %mul3A_306 : i32 to index
      %swap3A_352 = tpu.vector_load %arg18[%swap3A_351] {strides = array<i32>} : memref<1024xi32, #tpu.memory_space<vmem>>, vector<16xi32>,
      %swap3A_353 = vector.shape_cast %swap3A_352 : vector<16xi32> to vector<16xi32>
      %swap3A_354 = vector.shape_cast %add3A_350 : vector<16xi32> to vector<16xi32>
      tpu.vector_store %arg18[%swap3A_351], %swap3A_354 {strides = array<i32>} : memref<1024xi32, #tpu.memory_space<vmem>>, vector<16xi32>,
    }
    %scan3A_168 = arith.constant 64 : i32
    %dma_start3A_169 = arith.constant 0 : i32
    %dma_start3A_170 = tpu.memref_slice %arg36[%dma_start3A_169] : memref<300000xf32, #tpu.memory_space<vmem_shared>> -> memref<300000xf32, #tpu.memory_space<vmem_shared>>
    tpu.enqueue_indirect_dma source(%dma_start3A_170 : memref<300000xf32, #tpu.memory_space<vmem_shared>>) target(%arg20 : memref<1024xf32, #tpu.memory_space<vmem>>) offsets(%arg8 : memref<1024xi32, #tpu.memory_space<vmem>>) semaphore(%arg39 : memref<!tpu.dma_semaphore, #tpu.memory_space<semaphore_mem>>)
    %dma_start3A_171 = arith.constant 0 : i32
    %dma_start3A_172 = tpu.memref_slice %arg36[%dma_start3A_171] : memref<300000xf32, #tpu.memory_space<vmem_shared>> -> memref<300000xf32, #tpu.memory_space<vmem_shared>>
    tpu.enqueue_indirect_dma source(%dma_start3A_172 : memref<300000xf32, #tpu.memory_space<vmem_shared>>) target(%arg22 : memref<1024xf32, #tpu.memory_space<vmem>>) offsets(%arg10 : memref<1024xi32, #tpu.memory_space<vmem>>) semaphore(%arg39 : memref<!tpu.dma_semaphore, #tpu.memory_space<semaphore_mem>>)
    %dma_start3A_173 = arith.constant 0 : i32
    %dma_start3A_174 = tpu.memref_slice %arg36[%dma_start3A_173] : memref<300000xf32, #tpu.memory_space<vmem_shared>> -> memref<300000xf32, #tpu.memory_space<vmem_shared>>
    tpu.enqueue_indirect_dma source(%dma_start3A_174 : memref<300000xf32, #tpu.memory_space<vmem_shared>>) target(%arg24 : memref<1024xf32, #tpu.memory_space<vmem>>) offsets(%arg12 : memref<1024xi32, #tpu.memory_space<vmem>>) semaphore(%arg39 : memref<!tpu.dma_semaphore, #tpu.memory_space<semaphore_mem>>)
    %dma_start3A_175 = arith.constant 0 : i32
    %dma_start3A_176 = tpu.memref_slice %arg36[%dma_start3A_175] : memref<300000xf32, #tpu.memory_space<vmem_shared>> -> memref<300000xf32, #tpu.memory_space<vmem_shared>>
    tpu.enqueue_indirect_dma source(%dma_start3A_176 : memref<300000xf32, #tpu.memory_space<vmem_shared>>) target(%arg26 : memref<1024xf32, #tpu.memory_space<vmem>>) offsets(%arg14 : memref<1024xi32, #tpu.memory_space<vmem>>) semaphore(%arg39 : memref<!tpu.dma_semaphore, #tpu.memory_space<semaphore_mem>>)
    %dma_start3A_177 = arith.constant 0 : i32
    %dma_start3A_178 = tpu.memref_slice %arg36[%dma_start3A_177] : memref<300000xf32, #tpu.memory_space<vmem_shared>> -> memref<300000xf32, #tpu.memory_space<vmem_shared>>
    tpu.enqueue_indirect_dma source(%dma_start3A_178 : memref<300000xf32, #tpu.memory_space<vmem_shared>>) target(%arg28 : memref<1024xf32, #tpu.memory_space<vmem>>) offsets(%arg16 : memref<1024xi32, #tpu.memory_space<vmem>>) semaphore(%arg39 : memref<!tpu.dma_semaphore, #tpu.memory_space<semaphore_mem>>)
    %dma_start3A_179 = arith.constant 0 : i32
    %dma_start3A_180 = tpu.memref_slice %arg36[%dma_start3A_179] : memref<300000xf32, #tpu.memory_space<vmem_shared>> -> memref<300000xf32, #tpu.memory_space<vmem_shared>>
    tpu.enqueue_indirect_dma source(%dma_start3A_180 : memref<300000xf32, #tpu.memory_space<vmem_shared>>) target(%arg30 : memref<1024xf32, #tpu.memory_space<vmem>>) offsets(%arg18 : memref<1024xi32, #tpu.memory_space<vmem>>) semaphore(%arg39 : memref<!tpu.dma_semaphore, #tpu.memory_space<semaphore_mem>>)
    %mul3A_181 = arith.constant 8 : i32
    %mul3A_182 = arith.muli %min3A_137, %mul3A_181 : i32
    %add3A_183 = arith.addi %min3A_3, %mul3A_182 : i32
    %mul3A_184 = arith.constant 256 : i32
    %mul3A_185 = arith.muli %add3A_183, %mul3A_184 : i32
    %dma_start3A_186 = tpu.memref_slice %arg3[%mul3A_185] : memref<6400000xi32, #tpu.memory_space<hbm>> -> memref<2048xi32, #tpu.memory_space<hbm>>
    %dma_start3A_187 = tpu.memref_slice %arg3[%mul3A_185] : memref<6400000xi32, #tpu.memory_space<hbm>> -> memref<2048xi32, #tpu.memory_space<hbm>>
    tpu.enqueue_dma source(%dma_start3A_187 : memref<2048xi32, #tpu.memory_space<hbm>>) target(%arg7 : memref<2048xi32, #tpu.memory_space<vmem>>) target_semaphore(%arg38 : memref<!tpu.dma_semaphore, #tpu.memory_space<semaphore_mem>>)
    %scan3A_188 = arith.constant 0 : i32
    %scan3A_189 = arith.constant 0.266666681 : f32
    %scan3A_190 = arith.constant -8.000000e+00 : f32
    %scan3A_191 = arith.constant 0 : i32
    %scan3A_192 = arith.constant 64 : i32
    %scan3A_193 = arith.addi %scan3A_191, %scan3A_192 : i32
    %scan3A_194 = arith.constant 1 : i32
    scf.for %scan3A_297 = %scan3A_191 to %scan3A_193 step %scan3A_194  : i32 {
      %mul3A_298 = arith.constant 16 : i32
      %mul3A_299 = arith.muli %scan3A_297, %mul3A_298 : i32
      %get3A = arith.index_cast %mul3A_299 : i32 to index
      %get3A_300 = tpu.vector_load %arg21[%get3A] {strides = array<i32>} : memref<1024xf32, #tpu.memory_space<vmem>>, vector<16xf32>,
      %get3A_301 = vector.shape_cast %get3A_300 : vector<16xf32> to vector<16xf32>
      %get3A_302 = arith.index_cast %mul3A_299 : i32 to index
      %get3A_303 = tpu.vector_load %arg27[%get3A_302] {strides = array<i32>} : memref<1024xf32, #tpu.memory_space<vmem>>, vector<16xf32>,
      %get3A_304 = vector.shape_cast %get3A_303 : vector<16xf32> to vector<16xf32>
      %sub3A = arith.subf %get3A_301, %get3A_304 : vector<16xf32>
      %get3A_305 = arith.index_cast %mul3A_299 : i32 to index
      %get3A_306 = tpu.vector_load %arg23[%get3A_305] {strides = array<i32>} : memref<1024xf32, #tpu.memory_space<vmem>>, vector<16xf32>,
      %get3A_307 = vector.shape_cast %get3A_306 : vector<16xf32> to vector<16xf32>
      %get3A_308 = arith.index_cast %mul3A_299 : i32 to index
      %get3A_309 = tpu.vector_load %arg29[%get3A_308] {strides = array<i32>} : memref<1024xf32, #tpu.memory_space<vmem>>, vector<16xf32>,
      %get3A_310 = vector.shape_cast %get3A_309 : vector<16xf32> to vector<16xf32>
      %sub3A_311 = arith.subf %get3A_307, %get3A_310 : vector<16xf32>
      %get3A_312 = arith.index_cast %mul3A_299 : i32 to index
      %get3A_313 = tpu.vector_load %arg25[%get3A_312] {strides = array<i32>} : memref<1024xf32, #tpu.memory_space<vmem>>, vector<16xf32>,
      %get3A_314 = vector.shape_cast %get3A_313 : vector<16xf32> to vector<16xf32>
      %get3A_315 = arith.index_cast %mul3A_299 : i32 to index
      %get3A_316 = tpu.vector_load %arg31[%get3A_315] {strides = array<i32>} : memref<1024xf32, #tpu.memory_space<vmem>>, vector<16xf32>,
      %get3A_317 = vector.shape_cast %get3A_316 : vector<16xf32> to vector<16xf32>
      %sub3A_318 = arith.subf %get3A_314, %get3A_317 : vector<16xf32>
      %mul3A_319 = arith.mulf %sub3A, %sub3A : vector<16xf32>
      %mul3A_320 = arith.mulf %sub3A_311, %sub3A_311 : vector<16xf32>
      %add3A_321 = arith.addf %mul3A_319, %mul3A_320 : vector<16xf32>
      %mul3A_322 = arith.mulf %sub3A_318, %sub3A_318 : vector<16xf32>
      %add3A_323 = arith.addf %add3A_321, %mul3A_322 : vector<16xf32>
      %bitcast_convert_type3A = tpu.bitcast %add3A_323 : vector<16xf32> -> vector<16xi32>
      %shift_right_logical3A = arith.constant 1 : i32
      %shift_right_logical3A_324 = vector.broadcast %shift_right_logical3A : i32 to vector<16xi32>
      %shift_right_logical3A_325 = arith.shrui %bitcast_convert_type3A, %shift_right_logical3A_324 : vector<16xi32>
      %sub3A_326 = arith.constant 1597463007 : i32
      %sub3A_327 = vector.broadcast %sub3A_326 : i32 to vector<16xi32>
      %sub3A_328 = arith.subi %sub3A_327, %shift_right_logical3A_325 : vector<16xi32>
      %bitcast_convert_type3A_329 = tpu.bitcast %sub3A_328 : vector<16xi32> -> vector<16xf32>
      %mul3A_330 = arith.constant 5.000000e-01 : f32
      %mul3A_331 = vector.broadcast %mul3A_330 : f32 to vector<16xf32>
      %mul3A_332 = arith.mulf %add3A_323, %mul3A_331 : vector<16xf32>
      %mul3A_333 = arith.mulf %mul3A_332, %bitcast_convert_type3A_329 : vector<16xf32>
      %mul3A_334 = arith.mulf %mul3A_333, %bitcast_convert_type3A_329 : vector<16xf32>
      %sub3A_335 = arith.constant 1.500000e+00 : f32
      %sub3A_336 = vector.broadcast %sub3A_335 : f32 to vector<16xf32>
      %sub3A_337 = arith.subf %sub3A_336, %mul3A_334 : vector<16xf32>
      %mul3A_338 = arith.mulf %bitcast_convert_type3A_329, %sub3A_337 : vector<16xf32>
      %mul3A_339 = arith.mulf %mul3A_332, %mul3A_338 : vector<16xf32>
      %mul3A_340 = arith.mulf %mul3A_339, %mul3A_338 : vector<16xf32>
      %sub3A_341 = arith.constant 1.500000e+00 : f32
      %sub3A_342 = vector.broadcast %sub3A_341 : f32 to vector<16xf32>
      %sub3A_343 = arith.subf %sub3A_342, %mul3A_340 : vector<16xf32>
      %mul3A_344 = arith.mulf %mul3A_338, %sub3A_343 : vector<16xf32>
      %mul3A_345 = arith.mulf %mul3A_332, %mul3A_344 : vector<16xf32>
      %mul3A_346 = arith.mulf %mul3A_345, %mul3A_344 : vector<16xf32>
      %sub3A_347 = arith.constant 1.500000e+00 : f32
      %sub3A_348 = vector.broadcast %sub3A_347 : f32 to vector<16xf32>
      %sub3A_349 = arith.subf %sub3A_348, %mul3A_346 : vector<16xf32>
      %mul3A_350 = arith.mulf %mul3A_344, %sub3A_349 : vector<16xf32>
      %mul3A_351 = arith.mulf %add3A_323, %mul3A_350 : vector<16xf32>
      %shift_right_arithmetic3A = arith.constant 3 : i32
      %shift_right_arithmetic3A_352 = arith.shrsi %scan3A_297, %shift_right_arithmetic3A : i32
      %mul3A_353 = arith.constant 1024 : i32
      %mul3A_354 = arith.muli %shift_right_arithmetic3A_352, %mul3A_353 : i32
      %and3A = arith.constant 7 : i32
      %and3A_355 = arith.andi %scan3A_297, %and3A : i32
      %mul3A_356 = arith.constant 16 : i32
      %mul3A_357 = arith.muli %and3A_355, %mul3A_356 : i32
      %add3A_358 = arith.addi %mul3A_354, %mul3A_357 : i32
      %mul3A_359 = arith.constant 0.000000e+00 : f32
      %mul3A_360 = arith.mulf %mul3A_359, %scan3A_189 : f32
      %sub3A_361 = vector.broadcast %mul3A_360 : f32 to vector<16xf32>
      %sub3A_362 = arith.subf %mul3A_351, %sub3A_361 : vector<16xf32>
      %add3A_363 = arith.constant 0 : i32
      %add3A_364 = arith.addi %add3A_358, %add3A_363 : i32
      %add3A_365 = arith.constant 0 : i32
      %add3A_366 = arith.addi %add3A_364, %add3A_365 : i32
      %mul3A_367 = arith.mulf %sub3A_362, %sub3A_362 : vector<16xf32>
      %mul3A_368 = vector.broadcast %scan3A_190 : f32 to vector<16xf32>
      %mul3A_369 = arith.mulf %mul3A_367, %mul3A_368 : vector<16xf32>
      %exp3A = math.exp %mul3A_369 : vector<16xf32>
      %swap3A = arith.index_cast %add3A_366 : i32 to index
      %swap3A_370 = tpu.vector_load %arg33[%swap3A] {strides = array<i32>} : memref<16384xf32, #tpu.memory_space<vmem>>, vector<16xf32>,
      %swap3A_371 = vector.shape_cast %swap3A_370 : vector<16xf32> to vector<16xf32>
      %swap3A_372 = vector.shape_cast %exp3A : vector<16xf32> to vector<16xf32>
      tpu.vector_store %arg33[%swap3A], %swap3A_372 {strides = array<i32>} : memref<16384xf32, #tpu.memory_space<vmem>>, vector<16xf32>,
      %mul3A_373 = arith.constant 1.000000e+00 : f32
      %mul3A_374 = arith.mulf %mul3A_373, %scan3A_189 : f32
      %sub3A_375 = vector.broadcast %mul3A_374 : f32 to vector<16xf32>
      %sub3A_376 = arith.subf %mul3A_351, %sub3A_375 : vector<16xf32>
      %add3A_377 = arith.constant 0 : i32
      %add3A_378 = arith.addi %add3A_358, %add3A_377 : i32
      %add3A_379 = arith.constant 128 : i32
      %add3A_380 = arith.addi %add3A_378, %add3A_379 : i32
      %mul3A_381 = arith.mulf %sub3A_376, %sub3A_376 : vector<16xf32>
      %mul3A_382 = vector.broadcast %scan3A_190 : f32 to vector<16xf32>
      %mul3A_383 = arith.mulf %mul3A_381, %mul3A_382 : vector<16xf32>
      %exp3A_384 = math.exp %mul3A_383 : vector<16xf32>
      %swap3A_385 = arith.index_cast %add3A_380 : i32 to index
      %swap3A_386 = tpu.vector_load %arg33[%swap3A_385] {strides = array<i32>} : memref<16384xf32, #tpu.memory_space<vmem>>, vector<16xf32>,
      %swap3A_387 = vector.shape_cast %swap3A_386 : vector<16xf32> to vector<16xf32>
      %swap3A_388 = vector.shape_cast %exp3A_384 : vector<16xf32> to vector<16xf32>
      tpu.vector_store %arg33[%swap3A_385], %swap3A_388 {strides = array<i32>} : memref<16384xf32, #tpu.memory_space<vmem>>, vector<16xf32>,
      %mul3A_389 = arith.constant 2.000000e+00 : f32
      %mul3A_390 = arith.mulf %mul3A_389, %scan3A_189 : f32
      %sub3A_391 = vector.broadcast %mul3A_390 : f32 to vector<16xf32>
      %sub3A_392 = arith.subf %mul3A_351, %sub3A_391 : vector<16xf32>
      %add3A_393 = arith.constant 0 : i32
      %add3A_394 = arith.addi %add3A_358, %add3A_393 : i32
      %add3A_395 = arith.constant 256 : i32
      %add3A_396 = arith.addi %add3A_394, %add3A_395 : i32
      %mul3A_397 = arith.mulf %sub3A_392, %sub3A_392 : vector<16xf32>
      %mul3A_398 = vector.broadcast %scan3A_190 : f32 to vector<16xf32>
      %mul3A_399 = arith.mulf %mul3A_397, %mul3A_398 : vector<16xf32>
      %exp3A_400 = math.exp %mul3A_399 : vector<16xf32>
      %swap3A_401 = arith.index_cast %add3A_396 : i32 to index
      %swap3A_402 = tpu.vector_load %arg33[%swap3A_401] {strides = array<i32>} : memref<16384xf32, #tpu.memory_space<vmem>>, vector<16xf32>,
      %swap3A_403 = vector.shape_cast %swap3A_402 : vector<16xf32> to vector<16xf32>
      %swap3A_404 = vector.shape_cast %exp3A_400 : vector<16xf32> to vector<16xf32>
      tpu.vector_store %arg33[%swap3A_401], %swap3A_404 {strides = array<i32>} : memref<16384xf32, #tpu.memory_space<vmem>>, vector<16xf32>,
      %mul3A_405 = arith.constant 3.000000e+00 : f32
      %mul3A_406 = arith.mulf %mul3A_405, %scan3A_189 : f32
      %sub3A_407 = vector.broadcast %mul3A_406 : f32 to vector<16xf32>
      %sub3A_408 = arith.subf %mul3A_351, %sub3A_407 : vector<16xf32>
      %add3A_409 = arith.constant 0 : i32
      %add3A_410 = arith.addi %add3A_358, %add3A_409 : i32
      %add3A_411 = arith.constant 384 : i32
      %add3A_412 = arith.addi %add3A_410, %add3A_411 : i32
      %mul3A_413 = arith.mulf %sub3A_408, %sub3A_408 : vector<16xf32>
      %mul3A_414 = vector.broadcast %scan3A_190 : f32 to vector<16xf32>
      %mul3A_415 = arith.mulf %mul3A_413, %mul3A_414 : vector<16xf32>
      %exp3A_416 = math.exp %mul3A_415 : vector<16xf32>
      %swap3A_417 = arith.index_cast %add3A_412 : i32 to index
      %swap3A_418 = tpu.vector_load %arg33[%swap3A_417] {strides = array<i32>} : memref<16384xf32, #tpu.memory_space<vmem>>, vector<16xf32>,
      %swap3A_419 = vector.shape_cast %swap3A_418 : vector<16xf32> to vector<16xf32>
      %swap3A_420 = vector.shape_cast %exp3A_416 : vector<16xf32> to vector<16xf32>
      tpu.vector_store %arg33[%swap3A_417], %swap3A_420 {strides = array<i32>} : memref<16384xf32, #tpu.memory_space<vmem>>, vector<16xf32>,
      %mul3A_421 = arith.constant 4.000000e+00 : f32
      %mul3A_422 = arith.mulf %mul3A_421, %scan3A_189 : f32
      %sub3A_423 = vector.broadcast %mul3A_422 : f32 to vector<16xf32>
      %sub3A_424 = arith.subf %mul3A_351, %sub3A_423 : vector<16xf32>
      %add3A_425 = arith.constant 0 : i32
      %add3A_426 = arith.addi %add3A_358, %add3A_425 : i32
      %add3A_427 = arith.constant 512 : i32
      %add3A_428 = arith.addi %add3A_426, %add3A_427 : i32
      %mul3A_429 = arith.mulf %sub3A_424, %sub3A_424 : vector<16xf32>
      %mul3A_430 = vector.broadcast %scan3A_190 : f32 to vector<16xf32>
      %mul3A_431 = arith.mulf %mul3A_429, %mul3A_430 : vector<16xf32>
      %exp3A_432 = math.exp %mul3A_431 : vector<16xf32>
      %swap3A_433 = arith.index_cast %add3A_428 : i32 to index
      %swap3A_434 = tpu.vector_load %arg33[%swap3A_433] {strides = array<i32>} : memref<16384xf32, #tpu.memory_space<vmem>>, vector<16xf32>,
      %swap3A_435 = vector.shape_cast %swap3A_434 : vector<16xf32> to vector<16xf32>
      %swap3A_436 = vector.shape_cast %exp3A_432 : vector<16xf32> to vector<16xf32>
      tpu.vector_store %arg33[%swap3A_433], %swap3A_436 {strides = array<i32>} : memref<16384xf32, #tpu.memory_space<vmem>>, vector<16xf32>,
      %mul3A_437 = arith.constant 5.000000e+00 : f32
      %mul3A_438 = arith.mulf %mul3A_437, %scan3A_189 : f32
      %sub3A_439 = vector.broadcast %mul3A_438 : f32 to vector<16xf32>
      %sub3A_440 = arith.subf %mul3A_351, %sub3A_439 : vector<16xf32>
      %add3A_441 = arith.constant 0 : i32
      %add3A_442 = arith.addi %add3A_358, %add3A_441 : i32
      %add3A_443 = arith.constant 640 : i32
      %add3A_444 = arith.addi %add3A_442, %add3A_443 : i32
      %mul3A_445 = arith.mulf %sub3A_440, %sub3A_440 : vector<16xf32>
      %mul3A_446 = vector.broadcast %scan3A_190 : f32 to vector<16xf32>
      %mul3A_447 = arith.mulf %mul3A_445, %mul3A_446 : vector<16xf32>
      %exp3A_448 = math.exp %mul3A_447 : vector<16xf32>
      %swap3A_449 = arith.index_cast %add3A_444 : i32 to index
      %swap3A_450 = tpu.vector_load %arg33[%swap3A_449] {strides = array<i32>} : memref<16384xf32, #tpu.memory_space<vmem>>, vector<16xf32>,
      %swap3A_451 = vector.shape_cast %swap3A_450 : vector<16xf32> to vector<16xf32>
      %swap3A_452 = vector.shape_cast %exp3A_448 : vector<16xf32> to vector<16xf32>
      tpu.vector_store %arg33[%swap3A_449], %swap3A_452 {strides = array<i32>} : memref<16384xf32, #tpu.memory_space<vmem>>, vector<16xf32>,
      %mul3A_453 = arith.constant 6.000000e+00 : f32
      %mul3A_454 = arith.mulf %mul3A_453, %scan3A_189 : f32
      %sub3A_455 = vector.broadcast %mul3A_454 : f32 to vector<16xf32>
      %sub3A_456 = arith.subf %mul3A_351, %sub3A_455 : vector<16xf32>
      %add3A_457 = arith.constant 0 : i32
      %add3A_458 = arith.addi %add3A_358, %add3A_457 : i32
      %add3A_459 = arith.constant 768 : i32
      %add3A_460 = arith.addi %add3A_458, %add3A_459 : i32
      %mul3A_461 = arith.mulf %sub3A_456, %sub3A_456 : vector<16xf32>
      %mul3A_462 = vector.broadcast %scan3A_190 : f32 to vector<16xf32>
      %mul3A_463 = arith.mulf %mul3A_461, %mul3A_462 : vector<16xf32>
      %exp3A_464 = math.exp %mul3A_463 : vector<16xf32>
      %swap3A_465 = arith.index_cast %add3A_460 : i32 to index
      %swap3A_466 = tpu.vector_load %arg33[%swap3A_465] {strides = array<i32>} : memref<16384xf32, #tpu.memory_space<vmem>>, vector<16xf32>,
      %swap3A_467 = vector.shape_cast %swap3A_466 : vector<16xf32> to vector<16xf32>
      %swap3A_468 = vector.shape_cast %exp3A_464 : vector<16xf32> to vector<16xf32>
      tpu.vector_store %arg33[%swap3A_465], %swap3A_468 {strides = array<i32>} : memref<16384xf32, #tpu.memory_space<vmem>>, vector<16xf32>,
      %mul3A_469 = arith.constant 7.000000e+00 : f32
      %mul3A_470 = arith.mulf %mul3A_469, %scan3A_189 : f32
      %sub3A_471 = vector.broadcast %mul3A_470 : f32 to vector<16xf32>
      %sub3A_472 = arith.subf %mul3A_351, %sub3A_471 : vector<16xf32>
      %add3A_473 = arith.constant 0 : i32
      %add3A_474 = arith.addi %add3A_358, %add3A_473 : i32
      %add3A_475 = arith.constant 896 : i32
      %add3A_476 = arith.addi %add3A_474, %add3A_475 : i32
      %mul3A_477 = arith.mulf %sub3A_472, %sub3A_472 : vector<16xf32>
      %mul3A_478 = vector.broadcast %scan3A_190 : f32 to vector<16xf32>
      %mul3A_479 = arith.mulf %mul3A_477, %mul3A_478 : vector<16xf32>
      %exp3A_480 = math.exp %mul3A_479 : vector<16xf32>
      %swap3A_481 = arith.index_cast %add3A_476 : i32 to index
      %swap3A_482 = tpu.vector_load %arg33[%swap3A_481] {strides = array<i32>} : memref<16384xf32, #tpu.memory_space<vmem>>, vector<16xf32>,
      %swap3A_483 = vector.shape_cast %swap3A_482 : vector<16xf32> to vector<16xf32>
      %swap3A_484 = vector.shape_cast %exp3A_480 : vector<16xf32> to vector<16xf32>
      tpu.vector_store %arg33[%swap3A_481], %swap3A_484 {strides = array<i32>} : memref<16384xf32, #tpu.memory_space<vmem>>, vector<16xf32>,
      %mul3A_485 = arith.constant 8.000000e+00 : f32
      %mul3A_486 = arith.mulf %mul3A_485, %scan3A_189 : f32
      %sub3A_487 = vector.broadcast %mul3A_486 : f32 to vector<16xf32>
      %sub3A_488 = arith.subf %mul3A_351, %sub3A_487 : vector<16xf32>
      %add3A_489 = arith.constant 8192 : i32
      %add3A_490 = arith.addi %add3A_358, %add3A_489 : i32
      %add3A_491 = arith.constant 0 : i32
      %add3A_492 = arith.addi %add3A_490, %add3A_491 : i32
      %mul3A_493 = arith.mulf %sub3A_488, %sub3A_488 : vector<16xf32>
      %mul3A_494 = vector.broadcast %scan3A_190 : f32 to vector<16xf32>
      %mul3A_495 = arith.mulf %mul3A_493, %mul3A_494 : vector<16xf32>
      %exp3A_496 = math.exp %mul3A_495 : vector<16xf32>
      %swap3A_497 = arith.index_cast %add3A_492 : i32 to index
      %swap3A_498 = tpu.vector_load %arg33[%swap3A_497] {strides = array<i32>} : memref<16384xf32, #tpu.memory_space<vmem>>, vector<16xf32>,
      %swap3A_499 = vector.shape_cast %swap3A_498 : vector<16xf32> to vector<16xf32>
      %swap3A_500 = vector.shape_cast %exp3A_496 : vector<16xf32> to vector<16xf32>
      tpu.vector_store %arg33[%swap3A_497], %swap3A_500 {strides = array<i32>} : memref<16384xf32, #tpu.memory_space<vmem>>, vector<16xf32>,
      %mul3A_501 = arith.constant 9.000000e+00 : f32
      %mul3A_502 = arith.mulf %mul3A_501, %scan3A_189 : f32
      %sub3A_503 = vector.broadcast %mul3A_502 : f32 to vector<16xf32>
      %sub3A_504 = arith.subf %mul3A_351, %sub3A_503 : vector<16xf32>
      %add3A_505 = arith.constant 8192 : i32
      %add3A_506 = arith.addi %add3A_358, %add3A_505 : i32
      %add3A_507 = arith.constant 128 : i32
      %add3A_508 = arith.addi %add3A_506, %add3A_507 : i32
      %mul3A_509 = arith.mulf %sub3A_504, %sub3A_504 : vector<16xf32>
      %mul3A_510 = vector.broadcast %scan3A_190 : f32 to vector<16xf32>
      %mul3A_511 = arith.mulf %mul3A_509, %mul3A_510 : vector<16xf32>
      %exp3A_512 = math.exp %mul3A_511 : vector<16xf32>
      %swap3A_513 = arith.index_cast %add3A_508 : i32 to index
      %swap3A_514 = tpu.vector_load %arg33[%swap3A_513] {strides = array<i32>} : memref<16384xf32, #tpu.memory_space<vmem>>, vector<16xf32>,
      %swap3A_515 = vector.shape_cast %swap3A_514 : vector<16xf32> to vector<16xf32>
      %swap3A_516 = vector.shape_cast %exp3A_512 : vector<16xf32> to vector<16xf32>
      tpu.vector_store %arg33[%swap3A_513], %swap3A_516 {strides = array<i32>} : memref<16384xf32, #tpu.memory_space<vmem>>, vector<16xf32>,
      %mul3A_517 = arith.constant 1.000000e+01 : f32
      %mul3A_518 = arith.mulf %mul3A_517, %scan3A_189 : f32
      %sub3A_519 = vector.broadcast %mul3A_518 : f32 to vector<16xf32>
      %sub3A_520 = arith.subf %mul3A_351, %sub3A_519 : vector<16xf32>
      %add3A_521 = arith.constant 8192 : i32
      %add3A_522 = arith.addi %add3A_358, %add3A_521 : i32
      %add3A_523 = arith.constant 256 : i32
      %add3A_524 = arith.addi %add3A_522, %add3A_523 : i32
      %mul3A_525 = arith.mulf %sub3A_520, %sub3A_520 : vector<16xf32>
      %mul3A_526 = vector.broadcast %scan3A_190 : f32 to vector<16xf32>
      %mul3A_527 = arith.mulf %mul3A_525, %mul3A_526 : vector<16xf32>
      %exp3A_528 = math.exp %mul3A_527 : vector<16xf32>
      %swap3A_529 = arith.index_cast %add3A_524 : i32 to index
      %swap3A_530 = tpu.vector_load %arg33[%swap3A_529] {strides = array<i32>} : memref<16384xf32, #tpu.memory_space<vmem>>, vector<16xf32>,
      %swap3A_531 = vector.shape_cast %swap3A_530 : vector<16xf32> to vector<16xf32>
      %swap3A_532 = vector.shape_cast %exp3A_528 : vector<16xf32> to vector<16xf32>
      tpu.vector_store %arg33[%swap3A_529], %swap3A_532 {strides = array<i32>} : memref<16384xf32, #tpu.memory_space<vmem>>, vector<16xf32>,
      %mul3A_533 = arith.constant 1.100000e+01 : f32
      %mul3A_534 = arith.mulf %mul3A_533, %scan3A_189 : f32
      %sub3A_535 = vector.broadcast %mul3A_534 : f32 to vector<16xf32>
      %sub3A_536 = arith.subf %mul3A_351, %sub3A_535 : vector<16xf32>
      %add3A_537 = arith.constant 8192 : i32
      %add3A_538 = arith.addi %add3A_358, %add3A_537 : i32
      %add3A_539 = arith.constant 384 : i32
      %add3A_540 = arith.addi %add3A_538, %add3A_539 : i32
      %mul3A_541 = arith.mulf %sub3A_536, %sub3A_536 : vector<16xf32>
      %mul3A_542 = vector.broadcast %scan3A_190 : f32 to vector<16xf32>
      %mul3A_543 = arith.mulf %mul3A_541, %mul3A_542 : vector<16xf32>
      %exp3A_544 = math.exp %mul3A_543 : vector<16xf32>
      %swap3A_545 = arith.index_cast %add3A_540 : i32 to index
      %swap3A_546 = tpu.vector_load %arg33[%swap3A_545] {strides = array<i32>} : memref<16384xf32, #tpu.memory_space<vmem>>, vector<16xf32>,
      %swap3A_547 = vector.shape_cast %swap3A_546 : vector<16xf32> to vector<16xf32>
      %swap3A_548 = vector.shape_cast %exp3A_544 : vector<16xf32> to vector<16xf32>
      tpu.vector_store %arg33[%swap3A_545], %swap3A_548 {strides = array<i32>} : memref<16384xf32, #tpu.memory_space<vmem>>, vector<16xf32>,
      %mul3A_549 = arith.constant 1.200000e+01 : f32
      %mul3A_550 = arith.mulf %mul3A_549, %scan3A_189 : f32
      %sub3A_551 = vector.broadcast %mul3A_550 : f32 to vector<16xf32>
      %sub3A_552 = arith.subf %mul3A_351, %sub3A_551 : vector<16xf32>
      %add3A_553 = arith.constant 8192 : i32
      %add3A_554 = arith.addi %add3A_358, %add3A_553 : i32
      %add3A_555 = arith.constant 512 : i32
      %add3A_556 = arith.addi %add3A_554, %add3A_555 : i32
      %mul3A_557 = arith.mulf %sub3A_552, %sub3A_552 : vector<16xf32>
      %mul3A_558 = vector.broadcast %scan3A_190 : f32 to vector<16xf32>
      %mul3A_559 = arith.mulf %mul3A_557, %mul3A_558 : vector<16xf32>
      %exp3A_560 = math.exp %mul3A_559 : vector<16xf32>
      %swap3A_561 = arith.index_cast %add3A_556 : i32 to index
      %swap3A_562 = tpu.vector_load %arg33[%swap3A_561] {strides = array<i32>} : memref<16384xf32, #tpu.memory_space<vmem>>, vector<16xf32>,
      %swap3A_563 = vector.shape_cast %swap3A_562 : vector<16xf32> to vector<16xf32>
      %swap3A_564 = vector.shape_cast %exp3A_560 : vector<16xf32> to vector<16xf32>
      tpu.vector_store %arg33[%swap3A_561], %swap3A_564 {strides = array<i32>} : memref<16384xf32, #tpu.memory_space<vmem>>, vector<16xf32>,
      %mul3A_565 = arith.constant 1.300000e+01 : f32
      %mul3A_566 = arith.mulf %mul3A_565, %scan3A_189 : f32
      %sub3A_567 = vector.broadcast %mul3A_566 : f32 to vector<16xf32>
      %sub3A_568 = arith.subf %mul3A_351, %sub3A_567 : vector<16xf32>
      %add3A_569 = arith.constant 8192 : i32
      %add3A_570 = arith.addi %add3A_358, %add3A_569 : i32
      %add3A_571 = arith.constant 640 : i32
      %add3A_572 = arith.addi %add3A_570, %add3A_571 : i32
      %mul3A_573 = arith.mulf %sub3A_568, %sub3A_568 : vector<16xf32>
      %mul3A_574 = vector.broadcast %scan3A_190 : f32 to vector<16xf32>
      %mul3A_575 = arith.mulf %mul3A_573, %mul3A_574 : vector<16xf32>
      %exp3A_576 = math.exp %mul3A_575 : vector<16xf32>
      %swap3A_577 = arith.index_cast %add3A_572 : i32 to index
      %swap3A_578 = tpu.vector_load %arg33[%swap3A_577] {strides = array<i32>} : memref<16384xf32, #tpu.memory_space<vmem>>, vector<16xf32>,
      %swap3A_579 = vector.shape_cast %swap3A_578 : vector<16xf32> to vector<16xf32>
      %swap3A_580 = vector.shape_cast %exp3A_576 : vector<16xf32> to vector<16xf32>
      tpu.vector_store %arg33[%swap3A_577], %swap3A_580 {strides = array<i32>} : memref<16384xf32, #tpu.memory_space<vmem>>, vector<16xf32>,
      %mul3A_581 = arith.constant 1.400000e+01 : f32
      %mul3A_582 = arith.mulf %mul3A_581, %scan3A_189 : f32
      %sub3A_583 = vector.broadcast %mul3A_582 : f32 to vector<16xf32>
      %sub3A_584 = arith.subf %mul3A_351, %sub3A_583 : vector<16xf32>
      %add3A_585 = arith.constant 8192 : i32
      %add3A_586 = arith.addi %add3A_358, %add3A_585 : i32
      %add3A_587 = arith.constant 768 : i32
      %add3A_588 = arith.addi %add3A_586, %add3A_587 : i32
      %mul3A_589 = arith.mulf %sub3A_584, %sub3A_584 : vector<16xf32>
      %mul3A_590 = vector.broadcast %scan3A_190 : f32 to vector<16xf32>
      %mul3A_591 = arith.mulf %mul3A_589, %mul3A_590 : vector<16xf32>
      %exp3A_592 = math.exp %mul3A_591 : vector<16xf32>
      %swap3A_593 = arith.index_cast %add3A_588 : i32 to index
      %swap3A_594 = tpu.vector_load %arg33[%swap3A_593] {strides = array<i32>} : memref<16384xf32, #tpu.memory_space<vmem>>, vector<16xf32>,
      %swap3A_595 = vector.shape_cast %swap3A_594 : vector<16xf32> to vector<16xf32>
      %swap3A_596 = vector.shape_cast %exp3A_592 : vector<16xf32> to vector<16xf32>
      tpu.vector_store %arg33[%swap3A_593], %swap3A_596 {strides = array<i32>} : memref<16384xf32, #tpu.memory_space<vmem>>, vector<16xf32>,
      %mul3A_597 = arith.constant 1.500000e+01 : f32
      %mul3A_598 = arith.mulf %mul3A_597, %scan3A_189 : f32
      %sub3A_599 = vector.broadcast %mul3A_598 : f32 to vector<16xf32>
      %sub3A_600 = arith.subf %mul3A_351, %sub3A_599 : vector<16xf32>
      %add3A_601 = arith.constant 8192 : i32
      %add3A_602 = arith.addi %add3A_358, %add3A_601 : i32
      %add3A_603 = arith.constant 896 : i32
      %add3A_604 = arith.addi %add3A_602, %add3A_603 : i32
      %mul3A_605 = arith.mulf %sub3A_600, %sub3A_600 : vector<16xf32>
      %mul3A_606 = vector.broadcast %scan3A_190 : f32 to vector<16xf32>
      %mul3A_607 = arith.mulf %mul3A_605, %mul3A_606 : vector<16xf32>
      %exp3A_608 = math.exp %mul3A_607 : vector<16xf32>
      %swap3A_609 = arith.index_cast %add3A_604 : i32 to index
      %swap3A_610 = tpu.vector_load %arg33[%swap3A_609] {strides = array<i32>} : memref<16384xf32, #tpu.memory_space<vmem>>, vector<16xf32>,
      %swap3A_611 = vector.shape_cast %swap3A_610 : vector<16xf32> to vector<16xf32>
      %swap3A_612 = vector.shape_cast %exp3A_608 : vector<16xf32> to vector<16xf32>
      tpu.vector_store %arg33[%swap3A_609], %swap3A_612 {strides = array<i32>} : memref<16384xf32, #tpu.memory_space<vmem>>, vector<16xf32>,
    }
    %scan3A_195 = arith.constant 64 : i32
    %dma_wait3A_196 = arith.constant 0 : i32
    %dma_wait3A_197 = tpu.memref_slice %arg4[%dma_wait3A_196] : memref<51200000xf32, #tpu.memory_space<hbm>> -> memref<16384xf32, #tpu.memory_space<hbm>>
    %dma_wait3A_198 = arith.constant 0 : i32
    %dma_wait3A_199 = tpu.memref_slice %arg4[%dma_wait3A_198] : memref<51200000xf32, #tpu.memory_space<hbm>> -> memref<16384xf32, #tpu.memory_space<hbm>>
    tpu.wait_dma2 semaphore(%arg44 : memref<!tpu.dma_semaphore, #tpu.memory_space<semaphore_mem>>) src(%dma_wait3A_199 : memref<16384xf32, #tpu.memory_space<hbm>>) dst(%arg35 : memref<16384xf32, #tpu.memory_space<vmem>>)
    %mul3A_200 = arith.constant 1600000 : i32
    %mul3A_201 = arith.muli %add3A, %mul3A_200 : i32
    %mul3A_202 = arith.constant 1 : i32
    %mul3A_203 = arith.constant 16384 : i32
    %mul3A_204 = arith.muli %mul3A_202, %mul3A_203 : i32
    %add3A_205 = arith.addi %mul3A_201, %mul3A_204 : i32
    %min3A_206 = arith.minsi %add3A_205, %add3A_9 : i32
    %dma_start3A_207 = tpu.memref_slice %arg5[%min3A_206] : memref<102400000xf32, #tpu.memory_space<hbm>> -> memref<16384xf32, #tpu.memory_space<hbm>>
    %dma_start3A_208 = tpu.memref_slice %arg5[%min3A_206] : memref<102400000xf32, #tpu.memory_space<hbm>> -> memref<16384xf32, #tpu.memory_space<hbm>>
    tpu.enqueue_dma source(%arg35 : memref<16384xf32, #tpu.memory_space<vmem>>) target(%dma_start3A_208 : memref<16384xf32, #tpu.memory_space<hbm>>) target_semaphore(%arg46 : memref<!tpu.dma_semaphore, #tpu.memory_space<semaphore_mem>>)
    %mul3A_209 = arith.constant 1 : i32
    %mul3A_210 = arith.constant 8 : i32
    %mul3A_211 = arith.muli %mul3A_209, %mul3A_210 : i32
    %add3A_212 = arith.addi %min3A_3, %mul3A_211 : i32
    %add3A_213 = arith.constant 50000 : i32
    %add3A_214 = arith.addi %add3A_213, %add3A_212 : i32
    %mul3A_215 = arith.constant 1024 : i32
    %mul3A_216 = arith.muli %add3A_214, %mul3A_215 : i32
    %dma_start3A_217 = arith.constant 0 : i32
    %dma_start3A_218 = tpu.memref_slice %arg33[%dma_start3A_217] : memref<16384xf32, #tpu.memory_space<vmem>> -> memref<8192xf32, #tpu.memory_space<vmem>>
    %dma_start3A_219 = tpu.memref_slice %arg5[%mul3A_216] : memref<102400000xf32, #tpu.memory_space<hbm>> -> memref<8192xf32, #tpu.memory_space<hbm>>
    %dma_start3A_220 = tpu.memref_slice %arg5[%mul3A_216] : memref<102400000xf32, #tpu.memory_space<hbm>> -> memref<8192xf32, #tpu.memory_space<hbm>>
    %dma_start3A_221 = arith.constant 0 : i32
    %dma_start3A_222 = tpu.memref_slice %arg33[%dma_start3A_221] : memref<16384xf32, #tpu.memory_space<vmem>> -> memref<8192xf32, #tpu.memory_space<vmem>>
    tpu.enqueue_dma source(%dma_start3A_222 : memref<8192xf32, #tpu.memory_space<vmem>>) target(%dma_start3A_220 : memref<8192xf32, #tpu.memory_space<hbm>>) target_semaphore(%arg42 : memref<!tpu.dma_semaphore, #tpu.memory_space<semaphore_mem>>)
    %add3A_223 = arith.constant 75000 : i32
    %add3A_224 = arith.addi %add3A_223, %add3A_212 : i32
    %mul3A_225 = arith.constant 1024 : i32
    %mul3A_226 = arith.muli %add3A_224, %mul3A_225 : i32
    %dma_start3A_227 = arith.constant 8192 : i32
    %dma_start3A_228 = tpu.memref_slice %arg33[%dma_start3A_227] : memref<16384xf32, #tpu.memory_space<vmem>> -> memref<8192xf32, #tpu.memory_space<vmem>>
    %dma_start3A_229 = tpu.memref_slice %arg5[%mul3A_226] : memref<102400000xf32, #tpu.memory_space<hbm>> -> memref<8192xf32, #tpu.memory_space<hbm>>
    %dma_start3A_230 = tpu.memref_slice %arg5[%mul3A_226] : memref<102400000xf32, #tpu.memory_space<hbm>> -> memref<8192xf32, #tpu.memory_space<hbm>>
    %dma_start3A_231 = arith.constant 8192 : i32
    %dma_start3A_232 = tpu.memref_slice %arg33[%dma_start3A_231] : memref<16384xf32, #tpu.memory_space<vmem>> -> memref<8192xf32, #tpu.memory_space<vmem>>
    tpu.enqueue_dma source(%dma_start3A_232 : memref<8192xf32, #tpu.memory_space<vmem>>) target(%dma_start3A_230 : memref<8192xf32, #tpu.memory_space<hbm>>) target_semaphore(%arg42 : memref<!tpu.dma_semaphore, #tpu.memory_space<semaphore_mem>>)
    %scan3A_233 = arith.constant 0 : i32
    %scan3A_234 = arith.constant 0.266666681 : f32
    %scan3A_235 = arith.constant -8.000000e+00 : f32
    %scan3A_236 = arith.constant 1 : i32
    %scan3A_237 = arith.constant 48 : i32
    %scan3A_238 = arith.addi %scan3A_236, %scan3A_237 : i32
    %scan3A_239 = arith.constant 1 : i32
    scf.for %scan3A_297 = %scan3A_236 to %scan3A_238 step %scan3A_239  : i32 {
      %mul3A_298 = arith.constant 2 : i32
      %mul3A_299 = arith.muli %scan3A_297, %mul3A_298 : i32
      %add3A_300 = arith.constant 2 : i32
      %add3A_301 = arith.addi %mul3A_299, %add3A_300 : i32
      %min3A_302 = arith.constant 97 : i32
      %min3A_303 = arith.minsi %add3A_301, %min3A_302 : i32
      %dma_wait3A_304 = arith.constant 0 : i32
      %dma_wait3A_305 = tpu.memref_slice %arg36[%dma_wait3A_304] : memref<300000xf32, #tpu.memory_space<vmem_shared>> -> memref<300000xf32, #tpu.memory_space<vmem_shared>>
      tpu.wait_indirect_dma semaphore(%arg39 : memref<!tpu.dma_semaphore, #tpu.memory_space<semaphore_mem>>) src(%dma_wait3A_305 : memref<300000xf32, #tpu.memory_space<vmem_shared>>) dst(%arg20 : memref<1024xf32, #tpu.memory_space<vmem>>)
      %dma_wait3A_306 = arith.constant 0 : i32
      %dma_wait3A_307 = tpu.memref_slice %arg36[%dma_wait3A_306] : memref<300000xf32, #tpu.memory_space<vmem_shared>> -> memref<300000xf32, #tpu.memory_space<vmem_shared>>
      tpu.wait_indirect_dma semaphore(%arg39 : memref<!tpu.dma_semaphore, #tpu.memory_space<semaphore_mem>>) src(%dma_wait3A_307 : memref<300000xf32, #tpu.memory_space<vmem_shared>>) dst(%arg22 : memref<1024xf32, #tpu.memory_space<vmem>>)
      %dma_wait3A_308 = arith.constant 0 : i32
      %dma_wait3A_309 = tpu.memref_slice %arg36[%dma_wait3A_308] : memref<300000xf32, #tpu.memory_space<vmem_shared>> -> memref<300000xf32, #tpu.memory_space<vmem_shared>>
      tpu.wait_indirect_dma semaphore(%arg39 : memref<!tpu.dma_semaphore, #tpu.memory_space<semaphore_mem>>) src(%dma_wait3A_309 : memref<300000xf32, #tpu.memory_space<vmem_shared>>) dst(%arg24 : memref<1024xf32, #tpu.memory_space<vmem>>)
      %dma_wait3A_310 = arith.constant 0 : i32
      %dma_wait3A_311 = tpu.memref_slice %arg36[%dma_wait3A_310] : memref<300000xf32, #tpu.memory_space<vmem_shared>> -> memref<300000xf32, #tpu.memory_space<vmem_shared>>
      tpu.wait_indirect_dma semaphore(%arg39 : memref<!tpu.dma_semaphore, #tpu.memory_space<semaphore_mem>>) src(%dma_wait3A_311 : memref<300000xf32, #tpu.memory_space<vmem_shared>>) dst(%arg26 : memref<1024xf32, #tpu.memory_space<vmem>>)
      %dma_wait3A_312 = arith.constant 0 : i32
      %dma_wait3A_313 = tpu.memref_slice %arg36[%dma_wait3A_312] : memref<300000xf32, #tpu.memory_space<vmem_shared>> -> memref<300000xf32, #tpu.memory_space<vmem_shared>>
      tpu.wait_indirect_dma semaphore(%arg39 : memref<!tpu.dma_semaphore, #tpu.memory_space<semaphore_mem>>) src(%dma_wait3A_313 : memref<300000xf32, #tpu.memory_space<vmem_shared>>) dst(%arg28 : memref<1024xf32, #tpu.memory_space<vmem>>)
      %dma_wait3A_314 = arith.constant 0 : i32
      %dma_wait3A_315 = tpu.memref_slice %arg36[%dma_wait3A_314] : memref<300000xf32, #tpu.memory_space<vmem_shared>> -> memref<300000xf32, #tpu.memory_space<vmem_shared>>
      tpu.wait_indirect_dma semaphore(%arg39 : memref<!tpu.dma_semaphore, #tpu.memory_space<semaphore_mem>>) src(%dma_wait3A_315 : memref<300000xf32, #tpu.memory_space<vmem_shared>>) dst(%arg30 : memref<1024xf32, #tpu.memory_space<vmem>>)
      %dma_wait3A_316 = arith.constant 0 : i32
      %dma_wait3A_317 = tpu.memref_slice %arg3[%dma_wait3A_316] : memref<6400000xi32, #tpu.memory_space<hbm>> -> memref<2048xi32, #tpu.memory_space<hbm>>
      %dma_wait3A_318 = arith.constant 0 : i32
      %dma_wait3A_319 = tpu.memref_slice %arg3[%dma_wait3A_318] : memref<6400000xi32, #tpu.memory_space<hbm>> -> memref<2048xi32, #tpu.memory_space<hbm>>
      tpu.wait_dma2 semaphore(%arg38 : memref<!tpu.dma_semaphore, #tpu.memory_space<semaphore_mem>>) src(%dma_wait3A_319 : memref<2048xi32, #tpu.memory_space<hbm>>) dst(%arg7 : memref<2048xi32, #tpu.memory_space<vmem>>)
      %dma_wait3A_320 = arith.constant 0 : i32
      %dma_wait3A_321 = tpu.memref_slice %arg5[%dma_wait3A_320] : memref<102400000xf32, #tpu.memory_space<hbm>> -> memref<16384xf32, #tpu.memory_space<hbm>>
      %dma_wait3A_322 = arith.constant 0 : i32
      %dma_wait3A_323 = tpu.memref_slice %arg5[%dma_wait3A_322] : memref<102400000xf32, #tpu.memory_space<hbm>> -> memref<16384xf32, #tpu.memory_space<hbm>>
      tpu.wait_dma2 semaphore(%arg45 : memref<!tpu.dma_semaphore, #tpu.memory_space<semaphore_mem>>) src(%arg34 : memref<16384xf32, #tpu.memory_space<vmem>>) dst(%dma_wait3A_323 : memref<16384xf32, #tpu.memory_space<hbm>>)
      %mul3A_324 = arith.constant 1600000 : i32
      %mul3A_325 = arith.muli %add3A, %mul3A_324 : i32
      %mul3A_326 = arith.constant 16384 : i32
      %mul3A_327 = arith.muli %mul3A_299, %mul3A_326 : i32
      %add3A_328 = arith.addi %mul3A_325, %mul3A_327 : i32
      %min3A_329 = arith.minsi %add3A_328, %add3A_9 : i32
      %dma_start3A_330 = tpu.memref_slice %arg4[%min3A_329] : memref<51200000xf32, #tpu.memory_space<hbm>> -> memref<16384xf32, #tpu.memory_space<hbm>>
      %dma_start3A_331 = tpu.memref_slice %arg4[%min3A_329] : memref<51200000xf32, #tpu.memory_space<hbm>> -> memref<16384xf32, #tpu.memory_space<hbm>>
      tpu.enqueue_dma source(%dma_start3A_331 : memref<16384xf32, #tpu.memory_space<hbm>>) target(%arg34 : memref<16384xf32, #tpu.memory_space<vmem>>) target_semaphore(%arg43 : memref<!tpu.dma_semaphore, #tpu.memory_space<semaphore_mem>>)
      %scan3A_332 = arith.constant 0 : i32
      %scan3A_333 = arith.constant 0 : i32
      %scan3A_334 = arith.constant 64 : i32
      %scan3A_335 = arith.addi %scan3A_333, %scan3A_334 : i32
      %scan3A_336 = arith.constant 1 : i32
      scf.for %scan3A_530 = %scan3A_333 to %scan3A_335 step %scan3A_336  : i32 {
        %shift_right_arithmetic3A = arith.constant 3 : i32
        %shift_right_arithmetic3A_531 = arith.shrsi %scan3A_530, %shift_right_arithmetic3A : i32
        %mul3A_532 = arith.constant 256 : i32
        %mul3A_533 = arith.muli %shift_right_arithmetic3A_531, %mul3A_532 : i32
        %and3A = arith.constant 7 : i32
        %and3A_534 = arith.andi %scan3A_530, %and3A : i32
        %mul3A_535 = arith.constant 16 : i32
        %mul3A_536 = arith.muli %and3A_534, %mul3A_535 : i32
        %add3A_537 = arith.addi %mul3A_533, %mul3A_536 : i32
        %mul3A_538 = arith.constant 16 : i32
        %mul3A_539 = arith.muli %scan3A_530, %mul3A_538 : i32
        %get3A = arith.index_cast %add3A_537 : i32 to index
        %get3A_540 = tpu.vector_load %arg7[%get3A] {strides = array<i32>} : memref<2048xi32, #tpu.memory_space<vmem>>, vector<16xi32>,
        %get3A_541 = vector.shape_cast %get3A_540 : vector<16xi32> to vector<16xi32>
        %mul3A_542 = arith.constant 3 : i32
        %mul3A_543 = vector.broadcast %mul3A_542 : i32 to vector<16xi32>
        %mul3A_544 = arith.muli %get3A_541, %mul3A_543 : vector<16xi32>
        %add3A_545 = arith.constant 128 : i32
        %add3A_546 = arith.addi %add3A_537, %add3A_545 : i32
        %get3A_547 = arith.index_cast %add3A_546 : i32 to index
        %get3A_548 = tpu.vector_load %arg7[%get3A_547] {strides = array<i32>} : memref<2048xi32, #tpu.memory_space<vmem>>, vector<16xi32>,
        %get3A_549 = vector.shape_cast %get3A_548 : vector<16xi32> to vector<16xi32>
        %mul3A_550 = arith.constant 3 : i32
        %mul3A_551 = vector.broadcast %mul3A_550 : i32 to vector<16xi32>
        %mul3A_552 = arith.muli %get3A_549, %mul3A_551 : vector<16xi32>
        %swap3A = arith.index_cast %mul3A_539 : i32 to index
        %swap3A_553 = tpu.vector_load %arg9[%swap3A] {strides = array<i32>} : memref<1024xi32, #tpu.memory_space<vmem>>, vector<16xi32>,
        %swap3A_554 = vector.shape_cast %swap3A_553 : vector<16xi32> to vector<16xi32>
        %swap3A_555 = vector.shape_cast %mul3A_544 : vector<16xi32> to vector<16xi32>
        tpu.vector_store %arg9[%swap3A], %swap3A_555 {strides = array<i32>} : memref<1024xi32, #tpu.memory_space<vmem>>, vector<16xi32>,
        %add3A_556 = arith.constant 1 : i32
        %add3A_557 = vector.broadcast %add3A_556 : i32 to vector<16xi32>
        %add3A_558 = arith.addi %mul3A_544, %add3A_557 : vector<16xi32>
        %swap3A_559 = arith.index_cast %mul3A_539 : i32 to index
        %swap3A_560 = tpu.vector_load %arg11[%swap3A_559] {strides = array<i32>} : memref<1024xi32, #tpu.memory_space<vmem>>, vector<16xi32>,
        %swap3A_561 = vector.shape_cast %swap3A_560 : vector<16xi32> to vector<16xi32>
        %swap3A_562 = vector.shape_cast %add3A_558 : vector<16xi32> to vector<16xi32>
        tpu.vector_store %arg11[%swap3A_559], %swap3A_562 {strides = array<i32>} : memref<1024xi32, #tpu.memory_space<vmem>>, vector<16xi32>,
        %add3A_563 = arith.constant 2 : i32
        %add3A_564 = vector.broadcast %add3A_563 : i32 to vector<16xi32>
        %add3A_565 = arith.addi %mul3A_544, %add3A_564 : vector<16xi32>
        %swap3A_566 = arith.index_cast %mul3A_539 : i32 to index
        %swap3A_567 = tpu.vector_load %arg13[%swap3A_566] {strides = array<i32>} : memref<1024xi32, #tpu.memory_space<vmem>>, vector<16xi32>,
        %swap3A_568 = vector.shape_cast %swap3A_567 : vector<16xi32> to vector<16xi32>
        %swap3A_569 = vector.shape_cast %add3A_565 : vector<16xi32> to vector<16xi32>
        tpu.vector_store %arg13[%swap3A_566], %swap3A_569 {strides = array<i32>} : memref<1024xi32, #tpu.memory_space<vmem>>, vector<16xi32>,
        %swap3A_570 = arith.index_cast %mul3A_539 : i32 to index
        %swap3A_571 = tpu.vector_load %arg15[%swap3A_570] {strides = array<i32>} : memref<1024xi32, #tpu.memory_space<vmem>>, vector<16xi32>,
        %swap3A_572 = vector.shape_cast %swap3A_571 : vector<16xi32> to vector<16xi32>
        %swap3A_573 = vector.shape_cast %mul3A_552 : vector<16xi32> to vector<16xi32>
        tpu.vector_store %arg15[%swap3A_570], %swap3A_573 {strides = array<i32>} : memref<1024xi32, #tpu.memory_space<vmem>>, vector<16xi32>,
        %add3A_574 = arith.constant 1 : i32
        %add3A_575 = vector.broadcast %add3A_574 : i32 to vector<16xi32>
        %add3A_576 = arith.addi %mul3A_552, %add3A_575 : vector<16xi32>
        %swap3A_577 = arith.index_cast %mul3A_539 : i32 to index
        %swap3A_578 = tpu.vector_load %arg17[%swap3A_577] {strides = array<i32>} : memref<1024xi32, #tpu.memory_space<vmem>>, vector<16xi32>,
        %swap3A_579 = vector.shape_cast %swap3A_578 : vector<16xi32> to vector<16xi32>
        %swap3A_580 = vector.shape_cast %add3A_576 : vector<16xi32> to vector<16xi32>
        tpu.vector_store %arg17[%swap3A_577], %swap3A_580 {strides = array<i32>} : memref<1024xi32, #tpu.memory_space<vmem>>, vector<16xi32>,
        %add3A_581 = arith.constant 2 : i32
        %add3A_582 = vector.broadcast %add3A_581 : i32 to vector<16xi32>
        %add3A_583 = arith.addi %mul3A_552, %add3A_582 : vector<16xi32>
        %swap3A_584 = arith.index_cast %mul3A_539 : i32 to index
        %swap3A_585 = tpu.vector_load %arg19[%swap3A_584] {strides = array<i32>} : memref<1024xi32, #tpu.memory_space<vmem>>, vector<16xi32>,
        %swap3A_586 = vector.shape_cast %swap3A_585 : vector<16xi32> to vector<16xi32>
        %swap3A_587 = vector.shape_cast %add3A_583 : vector<16xi32> to vector<16xi32>
        tpu.vector_store %arg19[%swap3A_584], %swap3A_587 {strides = array<i32>} : memref<1024xi32, #tpu.memory_space<vmem>>, vector<16xi32>,
      }
      %scan3A_337 = arith.constant 64 : i32
      %dma_start3A_338 = arith.constant 0 : i32
      %dma_start3A_339 = tpu.memref_slice %arg36[%dma_start3A_338] : memref<300000xf32, #tpu.memory_space<vmem_shared>> -> memref<300000xf32, #tpu.memory_space<vmem_shared>>
      tpu.enqueue_indirect_dma source(%dma_start3A_339 : memref<300000xf32, #tpu.memory_space<vmem_shared>>) target(%arg21 : memref<1024xf32, #tpu.memory_space<vmem>>) offsets(%arg9 : memref<1024xi32, #tpu.memory_space<vmem>>) semaphore(%arg40 : memref<!tpu.dma_semaphore, #tpu.memory_space<semaphore_mem>>)
      %dma_start3A_340 = arith.constant 0 : i32
      %dma_start3A_341 = tpu.memref_slice %arg36[%dma_start3A_340] : memref<300000xf32, #tpu.memory_space<vmem_shared>> -> memref<300000xf32, #tpu.memory_space<vmem_shared>>
      tpu.enqueue_indirect_dma source(%dma_start3A_341 : memref<300000xf32, #tpu.memory_space<vmem_shared>>) target(%arg23 : memref<1024xf32, #tpu.memory_space<vmem>>) offsets(%arg11 : memref<1024xi32, #tpu.memory_space<vmem>>) semaphore(%arg40 : memref<!tpu.dma_semaphore, #tpu.memory_space<semaphore_mem>>)
      %dma_start3A_342 = arith.constant 0 : i32
      %dma_start3A_343 = tpu.memref_slice %arg36[%dma_start3A_342] : memref<300000xf32, #tpu.memory_space<vmem_shared>> -> memref<300000xf32, #tpu.memory_space<vmem_shared>>
      tpu.enqueue_indirect_dma source(%dma_start3A_343 : memref<300000xf32, #tpu.memory_space<vmem_shared>>) target(%arg25 : memref<1024xf32, #tpu.memory_space<vmem>>) offsets(%arg13 : memref<1024xi32, #tpu.memory_space<vmem>>) semaphore(%arg40 : memref<!tpu.dma_semaphore, #tpu.memory_space<semaphore_mem>>)
      %dma_start3A_344 = arith.constant 0 : i32
      %dma_start3A_345 = tpu.memref_slice %arg36[%dma_start3A_344] : memref<300000xf32, #tpu.memory_space<vmem_shared>> -> memref<300000xf32, #tpu.memory_space<vmem_shared>>
      tpu.enqueue_indirect_dma source(%dma_start3A_345 : memref<300000xf32, #tpu.memory_space<vmem_shared>>) target(%arg27 : memref<1024xf32, #tpu.memory_space<vmem>>) offsets(%arg15 : memref<1024xi32, #tpu.memory_space<vmem>>) semaphore(%arg40 : memref<!tpu.dma_semaphore, #tpu.memory_space<semaphore_mem>>)
      %dma_start3A_346 = arith.constant 0 : i32
      %dma_start3A_347 = tpu.memref_slice %arg36[%dma_start3A_346] : memref<300000xf32, #tpu.memory_space<vmem_shared>> -> memref<300000xf32, #tpu.memory_space<vmem_shared>>
      tpu.enqueue_indirect_dma source(%dma_start3A_347 : memref<300000xf32, #tpu.memory_space<vmem_shared>>) target(%arg29 : memref<1024xf32, #tpu.memory_space<vmem>>) offsets(%arg17 : memref<1024xi32, #tpu.memory_space<vmem>>) semaphore(%arg40 : memref<!tpu.dma_semaphore, #tpu.memory_space<semaphore_mem>>)
      %dma_start3A_348 = arith.constant 0 : i32
      %dma_start3A_349 = tpu.memref_slice %arg36[%dma_start3A_348] : memref<300000xf32, #tpu.memory_space<vmem_shared>> -> memref<300000xf32, #tpu.memory_space<vmem_shared>>
      tpu.enqueue_indirect_dma source(%dma_start3A_349 : memref<300000xf32, #tpu.memory_space<vmem_shared>>) target(%arg31 : memref<1024xf32, #tpu.memory_space<vmem>>) offsets(%arg19 : memref<1024xi32, #tpu.memory_space<vmem>>) semaphore(%arg40 : memref<!tpu.dma_semaphore, #tpu.memory_space<semaphore_mem>>)
      %mul3A_350 = arith.constant 8 : i32
      %mul3A_351 = arith.muli %min3A_303, %mul3A_350 : i32
      %add3A_352 = arith.addi %min3A_3, %mul3A_351 : i32
      %mul3A_353 = arith.constant 256 : i32
      %mul3A_354 = arith.muli %add3A_352, %mul3A_353 : i32
      %dma_start3A_355 = tpu.memref_slice %arg3[%mul3A_354] : memref<6400000xi32, #tpu.memory_space<hbm>> -> memref<2048xi32, #tpu.memory_space<hbm>>
      %dma_start3A_356 = tpu.memref_slice %arg3[%mul3A_354] : memref<6400000xi32, #tpu.memory_space<hbm>> -> memref<2048xi32, #tpu.memory_space<hbm>>
      tpu.enqueue_dma source(%dma_start3A_356 : memref<2048xi32, #tpu.memory_space<hbm>>) target(%arg6 : memref<2048xi32, #tpu.memory_space<vmem>>) target_semaphore(%arg37 : memref<!tpu.dma_semaphore, #tpu.memory_space<semaphore_mem>>)
      %dma_wait3A_357 = arith.constant 0 : i32
      %dma_wait3A_358 = tpu.memref_slice %arg32[%dma_wait3A_357] : memref<16384xf32, #tpu.memory_space<vmem>> -> memref<8192xf32, #tpu.memory_space<vmem>>
      %dma_wait3A_359 = arith.constant 0 : i32
      %dma_wait3A_360 = tpu.memref_slice %arg5[%dma_wait3A_359] : memref<102400000xf32, #tpu.memory_space<hbm>> -> memref<8192xf32, #tpu.memory_space<hbm>>
      %dma_wait3A_361 = arith.constant 0 : i32
      %dma_wait3A_362 = tpu.memref_slice %arg5[%dma_wait3A_361] : memref<102400000xf32, #tpu.memory_space<hbm>> -> memref<8192xf32, #tpu.memory_space<hbm>>
      %dma_wait3A_363 = arith.constant 0 : i32
      %dma_wait3A_364 = tpu.memref_slice %arg32[%dma_wait3A_363] : memref<16384xf32, #tpu.memory_space<vmem>> -> memref<8192xf32, #tpu.memory_space<vmem>>
      tpu.wait_dma2 semaphore(%arg41 : memref<!tpu.dma_semaphore, #tpu.memory_space<semaphore_mem>>) src(%dma_wait3A_364 : memref<8192xf32, #tpu.memory_space<vmem>>) dst(%dma_wait3A_362 : memref<8192xf32, #tpu.memory_space<hbm>>)
      %dma_wait3A_365 = arith.constant 8192 : i32
      %dma_wait3A_366 = tpu.memref_slice %arg32[%dma_wait3A_365] : memref<16384xf32, #tpu.memory_space<vmem>> -> memref<8192xf32, #tpu.memory_space<vmem>>
      %dma_wait3A_367 = arith.constant 0 : i32
      %dma_wait3A_368 = tpu.memref_slice %arg5[%dma_wait3A_367] : memref<102400000xf32, #tpu.memory_space<hbm>> -> memref<8192xf32, #tpu.memory_space<hbm>>
      %dma_wait3A_369 = arith.constant 0 : i32
      %dma_wait3A_370 = tpu.memref_slice %arg5[%dma_wait3A_369] : memref<102400000xf32, #tpu.memory_space<hbm>> -> memref<8192xf32, #tpu.memory_space<hbm>>
      %dma_wait3A_371 = arith.constant 8192 : i32
      %dma_wait3A_372 = tpu.memref_slice %arg32[%dma_wait3A_371] : memref<16384xf32, #tpu.memory_space<vmem>> -> memref<8192xf32, #tpu.memory_space<vmem>>
      tpu.wait_dma2 semaphore(%arg41 : memref<!tpu.dma_semaphore, #tpu.memory_space<semaphore_mem>>) src(%dma_wait3A_372 : memref<8192xf32, #tpu.memory_space<vmem>>) dst(%dma_wait3A_370 : memref<8192xf32, #tpu.memory_space<hbm>>)
      %scan3A_373 = arith.constant 0 : i32
      %scan3A_374 = arith.constant 0 : i32
      %scan3A_375 = arith.constant 64 : i32
      %scan3A_376 = arith.addi %scan3A_374, %scan3A_375 : i32
      %scan3A_377 = arith.constant 1 : i32
      scf.for %scan3A_530 = %scan3A_374 to %scan3A_376 step %scan3A_377  : i32 {
        %mul3A_531 = arith.constant 16 : i32
        %mul3A_532 = arith.muli %scan3A_530, %mul3A_531 : i32
        %get3A = arith.index_cast %mul3A_532 : i32 to index
        %get3A_533 = tpu.vector_load %arg20[%get3A] {strides = array<i32>} : memref<1024xf32, #tpu.memory_space<vmem>>, vector<16xf32>,
        %get3A_534 = vector.shape_cast %get3A_533 : vector<16xf32> to vector<16xf32>
        %get3A_535 = arith.index_cast %mul3A_532 : i32 to index
        %get3A_536 = tpu.vector_load %arg26[%get3A_535] {strides = array<i32>} : memref<1024xf32, #tpu.memory_space<vmem>>, vector<16xf32>,
        %get3A_537 = vector.shape_cast %get3A_536 : vector<16xf32> to vector<16xf32>
        %sub3A = arith.subf %get3A_534, %get3A_537 : vector<16xf32>
        %get3A_538 = arith.index_cast %mul3A_532 : i32 to index
        %get3A_539 = tpu.vector_load %arg22[%get3A_538] {strides = array<i32>} : memref<1024xf32, #tpu.memory_space<vmem>>, vector<16xf32>,
        %get3A_540 = vector.shape_cast %get3A_539 : vector<16xf32> to vector<16xf32>
        %get3A_541 = arith.index_cast %mul3A_532 : i32 to index
        %get3A_542 = tpu.vector_load %arg28[%get3A_541] {strides = array<i32>} : memref<1024xf32, #tpu.memory_space<vmem>>, vector<16xf32>,
        %get3A_543 = vector.shape_cast %get3A_542 : vector<16xf32> to vector<16xf32>
        %sub3A_544 = arith.subf %get3A_540, %get3A_543 : vector<16xf32>
        %get3A_545 = arith.index_cast %mul3A_532 : i32 to index
        %get3A_546 = tpu.vector_load %arg24[%get3A_545] {strides = array<i32>} : memref<1024xf32, #tpu.memory_space<vmem>>, vector<16xf32>,
        %get3A_547 = vector.shape_cast %get3A_546 : vector<16xf32> to vector<16xf32>
        %get3A_548 = arith.index_cast %mul3A_532 : i32 to index
        %get3A_549 = tpu.vector_load %arg30[%get3A_548] {strides = array<i32>} : memref<1024xf32, #tpu.memory_space<vmem>>, vector<16xf32>,
        %get3A_550 = vector.shape_cast %get3A_549 : vector<16xf32> to vector<16xf32>
        %sub3A_551 = arith.subf %get3A_547, %get3A_550 : vector<16xf32>
        %mul3A_552 = arith.mulf %sub3A, %sub3A : vector<16xf32>
        %mul3A_553 = arith.mulf %sub3A_544, %sub3A_544 : vector<16xf32>
        %add3A_554 = arith.addf %mul3A_552, %mul3A_553 : vector<16xf32>
        %mul3A_555 = arith.mulf %sub3A_551, %sub3A_551 : vector<16xf32>
        %add3A_556 = arith.addf %add3A_554, %mul3A_555 : vector<16xf32>
        %bitcast_convert_type3A = tpu.bitcast %add3A_556 : vector<16xf32> -> vector<16xi32>
        %shift_right_logical3A = arith.constant 1 : i32
        %shift_right_logical3A_557 = vector.broadcast %shift_right_logical3A : i32 to vector<16xi32>
        %shift_right_logical3A_558 = arith.shrui %bitcast_convert_type3A, %shift_right_logical3A_557 : vector<16xi32>
        %sub3A_559 = arith.constant 1597463007 : i32
        %sub3A_560 = vector.broadcast %sub3A_559 : i32 to vector<16xi32>
        %sub3A_561 = arith.subi %sub3A_560, %shift_right_logical3A_558 : vector<16xi32>
        %bitcast_convert_type3A_562 = tpu.bitcast %sub3A_561 : vector<16xi32> -> vector<16xf32>
        %mul3A_563 = arith.constant 5.000000e-01 : f32
        %mul3A_564 = vector.broadcast %mul3A_563 : f32 to vector<16xf32>
        %mul3A_565 = arith.mulf %add3A_556, %mul3A_564 : vector<16xf32>
        %mul3A_566 = arith.mulf %mul3A_565, %bitcast_convert_type3A_562 : vector<16xf32>
        %mul3A_567 = arith.mulf %mul3A_566, %bitcast_convert_type3A_562 : vector<16xf32>
        %sub3A_568 = arith.constant 1.500000e+00 : f32
        %sub3A_569 = vector.broadcast %sub3A_568 : f32 to vector<16xf32>
        %sub3A_570 = arith.subf %sub3A_569, %mul3A_567 : vector<16xf32>
        %mul3A_571 = arith.mulf %bitcast_convert_type3A_562, %sub3A_570 : vector<16xf32>
        %mul3A_572 = arith.mulf %mul3A_565, %mul3A_571 : vector<16xf32>
        %mul3A_573 = arith.mulf %mul3A_572, %mul3A_571 : vector<16xf32>
        %sub3A_574 = arith.constant 1.500000e+00 : f32
        %sub3A_575 = vector.broadcast %sub3A_574 : f32 to vector<16xf32>
        %sub3A_576 = arith.subf %sub3A_575, %mul3A_573 : vector<16xf32>
        %mul3A_577 = arith.mulf %mul3A_571, %sub3A_576 : vector<16xf32>
        %mul3A_578 = arith.mulf %mul3A_565, %mul3A_577 : vector<16xf32>
        %mul3A_579 = arith.mulf %mul3A_578, %mul3A_577 : vector<16xf32>
        %sub3A_580 = arith.constant 1.500000e+00 : f32
        %sub3A_581 = vector.broadcast %sub3A_580 : f32 to vector<16xf32>
        %sub3A_582 = arith.subf %sub3A_581, %mul3A_579 : vector<16xf32>
        %mul3A_583 = arith.mulf %mul3A_577, %sub3A_582 : vector<16xf32>
        %mul3A_584 = arith.mulf %add3A_556, %mul3A_583 : vector<16xf32>
        %shift_right_arithmetic3A = arith.constant 3 : i32
        %shift_right_arithmetic3A_585 = arith.shrsi %scan3A_530, %shift_right_arithmetic3A : i32
        %mul3A_586 = arith.constant 1024 : i32
        %mul3A_587 = arith.muli %shift_right_arithmetic3A_585, %mul3A_586 : i32
        %and3A = arith.constant 7 : i32
        %and3A_588 = arith.andi %scan3A_530, %and3A : i32
        %mul3A_589 = arith.constant 16 : i32
        %mul3A_590 = arith.muli %and3A_588, %mul3A_589 : i32
        %add3A_591 = arith.addi %mul3A_587, %mul3A_590 : i32
        %mul3A_592 = arith.constant 0.000000e+00 : f32
        %mul3A_593 = arith.mulf %mul3A_592, %scan3A_234 : f32
        %sub3A_594 = vector.broadcast %mul3A_593 : f32 to vector<16xf32>
        %sub3A_595 = arith.subf %mul3A_584, %sub3A_594 : vector<16xf32>
        %add3A_596 = arith.constant 0 : i32
        %add3A_597 = arith.addi %add3A_591, %add3A_596 : i32
        %add3A_598 = arith.constant 0 : i32
        %add3A_599 = arith.addi %add3A_597, %add3A_598 : i32
        %mul3A_600 = arith.mulf %sub3A_595, %sub3A_595 : vector<16xf32>
        %mul3A_601 = vector.broadcast %scan3A_235 : f32 to vector<16xf32>
        %mul3A_602 = arith.mulf %mul3A_600, %mul3A_601 : vector<16xf32>
        %exp3A = math.exp %mul3A_602 : vector<16xf32>
        %swap3A = arith.index_cast %add3A_599 : i32 to index
        %swap3A_603 = tpu.vector_load %arg32[%swap3A] {strides = array<i32>} : memref<16384xf32, #tpu.memory_space<vmem>>, vector<16xf32>,
        %swap3A_604 = vector.shape_cast %swap3A_603 : vector<16xf32> to vector<16xf32>
        %swap3A_605 = vector.shape_cast %exp3A : vector<16xf32> to vector<16xf32>
        tpu.vector_store %arg32[%swap3A], %swap3A_605 {strides = array<i32>} : memref<16384xf32, #tpu.memory_space<vmem>>, vector<16xf32>,
        %mul3A_606 = arith.constant 1.000000e+00 : f32
        %mul3A_607 = arith.mulf %mul3A_606, %scan3A_234 : f32
        %sub3A_608 = vector.broadcast %mul3A_607 : f32 to vector<16xf32>
        %sub3A_609 = arith.subf %mul3A_584, %sub3A_608 : vector<16xf32>
        %add3A_610 = arith.constant 0 : i32
        %add3A_611 = arith.addi %add3A_591, %add3A_610 : i32
        %add3A_612 = arith.constant 128 : i32
        %add3A_613 = arith.addi %add3A_611, %add3A_612 : i32
        %mul3A_614 = arith.mulf %sub3A_609, %sub3A_609 : vector<16xf32>
        %mul3A_615 = vector.broadcast %scan3A_235 : f32 to vector<16xf32>
        %mul3A_616 = arith.mulf %mul3A_614, %mul3A_615 : vector<16xf32>
        %exp3A_617 = math.exp %mul3A_616 : vector<16xf32>
        %swap3A_618 = arith.index_cast %add3A_613 : i32 to index
        %swap3A_619 = tpu.vector_load %arg32[%swap3A_618] {strides = array<i32>} : memref<16384xf32, #tpu.memory_space<vmem>>, vector<16xf32>,
        %swap3A_620 = vector.shape_cast %swap3A_619 : vector<16xf32> to vector<16xf32>
        %swap3A_621 = vector.shape_cast %exp3A_617 : vector<16xf32> to vector<16xf32>
        tpu.vector_store %arg32[%swap3A_618], %swap3A_621 {strides = array<i32>} : memref<16384xf32, #tpu.memory_space<vmem>>, vector<16xf32>,
        %mul3A_622 = arith.constant 2.000000e+00 : f32
        %mul3A_623 = arith.mulf %mul3A_622, %scan3A_234 : f32
        %sub3A_624 = vector.broadcast %mul3A_623 : f32 to vector<16xf32>
        %sub3A_625 = arith.subf %mul3A_584, %sub3A_624 : vector<16xf32>
        %add3A_626 = arith.constant 0 : i32
        %add3A_627 = arith.addi %add3A_591, %add3A_626 : i32
        %add3A_628 = arith.constant 256 : i32
        %add3A_629 = arith.addi %add3A_627, %add3A_628 : i32
        %mul3A_630 = arith.mulf %sub3A_625, %sub3A_625 : vector<16xf32>
        %mul3A_631 = vector.broadcast %scan3A_235 : f32 to vector<16xf32>
        %mul3A_632 = arith.mulf %mul3A_630, %mul3A_631 : vector<16xf32>
        %exp3A_633 = math.exp %mul3A_632 : vector<16xf32>
        %swap3A_634 = arith.index_cast %add3A_629 : i32 to index
        %swap3A_635 = tpu.vector_load %arg32[%swap3A_634] {strides = array<i32>} : memref<16384xf32, #tpu.memory_space<vmem>>, vector<16xf32>,
        %swap3A_636 = vector.shape_cast %swap3A_635 : vector<16xf32> to vector<16xf32>
        %swap3A_637 = vector.shape_cast %exp3A_633 : vector<16xf32> to vector<16xf32>
        tpu.vector_store %arg32[%swap3A_634], %swap3A_637 {strides = array<i32>} : memref<16384xf32, #tpu.memory_space<vmem>>, vector<16xf32>,
        %mul3A_638 = arith.constant 3.000000e+00 : f32
        %mul3A_639 = arith.mulf %mul3A_638, %scan3A_234 : f32
        %sub3A_640 = vector.broadcast %mul3A_639 : f32 to vector<16xf32>
        %sub3A_641 = arith.subf %mul3A_584, %sub3A_640 : vector<16xf32>
        %add3A_642 = arith.constant 0 : i32
        %add3A_643 = arith.addi %add3A_591, %add3A_642 : i32
        %add3A_644 = arith.constant 384 : i32
        %add3A_645 = arith.addi %add3A_643, %add3A_644 : i32
        %mul3A_646 = arith.mulf %sub3A_641, %sub3A_641 : vector<16xf32>
        %mul3A_647 = vector.broadcast %scan3A_235 : f32 to vector<16xf32>
        %mul3A_648 = arith.mulf %mul3A_646, %mul3A_647 : vector<16xf32>
        %exp3A_649 = math.exp %mul3A_648 : vector<16xf32>
        %swap3A_650 = arith.index_cast %add3A_645 : i32 to index
        %swap3A_651 = tpu.vector_load %arg32[%swap3A_650] {strides = array<i32>} : memref<16384xf32, #tpu.memory_space<vmem>>, vector<16xf32>,
        %swap3A_652 = vector.shape_cast %swap3A_651 : vector<16xf32> to vector<16xf32>
        %swap3A_653 = vector.shape_cast %exp3A_649 : vector<16xf32> to vector<16xf32>
        tpu.vector_store %arg32[%swap3A_650], %swap3A_653 {strides = array<i32>} : memref<16384xf32, #tpu.memory_space<vmem>>, vector<16xf32>,
        %mul3A_654 = arith.constant 4.000000e+00 : f32
        %mul3A_655 = arith.mulf %mul3A_654, %scan3A_234 : f32
        %sub3A_656 = vector.broadcast %mul3A_655 : f32 to vector<16xf32>
        %sub3A_657 = arith.subf %mul3A_584, %sub3A_656 : vector<16xf32>
        %add3A_658 = arith.constant 0 : i32
        %add3A_659 = arith.addi %add3A_591, %add3A_658 : i32
        %add3A_660 = arith.constant 512 : i32
        %add3A_661 = arith.addi %add3A_659, %add3A_660 : i32
        %mul3A_662 = arith.mulf %sub3A_657, %sub3A_657 : vector<16xf32>
        %mul3A_663 = vector.broadcast %scan3A_235 : f32 to vector<16xf32>
        %mul3A_664 = arith.mulf %mul3A_662, %mul3A_663 : vector<16xf32>
        %exp3A_665 = math.exp %mul3A_664 : vector<16xf32>
        %swap3A_666 = arith.index_cast %add3A_661 : i32 to index
        %swap3A_667 = tpu.vector_load %arg32[%swap3A_666] {strides = array<i32>} : memref<16384xf32, #tpu.memory_space<vmem>>, vector<16xf32>,
        %swap3A_668 = vector.shape_cast %swap3A_667 : vector<16xf32> to vector<16xf32>
        %swap3A_669 = vector.shape_cast %exp3A_665 : vector<16xf32> to vector<16xf32>
        tpu.vector_store %arg32[%swap3A_666], %swap3A_669 {strides = array<i32>} : memref<16384xf32, #tpu.memory_space<vmem>>, vector<16xf32>,
        %mul3A_670 = arith.constant 5.000000e+00 : f32
        %mul3A_671 = arith.mulf %mul3A_670, %scan3A_234 : f32
        %sub3A_672 = vector.broadcast %mul3A_671 : f32 to vector<16xf32>
        %sub3A_673 = arith.subf %mul3A_584, %sub3A_672 : vector<16xf32>
        %add3A_674 = arith.constant 0 : i32
        %add3A_675 = arith.addi %add3A_591, %add3A_674 : i32
        %add3A_676 = arith.constant 640 : i32
        %add3A_677 = arith.addi %add3A_675, %add3A_676 : i32
        %mul3A_678 = arith.mulf %sub3A_673, %sub3A_673 : vector<16xf32>
        %mul3A_679 = vector.broadcast %scan3A_235 : f32 to vector<16xf32>
        %mul3A_680 = arith.mulf %mul3A_678, %mul3A_679 : vector<16xf32>
        %exp3A_681 = math.exp %mul3A_680 : vector<16xf32>
        %swap3A_682 = arith.index_cast %add3A_677 : i32 to index
        %swap3A_683 = tpu.vector_load %arg32[%swap3A_682] {strides = array<i32>} : memref<16384xf32, #tpu.memory_space<vmem>>, vector<16xf32>,
        %swap3A_684 = vector.shape_cast %swap3A_683 : vector<16xf32> to vector<16xf32>
        %swap3A_685 = vector.shape_cast %exp3A_681 : vector<16xf32> to vector<16xf32>
        tpu.vector_store %arg32[%swap3A_682], %swap3A_685 {strides = array<i32>} : memref<16384xf32, #tpu.memory_space<vmem>>, vector<16xf32>,
        %mul3A_686 = arith.constant 6.000000e+00 : f32
        %mul3A_687 = arith.mulf %mul3A_686, %scan3A_234 : f32
        %sub3A_688 = vector.broadcast %mul3A_687 : f32 to vector<16xf32>
        %sub3A_689 = arith.subf %mul3A_584, %sub3A_688 : vector<16xf32>
        %add3A_690 = arith.constant 0 : i32
        %add3A_691 = arith.addi %add3A_591, %add3A_690 : i32
        %add3A_692 = arith.constant 768 : i32
        %add3A_693 = arith.addi %add3A_691, %add3A_692 : i32
        %mul3A_694 = arith.mulf %sub3A_689, %sub3A_689 : vector<16xf32>
        %mul3A_695 = vector.broadcast %scan3A_235 : f32 to vector<16xf32>
        %mul3A_696 = arith.mulf %mul3A_694, %mul3A_695 : vector<16xf32>
        %exp3A_697 = math.exp %mul3A_696 : vector<16xf32>
        %swap3A_698 = arith.index_cast %add3A_693 : i32 to index
        %swap3A_699 = tpu.vector_load %arg32[%swap3A_698] {strides = array<i32>} : memref<16384xf32, #tpu.memory_space<vmem>>, vector<16xf32>,
        %swap3A_700 = vector.shape_cast %swap3A_699 : vector<16xf32> to vector<16xf32>
        %swap3A_701 = vector.shape_cast %exp3A_697 : vector<16xf32> to vector<16xf32>
        tpu.vector_store %arg32[%swap3A_698], %swap3A_701 {strides = array<i32>} : memref<16384xf32, #tpu.memory_space<vmem>>, vector<16xf32>,
        %mul3A_702 = arith.constant 7.000000e+00 : f32
        %mul3A_703 = arith.mulf %mul3A_702, %scan3A_234 : f32
        %sub3A_704 = vector.broadcast %mul3A_703 : f32 to vector<16xf32>
        %sub3A_705 = arith.subf %mul3A_584, %sub3A_704 : vector<16xf32>
        %add3A_706 = arith.constant 0 : i32
        %add3A_707 = arith.addi %add3A_591, %add3A_706 : i32
        %add3A_708 = arith.constant 896 : i32
        %add3A_709 = arith.addi %add3A_707, %add3A_708 : i32
        %mul3A_710 = arith.mulf %sub3A_705, %sub3A_705 : vector<16xf32>
        %mul3A_711 = vector.broadcast %scan3A_235 : f32 to vector<16xf32>
        %mul3A_712 = arith.mulf %mul3A_710, %mul3A_711 : vector<16xf32>
        %exp3A_713 = math.exp %mul3A_712 : vector<16xf32>
        %swap3A_714 = arith.index_cast %add3A_709 : i32 to index
        %swap3A_715 = tpu.vector_load %arg32[%swap3A_714] {strides = array<i32>} : memref<16384xf32, #tpu.memory_space<vmem>>, vector<16xf32>,
        %swap3A_716 = vector.shape_cast %swap3A_715 : vector<16xf32> to vector<16xf32>
        %swap3A_717 = vector.shape_cast %exp3A_713 : vector<16xf32> to vector<16xf32>
        tpu.vector_store %arg32[%swap3A_714], %swap3A_717 {strides = array<i32>} : memref<16384xf32, #tpu.memory_space<vmem>>, vector<16xf32>,
        %mul3A_718 = arith.constant 8.000000e+00 : f32
        %mul3A_719 = arith.mulf %mul3A_718, %scan3A_234 : f32
        %sub3A_720 = vector.broadcast %mul3A_719 : f32 to vector<16xf32>
        %sub3A_721 = arith.subf %mul3A_584, %sub3A_720 : vector<16xf32>
        %add3A_722 = arith.constant 8192 : i32
        %add3A_723 = arith.addi %add3A_591, %add3A_722 : i32
        %add3A_724 = arith.constant 0 : i32
        %add3A_725 = arith.addi %add3A_723, %add3A_724 : i32
        %mul3A_726 = arith.mulf %sub3A_721, %sub3A_721 : vector<16xf32>
        %mul3A_727 = vector.broadcast %scan3A_235 : f32 to vector<16xf32>
        %mul3A_728 = arith.mulf %mul3A_726, %mul3A_727 : vector<16xf32>
        %exp3A_729 = math.exp %mul3A_728 : vector<16xf32>
        %swap3A_730 = arith.index_cast %add3A_725 : i32 to index
        %swap3A_731 = tpu.vector_load %arg32[%swap3A_730] {strides = array<i32>} : memref<16384xf32, #tpu.memory_space<vmem>>, vector<16xf32>,
        %swap3A_732 = vector.shape_cast %swap3A_731 : vector<16xf32> to vector<16xf32>
        %swap3A_733 = vector.shape_cast %exp3A_729 : vector<16xf32> to vector<16xf32>
        tpu.vector_store %arg32[%swap3A_730], %swap3A_733 {strides = array<i32>} : memref<16384xf32, #tpu.memory_space<vmem>>, vector<16xf32>,
        %mul3A_734 = arith.constant 9.000000e+00 : f32
        %mul3A_735 = arith.mulf %mul3A_734, %scan3A_234 : f32
        %sub3A_736 = vector.broadcast %mul3A_735 : f32 to vector<16xf32>
        %sub3A_737 = arith.subf %mul3A_584, %sub3A_736 : vector<16xf32>
        %add3A_738 = arith.constant 8192 : i32
        %add3A_739 = arith.addi %add3A_591, %add3A_738 : i32
        %add3A_740 = arith.constant 128 : i32
        %add3A_741 = arith.addi %add3A_739, %add3A_740 : i32
        %mul3A_742 = arith.mulf %sub3A_737, %sub3A_737 : vector<16xf32>
        %mul3A_743 = vector.broadcast %scan3A_235 : f32 to vector<16xf32>
        %mul3A_744 = arith.mulf %mul3A_742, %mul3A_743 : vector<16xf32>
        %exp3A_745 = math.exp %mul3A_744 : vector<16xf32>
        %swap3A_746 = arith.index_cast %add3A_741 : i32 to index
        %swap3A_747 = tpu.vector_load %arg32[%swap3A_746] {strides = array<i32>} : memref<16384xf32, #tpu.memory_space<vmem>>, vector<16xf32>,
        %swap3A_748 = vector.shape_cast %swap3A_747 : vector<16xf32> to vector<16xf32>
        %swap3A_749 = vector.shape_cast %exp3A_745 : vector<16xf32> to vector<16xf32>
        tpu.vector_store %arg32[%swap3A_746], %swap3A_749 {strides = array<i32>} : memref<16384xf32, #tpu.memory_space<vmem>>, vector<16xf32>,
        %mul3A_750 = arith.constant 1.000000e+01 : f32
        %mul3A_751 = arith.mulf %mul3A_750, %scan3A_234 : f32
        %sub3A_752 = vector.broadcast %mul3A_751 : f32 to vector<16xf32>
        %sub3A_753 = arith.subf %mul3A_584, %sub3A_752 : vector<16xf32>
        %add3A_754 = arith.constant 8192 : i32
        %add3A_755 = arith.addi %add3A_591, %add3A_754 : i32
        %add3A_756 = arith.constant 256 : i32
        %add3A_757 = arith.addi %add3A_755, %add3A_756 : i32
        %mul3A_758 = arith.mulf %sub3A_753, %sub3A_753 : vector<16xf32>
        %mul3A_759 = vector.broadcast %scan3A_235 : f32 to vector<16xf32>
        %mul3A_760 = arith.mulf %mul3A_758, %mul3A_759 : vector<16xf32>
        %exp3A_761 = math.exp %mul3A_760 : vector<16xf32>
        %swap3A_762 = arith.index_cast %add3A_757 : i32 to index
        %swap3A_763 = tpu.vector_load %arg32[%swap3A_762] {strides = array<i32>} : memref<16384xf32, #tpu.memory_space<vmem>>, vector<16xf32>,
        %swap3A_764 = vector.shape_cast %swap3A_763 : vector<16xf32> to vector<16xf32>
        %swap3A_765 = vector.shape_cast %exp3A_761 : vector<16xf32> to vector<16xf32>
        tpu.vector_store %arg32[%swap3A_762], %swap3A_765 {strides = array<i32>} : memref<16384xf32, #tpu.memory_space<vmem>>, vector<16xf32>,
        %mul3A_766 = arith.constant 1.100000e+01 : f32
        %mul3A_767 = arith.mulf %mul3A_766, %scan3A_234 : f32
        %sub3A_768 = vector.broadcast %mul3A_767 : f32 to vector<16xf32>
        %sub3A_769 = arith.subf %mul3A_584, %sub3A_768 : vector<16xf32>
        %add3A_770 = arith.constant 8192 : i32
        %add3A_771 = arith.addi %add3A_591, %add3A_770 : i32
        %add3A_772 = arith.constant 384 : i32
        %add3A_773 = arith.addi %add3A_771, %add3A_772 : i32
        %mul3A_774 = arith.mulf %sub3A_769, %sub3A_769 : vector<16xf32>
        %mul3A_775 = vector.broadcast %scan3A_235 : f32 to vector<16xf32>
        %mul3A_776 = arith.mulf %mul3A_774, %mul3A_775 : vector<16xf32>
        %exp3A_777 = math.exp %mul3A_776 : vector<16xf32>
        %swap3A_778 = arith.index_cast %add3A_773 : i32 to index
        %swap3A_779 = tpu.vector_load %arg32[%swap3A_778] {strides = array<i32>} : memref<16384xf32, #tpu.memory_space<vmem>>, vector<16xf32>,
        %swap3A_780 = vector.shape_cast %swap3A_779 : vector<16xf32> to vector<16xf32>
        %swap3A_781 = vector.shape_cast %exp3A_777 : vector<16xf32> to vector<16xf32>
        tpu.vector_store %arg32[%swap3A_778], %swap3A_781 {strides = array<i32>} : memref<16384xf32, #tpu.memory_space<vmem>>, vector<16xf32>,
        %mul3A_782 = arith.constant 1.200000e+01 : f32
        %mul3A_783 = arith.mulf %mul3A_782, %scan3A_234 : f32
        %sub3A_784 = vector.broadcast %mul3A_783 : f32 to vector<16xf32>
        %sub3A_785 = arith.subf %mul3A_584, %sub3A_784 : vector<16xf32>
        %add3A_786 = arith.constant 8192 : i32
        %add3A_787 = arith.addi %add3A_591, %add3A_786 : i32
        %add3A_788 = arith.constant 512 : i32
        %add3A_789 = arith.addi %add3A_787, %add3A_788 : i32
        %mul3A_790 = arith.mulf %sub3A_785, %sub3A_785 : vector<16xf32>
        %mul3A_791 = vector.broadcast %scan3A_235 : f32 to vector<16xf32>
        %mul3A_792 = arith.mulf %mul3A_790, %mul3A_791 : vector<16xf32>
        %exp3A_793 = math.exp %mul3A_792 : vector<16xf32>
        %swap3A_794 = arith.index_cast %add3A_789 : i32 to index
        %swap3A_795 = tpu.vector_load %arg32[%swap3A_794] {strides = array<i32>} : memref<16384xf32, #tpu.memory_space<vmem>>, vector<16xf32>,
        %swap3A_796 = vector.shape_cast %swap3A_795 : vector<16xf32> to vector<16xf32>
        %swap3A_797 = vector.shape_cast %exp3A_793 : vector<16xf32> to vector<16xf32>
        tpu.vector_store %arg32[%swap3A_794], %swap3A_797 {strides = array<i32>} : memref<16384xf32, #tpu.memory_space<vmem>>, vector<16xf32>,
        %mul3A_798 = arith.constant 1.300000e+01 : f32
        %mul3A_799 = arith.mulf %mul3A_798, %scan3A_234 : f32
        %sub3A_800 = vector.broadcast %mul3A_799 : f32 to vector<16xf32>
        %sub3A_801 = arith.subf %mul3A_584, %sub3A_800 : vector<16xf32>
        %add3A_802 = arith.constant 8192 : i32
        %add3A_803 = arith.addi %add3A_591, %add3A_802 : i32
        %add3A_804 = arith.constant 640 : i32
        %add3A_805 = arith.addi %add3A_803, %add3A_804 : i32
        %mul3A_806 = arith.mulf %sub3A_801, %sub3A_801 : vector<16xf32>
        %mul3A_807 = vector.broadcast %scan3A_235 : f32 to vector<16xf32>
        %mul3A_808 = arith.mulf %mul3A_806, %mul3A_807 : vector<16xf32>
        %exp3A_809 = math.exp %mul3A_808 : vector<16xf32>
        %swap3A_810 = arith.index_cast %add3A_805 : i32 to index
        %swap3A_811 = tpu.vector_load %arg32[%swap3A_810] {strides = array<i32>} : memref<16384xf32, #tpu.memory_space<vmem>>, vector<16xf32>,
        %swap3A_812 = vector.shape_cast %swap3A_811 : vector<16xf32> to vector<16xf32>
        %swap3A_813 = vector.shape_cast %exp3A_809 : vector<16xf32> to vector<16xf32>
        tpu.vector_store %arg32[%swap3A_810], %swap3A_813 {strides = array<i32>} : memref<16384xf32, #tpu.memory_space<vmem>>, vector<16xf32>,
        %mul3A_814 = arith.constant 1.400000e+01 : f32
        %mul3A_815 = arith.mulf %mul3A_814, %scan3A_234 : f32
        %sub3A_816 = vector.broadcast %mul3A_815 : f32 to vector<16xf32>
        %sub3A_817 = arith.subf %mul3A_584, %sub3A_816 : vector<16xf32>
        %add3A_818 = arith.constant 8192 : i32
        %add3A_819 = arith.addi %add3A_591, %add3A_818 : i32
        %add3A_820 = arith.constant 768 : i32
        %add3A_821 = arith.addi %add3A_819, %add3A_820 : i32
        %mul3A_822 = arith.mulf %sub3A_817, %sub3A_817 : vector<16xf32>
        %mul3A_823 = vector.broadcast %scan3A_235 : f32 to vector<16xf32>
        %mul3A_824 = arith.mulf %mul3A_822, %mul3A_823 : vector<16xf32>
        %exp3A_825 = math.exp %mul3A_824 : vector<16xf32>
        %swap3A_826 = arith.index_cast %add3A_821 : i32 to index
        %swap3A_827 = tpu.vector_load %arg32[%swap3A_826] {strides = array<i32>} : memref<16384xf32, #tpu.memory_space<vmem>>, vector<16xf32>,
        %swap3A_828 = vector.shape_cast %swap3A_827 : vector<16xf32> to vector<16xf32>
        %swap3A_829 = vector.shape_cast %exp3A_825 : vector<16xf32> to vector<16xf32>
        tpu.vector_store %arg32[%swap3A_826], %swap3A_829 {strides = array<i32>} : memref<16384xf32, #tpu.memory_space<vmem>>, vector<16xf32>,
        %mul3A_830 = arith.constant 1.500000e+01 : f32
        %mul3A_831 = arith.mulf %mul3A_830, %scan3A_234 : f32
        %sub3A_832 = vector.broadcast %mul3A_831 : f32 to vector<16xf32>
        %sub3A_833 = arith.subf %mul3A_584, %sub3A_832 : vector<16xf32>
        %add3A_834 = arith.constant 8192 : i32
        %add3A_835 = arith.addi %add3A_591, %add3A_834 : i32
        %add3A_836 = arith.constant 896 : i32
        %add3A_837 = arith.addi %add3A_835, %add3A_836 : i32
        %mul3A_838 = arith.mulf %sub3A_833, %sub3A_833 : vector<16xf32>
        %mul3A_839 = vector.broadcast %scan3A_235 : f32 to vector<16xf32>
        %mul3A_840 = arith.mulf %mul3A_838, %mul3A_839 : vector<16xf32>
        %exp3A_841 = math.exp %mul3A_840 : vector<16xf32>
        %swap3A_842 = arith.index_cast %add3A_837 : i32 to index
        %swap3A_843 = tpu.vector_load %arg32[%swap3A_842] {strides = array<i32>} : memref<16384xf32, #tpu.memory_space<vmem>>, vector<16xf32>,
        %swap3A_844 = vector.shape_cast %swap3A_843 : vector<16xf32> to vector<16xf32>
        %swap3A_845 = vector.shape_cast %exp3A_841 : vector<16xf32> to vector<16xf32>
        tpu.vector_store %arg32[%swap3A_842], %swap3A_845 {strides = array<i32>} : memref<16384xf32, #tpu.memory_space<vmem>>, vector<16xf32>,
      }
      %scan3A_378 = arith.constant 64 : i32
      %dma_wait3A_379 = arith.constant 0 : i32
      %dma_wait3A_380 = tpu.memref_slice %arg4[%dma_wait3A_379] : memref<51200000xf32, #tpu.memory_space<hbm>> -> memref<16384xf32, #tpu.memory_space<hbm>>
      %dma_wait3A_381 = arith.constant 0 : i32
      %dma_wait3A_382 = tpu.memref_slice %arg4[%dma_wait3A_381] : memref<51200000xf32, #tpu.memory_space<hbm>> -> memref<16384xf32, #tpu.memory_space<hbm>>
      tpu.wait_dma2 semaphore(%arg43 : memref<!tpu.dma_semaphore, #tpu.memory_space<semaphore_mem>>) src(%dma_wait3A_382 : memref<16384xf32, #tpu.memory_space<hbm>>) dst(%arg34 : memref<16384xf32, #tpu.memory_space<vmem>>)
      %mul3A_383 = arith.constant 1600000 : i32
      %mul3A_384 = arith.muli %add3A, %mul3A_383 : i32
      %mul3A_385 = arith.constant 16384 : i32
      %mul3A_386 = arith.muli %mul3A_299, %mul3A_385 : i32
      %add3A_387 = arith.addi %mul3A_384, %mul3A_386 : i32
      %min3A_388 = arith.minsi %add3A_387, %add3A_9 : i32
      %dma_start3A_389 = tpu.memref_slice %arg5[%min3A_388] : memref<102400000xf32, #tpu.memory_space<hbm>> -> memref<16384xf32, #tpu.memory_space<hbm>>
      %dma_start3A_390 = tpu.memref_slice %arg5[%min3A_388] : memref<102400000xf32, #tpu.memory_space<hbm>> -> memref<16384xf32, #tpu.memory_space<hbm>>
      tpu.enqueue_dma source(%arg34 : memref<16384xf32, #tpu.memory_space<vmem>>) target(%dma_start3A_390 : memref<16384xf32, #tpu.memory_space<hbm>>) target_semaphore(%arg45 : memref<!tpu.dma_semaphore, #tpu.memory_space<semaphore_mem>>)
      %mul3A_391 = arith.constant 8 : i32
      %mul3A_392 = arith.muli %mul3A_299, %mul3A_391 : i32
      %add3A_393 = arith.addi %min3A_3, %mul3A_392 : i32
      %add3A_394 = arith.constant 50000 : i32
      %add3A_395 = arith.addi %add3A_394, %add3A_393 : i32
      %mul3A_396 = arith.constant 1024 : i32
      %mul3A_397 = arith.muli %add3A_395, %mul3A_396 : i32
      %dma_start3A_398 = arith.constant 0 : i32
      %dma_start3A_399 = tpu.memref_slice %arg32[%dma_start3A_398] : memref<16384xf32, #tpu.memory_space<vmem>> -> memref<8192xf32, #tpu.memory_space<vmem>>
      %dma_start3A_400 = tpu.memref_slice %arg5[%mul3A_397] : memref<102400000xf32, #tpu.memory_space<hbm>> -> memref<8192xf32, #tpu.memory_space<hbm>>
      %dma_start3A_401 = tpu.memref_slice %arg5[%mul3A_397] : memref<102400000xf32, #tpu.memory_space<hbm>> -> memref<8192xf32, #tpu.memory_space<hbm>>
      %dma_start3A_402 = arith.constant 0 : i32
      %dma_start3A_403 = tpu.memref_slice %arg32[%dma_start3A_402] : memref<16384xf32, #tpu.memory_space<vmem>> -> memref<8192xf32, #tpu.memory_space<vmem>>
      tpu.enqueue_dma source(%dma_start3A_403 : memref<8192xf32, #tpu.memory_space<vmem>>) target(%dma_start3A_401 : memref<8192xf32, #tpu.memory_space<hbm>>) target_semaphore(%arg41 : memref<!tpu.dma_semaphore, #tpu.memory_space<semaphore_mem>>)
      %add3A_404 = arith.constant 75000 : i32
      %add3A_405 = arith.addi %add3A_404, %add3A_393 : i32
      %mul3A_406 = arith.constant 1024 : i32
      %mul3A_407 = arith.muli %add3A_405, %mul3A_406 : i32
      %dma_start3A_408 = arith.constant 8192 : i32
      %dma_start3A_409 = tpu.memref_slice %arg32[%dma_start3A_408] : memref<16384xf32, #tpu.memory_space<vmem>> -> memref<8192xf32, #tpu.memory_space<vmem>>
      %dma_start3A_410 = tpu.memref_slice %arg5[%mul3A_407] : memref<102400000xf32, #tpu.memory_space<hbm>> -> memref<8192xf32, #tpu.memory_space<hbm>>
      %dma_start3A_411 = tpu.memref_slice %arg5[%mul3A_407] : memref<102400000xf32, #tpu.memory_space<hbm>> -> memref<8192xf32, #tpu.memory_space<hbm>>
      %dma_start3A_412 = arith.constant 8192 : i32
      %dma_start3A_413 = tpu.memref_slice %arg32[%dma_start3A_412] : memref<16384xf32, #tpu.memory_space<vmem>> -> memref<8192xf32, #tpu.memory_space<vmem>>
      tpu.enqueue_dma source(%dma_start3A_413 : memref<8192xf32, #tpu.memory_space<vmem>>) target(%dma_start3A_411 : memref<8192xf32, #tpu.memory_space<hbm>>) target_semaphore(%arg41 : memref<!tpu.dma_semaphore, #tpu.memory_space<semaphore_mem>>)
      %add3A_414 = arith.constant 1 : i32
      %add3A_415 = arith.addi %mul3A_299, %add3A_414 : i32
      %add3A_416 = arith.constant 2 : i32
      %add3A_417 = arith.addi %add3A_415, %add3A_416 : i32
      %min3A_418 = arith.constant 97 : i32
      %min3A_419 = arith.minsi %add3A_417, %min3A_418 : i32
      %dma_wait3A_420 = arith.constant 0 : i32
      %dma_wait3A_421 = tpu.memref_slice %arg36[%dma_wait3A_420] : memref<300000xf32, #tpu.memory_space<vmem_shared>> -> memref<300000xf32, #tpu.memory_space<vmem_shared>>
      tpu.wait_indirect_dma semaphore(%arg40 : memref<!tpu.dma_semaphore, #tpu.memory_space<semaphore_mem>>) src(%dma_wait3A_421 : memref<300000xf32, #tpu.memory_space<vmem_shared>>) dst(%arg21 : memref<1024xf32, #tpu.memory_space<vmem>>)
      %dma_wait3A_422 = arith.constant 0 : i32
      %dma_wait3A_423 = tpu.memref_slice %arg36[%dma_wait3A_422] : memref<300000xf32, #tpu.memory_space<vmem_shared>> -> memref<300000xf32, #tpu.memory_space<vmem_shared>>
      tpu.wait_indirect_dma semaphore(%arg40 : memref<!tpu.dma_semaphore, #tpu.memory_space<semaphore_mem>>) src(%dma_wait3A_423 : memref<300000xf32, #tpu.memory_space<vmem_shared>>) dst(%arg23 : memref<1024xf32, #tpu.memory_space<vmem>>)
      %dma_wait3A_424 = arith.constant 0 : i32
      %dma_wait3A_425 = tpu.memref_slice %arg36[%dma_wait3A_424] : memref<300000xf32, #tpu.memory_space<vmem_shared>> -> memref<300000xf32, #tpu.memory_space<vmem_shared>>
      tpu.wait_indirect_dma semaphore(%arg40 : memref<!tpu.dma_semaphore, #tpu.memory_space<semaphore_mem>>) src(%dma_wait3A_425 : memref<300000xf32, #tpu.memory_space<vmem_shared>>) dst(%arg25 : memref<1024xf32, #tpu.memory_space<vmem>>)
      %dma_wait3A_426 = arith.constant 0 : i32
      %dma_wait3A_427 = tpu.memref_slice %arg36[%dma_wait3A_426] : memref<300000xf32, #tpu.memory_space<vmem_shared>> -> memref<300000xf32, #tpu.memory_space<vmem_shared>>
      tpu.wait_indirect_dma semaphore(%arg40 : memref<!tpu.dma_semaphore, #tpu.memory_space<semaphore_mem>>) src(%dma_wait3A_427 : memref<300000xf32, #tpu.memory_space<vmem_shared>>) dst(%arg27 : memref<1024xf32, #tpu.memory_space<vmem>>)
      %dma_wait3A_428 = arith.constant 0 : i32
      %dma_wait3A_429 = tpu.memref_slice %arg36[%dma_wait3A_428] : memref<300000xf32, #tpu.memory_space<vmem_shared>> -> memref<300000xf32, #tpu.memory_space<vmem_shared>>
      tpu.wait_indirect_dma semaphore(%arg40 : memref<!tpu.dma_semaphore, #tpu.memory_space<semaphore_mem>>) src(%dma_wait3A_429 : memref<300000xf32, #tpu.memory_space<vmem_shared>>) dst(%arg29 : memref<1024xf32, #tpu.memory_space<vmem>>)
      %dma_wait3A_430 = arith.constant 0 : i32
      %dma_wait3A_431 = tpu.memref_slice %arg36[%dma_wait3A_430] : memref<300000xf32, #tpu.memory_space<vmem_shared>> -> memref<300000xf32, #tpu.memory_space<vmem_shared>>
      tpu.wait_indirect_dma semaphore(%arg40 : memref<!tpu.dma_semaphore, #tpu.memory_space<semaphore_mem>>) src(%dma_wait3A_431 : memref<300000xf32, #tpu.memory_space<vmem_shared>>) dst(%arg31 : memref<1024xf32, #tpu.memory_space<vmem>>)
      %dma_wait3A_432 = arith.constant 0 : i32
      %dma_wait3A_433 = tpu.memref_slice %arg3[%dma_wait3A_432] : memref<6400000xi32, #tpu.memory_space<hbm>> -> memref<2048xi32, #tpu.memory_space<hbm>>
      %dma_wait3A_434 = arith.constant 0 : i32
      %dma_wait3A_435 = tpu.memref_slice %arg3[%dma_wait3A_434] : memref<6400000xi32, #tpu.memory_space<hbm>> -> memref<2048xi32, #tpu.memory_space<hbm>>
      tpu.wait_dma2 semaphore(%arg37 : memref<!tpu.dma_semaphore, #tpu.memory_space<semaphore_mem>>) src(%dma_wait3A_435 : memref<2048xi32, #tpu.memory_space<hbm>>) dst(%arg6 : memref<2048xi32, #tpu.memory_space<vmem>>)
      %dma_wait3A_436 = arith.constant 0 : i32
      %dma_wait3A_437 = tpu.memref_slice %arg5[%dma_wait3A_436] : memref<102400000xf32, #tpu.memory_space<hbm>> -> memref<16384xf32, #tpu.memory_space<hbm>>
      %dma_wait3A_438 = arith.constant 0 : i32
      %dma_wait3A_439 = tpu.memref_slice %arg5[%dma_wait3A_438] : memref<102400000xf32, #tpu.memory_space<hbm>> -> memref<16384xf32, #tpu.memory_space<hbm>>
      tpu.wait_dma2 semaphore(%arg46 : memref<!tpu.dma_semaphore, #tpu.memory_space<semaphore_mem>>) src(%arg35 : memref<16384xf32, #tpu.memory_space<vmem>>) dst(%dma_wait3A_439 : memref<16384xf32, #tpu.memory_space<hbm>>)
      %mul3A_440 = arith.constant 1600000 : i32
      %mul3A_441 = arith.muli %add3A, %mul3A_440 : i32
      %mul3A_442 = arith.constant 16384 : i32
      %mul3A_443 = arith.muli %add3A_415, %mul3A_442 : i32
      %add3A_444 = arith.addi %mul3A_441, %mul3A_443 : i32
      %min3A_445 = arith.minsi %add3A_444, %add3A_9 : i32
      %dma_start3A_446 = tpu.memref_slice %arg4[%min3A_445] : memref<51200000xf32, #tpu.memory_space<hbm>> -> memref<16384xf32, #tpu.memory_space<hbm>>
      %dma_start3A_447 = tpu.memref_slice %arg4[%min3A_445] : memref<51200000xf32, #tpu.memory_space<hbm>> -> memref<16384xf32, #tpu.memory_space<hbm>>
      tpu.enqueue_dma source(%dma_start3A_447 : memref<16384xf32, #tpu.memory_space<hbm>>) target(%arg35 : memref<16384xf32, #tpu.memory_space<vmem>>) target_semaphore(%arg44 : memref<!tpu.dma_semaphore, #tpu.memory_space<semaphore_mem>>)
      %scan3A_448 = arith.constant 0 : i32
      %scan3A_449 = arith.constant 0 : i32
      %scan3A_450 = arith.constant 64 : i32
      %scan3A_451 = arith.addi %scan3A_449, %scan3A_450 : i32
      %scan3A_452 = arith.constant 1 : i32
      scf.for %scan3A_530 = %scan3A_449 to %scan3A_451 step %scan3A_452  : i32 {
        %shift_right_arithmetic3A = arith.constant 3 : i32
        %shift_right_arithmetic3A_531 = arith.shrsi %scan3A_530, %shift_right_arithmetic3A : i32
        %mul3A_532 = arith.constant 256 : i32
        %mul3A_533 = arith.muli %shift_right_arithmetic3A_531, %mul3A_532 : i32
        %and3A = arith.constant 7 : i32
        %and3A_534 = arith.andi %scan3A_530, %and3A : i32
        %mul3A_535 = arith.constant 16 : i32
        %mul3A_536 = arith.muli %and3A_534, %mul3A_535 : i32
        %add3A_537 = arith.addi %mul3A_533, %mul3A_536 : i32
        %mul3A_538 = arith.constant 16 : i32
        %mul3A_539 = arith.muli %scan3A_530, %mul3A_538 : i32
        %get3A = arith.index_cast %add3A_537 : i32 to index
        %get3A_540 = tpu.vector_load %arg6[%get3A] {strides = array<i32>} : memref<2048xi32, #tpu.memory_space<vmem>>, vector<16xi32>,
        %get3A_541 = vector.shape_cast %get3A_540 : vector<16xi32> to vector<16xi32>
        %mul3A_542 = arith.constant 3 : i32
        %mul3A_543 = vector.broadcast %mul3A_542 : i32 to vector<16xi32>
        %mul3A_544 = arith.muli %get3A_541, %mul3A_543 : vector<16xi32>
        %add3A_545 = arith.constant 128 : i32
        %add3A_546 = arith.addi %add3A_537, %add3A_545 : i32
        %get3A_547 = arith.index_cast %add3A_546 : i32 to index
        %get3A_548 = tpu.vector_load %arg6[%get3A_547] {strides = array<i32>} : memref<2048xi32, #tpu.memory_space<vmem>>, vector<16xi32>,
        %get3A_549 = vector.shape_cast %get3A_548 : vector<16xi32> to vector<16xi32>
        %mul3A_550 = arith.constant 3 : i32
        %mul3A_551 = vector.broadcast %mul3A_550 : i32 to vector<16xi32>
        %mul3A_552 = arith.muli %get3A_549, %mul3A_551 : vector<16xi32>
        %swap3A = arith.index_cast %mul3A_539 : i32 to index
        %swap3A_553 = tpu.vector_load %arg8[%swap3A] {strides = array<i32>} : memref<1024xi32, #tpu.memory_space<vmem>>, vector<16xi32>,
        %swap3A_554 = vector.shape_cast %swap3A_553 : vector<16xi32> to vector<16xi32>
        %swap3A_555 = vector.shape_cast %mul3A_544 : vector<16xi32> to vector<16xi32>
        tpu.vector_store %arg8[%swap3A], %swap3A_555 {strides = array<i32>} : memref<1024xi32, #tpu.memory_space<vmem>>, vector<16xi32>,
        %add3A_556 = arith.constant 1 : i32
        %add3A_557 = vector.broadcast %add3A_556 : i32 to vector<16xi32>
        %add3A_558 = arith.addi %mul3A_544, %add3A_557 : vector<16xi32>
        %swap3A_559 = arith.index_cast %mul3A_539 : i32 to index
        %swap3A_560 = tpu.vector_load %arg10[%swap3A_559] {strides = array<i32>} : memref<1024xi32, #tpu.memory_space<vmem>>, vector<16xi32>,
        %swap3A_561 = vector.shape_cast %swap3A_560 : vector<16xi32> to vector<16xi32>
        %swap3A_562 = vector.shape_cast %add3A_558 : vector<16xi32> to vector<16xi32>
        tpu.vector_store %arg10[%swap3A_559], %swap3A_562 {strides = array<i32>} : memref<1024xi32, #tpu.memory_space<vmem>>, vector<16xi32>,
        %add3A_563 = arith.constant 2 : i32
        %add3A_564 = vector.broadcast %add3A_563 : i32 to vector<16xi32>
        %add3A_565 = arith.addi %mul3A_544, %add3A_564 : vector<16xi32>
        %swap3A_566 = arith.index_cast %mul3A_539 : i32 to index
        %swap3A_567 = tpu.vector_load %arg12[%swap3A_566] {strides = array<i32>} : memref<1024xi32, #tpu.memory_space<vmem>>, vector<16xi32>,
        %swap3A_568 = vector.shape_cast %swap3A_567 : vector<16xi32> to vector<16xi32>
        %swap3A_569 = vector.shape_cast %add3A_565 : vector<16xi32> to vector<16xi32>
        tpu.vector_store %arg12[%swap3A_566], %swap3A_569 {strides = array<i32>} : memref<1024xi32, #tpu.memory_space<vmem>>, vector<16xi32>,
        %swap3A_570 = arith.index_cast %mul3A_539 : i32 to index
        %swap3A_571 = tpu.vector_load %arg14[%swap3A_570] {strides = array<i32>} : memref<1024xi32, #tpu.memory_space<vmem>>, vector<16xi32>,
        %swap3A_572 = vector.shape_cast %swap3A_571 : vector<16xi32> to vector<16xi32>
        %swap3A_573 = vector.shape_cast %mul3A_552 : vector<16xi32> to vector<16xi32>
        tpu.vector_store %arg14[%swap3A_570], %swap3A_573 {strides = array<i32>} : memref<1024xi32, #tpu.memory_space<vmem>>, vector<16xi32>,
        %add3A_574 = arith.constant 1 : i32
        %add3A_575 = vector.broadcast %add3A_574 : i32 to vector<16xi32>
        %add3A_576 = arith.addi %mul3A_552, %add3A_575 : vector<16xi32>
        %swap3A_577 = arith.index_cast %mul3A_539 : i32 to index
        %swap3A_578 = tpu.vector_load %arg16[%swap3A_577] {strides = array<i32>} : memref<1024xi32, #tpu.memory_space<vmem>>, vector<16xi32>,
        %swap3A_579 = vector.shape_cast %swap3A_578 : vector<16xi32> to vector<16xi32>
        %swap3A_580 = vector.shape_cast %add3A_576 : vector<16xi32> to vector<16xi32>
        tpu.vector_store %arg16[%swap3A_577], %swap3A_580 {strides = array<i32>} : memref<1024xi32, #tpu.memory_space<vmem>>, vector<16xi32>,
        %add3A_581 = arith.constant 2 : i32
        %add3A_582 = vector.broadcast %add3A_581 : i32 to vector<16xi32>
        %add3A_583 = arith.addi %mul3A_552, %add3A_582 : vector<16xi32>
        %swap3A_584 = arith.index_cast %mul3A_539 : i32 to index
        %swap3A_585 = tpu.vector_load %arg18[%swap3A_584] {strides = array<i32>} : memref<1024xi32, #tpu.memory_space<vmem>>, vector<16xi32>,
        %swap3A_586 = vector.shape_cast %swap3A_585 : vector<16xi32> to vector<16xi32>
        %swap3A_587 = vector.shape_cast %add3A_583 : vector<16xi32> to vector<16xi32>
        tpu.vector_store %arg18[%swap3A_584], %swap3A_587 {strides = array<i32>} : memref<1024xi32, #tpu.memory_space<vmem>>, vector<16xi32>,
      }
      %scan3A_453 = arith.constant 64 : i32
      %dma_start3A_454 = arith.constant 0 : i32
      %dma_start3A_455 = tpu.memref_slice %arg36[%dma_start3A_454] : memref<300000xf32, #tpu.memory_space<vmem_shared>> -> memref<300000xf32, #tpu.memory_space<vmem_shared>>
      tpu.enqueue_indirect_dma source(%dma_start3A_455 : memref<300000xf32, #tpu.memory_space<vmem_shared>>) target(%arg20 : memref<1024xf32, #tpu.memory_space<vmem>>) offsets(%arg8 : memref<1024xi32, #tpu.memory_space<vmem>>) semaphore(%arg39 : memref<!tpu.dma_semaphore, #tpu.memory_space<semaphore_mem>>)
      %dma_start3A_456 = arith.constant 0 : i32
      %dma_start3A_457 = tpu.memref_slice %arg36[%dma_start3A_456] : memref<300000xf32, #tpu.memory_space<vmem_shared>> -> memref<300000xf32, #tpu.memory_space<vmem_shared>>
      tpu.enqueue_indirect_dma source(%dma_start3A_457 : memref<300000xf32, #tpu.memory_space<vmem_shared>>) target(%arg22 : memref<1024xf32, #tpu.memory_space<vmem>>) offsets(%arg10 : memref<1024xi32, #tpu.memory_space<vmem>>) semaphore(%arg39 : memref<!tpu.dma_semaphore, #tpu.memory_space<semaphore_mem>>)
      %dma_start3A_458 = arith.constant 0 : i32
      %dma_start3A_459 = tpu.memref_slice %arg36[%dma_start3A_458] : memref<300000xf32, #tpu.memory_space<vmem_shared>> -> memref<300000xf32, #tpu.memory_space<vmem_shared>>
      tpu.enqueue_indirect_dma source(%dma_start3A_459 : memref<300000xf32, #tpu.memory_space<vmem_shared>>) target(%arg24 : memref<1024xf32, #tpu.memory_space<vmem>>) offsets(%arg12 : memref<1024xi32, #tpu.memory_space<vmem>>) semaphore(%arg39 : memref<!tpu.dma_semaphore, #tpu.memory_space<semaphore_mem>>)
      %dma_start3A_460 = arith.constant 0 : i32
      %dma_start3A_461 = tpu.memref_slice %arg36[%dma_start3A_460] : memref<300000xf32, #tpu.memory_space<vmem_shared>> -> memref<300000xf32, #tpu.memory_space<vmem_shared>>
      tpu.enqueue_indirect_dma source(%dma_start3A_461 : memref<300000xf32, #tpu.memory_space<vmem_shared>>) target(%arg26 : memref<1024xf32, #tpu.memory_space<vmem>>) offsets(%arg14 : memref<1024xi32, #tpu.memory_space<vmem>>) semaphore(%arg39 : memref<!tpu.dma_semaphore, #tpu.memory_space<semaphore_mem>>)
      %dma_start3A_462 = arith.constant 0 : i32
      %dma_start3A_463 = tpu.memref_slice %arg36[%dma_start3A_462] : memref<300000xf32, #tpu.memory_space<vmem_shared>> -> memref<300000xf32, #tpu.memory_space<vmem_shared>>
      tpu.enqueue_indirect_dma source(%dma_start3A_463 : memref<300000xf32, #tpu.memory_space<vmem_shared>>) target(%arg28 : memref<1024xf32, #tpu.memory_space<vmem>>) offsets(%arg16 : memref<1024xi32, #tpu.memory_space<vmem>>) semaphore(%arg39 : memref<!tpu.dma_semaphore, #tpu.memory_space<semaphore_mem>>)
      %dma_start3A_464 = arith.constant 0 : i32
      %dma_start3A_465 = tpu.memref_slice %arg36[%dma_start3A_464] : memref<300000xf32, #tpu.memory_space<vmem_shared>> -> memref<300000xf32, #tpu.memory_space<vmem_shared>>
      tpu.enqueue_indirect_dma source(%dma_start3A_465 : memref<300000xf32, #tpu.memory_space<vmem_shared>>) target(%arg30 : memref<1024xf32, #tpu.memory_space<vmem>>) offsets(%arg18 : memref<1024xi32, #tpu.memory_space<vmem>>) semaphore(%arg39 : memref<!tpu.dma_semaphore, #tpu.memory_space<semaphore_mem>>)
      %mul3A_466 = arith.constant 8 : i32
      %mul3A_467 = arith.muli %min3A_419, %mul3A_466 : i32
      %add3A_468 = arith.addi %min3A_3, %mul3A_467 : i32
      %mul3A_469 = arith.constant 256 : i32
      %mul3A_470 = arith.muli %add3A_468, %mul3A_469 : i32
      %dma_start3A_471 = tpu.memref_slice %arg3[%mul3A_470] : memref<6400000xi32, #tpu.memory_space<hbm>> -> memref<2048xi32, #tpu.memory_space<hbm>>
      %dma_start3A_472 = tpu.memref_slice %arg3[%mul3A_470] : memref<6400000xi32, #tpu.memory_space<hbm>> -> memref<2048xi32, #tpu.memory_space<hbm>>
      tpu.enqueue_dma source(%dma_start3A_472 : memref<2048xi32, #tpu.memory_space<hbm>>) target(%arg7 : memref<2048xi32, #tpu.memory_space<vmem>>) target_semaphore(%arg38 : memref<!tpu.dma_semaphore, #tpu.memory_space<semaphore_mem>>)
      %dma_wait3A_473 = arith.constant 0 : i32
      %dma_wait3A_474 = tpu.memref_slice %arg33[%dma_wait3A_473] : memref<16384xf32, #tpu.memory_space<vmem>> -> memref<8192xf32, #tpu.memory_space<vmem>>
      %dma_wait3A_475 = arith.constant 0 : i32
      %dma_wait3A_476 = tpu.memref_slice %arg5[%dma_wait3A_475] : memref<102400000xf32, #tpu.memory_space<hbm>> -> memref<8192xf32, #tpu.memory_space<hbm>>
      %dma_wait3A_477 = arith.constant 0 : i32
      %dma_wait3A_478 = tpu.memref_slice %arg5[%dma_wait3A_477] : memref<102400000xf32, #tpu.memory_space<hbm>> -> memref<8192xf32, #tpu.memory_space<hbm>>
      %dma_wait3A_479 = arith.constant 0 : i32
      %dma_wait3A_480 = tpu.memref_slice %arg33[%dma_wait3A_479] : memref<16384xf32, #tpu.memory_space<vmem>> -> memref<8192xf32, #tpu.memory_space<vmem>>
      tpu.wait_dma2 semaphore(%arg42 : memref<!tpu.dma_semaphore, #tpu.memory_space<semaphore_mem>>) src(%dma_wait3A_480 : memref<8192xf32, #tpu.memory_space<vmem>>) dst(%dma_wait3A_478 : memref<8192xf32, #tpu.memory_space<hbm>>)
      %dma_wait3A_481 = arith.constant 8192 : i32
      %dma_wait3A_482 = tpu.memref_slice %arg33[%dma_wait3A_481] : memref<16384xf32, #tpu.memory_space<vmem>> -> memref<8192xf32, #tpu.memory_space<vmem>>
      %dma_wait3A_483 = arith.constant 0 : i32
      %dma_wait3A_484 = tpu.memref_slice %arg5[%dma_wait3A_483] : memref<102400000xf32, #tpu.memory_space<hbm>> -> memref<8192xf32, #tpu.memory_space<hbm>>
      %dma_wait3A_485 = arith.constant 0 : i32
      %dma_wait3A_486 = tpu.memref_slice %arg5[%dma_wait3A_485] : memref<102400000xf32, #tpu.memory_space<hbm>> -> memref<8192xf32, #tpu.memory_space<hbm>>
      %dma_wait3A_487 = arith.constant 8192 : i32
      %dma_wait3A_488 = tpu.memref_slice %arg33[%dma_wait3A_487] : memref<16384xf32, #tpu.memory_space<vmem>> -> memref<8192xf32, #tpu.memory_space<vmem>>
      tpu.wait_dma2 semaphore(%arg42 : memref<!tpu.dma_semaphore, #tpu.memory_space<semaphore_mem>>) src(%dma_wait3A_488 : memref<8192xf32, #tpu.memory_space<vmem>>) dst(%dma_wait3A_486 : memref<8192xf32, #tpu.memory_space<hbm>>)
      %scan3A_489 = arith.constant 0 : i32
      %scan3A_490 = arith.constant 0 : i32
      %scan3A_491 = arith.constant 64 : i32
      %scan3A_492 = arith.addi %scan3A_490, %scan3A_491 : i32
      %scan3A_493 = arith.constant 1 : i32
      scf.for %scan3A_530 = %scan3A_490 to %scan3A_492 step %scan3A_493  : i32 {
        %mul3A_531 = arith.constant 16 : i32
        %mul3A_532 = arith.muli %scan3A_530, %mul3A_531 : i32
        %get3A = arith.index_cast %mul3A_532 : i32 to index
        %get3A_533 = tpu.vector_load %arg21[%get3A] {strides = array<i32>} : memref<1024xf32, #tpu.memory_space<vmem>>, vector<16xf32>,
        %get3A_534 = vector.shape_cast %get3A_533 : vector<16xf32> to vector<16xf32>
        %get3A_535 = arith.index_cast %mul3A_532 : i32 to index
        %get3A_536 = tpu.vector_load %arg27[%get3A_535] {strides = array<i32>} : memref<1024xf32, #tpu.memory_space<vmem>>, vector<16xf32>,
        %get3A_537 = vector.shape_cast %get3A_536 : vector<16xf32> to vector<16xf32>
        %sub3A = arith.subf %get3A_534, %get3A_537 : vector<16xf32>
        %get3A_538 = arith.index_cast %mul3A_532 : i32 to index
        %get3A_539 = tpu.vector_load %arg23[%get3A_538] {strides = array<i32>} : memref<1024xf32, #tpu.memory_space<vmem>>, vector<16xf32>,
        %get3A_540 = vector.shape_cast %get3A_539 : vector<16xf32> to vector<16xf32>
        %get3A_541 = arith.index_cast %mul3A_532 : i32 to index
        %get3A_542 = tpu.vector_load %arg29[%get3A_541] {strides = array<i32>} : memref<1024xf32, #tpu.memory_space<vmem>>, vector<16xf32>,
        %get3A_543 = vector.shape_cast %get3A_542 : vector<16xf32> to vector<16xf32>
        %sub3A_544 = arith.subf %get3A_540, %get3A_543 : vector<16xf32>
        %get3A_545 = arith.index_cast %mul3A_532 : i32 to index
        %get3A_546 = tpu.vector_load %arg25[%get3A_545] {strides = array<i32>} : memref<1024xf32, #tpu.memory_space<vmem>>, vector<16xf32>,
        %get3A_547 = vector.shape_cast %get3A_546 : vector<16xf32> to vector<16xf32>
        %get3A_548 = arith.index_cast %mul3A_532 : i32 to index
        %get3A_549 = tpu.vector_load %arg31[%get3A_548] {strides = array<i32>} : memref<1024xf32, #tpu.memory_space<vmem>>, vector<16xf32>,
        %get3A_550 = vector.shape_cast %get3A_549 : vector<16xf32> to vector<16xf32>
        %sub3A_551 = arith.subf %get3A_547, %get3A_550 : vector<16xf32>
        %mul3A_552 = arith.mulf %sub3A, %sub3A : vector<16xf32>
        %mul3A_553 = arith.mulf %sub3A_544, %sub3A_544 : vector<16xf32>
        %add3A_554 = arith.addf %mul3A_552, %mul3A_553 : vector<16xf32>
        %mul3A_555 = arith.mulf %sub3A_551, %sub3A_551 : vector<16xf32>
        %add3A_556 = arith.addf %add3A_554, %mul3A_555 : vector<16xf32>
        %bitcast_convert_type3A = tpu.bitcast %add3A_556 : vector<16xf32> -> vector<16xi32>
        %shift_right_logical3A = arith.constant 1 : i32
        %shift_right_logical3A_557 = vector.broadcast %shift_right_logical3A : i32 to vector<16xi32>
        %shift_right_logical3A_558 = arith.shrui %bitcast_convert_type3A, %shift_right_logical3A_557 : vector<16xi32>
        %sub3A_559 = arith.constant 1597463007 : i32
        %sub3A_560 = vector.broadcast %sub3A_559 : i32 to vector<16xi32>
        %sub3A_561 = arith.subi %sub3A_560, %shift_right_logical3A_558 : vector<16xi32>
        %bitcast_convert_type3A_562 = tpu.bitcast %sub3A_561 : vector<16xi32> -> vector<16xf32>
        %mul3A_563 = arith.constant 5.000000e-01 : f32
        %mul3A_564 = vector.broadcast %mul3A_563 : f32 to vector<16xf32>
        %mul3A_565 = arith.mulf %add3A_556, %mul3A_564 : vector<16xf32>
        %mul3A_566 = arith.mulf %mul3A_565, %bitcast_convert_type3A_562 : vector<16xf32>
        %mul3A_567 = arith.mulf %mul3A_566, %bitcast_convert_type3A_562 : vector<16xf32>
        %sub3A_568 = arith.constant 1.500000e+00 : f32
        %sub3A_569 = vector.broadcast %sub3A_568 : f32 to vector<16xf32>
        %sub3A_570 = arith.subf %sub3A_569, %mul3A_567 : vector<16xf32>
        %mul3A_571 = arith.mulf %bitcast_convert_type3A_562, %sub3A_570 : vector<16xf32>
        %mul3A_572 = arith.mulf %mul3A_565, %mul3A_571 : vector<16xf32>
        %mul3A_573 = arith.mulf %mul3A_572, %mul3A_571 : vector<16xf32>
        %sub3A_574 = arith.constant 1.500000e+00 : f32
        %sub3A_575 = vector.broadcast %sub3A_574 : f32 to vector<16xf32>
        %sub3A_576 = arith.subf %sub3A_575, %mul3A_573 : vector<16xf32>
        %mul3A_577 = arith.mulf %mul3A_571, %sub3A_576 : vector<16xf32>
        %mul3A_578 = arith.mulf %mul3A_565, %mul3A_577 : vector<16xf32>
        %mul3A_579 = arith.mulf %mul3A_578, %mul3A_577 : vector<16xf32>
        %sub3A_580 = arith.constant 1.500000e+00 : f32
        %sub3A_581 = vector.broadcast %sub3A_580 : f32 to vector<16xf32>
        %sub3A_582 = arith.subf %sub3A_581, %mul3A_579 : vector<16xf32>
        %mul3A_583 = arith.mulf %mul3A_577, %sub3A_582 : vector<16xf32>
        %mul3A_584 = arith.mulf %add3A_556, %mul3A_583 : vector<16xf32>
        %shift_right_arithmetic3A = arith.constant 3 : i32
        %shift_right_arithmetic3A_585 = arith.shrsi %scan3A_530, %shift_right_arithmetic3A : i32
        %mul3A_586 = arith.constant 1024 : i32
        %mul3A_587 = arith.muli %shift_right_arithmetic3A_585, %mul3A_586 : i32
        %and3A = arith.constant 7 : i32
        %and3A_588 = arith.andi %scan3A_530, %and3A : i32
        %mul3A_589 = arith.constant 16 : i32
        %mul3A_590 = arith.muli %and3A_588, %mul3A_589 : i32
        %add3A_591 = arith.addi %mul3A_587, %mul3A_590 : i32
        %mul3A_592 = arith.constant 0.000000e+00 : f32
        %mul3A_593 = arith.mulf %mul3A_592, %scan3A_234 : f32
        %sub3A_594 = vector.broadcast %mul3A_593 : f32 to vector<16xf32>
        %sub3A_595 = arith.subf %mul3A_584, %sub3A_594 : vector<16xf32>
        %add3A_596 = arith.constant 0 : i32
        %add3A_597 = arith.addi %add3A_591, %add3A_596 : i32
        %add3A_598 = arith.constant 0 : i32
        %add3A_599 = arith.addi %add3A_597, %add3A_598 : i32
        %mul3A_600 = arith.mulf %sub3A_595, %sub3A_595 : vector<16xf32>
        %mul3A_601 = vector.broadcast %scan3A_235 : f32 to vector<16xf32>
        %mul3A_602 = arith.mulf %mul3A_600, %mul3A_601 : vector<16xf32>
        %exp3A = math.exp %mul3A_602 : vector<16xf32>
        %swap3A = arith.index_cast %add3A_599 : i32 to index
        %swap3A_603 = tpu.vector_load %arg33[%swap3A] {strides = array<i32>} : memref<16384xf32, #tpu.memory_space<vmem>>, vector<16xf32>,
        %swap3A_604 = vector.shape_cast %swap3A_603 : vector<16xf32> to vector<16xf32>
        %swap3A_605 = vector.shape_cast %exp3A : vector<16xf32> to vector<16xf32>
        tpu.vector_store %arg33[%swap3A], %swap3A_605 {strides = array<i32>} : memref<16384xf32, #tpu.memory_space<vmem>>, vector<16xf32>,
        %mul3A_606 = arith.constant 1.000000e+00 : f32
        %mul3A_607 = arith.mulf %mul3A_606, %scan3A_234 : f32
        %sub3A_608 = vector.broadcast %mul3A_607 : f32 to vector<16xf32>
        %sub3A_609 = arith.subf %mul3A_584, %sub3A_608 : vector<16xf32>
        %add3A_610 = arith.constant 0 : i32
        %add3A_611 = arith.addi %add3A_591, %add3A_610 : i32
        %add3A_612 = arith.constant 128 : i32
        %add3A_613 = arith.addi %add3A_611, %add3A_612 : i32
        %mul3A_614 = arith.mulf %sub3A_609, %sub3A_609 : vector<16xf32>
        %mul3A_615 = vector.broadcast %scan3A_235 : f32 to vector<16xf32>
        %mul3A_616 = arith.mulf %mul3A_614, %mul3A_615 : vector<16xf32>
        %exp3A_617 = math.exp %mul3A_616 : vector<16xf32>
        %swap3A_618 = arith.index_cast %add3A_613 : i32 to index
        %swap3A_619 = tpu.vector_load %arg33[%swap3A_618] {strides = array<i32>} : memref<16384xf32, #tpu.memory_space<vmem>>, vector<16xf32>,
        %swap3A_620 = vector.shape_cast %swap3A_619 : vector<16xf32> to vector<16xf32>
        %swap3A_621 = vector.shape_cast %exp3A_617 : vector<16xf32> to vector<16xf32>
        tpu.vector_store %arg33[%swap3A_618], %swap3A_621 {strides = array<i32>} : memref<16384xf32, #tpu.memory_space<vmem>>, vector<16xf32>,
        %mul3A_622 = arith.constant 2.000000e+00 : f32
        %mul3A_623 = arith.mulf %mul3A_622, %scan3A_234 : f32
        %sub3A_624 = vector.broadcast %mul3A_623 : f32 to vector<16xf32>
        %sub3A_625 = arith.subf %mul3A_584, %sub3A_624 : vector<16xf32>
        %add3A_626 = arith.constant 0 : i32
        %add3A_627 = arith.addi %add3A_591, %add3A_626 : i32
        %add3A_628 = arith.constant 256 : i32
        %add3A_629 = arith.addi %add3A_627, %add3A_628 : i32
        %mul3A_630 = arith.mulf %sub3A_625, %sub3A_625 : vector<16xf32>
        %mul3A_631 = vector.broadcast %scan3A_235 : f32 to vector<16xf32>
        %mul3A_632 = arith.mulf %mul3A_630, %mul3A_631 : vector<16xf32>
        %exp3A_633 = math.exp %mul3A_632 : vector<16xf32>
        %swap3A_634 = arith.index_cast %add3A_629 : i32 to index
        %swap3A_635 = tpu.vector_load %arg33[%swap3A_634] {strides = array<i32>} : memref<16384xf32, #tpu.memory_space<vmem>>, vector<16xf32>,
        %swap3A_636 = vector.shape_cast %swap3A_635 : vector<16xf32> to vector<16xf32>
        %swap3A_637 = vector.shape_cast %exp3A_633 : vector<16xf32> to vector<16xf32>
        tpu.vector_store %arg33[%swap3A_634], %swap3A_637 {strides = array<i32>} : memref<16384xf32, #tpu.memory_space<vmem>>, vector<16xf32>,
        %mul3A_638 = arith.constant 3.000000e+00 : f32
        %mul3A_639 = arith.mulf %mul3A_638, %scan3A_234 : f32
        %sub3A_640 = vector.broadcast %mul3A_639 : f32 to vector<16xf32>
        %sub3A_641 = arith.subf %mul3A_584, %sub3A_640 : vector<16xf32>
        %add3A_642 = arith.constant 0 : i32
        %add3A_643 = arith.addi %add3A_591, %add3A_642 : i32
        %add3A_644 = arith.constant 384 : i32
        %add3A_645 = arith.addi %add3A_643, %add3A_644 : i32
        %mul3A_646 = arith.mulf %sub3A_641, %sub3A_641 : vector<16xf32>
        %mul3A_647 = vector.broadcast %scan3A_235 : f32 to vector<16xf32>
        %mul3A_648 = arith.mulf %mul3A_646, %mul3A_647 : vector<16xf32>
        %exp3A_649 = math.exp %mul3A_648 : vector<16xf32>
        %swap3A_650 = arith.index_cast %add3A_645 : i32 to index
        %swap3A_651 = tpu.vector_load %arg33[%swap3A_650] {strides = array<i32>} : memref<16384xf32, #tpu.memory_space<vmem>>, vector<16xf32>,
        %swap3A_652 = vector.shape_cast %swap3A_651 : vector<16xf32> to vector<16xf32>
        %swap3A_653 = vector.shape_cast %exp3A_649 : vector<16xf32> to vector<16xf32>
        tpu.vector_store %arg33[%swap3A_650], %swap3A_653 {strides = array<i32>} : memref<16384xf32, #tpu.memory_space<vmem>>, vector<16xf32>,
        %mul3A_654 = arith.constant 4.000000e+00 : f32
        %mul3A_655 = arith.mulf %mul3A_654, %scan3A_234 : f32
        %sub3A_656 = vector.broadcast %mul3A_655 : f32 to vector<16xf32>
        %sub3A_657 = arith.subf %mul3A_584, %sub3A_656 : vector<16xf32>
        %add3A_658 = arith.constant 0 : i32
        %add3A_659 = arith.addi %add3A_591, %add3A_658 : i32
        %add3A_660 = arith.constant 512 : i32
        %add3A_661 = arith.addi %add3A_659, %add3A_660 : i32
        %mul3A_662 = arith.mulf %sub3A_657, %sub3A_657 : vector<16xf32>
        %mul3A_663 = vector.broadcast %scan3A_235 : f32 to vector<16xf32>
        %mul3A_664 = arith.mulf %mul3A_662, %mul3A_663 : vector<16xf32>
        %exp3A_665 = math.exp %mul3A_664 : vector<16xf32>
        %swap3A_666 = arith.index_cast %add3A_661 : i32 to index
        %swap3A_667 = tpu.vector_load %arg33[%swap3A_666] {strides = array<i32>} : memref<16384xf32, #tpu.memory_space<vmem>>, vector<16xf32>,
        %swap3A_668 = vector.shape_cast %swap3A_667 : vector<16xf32> to vector<16xf32>
        %swap3A_669 = vector.shape_cast %exp3A_665 : vector<16xf32> to vector<16xf32>
        tpu.vector_store %arg33[%swap3A_666], %swap3A_669 {strides = array<i32>} : memref<16384xf32, #tpu.memory_space<vmem>>, vector<16xf32>,
        %mul3A_670 = arith.constant 5.000000e+00 : f32
        %mul3A_671 = arith.mulf %mul3A_670, %scan3A_234 : f32
        %sub3A_672 = vector.broadcast %mul3A_671 : f32 to vector<16xf32>
        %sub3A_673 = arith.subf %mul3A_584, %sub3A_672 : vector<16xf32>
        %add3A_674 = arith.constant 0 : i32
        %add3A_675 = arith.addi %add3A_591, %add3A_674 : i32
        %add3A_676 = arith.constant 640 : i32
        %add3A_677 = arith.addi %add3A_675, %add3A_676 : i32
        %mul3A_678 = arith.mulf %sub3A_673, %sub3A_673 : vector<16xf32>
        %mul3A_679 = vector.broadcast %scan3A_235 : f32 to vector<16xf32>
        %mul3A_680 = arith.mulf %mul3A_678, %mul3A_679 : vector<16xf32>
        %exp3A_681 = math.exp %mul3A_680 : vector<16xf32>
        %swap3A_682 = arith.index_cast %add3A_677 : i32 to index
        %swap3A_683 = tpu.vector_load %arg33[%swap3A_682] {strides = array<i32>} : memref<16384xf32, #tpu.memory_space<vmem>>, vector<16xf32>,
        %swap3A_684 = vector.shape_cast %swap3A_683 : vector<16xf32> to vector<16xf32>
        %swap3A_685 = vector.shape_cast %exp3A_681 : vector<16xf32> to vector<16xf32>
        tpu.vector_store %arg33[%swap3A_682], %swap3A_685 {strides = array<i32>} : memref<16384xf32, #tpu.memory_space<vmem>>, vector<16xf32>,
        %mul3A_686 = arith.constant 6.000000e+00 : f32
        %mul3A_687 = arith.mulf %mul3A_686, %scan3A_234 : f32
        %sub3A_688 = vector.broadcast %mul3A_687 : f32 to vector<16xf32>
        %sub3A_689 = arith.subf %mul3A_584, %sub3A_688 : vector<16xf32>
        %add3A_690 = arith.constant 0 : i32
        %add3A_691 = arith.addi %add3A_591, %add3A_690 : i32
        %add3A_692 = arith.constant 768 : i32
        %add3A_693 = arith.addi %add3A_691, %add3A_692 : i32
        %mul3A_694 = arith.mulf %sub3A_689, %sub3A_689 : vector<16xf32>
        %mul3A_695 = vector.broadcast %scan3A_235 : f32 to vector<16xf32>
        %mul3A_696 = arith.mulf %mul3A_694, %mul3A_695 : vector<16xf32>
        %exp3A_697 = math.exp %mul3A_696 : vector<16xf32>
        %swap3A_698 = arith.index_cast %add3A_693 : i32 to index
        %swap3A_699 = tpu.vector_load %arg33[%swap3A_698] {strides = array<i32>} : memref<16384xf32, #tpu.memory_space<vmem>>, vector<16xf32>,
        %swap3A_700 = vector.shape_cast %swap3A_699 : vector<16xf32> to vector<16xf32>
        %swap3A_701 = vector.shape_cast %exp3A_697 : vector<16xf32> to vector<16xf32>
        tpu.vector_store %arg33[%swap3A_698], %swap3A_701 {strides = array<i32>} : memref<16384xf32, #tpu.memory_space<vmem>>, vector<16xf32>,
        %mul3A_702 = arith.constant 7.000000e+00 : f32
        %mul3A_703 = arith.mulf %mul3A_702, %scan3A_234 : f32
        %sub3A_704 = vector.broadcast %mul3A_703 : f32 to vector<16xf32>
        %sub3A_705 = arith.subf %mul3A_584, %sub3A_704 : vector<16xf32>
        %add3A_706 = arith.constant 0 : i32
        %add3A_707 = arith.addi %add3A_591, %add3A_706 : i32
        %add3A_708 = arith.constant 896 : i32
        %add3A_709 = arith.addi %add3A_707, %add3A_708 : i32
        %mul3A_710 = arith.mulf %sub3A_705, %sub3A_705 : vector<16xf32>
        %mul3A_711 = vector.broadcast %scan3A_235 : f32 to vector<16xf32>
        %mul3A_712 = arith.mulf %mul3A_710, %mul3A_711 : vector<16xf32>
        %exp3A_713 = math.exp %mul3A_712 : vector<16xf32>
        %swap3A_714 = arith.index_cast %add3A_709 : i32 to index
        %swap3A_715 = tpu.vector_load %arg33[%swap3A_714] {strides = array<i32>} : memref<16384xf32, #tpu.memory_space<vmem>>, vector<16xf32>,
        %swap3A_716 = vector.shape_cast %swap3A_715 : vector<16xf32> to vector<16xf32>
        %swap3A_717 = vector.shape_cast %exp3A_713 : vector<16xf32> to vector<16xf32>
        tpu.vector_store %arg33[%swap3A_714], %swap3A_717 {strides = array<i32>} : memref<16384xf32, #tpu.memory_space<vmem>>, vector<16xf32>,
        %mul3A_718 = arith.constant 8.000000e+00 : f32
        %mul3A_719 = arith.mulf %mul3A_718, %scan3A_234 : f32
        %sub3A_720 = vector.broadcast %mul3A_719 : f32 to vector<16xf32>
        %sub3A_721 = arith.subf %mul3A_584, %sub3A_720 : vector<16xf32>
        %add3A_722 = arith.constant 8192 : i32
        %add3A_723 = arith.addi %add3A_591, %add3A_722 : i32
        %add3A_724 = arith.constant 0 : i32
        %add3A_725 = arith.addi %add3A_723, %add3A_724 : i32
        %mul3A_726 = arith.mulf %sub3A_721, %sub3A_721 : vector<16xf32>
        %mul3A_727 = vector.broadcast %scan3A_235 : f32 to vector<16xf32>
        %mul3A_728 = arith.mulf %mul3A_726, %mul3A_727 : vector<16xf32>
        %exp3A_729 = math.exp %mul3A_728 : vector<16xf32>
        %swap3A_730 = arith.index_cast %add3A_725 : i32 to index
        %swap3A_731 = tpu.vector_load %arg33[%swap3A_730] {strides = array<i32>} : memref<16384xf32, #tpu.memory_space<vmem>>, vector<16xf32>,
        %swap3A_732 = vector.shape_cast %swap3A_731 : vector<16xf32> to vector<16xf32>
        %swap3A_733 = vector.shape_cast %exp3A_729 : vector<16xf32> to vector<16xf32>
        tpu.vector_store %arg33[%swap3A_730], %swap3A_733 {strides = array<i32>} : memref<16384xf32, #tpu.memory_space<vmem>>, vector<16xf32>,
        %mul3A_734 = arith.constant 9.000000e+00 : f32
        %mul3A_735 = arith.mulf %mul3A_734, %scan3A_234 : f32
        %sub3A_736 = vector.broadcast %mul3A_735 : f32 to vector<16xf32>
        %sub3A_737 = arith.subf %mul3A_584, %sub3A_736 : vector<16xf32>
        %add3A_738 = arith.constant 8192 : i32
        %add3A_739 = arith.addi %add3A_591, %add3A_738 : i32
        %add3A_740 = arith.constant 128 : i32
        %add3A_741 = arith.addi %add3A_739, %add3A_740 : i32
        %mul3A_742 = arith.mulf %sub3A_737, %sub3A_737 : vector<16xf32>
        %mul3A_743 = vector.broadcast %scan3A_235 : f32 to vector<16xf32>
        %mul3A_744 = arith.mulf %mul3A_742, %mul3A_743 : vector<16xf32>
        %exp3A_745 = math.exp %mul3A_744 : vector<16xf32>
        %swap3A_746 = arith.index_cast %add3A_741 : i32 to index
        %swap3A_747 = tpu.vector_load %arg33[%swap3A_746] {strides = array<i32>} : memref<16384xf32, #tpu.memory_space<vmem>>, vector<16xf32>,
        %swap3A_748 = vector.shape_cast %swap3A_747 : vector<16xf32> to vector<16xf32>
        %swap3A_749 = vector.shape_cast %exp3A_745 : vector<16xf32> to vector<16xf32>
        tpu.vector_store %arg33[%swap3A_746], %swap3A_749 {strides = array<i32>} : memref<16384xf32, #tpu.memory_space<vmem>>, vector<16xf32>,
        %mul3A_750 = arith.constant 1.000000e+01 : f32
        %mul3A_751 = arith.mulf %mul3A_750, %scan3A_234 : f32
        %sub3A_752 = vector.broadcast %mul3A_751 : f32 to vector<16xf32>
        %sub3A_753 = arith.subf %mul3A_584, %sub3A_752 : vector<16xf32>
        %add3A_754 = arith.constant 8192 : i32
        %add3A_755 = arith.addi %add3A_591, %add3A_754 : i32
        %add3A_756 = arith.constant 256 : i32
        %add3A_757 = arith.addi %add3A_755, %add3A_756 : i32
        %mul3A_758 = arith.mulf %sub3A_753, %sub3A_753 : vector<16xf32>
        %mul3A_759 = vector.broadcast %scan3A_235 : f32 to vector<16xf32>
        %mul3A_760 = arith.mulf %mul3A_758, %mul3A_759 : vector<16xf32>
        %exp3A_761 = math.exp %mul3A_760 : vector<16xf32>
        %swap3A_762 = arith.index_cast %add3A_757 : i32 to index
        %swap3A_763 = tpu.vector_load %arg33[%swap3A_762] {strides = array<i32>} : memref<16384xf32, #tpu.memory_space<vmem>>, vector<16xf32>,
        %swap3A_764 = vector.shape_cast %swap3A_763 : vector<16xf32> to vector<16xf32>
        %swap3A_765 = vector.shape_cast %exp3A_761 : vector<16xf32> to vector<16xf32>
        tpu.vector_store %arg33[%swap3A_762], %swap3A_765 {strides = array<i32>} : memref<16384xf32, #tpu.memory_space<vmem>>, vector<16xf32>,
        %mul3A_766 = arith.constant 1.100000e+01 : f32
        %mul3A_767 = arith.mulf %mul3A_766, %scan3A_234 : f32
        %sub3A_768 = vector.broadcast %mul3A_767 : f32 to vector<16xf32>
        %sub3A_769 = arith.subf %mul3A_584, %sub3A_768 : vector<16xf32>
        %add3A_770 = arith.constant 8192 : i32
        %add3A_771 = arith.addi %add3A_591, %add3A_770 : i32
        %add3A_772 = arith.constant 384 : i32
        %add3A_773 = arith.addi %add3A_771, %add3A_772 : i32
        %mul3A_774 = arith.mulf %sub3A_769, %sub3A_769 : vector<16xf32>
        %mul3A_775 = vector.broadcast %scan3A_235 : f32 to vector<16xf32>
        %mul3A_776 = arith.mulf %mul3A_774, %mul3A_775 : vector<16xf32>
        %exp3A_777 = math.exp %mul3A_776 : vector<16xf32>
        %swap3A_778 = arith.index_cast %add3A_773 : i32 to index
        %swap3A_779 = tpu.vector_load %arg33[%swap3A_778] {strides = array<i32>} : memref<16384xf32, #tpu.memory_space<vmem>>, vector<16xf32>,
        %swap3A_780 = vector.shape_cast %swap3A_779 : vector<16xf32> to vector<16xf32>
        %swap3A_781 = vector.shape_cast %exp3A_777 : vector<16xf32> to vector<16xf32>
        tpu.vector_store %arg33[%swap3A_778], %swap3A_781 {strides = array<i32>} : memref<16384xf32, #tpu.memory_space<vmem>>, vector<16xf32>,
        %mul3A_782 = arith.constant 1.200000e+01 : f32
        %mul3A_783 = arith.mulf %mul3A_782, %scan3A_234 : f32
        %sub3A_784 = vector.broadcast %mul3A_783 : f32 to vector<16xf32>
        %sub3A_785 = arith.subf %mul3A_584, %sub3A_784 : vector<16xf32>
        %add3A_786 = arith.constant 8192 : i32
        %add3A_787 = arith.addi %add3A_591, %add3A_786 : i32
        %add3A_788 = arith.constant 512 : i32
        %add3A_789 = arith.addi %add3A_787, %add3A_788 : i32
        %mul3A_790 = arith.mulf %sub3A_785, %sub3A_785 : vector<16xf32>
        %mul3A_791 = vector.broadcast %scan3A_235 : f32 to vector<16xf32>
        %mul3A_792 = arith.mulf %mul3A_790, %mul3A_791 : vector<16xf32>
        %exp3A_793 = math.exp %mul3A_792 : vector<16xf32>
        %swap3A_794 = arith.index_cast %add3A_789 : i32 to index
        %swap3A_795 = tpu.vector_load %arg33[%swap3A_794] {strides = array<i32>} : memref<16384xf32, #tpu.memory_space<vmem>>, vector<16xf32>,
        %swap3A_796 = vector.shape_cast %swap3A_795 : vector<16xf32> to vector<16xf32>
        %swap3A_797 = vector.shape_cast %exp3A_793 : vector<16xf32> to vector<16xf32>
        tpu.vector_store %arg33[%swap3A_794], %swap3A_797 {strides = array<i32>} : memref<16384xf32, #tpu.memory_space<vmem>>, vector<16xf32>,
        %mul3A_798 = arith.constant 1.300000e+01 : f32
        %mul3A_799 = arith.mulf %mul3A_798, %scan3A_234 : f32
        %sub3A_800 = vector.broadcast %mul3A_799 : f32 to vector<16xf32>
        %sub3A_801 = arith.subf %mul3A_584, %sub3A_800 : vector<16xf32>
        %add3A_802 = arith.constant 8192 : i32
        %add3A_803 = arith.addi %add3A_591, %add3A_802 : i32
        %add3A_804 = arith.constant 640 : i32
        %add3A_805 = arith.addi %add3A_803, %add3A_804 : i32
        %mul3A_806 = arith.mulf %sub3A_801, %sub3A_801 : vector<16xf32>
        %mul3A_807 = vector.broadcast %scan3A_235 : f32 to vector<16xf32>
        %mul3A_808 = arith.mulf %mul3A_806, %mul3A_807 : vector<16xf32>
        %exp3A_809 = math.exp %mul3A_808 : vector<16xf32>
        %swap3A_810 = arith.index_cast %add3A_805 : i32 to index
        %swap3A_811 = tpu.vector_load %arg33[%swap3A_810] {strides = array<i32>} : memref<16384xf32, #tpu.memory_space<vmem>>, vector<16xf32>,
        %swap3A_812 = vector.shape_cast %swap3A_811 : vector<16xf32> to vector<16xf32>
        %swap3A_813 = vector.shape_cast %exp3A_809 : vector<16xf32> to vector<16xf32>
        tpu.vector_store %arg33[%swap3A_810], %swap3A_813 {strides = array<i32>} : memref<16384xf32, #tpu.memory_space<vmem>>, vector<16xf32>,
        %mul3A_814 = arith.constant 1.400000e+01 : f32
        %mul3A_815 = arith.mulf %mul3A_814, %scan3A_234 : f32
        %sub3A_816 = vector.broadcast %mul3A_815 : f32 to vector<16xf32>
        %sub3A_817 = arith.subf %mul3A_584, %sub3A_816 : vector<16xf32>
        %add3A_818 = arith.constant 8192 : i32
        %add3A_819 = arith.addi %add3A_591, %add3A_818 : i32
        %add3A_820 = arith.constant 768 : i32
        %add3A_821 = arith.addi %add3A_819, %add3A_820 : i32
        %mul3A_822 = arith.mulf %sub3A_817, %sub3A_817 : vector<16xf32>
        %mul3A_823 = vector.broadcast %scan3A_235 : f32 to vector<16xf32>
        %mul3A_824 = arith.mulf %mul3A_822, %mul3A_823 : vector<16xf32>
        %exp3A_825 = math.exp %mul3A_824 : vector<16xf32>
        %swap3A_826 = arith.index_cast %add3A_821 : i32 to index
        %swap3A_827 = tpu.vector_load %arg33[%swap3A_826] {strides = array<i32>} : memref<16384xf32, #tpu.memory_space<vmem>>, vector<16xf32>,
        %swap3A_828 = vector.shape_cast %swap3A_827 : vector<16xf32> to vector<16xf32>
        %swap3A_829 = vector.shape_cast %exp3A_825 : vector<16xf32> to vector<16xf32>
        tpu.vector_store %arg33[%swap3A_826], %swap3A_829 {strides = array<i32>} : memref<16384xf32, #tpu.memory_space<vmem>>, vector<16xf32>,
        %mul3A_830 = arith.constant 1.500000e+01 : f32
        %mul3A_831 = arith.mulf %mul3A_830, %scan3A_234 : f32
        %sub3A_832 = vector.broadcast %mul3A_831 : f32 to vector<16xf32>
        %sub3A_833 = arith.subf %mul3A_584, %sub3A_832 : vector<16xf32>
        %add3A_834 = arith.constant 8192 : i32
        %add3A_835 = arith.addi %add3A_591, %add3A_834 : i32
        %add3A_836 = arith.constant 896 : i32
        %add3A_837 = arith.addi %add3A_835, %add3A_836 : i32
        %mul3A_838 = arith.mulf %sub3A_833, %sub3A_833 : vector<16xf32>
        %mul3A_839 = vector.broadcast %scan3A_235 : f32 to vector<16xf32>
        %mul3A_840 = arith.mulf %mul3A_838, %mul3A_839 : vector<16xf32>
        %exp3A_841 = math.exp %mul3A_840 : vector<16xf32>
        %swap3A_842 = arith.index_cast %add3A_837 : i32 to index
        %swap3A_843 = tpu.vector_load %arg33[%swap3A_842] {strides = array<i32>} : memref<16384xf32, #tpu.memory_space<vmem>>, vector<16xf32>,
        %swap3A_844 = vector.shape_cast %swap3A_843 : vector<16xf32> to vector<16xf32>
        %swap3A_845 = vector.shape_cast %exp3A_841 : vector<16xf32> to vector<16xf32>
        tpu.vector_store %arg33[%swap3A_842], %swap3A_845 {strides = array<i32>} : memref<16384xf32, #tpu.memory_space<vmem>>, vector<16xf32>,
      }
      %scan3A_494 = arith.constant 64 : i32
      %dma_wait3A_495 = arith.constant 0 : i32
      %dma_wait3A_496 = tpu.memref_slice %arg4[%dma_wait3A_495] : memref<51200000xf32, #tpu.memory_space<hbm>> -> memref<16384xf32, #tpu.memory_space<hbm>>
      %dma_wait3A_497 = arith.constant 0 : i32
      %dma_wait3A_498 = tpu.memref_slice %arg4[%dma_wait3A_497] : memref<51200000xf32, #tpu.memory_space<hbm>> -> memref<16384xf32, #tpu.memory_space<hbm>>
      tpu.wait_dma2 semaphore(%arg44 : memref<!tpu.dma_semaphore, #tpu.memory_space<semaphore_mem>>) src(%dma_wait3A_498 : memref<16384xf32, #tpu.memory_space<hbm>>) dst(%arg35 : memref<16384xf32, #tpu.memory_space<vmem>>)
      %mul3A_499 = arith.constant 1600000 : i32
      %mul3A_500 = arith.muli %add3A, %mul3A_499 : i32
      %mul3A_501 = arith.constant 16384 : i32
      %mul3A_502 = arith.muli %add3A_415, %mul3A_501 : i32
      %add3A_503 = arith.addi %mul3A_500, %mul3A_502 : i32
      %min3A_504 = arith.minsi %add3A_503, %add3A_9 : i32
      %dma_start3A_505 = tpu.memref_slice %arg5[%min3A_504] : memref<102400000xf32, #tpu.memory_space<hbm>> -> memref<16384xf32, #tpu.memory_space<hbm>>
      %dma_start3A_506 = tpu.memref_slice %arg5[%min3A_504] : memref<102400000xf32, #tpu.memory_space<hbm>> -> memref<16384xf32, #tpu.memory_space<hbm>>
      tpu.enqueue_dma source(%arg35 : memref<16384xf32, #tpu.memory_space<vmem>>) target(%dma_start3A_506 : memref<16384xf32, #tpu.memory_space<hbm>>) target_semaphore(%arg46 : memref<!tpu.dma_semaphore, #tpu.memory_space<semaphore_mem>>)
      %mul3A_507 = arith.constant 8 : i32
      %mul3A_508 = arith.muli %add3A_415, %mul3A_507 : i32
      %add3A_509 = arith.addi %min3A_3, %mul3A_508 : i32
      %add3A_510 = arith.constant 50000 : i32
      %add3A_511 = arith.addi %add3A_510, %add3A_509 : i32
      %mul3A_512 = arith.constant 1024 : i32
      %mul3A_513 = arith.muli %add3A_511, %mul3A_512 : i32
      %dma_start3A_514 = arith.constant 0 : i32
      %dma_start3A_515 = tpu.memref_slice %arg33[%dma_start3A_514] : memref<16384xf32, #tpu.memory_space<vmem>> -> memref<8192xf32, #tpu.memory_space<vmem>>
      %dma_start3A_516 = tpu.memref_slice %arg5[%mul3A_513] : memref<102400000xf32, #tpu.memory_space<hbm>> -> memref<8192xf32, #tpu.memory_space<hbm>>
      %dma_start3A_517 = tpu.memref_slice %arg5[%mul3A_513] : memref<102400000xf32, #tpu.memory_space<hbm>> -> memref<8192xf32, #tpu.memory_space<hbm>>
      %dma_start3A_518 = arith.constant 0 : i32
      %dma_start3A_519 = tpu.memref_slice %arg33[%dma_start3A_518] : memref<16384xf32, #tpu.memory_space<vmem>> -> memref<8192xf32, #tpu.memory_space<vmem>>
      tpu.enqueue_dma source(%dma_start3A_519 : memref<8192xf32, #tpu.memory_space<vmem>>) target(%dma_start3A_517 : memref<8192xf32, #tpu.memory_space<hbm>>) target_semaphore(%arg42 : memref<!tpu.dma_semaphore, #tpu.memory_space<semaphore_mem>>)
      %add3A_520 = arith.constant 75000 : i32
      %add3A_521 = arith.addi %add3A_520, %add3A_509 : i32
      %mul3A_522 = arith.constant 1024 : i32
      %mul3A_523 = arith.muli %add3A_521, %mul3A_522 : i32
      %dma_start3A_524 = arith.constant 8192 : i32
      %dma_start3A_525 = tpu.memref_slice %arg33[%dma_start3A_524] : memref<16384xf32, #tpu.memory_space<vmem>> -> memref<8192xf32, #tpu.memory_space<vmem>>
      %dma_start3A_526 = tpu.memref_slice %arg5[%mul3A_523] : memref<102400000xf32, #tpu.memory_space<hbm>> -> memref<8192xf32, #tpu.memory_space<hbm>>
      %dma_start3A_527 = tpu.memref_slice %arg5[%mul3A_523] : memref<102400000xf32, #tpu.memory_space<hbm>> -> memref<8192xf32, #tpu.memory_space<hbm>>
      %dma_start3A_528 = arith.constant 8192 : i32
      %dma_start3A_529 = tpu.memref_slice %arg33[%dma_start3A_528] : memref<16384xf32, #tpu.memory_space<vmem>> -> memref<8192xf32, #tpu.memory_space<vmem>>
      tpu.enqueue_dma source(%dma_start3A_529 : memref<8192xf32, #tpu.memory_space<vmem>>) target(%dma_start3A_527 : memref<8192xf32, #tpu.memory_space<hbm>>) target_semaphore(%arg42 : memref<!tpu.dma_semaphore, #tpu.memory_space<semaphore_mem>>)
    }
    %scan3A_240 = arith.constant 48 : i32
    %dma_wait3A_241 = arith.constant 0 : i32
    %dma_wait3A_242 = tpu.memref_slice %arg36[%dma_wait3A_241] : memref<300000xf32, #tpu.memory_space<vmem_shared>> -> memref<300000xf32, #tpu.memory_space<vmem_shared>>
    tpu.wait_indirect_dma semaphore(%arg39 : memref<!tpu.dma_semaphore, #tpu.memory_space<semaphore_mem>>) src(%dma_wait3A_242 : memref<300000xf32, #tpu.memory_space<vmem_shared>>) dst(%arg20 : memref<1024xf32, #tpu.memory_space<vmem>>)
    %dma_wait3A_243 = arith.constant 0 : i32
    %dma_wait3A_244 = tpu.memref_slice %arg36[%dma_wait3A_243] : memref<300000xf32, #tpu.memory_space<vmem_shared>> -> memref<300000xf32, #tpu.memory_space<vmem_shared>>
    tpu.wait_indirect_dma semaphore(%arg39 : memref<!tpu.dma_semaphore, #tpu.memory_space<semaphore_mem>>) src(%dma_wait3A_244 : memref<300000xf32, #tpu.memory_space<vmem_shared>>) dst(%arg22 : memref<1024xf32, #tpu.memory_space<vmem>>)
    %dma_wait3A_245 = arith.constant 0 : i32
    %dma_wait3A_246 = tpu.memref_slice %arg36[%dma_wait3A_245] : memref<300000xf32, #tpu.memory_space<vmem_shared>> -> memref<300000xf32, #tpu.memory_space<vmem_shared>>
    tpu.wait_indirect_dma semaphore(%arg39 : memref<!tpu.dma_semaphore, #tpu.memory_space<semaphore_mem>>) src(%dma_wait3A_246 : memref<300000xf32, #tpu.memory_space<vmem_shared>>) dst(%arg24 : memref<1024xf32, #tpu.memory_space<vmem>>)
    %dma_wait3A_247 = arith.constant 0 : i32
    %dma_wait3A_248 = tpu.memref_slice %arg36[%dma_wait3A_247] : memref<300000xf32, #tpu.memory_space<vmem_shared>> -> memref<300000xf32, #tpu.memory_space<vmem_shared>>
    tpu.wait_indirect_dma semaphore(%arg39 : memref<!tpu.dma_semaphore, #tpu.memory_space<semaphore_mem>>) src(%dma_wait3A_248 : memref<300000xf32, #tpu.memory_space<vmem_shared>>) dst(%arg26 : memref<1024xf32, #tpu.memory_space<vmem>>)
    %dma_wait3A_249 = arith.constant 0 : i32
    %dma_wait3A_250 = tpu.memref_slice %arg36[%dma_wait3A_249] : memref<300000xf32, #tpu.memory_space<vmem_shared>> -> memref<300000xf32, #tpu.memory_space<vmem_shared>>
    tpu.wait_indirect_dma semaphore(%arg39 : memref<!tpu.dma_semaphore, #tpu.memory_space<semaphore_mem>>) src(%dma_wait3A_250 : memref<300000xf32, #tpu.memory_space<vmem_shared>>) dst(%arg28 : memref<1024xf32, #tpu.memory_space<vmem>>)
    %dma_wait3A_251 = arith.constant 0 : i32
    %dma_wait3A_252 = tpu.memref_slice %arg36[%dma_wait3A_251] : memref<300000xf32, #tpu.memory_space<vmem_shared>> -> memref<300000xf32, #tpu.memory_space<vmem_shared>>
    tpu.wait_indirect_dma semaphore(%arg39 : memref<!tpu.dma_semaphore, #tpu.memory_space<semaphore_mem>>) src(%dma_wait3A_252 : memref<300000xf32, #tpu.memory_space<vmem_shared>>) dst(%arg30 : memref<1024xf32, #tpu.memory_space<vmem>>)
    %dma_wait3A_253 = arith.constant 0 : i32
    %dma_wait3A_254 = tpu.memref_slice %arg3[%dma_wait3A_253] : memref<6400000xi32, #tpu.memory_space<hbm>> -> memref<2048xi32, #tpu.memory_space<hbm>>
    %dma_wait3A_255 = arith.constant 0 : i32
    %dma_wait3A_256 = tpu.memref_slice %arg3[%dma_wait3A_255] : memref<6400000xi32, #tpu.memory_space<hbm>> -> memref<2048xi32, #tpu.memory_space<hbm>>
    tpu.wait_dma2 semaphore(%arg38 : memref<!tpu.dma_semaphore, #tpu.memory_space<semaphore_mem>>) src(%dma_wait3A_256 : memref<2048xi32, #tpu.memory_space<hbm>>) dst(%arg7 : memref<2048xi32, #tpu.memory_space<vmem>>)
    %dma_wait3A_257 = arith.constant 0 : i32
    %dma_wait3A_258 = tpu.memref_slice %arg33[%dma_wait3A_257] : memref<16384xf32, #tpu.memory_space<vmem>> -> memref<8192xf32, #tpu.memory_space<vmem>>
    %dma_wait3A_259 = arith.constant 0 : i32
    %dma_wait3A_260 = tpu.memref_slice %arg5[%dma_wait3A_259] : memref<102400000xf32, #tpu.memory_space<hbm>> -> memref<8192xf32, #tpu.memory_space<hbm>>
    %dma_wait3A_261 = arith.constant 0 : i32
    %dma_wait3A_262 = tpu.memref_slice %arg5[%dma_wait3A_261] : memref<102400000xf32, #tpu.memory_space<hbm>> -> memref<8192xf32, #tpu.memory_space<hbm>>
    %dma_wait3A_263 = arith.constant 0 : i32
    %dma_wait3A_264 = tpu.memref_slice %arg33[%dma_wait3A_263] : memref<16384xf32, #tpu.memory_space<vmem>> -> memref<8192xf32, #tpu.memory_space<vmem>>
    tpu.wait_dma2 semaphore(%arg42 : memref<!tpu.dma_semaphore, #tpu.memory_space<semaphore_mem>>) src(%dma_wait3A_264 : memref<8192xf32, #tpu.memory_space<vmem>>) dst(%dma_wait3A_262 : memref<8192xf32, #tpu.memory_space<hbm>>)
    %dma_wait3A_265 = arith.constant 8192 : i32
    %dma_wait3A_266 = tpu.memref_slice %arg33[%dma_wait3A_265] : memref<16384xf32, #tpu.memory_space<vmem>> -> memref<8192xf32, #tpu.memory_space<vmem>>
    %dma_wait3A_267 = arith.constant 0 : i32
    %dma_wait3A_268 = tpu.memref_slice %arg5[%dma_wait3A_267] : memref<102400000xf32, #tpu.memory_space<hbm>> -> memref<8192xf32, #tpu.memory_space<hbm>>
    %dma_wait3A_269 = arith.constant 0 : i32
    %dma_wait3A_270 = tpu.memref_slice %arg5[%dma_wait3A_269] : memref<102400000xf32, #tpu.memory_space<hbm>> -> memref<8192xf32, #tpu.memory_space<hbm>>
    %dma_wait3A_271 = arith.constant 8192 : i32
    %dma_wait3A_272 = tpu.memref_slice %arg33[%dma_wait3A_271] : memref<16384xf32, #tpu.memory_space<vmem>> -> memref<8192xf32, #tpu.memory_space<vmem>>
    tpu.wait_dma2 semaphore(%arg42 : memref<!tpu.dma_semaphore, #tpu.memory_space<semaphore_mem>>) src(%dma_wait3A_272 : memref<8192xf32, #tpu.memory_space<vmem>>) dst(%dma_wait3A_270 : memref<8192xf32, #tpu.memory_space<hbm>>)
    %dma_wait3A_273 = arith.constant 0 : i32
    %dma_wait3A_274 = tpu.memref_slice %arg32[%dma_wait3A_273] : memref<16384xf32, #tpu.memory_space<vmem>> -> memref<8192xf32, #tpu.memory_space<vmem>>
    %dma_wait3A_275 = arith.constant 0 : i32
    %dma_wait3A_276 = tpu.memref_slice %arg5[%dma_wait3A_275] : memref<102400000xf32, #tpu.memory_space<hbm>> -> memref<8192xf32, #tpu.memory_space<hbm>>
    %dma_wait3A_277 = arith.constant 0 : i32
    %dma_wait3A_278 = tpu.memref_slice %arg5[%dma_wait3A_277] : memref<102400000xf32, #tpu.memory_space<hbm>> -> memref<8192xf32, #tpu.memory_space<hbm>>
    %dma_wait3A_279 = arith.constant 0 : i32
    %dma_wait3A_280 = tpu.memref_slice %arg32[%dma_wait3A_279] : memref<16384xf32, #tpu.memory_space<vmem>> -> memref<8192xf32, #tpu.memory_space<vmem>>
    tpu.wait_dma2 semaphore(%arg41 : memref<!tpu.dma_semaphore, #tpu.memory_space<semaphore_mem>>) src(%dma_wait3A_280 : memref<8192xf32, #tpu.memory_space<vmem>>) dst(%dma_wait3A_278 : memref<8192xf32, #tpu.memory_space<hbm>>)
    %dma_wait3A_281 = arith.constant 8192 : i32
    %dma_wait3A_282 = tpu.memref_slice %arg32[%dma_wait3A_281] : memref<16384xf32, #tpu.memory_space<vmem>> -> memref<8192xf32, #tpu.memory_space<vmem>>
    %dma_wait3A_283 = arith.constant 0 : i32
    %dma_wait3A_284 = tpu.memref_slice %arg5[%dma_wait3A_283] : memref<102400000xf32, #tpu.memory_space<hbm>> -> memref<8192xf32, #tpu.memory_space<hbm>>
    %dma_wait3A_285 = arith.constant 0 : i32
    %dma_wait3A_286 = tpu.memref_slice %arg5[%dma_wait3A_285] : memref<102400000xf32, #tpu.memory_space<hbm>> -> memref<8192xf32, #tpu.memory_space<hbm>>
    %dma_wait3A_287 = arith.constant 8192 : i32
    %dma_wait3A_288 = tpu.memref_slice %arg32[%dma_wait3A_287] : memref<16384xf32, #tpu.memory_space<vmem>> -> memref<8192xf32, #tpu.memory_space<vmem>>
    tpu.wait_dma2 semaphore(%arg41 : memref<!tpu.dma_semaphore, #tpu.memory_space<semaphore_mem>>) src(%dma_wait3A_288 : memref<8192xf32, #tpu.memory_space<vmem>>) dst(%dma_wait3A_286 : memref<8192xf32, #tpu.memory_space<hbm>>)
    %dma_wait3A_289 = arith.constant 0 : i32
    %dma_wait3A_290 = tpu.memref_slice %arg5[%dma_wait3A_289] : memref<102400000xf32, #tpu.memory_space<hbm>> -> memref<16384xf32, #tpu.memory_space<hbm>>
    %dma_wait3A_291 = arith.constant 0 : i32
    %dma_wait3A_292 = tpu.memref_slice %arg5[%dma_wait3A_291] : memref<102400000xf32, #tpu.memory_space<hbm>> -> memref<16384xf32, #tpu.memory_space<hbm>>
    tpu.wait_dma2 semaphore(%arg45 : memref<!tpu.dma_semaphore, #tpu.memory_space<semaphore_mem>>) src(%arg34 : memref<16384xf32, #tpu.memory_space<vmem>>) dst(%dma_wait3A_292 : memref<16384xf32, #tpu.memory_space<hbm>>)
    %dma_wait3A_293 = arith.constant 0 : i32
    %dma_wait3A_294 = tpu.memref_slice %arg5[%dma_wait3A_293] : memref<102400000xf32, #tpu.memory_space<hbm>> -> memref<16384xf32, #tpu.memory_space<hbm>>
    %dma_wait3A_295 = arith.constant 0 : i32
    %dma_wait3A_296 = tpu.memref_slice %arg5[%dma_wait3A_295] : memref<102400000xf32, #tpu.memory_space<hbm>> -> memref<16384xf32, #tpu.memory_space<hbm>>
    tpu.wait_dma2 semaphore(%arg46 : memref<!tpu.dma_semaphore, #tpu.memory_space<semaphore_mem>>) src(%arg35 : memref<16384xf32, #tpu.memory_space<vmem>>) dst(%dma_wait3A_296 : memref<16384xf32, #tpu.memory_space<hbm>>)
    return
  }
}

</mosaic_0001>

<sc_bundles>
// kernel: kernel.3.cloned.1.call-start
scs
__scs_entry_jumppad:
0x0: {  	(pc) =	sbr.rel $0x88, $3  }
0x1: {  	(tag) =	ssettag $0x0;
	lr =	simm.s32 $0x1  }
0x2: {  	[smem:$0x3F9E] =	sst lr;
	_ =	strace $0xD0000000  }
0x3: {  	_ = 	snop  }
0x4: {  	_ = 	snop  }
0x5: {  	_ = 	snop  }
0x6: {  	_ = 	snop  }
0x7: {  	_ = 	snop  }
__scs_overlays_trampoline_lowered:
0x8: {  	[smem:$0x3FAD] =	sst s0  }
0x9: {  	[smem:$0x3FAE] =	sst s1  }
0xa: {  	[smem:$0x3FAF] =	sst s2  }
0xb: {  	[smem:$0x3FB0] =	sst s3  }
0xc: {  	[smem:$0x3FB1] =	sst s4  }
0xd: {  	[smem:$0x3FB2] =	sst s5  }
0xe: {  	[smem:$0x3FB3] =	sst s6  }
0xf: {  	[smem:$0x3FB4] =	sst s7  }
0x10: {  	[smem:$0x3FB5] =	sst s8  }
0x11: {  	[smem:$0x3FB6] =	sst s9;
	s0 =	simm.s32 @!p0 $0x0  }
0x12: {  	s1 =	sld [smem:$0x3F9C];
	s0 =	simm.s32 @p0 $0x1  }
0x13: {  	[smem:$0x3FB7] =	sst s0;
	s0 =	simm.s32 @!p1 $0x0  }
0x14: {  	s2 =	sld [smem:$0x3F9B];
	s0 =	simm.s32 @p1 $0x1  }
0x15: {  	[smem:$0x3FB8] =	sst s0;
	s0 =	simm.s32 @!p2 $0x0  }
0x16: {  	s3 =	sld [smem:$0x3FDB];
	s0 =	simm.s32 @p2 $0x1  }
0x17: {  	s4 =	simm.s32 $0x1BF5;
	[smem:$0x3FBA] =	sst s0  }
0x18: {  	s0 =	sld [smem:$0x3F9D];
	_ =	swait.ge [sflag:s4], $0x0  }
0x19: {  	s7 =	sld [smem:$0x3F9E]  }
0x1a: {  	s8 =	sadd.s32 $0xFFFFE003, lr  }
0x1b: {  	s9 =	sadd.s32 $0xFFFFFEF7, lr;
	s5 =	simm.s32 $0xFFFFFFFF;
	p2 =	slt.u32 s8, $0xFFFFF086  }
0x1c: {  	p1 =	slt.u32 s9, $0xF7A;
	s5 =	simm.s32 @!p2 $0x0  }
0x1d: {  	s5 =	simm.s32 @p1 $0x1;
	p0 =	seq.s32 s7, s2  }
0x1e: {  	s7 =	smul.u32 @!p0 $0xF7A, s2;
	p2 =	seq.s32 @!p0 s5, $0x0  }
0x1f: {  	s9 =	smul.u32 $0xF7A, s1;
	s8 =	simm.s32 @!p0 $0x1BF5;
	p2 =	por !p2, p0  }
0x20: {  	[sflag:s8] =	ssyncset.s32 @!p0 $0xFFFFF086;
	s6 =	sadd.s32 @!p0 s3, s7;
	s7 =	simm.s32 @!p0 $0x108  }
0x21: {  	s3 =	sadd.s32 s3, s9;
	s6 =	sadd.s32 @!p0 $0x88, s6;
	s7 =	simm.s32 @p2 $0x1082  }
0x22: {  	[simem:s7], [sflag:s8] =	dma.local @!p0 [hbm:s6], $0xF7A  }
0x23: {  	s9 =	sor.u32 $0xD0000000, s2;
	s6 =	simm.s32 $0x108;
	_ =	swait.ge @!p0 [sflag:s8], $0x0  }
0x24: {  	s3 =	sadd.s32 $0x88, s3;
	s6 =	simm.s32 @!p1 $0x1082;
	[sflag:s4] =	ssyncset.s32 $0xFFFFF086  }
0x25: {  	[simem:s6], [sflag:s4] =	dma.local [hbm:s3], $0xF7A  }
0x26: {  	[smem:$0x3F9E] =	sst s1;
	(tag) =	ssettag s2;
	_ =	strace s9  }
0x27: {  	s1 =	sld [smem:$0x3FAE]  }
0x28: {  	s2 =	sld [smem:$0x3FAF]  }
0x29: {  	s4 =	sld [smem:$0x3FB1]  }
0x2a: {  	p0 =	seq.s32 s5, $0x0;
	s5 =	sld [smem:$0x3FB2]  }
0x2b: {  	s6 =	sld [smem:$0x3FB3]  }
0x2c: {  	s7 =	sld [smem:$0x3FB4]  }
0x2d: {  	s3 =	simm.s32 $0x108;
	s8 =	sld [smem:$0x3FB5]  }
0x2e: {  	s3 =	simm.s32 @!p0 $0x1082;
	s9 =	sld [smem:$0x3FB6]  }
0x2f: {  	lr =	sadd.s32 s0, s3;
	s0 =	sld [smem:$0x3FAD]  }
0x30: {  	s3 =	sld [smem:$0x3FB0]  }
0x31: {  	[smem:$0x3FB9] =	sst s10  }
0x32: {  	s10 =	sld [smem:$0x3FB7];
	_ =	sdelay $0x3  }
0x33: {  	p0 =	seq.s32 s10, $0x1;
	s10 =	sld [smem:$0x3FB9];
	_ =	sdelay $0x3  }
0x34: {  	[smem:$0x3FB9] =	sst s10  }
0x35: {  	s10 =	sld [smem:$0x3FB8];
	_ =	sdelay $0x3  }
0x36: {  	p1 =	seq.s32 s10, $0x1;
	s10 =	sld [smem:$0x3FB9];
	_ =	sdelay $0x3  }
0x37: {  	[smem:$0x3FB9] =	sst s10  }
0x38: {  	s10 =	sld [smem:$0x3FBA]  }
0x39: {  	_ = 	snop;
	(pc) =	sbr.ind lr, $3  }
0x3a: {  	_ = 	snop  }
0x3b: {  	_ = 	snop  }
0x3c: {  	p2 =	seq.s32 s10, $0x1;
	s10 =	sld [smem:$0x3FB9]  }
0x3d: {  	_ =	shalt  }
0x3e: {  	_ =	shalt  }
0x3f: {  	_ =	shalt  }
0x40: {  	_ =	shalt  }
0x41: {  	_ =	shalt  }
0x42: {  	_ =	shalt  }
0x43: {  	_ =	shalt  }
0x44: {  	_ =	shalt  }
0x45: {  	_ =	shalt  }
0x46: {  	_ =	shalt  }
0x47: {  	_ =	shalt  }
0x48: {  	_ =	shalt  }
0x49: {  	_ =	shalt  }
0x4a: {  	_ =	shalt  }
0x4b: {  	_ =	shalt  }
0x4c: {  	_ =	shalt  }
0x4d: {  	_ =	shalt  }
0x4e: {  	_ =	shalt  }
0x4f: {  	_ =	shalt  }
0x50: {  	_ =	shalt  }
0x51: {  	_ =	shalt  }
0x52: {  	_ =	shalt  }
0x53: {  	_ =	shalt  }
0x54: {  	_ =	shalt  }
0x55: {  	_ =	shalt  }
0x56: {  	_ =	shalt  }
0x57: {  	_ =	shalt  }
0x58: {  	_ =	shalt  }
0x59: {  	_ =	shalt  }
0x5a: {  	_ =	shalt  }
0x5b: {  	_ =	shalt  }
0x5c: {  	_ =	shalt  }
0x5d: {  	_ =	shalt  }
0x5e: {  	_ =	shalt  }
0x5f: {  	_ =	shalt  }
0x60: {  	_ =	shalt  }
0x61: {  	_ =	shalt  }
0x62: {  	_ =	shalt  }
0x63: {  	_ =	shalt  }
0x64: {  	_ =	shalt  }
0x65: {  	_ =	shalt  }
0x66: {  	_ =	shalt  }
0x67: {  	_ =	shalt  }
0x68: {  	_ =	shalt  }
0x69: {  	_ =	shalt  }
0x6a: {  	_ =	shalt  }
0x6b: {  	_ =	shalt  }
0x6c: {  	_ =	shalt  }
0x6d: {  	_ =	shalt  }
0x6e: {  	_ =	shalt  }
0x6f: {  	_ =	shalt  }
0x70: {  	_ =	shalt  }
0x71: {  	_ =	shalt  }
0x72: {  	_ =	shalt  }
0x73: {  	_ =	shalt  }
0x74: {  	_ =	shalt  }
0x75: {  	_ =	shalt  }
0x76: {  	_ =	shalt  }
0x77: {  	_ =	shalt  }
0x78: {  	_ =	shalt  }
0x79: {  	_ =	shalt  }
0x7a: {  	_ =	shalt  }
0x7b: {  	_ =	shalt  }
0x7c: {  	_ =	shalt  }
0x7d: {  	_ =	shalt  }
0x7e: {  	_ =	shalt  }
0x7f: {  	_ =	shalt  }
0x80: {  	_ =	shalt  }
0x81: {  	_ =	shalt  }
0x82: {  	_ =	shalt  }
0x83: {  	_ =	shalt  }
0x84: {  	_ =	shalt  }
0x85: {  	_ =	shalt  }
0x86: {  	_ =	shalt  }
0x87: {  	_ =	shalt  }
.Lfunc_end0:
.L_simem_size_0:
called_computation_lowered:
.L_overlay_start_0:
0x88: {  	s2 =	sld [smem:$0x3FD9]  }
0x89: {  	s3 =	sld [smem:$0x3FFE];
	_ =	sdelay $0x1  }
0x8a: {  	s1 =	srdreg.scid  }
0x8b: {  	s0 =	sand.u32 $0x1, s1  }
0x8c: {  	s17 =	sshll.u32 s0, $0xA;
	s2 =	sadd.s32 s3, s2  }
0x8d: {  	s2 =	sadd.s32 s2, s17  }
0x8e: {  	[smem:$0x3FC5] =	sst s2  }
0x8f: {  	_ = 	snop  }
0x90: {  	s2 =	sld [smem:$0x3FC8]  }
0x91: {  	s18 =	sld [smem:$0x3FC7]  }
0x92: {  	s4 =	sld [smem:$0x3FD0];
	(tm) =	ssettm $0x1  }
0x93: {  	s5 =	sld [smem:$0x3FFB];
	_ =	sdelay $0x3  }
0x94: {  	_ =	strace s5  }
0x95: {  	s5 =	sld [smem:$0x3FFC];
	_ =	sdelay $0x3  }
0x96: {  	_ =	strace s5  }
0x97: {  	s5 =	sld [smem:$0x3FFD];
	_ =	sdelay $0x3  }
0x98: {  	_ =	strace s5  }
0x99: {  	_ =	strace $0x8FFFFFFF  }
0x9a: {  	s19 =	sld [smem:$0x3FDB];
	_ =	sdelay $0x1  }
0x9b: {  	s6 =	simm.s32 $_scs_section_size  }
0x9c: {  	s7 =	simm.s32 $_size__tile_overlayer_lowered;
	s8 =	simm.s32 $_tile_overlayer_lowered  }
0x9d: {  	s22 =	simm.s32 $0x1BFF;
	s21 =	sshll.u32 s8, $0x1;
	s5 =	sadd.s32 s6, s19  }
0x9e: {  	s9 =	simm.s32 $0x0;
	s20 =	sshll.u32 s7, $0x1;
	s7 =	sadd.s32 s21, s5  }
0x9f: {  	[timem:s9], [sflag:s22] =	dma.local [hbm:s7], s20  }
0xa0: {  	_ =	swait.ge [sflag:s22], s20  }
0xa1: {  	s6 =	ssub.s32 $0x0, s20;
	[sflag:s22] =	ssyncset.done $0x0  }
0xa2: {  	[sflag:s22] =	ssyncadd.s32 s6;
	_ =	sdelay $0x1  }
0xa3: {  	s23 =	simm.s32 $0x1B8B  }
0xa4: {  	_ =	swait.ge [sflag:s23], $0x1  }
0xa5: {  	[sflag:s23] =	ssyncset.done $0x0  }
0xa6: {  	s25 =	simm.s32 $0x1B8E;
	s24 =	sld [smem:$0x3FFE];
	[sflag:s23] =	ssyncadd.s32 $0xFFFFFFFF  }
0xa7: {  	s26 =	simm.s32 $execute0_lowered;
	[smem:$0x3FD2] =	sst s25  }
0xa8: {  	s7 =	sshll.u32 s26, $0x1;
	_ =	strace $0x80000046;
	[dreg:$0x1] =	wrdreg $0xFFFFFFFF  }
0xa9: {  	s28 =	simm.s32 $_size_execute0_lowered;
	s5 =	sadd.s32 s5, s7;
	[dreg:$0x0] =	wrdreg $0x0  }
0xaa: {  	s7 =	sshll.u32 s28, $0x1;
	[dreg:$0x2] =	wrdreg s5  }
0xab: {  	[dreg:$0x3] =	wrdreg s7  }
0xac: {  	[dreg:$0x4] =	wrdreg $0xC0  }
0xad: {  	_ =	task [dreg:s9], $0x5FFFF  }
0xae: {  	[dreg:$0x1] =	wrdreg $0xFFFFFFFF  }
0xaf: {  	[dreg:$0x0] =	wrdreg $0x60  }
0xb0: {  	[dreg:$0x2] =	wrdreg s24  }
0xb1: {  	[dreg:$0x3] =	wrdreg s2  }
0xb2: {  	[dreg:$0x4] =	wrdreg s18  }
0xb3: {  	[dreg:$0x5] =	wrdreg s4  }
0xb4: {  	[dreg:$0x6] =	wrdreg $0x170000  }
0xb5: {  	[dreg:$0x7] =	wrdreg $0x9  }
0xb6: {  	_ =	task.clear_ibuf [dreg:s9], $0x8FFFF;
	_ =	strace $0x90000046  }
0xb7: {  	s29 =	simm.s32 $0x9;
	_ =	strace $0x80000048  }
0xb8: {  	_ =	swait.ge [sflag:s29], $0x1  }
0xb9: {  	[sflag:s29] =	ssyncadd.s32 $0xFFFFFFFF  }
0xba: {  	_ =	strace $0x90000048  }
0xbb: {  	_ =	sfence  }
0xbc: {  	s30 =	sld [smem:$0x0];
	_ =	sdelay $0x2  }
0xbd: {  	s31 =	sshll.u32 s1, $0xD;
	s1 =	sshrl.u32 s1, $0x2  }
0xbe: {  	s3 =	sand.u32 $0x4000, s31;
	s1 =	sadd.s32 s1, s30  }
0xbf: {  	s0 =	sor.u32 s3, s0;
	s1 =	sshll.u32 s1, $0x11  }
0xc0: {  	s0 =	sor.u32 s1, s0  }
0xc1: {  	s0 =	sadd.s32 $0x8F2B, s0  }
0xc2: {  	[sflag:s0] =	ssyncadd.remote.s32 $0x1  }
0xc3: {  	_ =	sfence.sel $0xFFFF  }
0xc4: {  	[dreg:$0x0] =	wrdreg $0xFFFFFFFF;
	(pc) =	sbr.abs _section_cstart, $3  }
0xc5: {  	[dreg:$0x1] =	wrdreg $0xFFFFFFFF  }
0xc6: {  	_ =	task.clear_ibuf [dreg:s9], $0x2FFFF;
	_ =	strace $0x9FFFFFFF  }
0xc7: {  	(tm) =	ssettm $0x7FFFFFFF  }
tec
execute0_lowered:
.L_overlay_start_1:
0x0: {  	(tag) =	ssettag $0x1  }
0x1: {  	s0 =	rddreg [dreg:$0x0]  }
0x2: {  	s1 =	rddreg [dreg:$0x1]  }
0x3: {  	s21 =	rddreg [dreg:$0x2]  }
0x4: {  	s9 =	rddreg [dreg:$0x3]  }
0x5: {  	s2 =	srdreg.scid;
	s6 =	stileid.u32  }
0x6: {  	s3 =	rddreg [dreg:$0x4];
	s4 =	simm.s32 $0x0;
	s29 =	simm.s32 $0x9  }
0x7: {  	s31 =	simm.s32 $0x5;
	s2 =	sand.u32 $0x1, s2;
	s5 =	sshll.u32 s6, $0x1  }
0x8: {  	[smem:$0x7FF] =	sst s4;
	s0 =	sadd.s32 $0x400, s0;
	s5 =	sor.u32 s2, s5  }
0x9: {  	s12 =	sadd.s32 $0x61A800, s9;
	s17 =	ssub.s32 $0x2, s2;
	s7 =	smul.u32 $0x310, s5  }
0xa: {  	s14 =	sadd.s32 $0x927C00, s9;
	s5 =	smul.u32 $0x186A00, s5;
	s8 =	sshrl.u32 s17, $0x1  }
0xb: {  	_ =	strace $0x80000047;
	[dreg:$0x6] =	wrdreg s0;
	s0 =	ssub.s32 s17, s8  }
0xc: {  	p0 =	sne.s32 s6, $0x0;
	s19 =	sshrl.u32 s5, $0x3;
	s0 =	smax.u32 s0, $0x1  }
0xd: {  	s7 =	smin.u32 s7, $0x5E98;
	s22 =	sadd.s32 s21, s19;
	[dreg:$0x13] =	wrdreg s0  }
0xe: {  	s24 =	sadd.s32 s9, s19;
	s13 =	sshll.u32 s7, $0x7;
	[dreg:$0x9] =	wrdreg s22  }
0xf: {  	s18 =	sshll.u32 s7, $0x5;
	[dreg:$0xb] =	wrdreg s24;
	s7 =	sadd.s32 s13, s12  }
0x10: {  	s6 =	simm.s32 $0xA;
	s25 =	sadd.s32 s13, s14;
	[dreg:$0xc] =	wrdreg s7  }
0x11: {  	s17 =	simm.s32 $0x3;
	s2 =	sadd.s32 s1, s18;
	[dreg:$0xd] =	wrdreg s25  }
0x12: {  	s1 =	sadd.s32 $0x800, s19;
	s20 =	sadd.s32 $0x100, s2;
	[dreg:$0x7] =	wrdreg s2  }
0x13: {  	s28 =	sadd.s32 s13, s9;
	s23 =	sadd.s32 $0x200, s2;
	[dreg:$0x8] =	wrdreg s20  }
0x14: {  	s24 =	simm.s32 $0x400;
	s26 =	sadd.s32 s21, s1;
	[dreg:$0xa] =	wrdreg s23  }
0x15: {  	s19 =	simm.s32 $0x2;
	s2 =	sadd.s32 $0x300, s2;
	[dreg:$0xe] =	wrdreg s26  }
0x16: {  	s22 =	simm.s32 $0xF000;
	s1 =	sadd.s32 s9, s1;
	[dreg:$0xf] =	wrdreg s2  }
0x17: {  	s30 =	sadd.s32 $0x61AC00, s28;
	s9 =	simm.s32 $0x6;
	[dreg:$0x10] =	wrdreg s1  }
0x18: {  	[dreg:$0x11] =	wrdreg s30;
	s1 =	sadd.s32 $0x928000, s28;
	s23 =	simm.s32 $0x4  }
0x19: {  	s26 =	simm.s32 $0x8;
	[dreg:$0x12] =	wrdreg s1;
	s1 =	simm.s32 $0x0  }
.LBB2_1:
0x1a: {  	[dreg:$0x14] =	wrdreg s1  }
0x1b: {  	s0 =	sshrl.u32 @!p0 s3, $0x3;
	s1 =	simm.s32 @!p0 $0x1C0B;
	s2 =	rddreg [dreg:$0x6]  }
0x1c: {  	[spmem:s0], [sflag:s1] =	dma.local @!p0 [hbm:s2], $0x927C  }
0x1d: {  	s0 =	simm.s32 @!p0 $0xB  }
0x1e: {  	_ =	swait.ge @!p0 [sflag:s0], $0x927C  }
0x1f: {  	[sflag:s0] =	ssyncset.done @!p0 $0x0  }
0x20: {  	[sflag:s0] =	ssyncadd.s32 @!p0 $0xFFFF6D84  }
0x21: {  	[bflag:$0x0] =	sbarrier.arrive $0xFFFF  }
0x22: {  	s11 =	simm.s32 $0xB;
	s10 =	rddreg [dreg:$0x7]  }
0x23: {  	[tilespmem:s4], [sflag:$0xB] =	stream.linear.gather [hbm4b:s10+s4], $0x800, $0x38;
	[tilespmem:$0x1B940] =	vst v63  }
0x24: {  	_ =	swait.ge [sflag:s11], $0x800  }
0x25: {  	s15 =	sand.u32 $0x700, s4;
	s16 =	sand.u32 $0x70, s4;
	[sflag:s11] =	ssyncset.done $0x0  }
0x26: {  	s0 =	sor.u32 s16, s15;
	[sflag:s11] =	ssyncadd.s32 $0xFFFFF800  }
0x27: {  	v0 =	vld [tilespmem:s0+$0x0];
	_ =	sdelay $0x2  }
0x28: {  	v1 =	vld [tilespmem:s0+$0x80];
	_ =	sdelay $0x1  }
0x29: {  	v0 =	vmul.u32 $0x3, v0  }
0x2a: {  	s18 =	simm.s32 $0x1000  }
0x2b: {  	s7 =	simm.s32 $0x20;
	s20 =	simm.s32 $0x1800;
	s25 =	simm.s32 $0x2000;
	[tilespmem:s18+$0x0] =	vst v0;
	v2 =	vadd.s32 $0x1, v0  }
0x2c: {  	s8 =	simm.s32 $0x1010;
	s28 =	simm.s32 $0x2800;
	s30 =	simm.s32 $0x3000;
	v1 =	vmul.u32 $0x3, v1;
	v0 =	vadd.s32 $0x2, v0;
	[tilespmem:s20+$0x0] =	vst v2  }
0x2d: {  	s1 =	simm.s32 $0x1810;
	s2 =	simm.s32 $0x2010;
	s16 =	simm.s32 $0x40;
	[tilespmem:s25+$0x0] =	vst v0  }
0x2e: {  	s15 =	simm.s32 $0x10;
	s10 =	simm.s32 $0x3010;
	s11 =	simm.s32 $0x3800;
	v0 =	vadd.s32 $0x1, v1;
	[tilespmem:s28+$0x0] =	vst v1  }
0x2f: {  	s0 =	simm.s32 $0x2810;
	s18 =	sand.u32 $0x700, s7;
	s20 =	sand.u32 $0x70, s15;
	[tilespmem:s30+$0x0] =	vst v0;
	v0 =	vadd.s32 $0x2, v1  }
.LBB2_2:
0x30: {  	s7 =	sor.u32 s20, s18  }
0x31: {  	[tilespmem:s11+$0x0] =	vst v0;
	s11 =	sadd.s32 $0x10, s11;
	s18 =	smov.u32 s16;
	s25 =	sadd.s32 $0x20, s16  }
0x32: {  	p1 =	sne.s32 s16, $0x7E0;
	v0 =	vld [tilespmem:s7+$0x0];
	_ =	sdelay $0x2  }
0x33: {  	v1 =	vld [tilespmem:s7+$0x80];
	_ =	sdelay $0x1  }
0x34: {  	v0 =	vmul.u32 $0x3, v0;
	_ =	sdelay $0x1  }
.Ltmp0:
0x35: {  	[tilespmem:s8+$0x0] =	vst v0;
	v2 =	vadd.s32 $0x1, v0;
	(pc) =	sbr.rel @p1 .LBB2_2-.Ltmp0, $4  }
0x36: {  	v0 =	vadd.s32 $0x2, v0;
	v1 =	vmul.u32 $0x3, v1;
	[tilespmem:s1+$0x0] =	vst v2  }
0x37: {  	s15 =	sadd.s32 $0x10, s15;
	s8 =	sadd.s32 $0x10, s8;
	s1 =	sadd.s32 $0x10, s1;
	[tilespmem:s2+$0x0] =	vst v0  }
0x38: {  	s18 =	sand.u32 $0x700, s18;
	s2 =	sadd.s32 $0x10, s2;
	[tilespmem:s0+$0x0] =	vst v1;
	v0 =	vadd.s32 $0x1, v1;
	s0 =	sadd.s32 $0x10, s0  }
0x39: {  	s20 =	sand.u32 $0x70, s15;
	s16 =	smov.u32 s25;
	[tilespmem:s10+$0x0] =	vst v0;
	v0 =	vadd.s32 $0x2, v1;
	s10 =	sadd.s32 $0x10, s10  }
0x3a: {  	s7 =	sor.u32 s20, s18;
	[tilespmem:s11+$0x0] =	vst v0  }
0x3b: {  	v0 =	vld [tilespmem:s7+$0x0];
	_ =	sdelay $0x2  }
0x3c: {  	v1 =	vld [tilespmem:s7+$0x80];
	_ =	sdelay $0x1  }
0x3d: {  	v0 =	vmul.u32 $0x3, v0;
	_ =	sdelay $0x1  }
0x3e: {  	[tilespmem:s8+$0x0] =	vst v0;
	v2 =	vadd.s32 $0x1, v0  }
0x3f: {  	v1 =	vmul.u32 $0x3, v1;
	v0 =	vadd.s32 $0x2, v0;
	[tilespmem:s1+$0x0] =	vst v2  }
0x40: {  	[tilespmem:s2+$0x0] =	vst v0  }
0x41: {  	v0 =	vadd.s32 $0x1, v1;
	[tilespmem:s0+$0x0] =	vst v1  }
0x42: {  	s7 =	sadd.s32 $0x10, s11;
	[tilespmem:s10+$0x0] =	vst v0;
	v0 =	vadd.s32 $0x2, v1  }
0x43: {  	s8 =	simm.s32 $0x1000;
	s10 =	simm.s32 $0x4000;
	[tilespmem:s7+$0x0] =	vst v0  }
0x44: {  	[tilespmem:s10], [sflag:$0x3] =	stream.indirect.gather [spmem:s3], $0x1, s8, s24, $0xb8;
	[tilespmem:$0x1B940] =	vst v63  }
0x45: {  	s15 =	simm.s32 $0x4800;
	s11 =	simm.s32 $0x1800  }
0x46: {  	[tilespmem:s15], [sflag:$0x3] =	stream.indirect.gather [spmem:s3], $0x1, s11, s24, $0xb8;
	[tilespmem:$0x1B940] =	vst v63  }
0x47: {  	s16 =	simm.s32 $0x2000;
	s18 =	simm.s32 $0x5000  }
0x48: {  	[tilespmem:s18], [sflag:$0x3] =	stream.indirect.gather [spmem:s3], $0x1, s16, s24, $0xb8;
	[tilespmem:$0x1B940] =	vst v63  }
0x49: {  	s20 =	simm.s32 $0x2800;
	s25 =	simm.s32 $0x5800  }
0x4a: {  	[tilespmem:s25], [sflag:$0x3] =	stream.indirect.gather [spmem:s3], $0x1, s20, s24, $0xb8;
	[tilespmem:$0x1B940] =	vst v63  }
0x4b: {  	s28 =	simm.s32 $0x3000;
	s30 =	simm.s32 $0x6000  }
0x4c: {  	[tilespmem:s30], [sflag:$0x3] =	stream.indirect.gather [spmem:s3], $0x1, s28, s24, $0xb8;
	[tilespmem:$0x1B940] =	vst v63  }
0x4d: {  	s2 =	simm.s32 $0x3800;
	s7 =	simm.s32 $0x6800  }
0x4e: {  	[tilespmem:s7], [sflag:$0x3] =	stream.indirect.gather [spmem:s3], $0x1, s2, s24, $0xb8;
	[tilespmem:$0x1B940] =	vst v63  }
0x4f: {  	s8 =	simm.s32 $0x0;
	s10 =	rddreg [dreg:$0x8];
	s11 =	simm.s32 $0x800  }
0x50: {  	[tilespmem:s11], [sflag:$0x2] =	stream.linear.gather [hbm4b:s10+s8], $0x800, $0x38;
	[tilespmem:$0x1B940] =	vst v63  }
0x51: {  	_ =	swait.ge [sflag:s17], $0x400  }
0x52: {  	[sflag:s17] =	ssyncset.done $0x0  }
0x53: {  	[sflag:s17] =	ssyncadd.s32 $0xFFFFFC00  }
0x54: {  	_ =	swait.ge [sflag:s17], $0x400  }
0x55: {  	[sflag:s17] =	ssyncset.done $0x0  }
0x56: {  	[sflag:s17] =	ssyncadd.s32 $0xFFFFFC00  }
0x57: {  	_ =	swait.ge [sflag:s17], $0x400  }
0x58: {  	[sflag:s17] =	ssyncset.done $0x0  }
0x59: {  	[sflag:s17] =	ssyncadd.s32 $0xFFFFFC00  }
0x5a: {  	_ =	swait.ge [sflag:s17], $0x400  }
0x5b: {  	[sflag:s17] =	ssyncset.done $0x0  }
0x5c: {  	[sflag:s17] =	ssyncadd.s32 $0xFFFFFC00  }
0x5d: {  	_ =	swait.ge [sflag:s17], $0x400  }
0x5e: {  	[sflag:s17] =	ssyncset.done $0x0  }
0x5f: {  	[sflag:s17] =	ssyncadd.s32 $0xFFFFFC00  }
0x60: {  	_ =	swait.ge [sflag:s17], $0x400  }
0x61: {  	[sflag:s17] =	ssyncset.done $0x0  }
0x62: {  	[sflag:s17] =	ssyncadd.s32 $0xFFFFFC00  }
0x63: {  	_ =	swait.ge [sflag:s19], $0x800  }
0x64: {  	s0 =	sand.u32 $0x70, s8;
	s16 =	sand.u32 $0x700, s8;
	[sflag:s19] =	ssyncset.done $0x0  }
0x65: {  	s0 =	sor.u32 s0, s16;
	s15 =	rddreg [dreg:$0x9];
	[sflag:s19] =	ssyncadd.s32 $0xFFFFF800  }
0x66: {  	[tilespmem:s22], [sflag:$0x7] =	stream.linear.gather [hbm4b:s15+s8], $0x4000, $0x38;
	[tilespmem:$0x1B940] =	vst v63  }
0x67: {  	v0 =	vld [tilespmem:s0+$0x800];
	_ =	sdelay $0x2  }
0x68: {  	v1 =	vld [tilespmem:s0+$0x880];
	_ =	sdelay $0x1  }
0x69: {  	v0 =	vmul.u32 $0x3, v0  }
0x6a: {  	s18 =	simm.s32 $0x1400  }
0x6b: {  	s1 =	simm.s32 $0x1C10;
	s16 =	simm.s32 $0x40;
	s20 =	simm.s32 $0x1C00;
	[tilespmem:s18+$0x0] =	vst v0;
	v2 =	vadd.s32 $0x1, v0  }
0x6c: {  	s25 =	simm.s32 $0x2C00;
	s28 =	simm.s32 $0x2400;
	s30 =	simm.s32 $0x20;
	v1 =	vmul.u32 $0x3, v1;
	v0 =	vadd.s32 $0x2, v0;
	[tilespmem:s20+$0x0] =	vst v2  }
0x6d: {  	s7 =	simm.s32 $0x3400;
	s2 =	simm.s32 $0x2C10;
	s10 =	simm.s32 $0x1410;
	[tilespmem:s28+$0x0] =	vst v0  }
0x6e: {  	s11 =	simm.s32 $0x3410;
	s8 =	simm.s32 $0x2410;
	s15 =	simm.s32 $0x10;
	v0 =	vadd.s32 $0x1, v1;
	[tilespmem:s25+$0x0] =	vst v1  }
0x6f: {  	s0 =	simm.s32 $0x3C00;
	s18 =	sand.u32 $0x700, s30;
	s20 =	sand.u32 $0x70, s15;
	[tilespmem:s7+$0x0] =	vst v0;
	v0 =	vadd.s32 $0x2, v1  }
.LBB2_4:
0x70: {  	s7 =	sor.u32 s20, s18  }
0x71: {  	[tilespmem:s0+$0x0] =	vst v0;
	s0 =	sadd.s32 $0x10, s0;
	s18 =	smov.u32 s16;
	s25 =	sadd.s32 $0x20, s16  }
0x72: {  	p1 =	sne.s32 s16, $0x7E0;
	v0 =	vld [tilespmem:s7+$0x800];
	_ =	sdelay $0x2  }
0x73: {  	v1 =	vld [tilespmem:s7+$0x880];
	_ =	sdelay $0x1  }
0x74: {  	v0 =	vmul.u32 $0x3, v0;
	_ =	sdelay $0x1  }
.Ltmp1:
0x75: {  	[tilespmem:s10+$0x0] =	vst v0;
	v2 =	vadd.s32 $0x1, v0;
	(pc) =	sbr.rel @p1 .LBB2_4-.Ltmp1, $4  }
0x76: {  	v0 =	vadd.s32 $0x2, v0;
	v1 =	vmul.u32 $0x3, v1;
	[tilespmem:s1+$0x0] =	vst v2  }
0x77: {  	s15 =	sadd.s32 $0x10, s15;
	s10 =	sadd.s32 $0x10, s10;
	s1 =	sadd.s32 $0x10, s1;
	[tilespmem:s8+$0x0] =	vst v0  }
0x78: {  	s18 =	sand.u32 $0x700, s18;
	s8 =	sadd.s32 $0x10, s8;
	[tilespmem:s2+$0x0] =	vst v1;
	v0 =	vadd.s32 $0x1, v1;
	s2 =	sadd.s32 $0x10, s2  }
0x79: {  	s20 =	sand.u32 $0x70, s15;
	s16 =	smov.u32 s25;
	[tilespmem:s11+$0x0] =	vst v0;
	v0 =	vadd.s32 $0x2, v1;
	s11 =	sadd.s32 $0x10, s11  }
0x7a: {  	s7 =	sor.u32 s20, s18;
	[tilespmem:s0+$0x0] =	vst v0  }
0x7b: {  	v0 =	vld [tilespmem:s7+$0x800];
	_ =	sdelay $0x2  }
0x7c: {  	v1 =	vld [tilespmem:s7+$0x880];
	_ =	sdelay $0x1  }
0x7d: {  	v0 =	vmul.u32 $0x3, v0;
	_ =	sdelay $0x1  }
0x7e: {  	[tilespmem:s10+$0x0] =	vst v0;
	v2 =	vadd.s32 $0x1, v0  }
0x7f: {  	v1 =	vmul.u32 $0x3, v1;
	v0 =	vadd.s32 $0x2, v0;
	[tilespmem:s1+$0x0] =	vst v2  }
0x80: {  	[tilespmem:s8+$0x0] =	vst v0  }
0x81: {  	v0 =	vadd.s32 $0x1, v1;
	[tilespmem:s2+$0x0] =	vst v1  }
0x82: {  	s10 =	sadd.s32 $0x10, s0;
	[tilespmem:s11+$0x0] =	vst v0;
	v0 =	vadd.s32 $0x2, v1  }
0x83: {  	s15 =	simm.s32 $0x4400;
	s11 =	simm.s32 $0x1400;
	[tilespmem:s10+$0x0] =	vst v0  }
0x84: {  	[tilespmem:s15], [sflag:$0x4] =	stream.indirect.gather [spmem:s3], $0x1, s11, s24, $0xb8;
	[tilespmem:$0x1B940] =	vst v63  }
0x85: {  	s16 =	simm.s32 $0x1C00;
	s18 =	simm.s32 $0x4C00  }
0x86: {  	[tilespmem:s18], [sflag:$0x4] =	stream.indirect.gather [spmem:s3], $0x1, s16, s24, $0xb8;
	[tilespmem:$0x1B940] =	vst v63  }
0x87: {  	s20 =	simm.s32 $0x2400;
	s25 =	simm.s32 $0x5400  }
0x88: {  	[tilespmem:s25], [sflag:$0x4] =	stream.indirect.gather [spmem:s3], $0x1, s20, s24, $0xb8;
	[tilespmem:$0x1B940] =	vst v63  }
0x89: {  	s28 =	simm.s32 $0x2C00;
	s30 =	simm.s32 $0x5C00  }
0x8a: {  	[tilespmem:s30], [sflag:$0x4] =	stream.indirect.gather [spmem:s3], $0x1, s28, s24, $0xb8;
	[tilespmem:$0x1B940] =	vst v63  }
0x8b: {  	s1 =	simm.s32 $0x3400;
	s2 =	simm.s32 $0x6400  }
0x8c: {  	[tilespmem:s2], [sflag:$0x4] =	stream.indirect.gather [spmem:s3], $0x1, s1, s24, $0xb8;
	[tilespmem:$0x1B940] =	vst v63  }
0x8d: {  	s7 =	simm.s32 $0x3C00;
	s8 =	simm.s32 $0x6C00  }
0x8e: {  	[tilespmem:s8], [sflag:$0x4] =	stream.indirect.gather [spmem:s3], $0x1, s7, s24, $0xb8;
	[tilespmem:$0x1B940] =	vst v63  }
0x8f: {  	s10 =	rddreg [dreg:$0xa];
	s11 =	simm.s32 $0x0;
	s15 =	simm.s32 $0x5800  }
0x90: {  	[tilespmem:s11], [sflag:$0x1] =	stream.linear.gather [hbm4b:s10+s11], $0x800, $0x38;
	[tilespmem:$0x1B940] =	vst v63  }
0x91: {  	s16 =	simm.s32 $0x4800;
	v0 =	vld [tilespmem:s15+$0x0]  }
0x92: {  	s18 =	simm.s32 $0x6000;
	v1 =	vld [tilespmem:s16+$0x0]  }
0x93: {  	s20 =	simm.s32 $0x4000;
	v2 =	vld [tilespmem:s18+$0x0]  }
0x94: {  	s25 =	simm.s32 $0x5000;
	v3 =	vld [tilespmem:s20+$0x0]  }
0x95: {  	s15 =	simm.s32 $0x6800;
	v4 =	vld [tilespmem:s25+$0x0]  }
0x96: {  	v5 =	vld [tilespmem:s15+$0x0];
	_ =	sdelay $0x2  }
0x97: {  	v0 =	vsub.f32 v3, v0;
	v1 =	vsub.f32 v1, v2;
	_ =	sdelay $0x1  }
0x98: {  	v2 =	vsub.f32 v4, v5;
	v0 =	vmul.f32 v0, v0;
	v1 =	vmul.f32 v1, v1;
	_ =	sdelay $0x1  }
0x99: {  	v0 =	vadd.f32 v1, v0;
	v1 =	vmul.f32 v2, v2;
	_ =	sdelay $0x1  }
0x9a: {  	v0 =	vadd.f32 v1, v0;
	_ =	sdelay $0x1  }
0x9b: {  	v1 =	vshrl.u32 v0, $0x1;
	v2 =	vmul.f32 $5.000000000e-01, v0  }
0x9c: {  	v1 =	vsub.s32 $0x5F3759DF, v1  }
0x9d: {  	v3 =	vmul.f32 v1, v2;
	_ =	sdelay $0x1  }
0x9e: {  	v3 =	vmul.f32 v1, v3;
	_ =	sdelay $0x1  }
0x9f: {  	v3 =	vsub.f32 $1.500000000e+00, v3;
	_ =	sdelay $0x1  }
0xa0: {  	v1 =	vmul.f32 v1, v3;
	_ =	sdelay $0x1  }
0xa1: {  	v3 =	vmul.f32 v1, v2;
	_ =	sdelay $0x1  }
0xa2: {  	v3 =	vmul.f32 v3, v1;
	_ =	sdelay $0x1  }
0xa3: {  	v3 =	vsub.f32 $1.500000000e+00, v3;
	_ =	sdelay $0x1  }
0xa4: {  	v1 =	vmul.f32 v3, v1;
	_ =	sdelay $0x1  }
0xa5: {  	v2 =	vmul.f32 v1, v2;
	_ =	sdelay $0x1  }
0xa6: {  	v2 =	vmul.f32 v2, v1;
	_ =	sdelay $0x1  }
0xa7: {  	v2 =	vsub.f32 $1.500000000e+00, v2;
	_ =	sdelay $0x1  }
0xa8: {  	v1 =	vmul.f32 v2, v1;
	_ =	sdelay $0x1  }
0xa9: {  	v0 =	vmul.f32 v1, v0;
	_ =	sdelay $0x1  }
0xaa: {  	v1 =	vadd.f32 $-3.733333590e+00, v0;
	v2 =	vadd.f32 $-4.000000000e+00, v0  }
0xab: {  	v3 =	vadd.f32 $-3.200000290e+00, v0;
	v5 =	vadd.f32 $-3.466666940e+00, v0  }
0xac: {  	v6 =	vadd.f32 $-2.933333400e+00, v0;
	v7 =	vadd.f32 $-2.666666750e+00, v0  }
0xad: {  	v56 =	vadd.f32 $-2.400000100e+00, v0;
	v57 =	vadd.f32 $-2.133333440e+00, v0  }
0xae: {  	v58 =	vadd.f32 $-1.866666790e+00, v0;
	v59 =	vadd.f32 $-1.600000140e+00, v0  }
0xaf: {  	v4 =	vmul.f32 v0, v0;
	v60 =	vadd.f32 $-1.333333370e+00, v0;
	v61 =	vadd.f32 $-1.066666720e+00, v0  }
0xb0: {  	v62 =	vadd.f32 $-8.000000710e-01, v0;
	v63 =	vadd.f32 $-5.333333610e-01, v0;
	v1 =	vmul.f32 v1, v1  }
0xb1: {  	v0 =	vadd.f32 $-2.666666810e-01, v0;
	v2 =	vmul.f32 v2, v2;
	v3 =	vmul.f32 v3, v3  }
0xb2: {  	v5 =	vmul.f32 v5, v5;
	v6 =	vmul.f32 v6, v6  }
0xb3: {  	v0 =	vmul.f32 v0, v0;
	v2 =	vmul.f32 $-8.000000000e+00, v2  }
0xb4: {  	v1 =	vmul.f32 $-8.000000000e+00, v1;
	v3 =	vmul.f32 $-8.000000000e+00, v3  }
0xb5: {  	v5 =	vmul.f32 $-8.000000000e+00, v5;
	v2 =	vmul.f32 $1.442695020e+00, v2  }
0xb6: {  	v1 =	vmul.f32 $1.442695020e+00, v1;
	v3 =	vmul.f32 $1.442695020e+00, v3  }
0xb7: {  	v5 =	vmul.f32 $1.442695020e+00, v5;
	(erf) = vpow2.f32 v2  }
0xb8: {  	v2 =	vmul.f32 v7, v7;
	(erf) = vpow2.f32 v1  }
0xb9: {  	v1 =	vmul.f32 $-8.000000000e+00, v6;
	(erf) = vpow2.f32 v5  }
0xba: {  	v2 =	vmul.f32 $-8.000000000e+00, v2;
	(erf) = vpow2.f32 v3  }
0xbb: {  	v3 =	vmul.f32 v56, v56;
	v1 =	vmul.f32 $1.442695020e+00, v1  }
0xbc: {  	v5 =	vmul.f32 v57, v57;
	v2 =	vmul.f32 $1.442695020e+00, v2  }
0xbd: {  	v3 =	vmul.f32 $-8.000000000e+00, v3;
	(erf) = vpow2.f32 v1  }
0xbe: {  	v1 =	vmul.f32 $-8.000000000e+00, v5;
	(erf) = vpow2.f32 v2  }
0xbf: {  	v2 =	vmul.f32 v58, v58;
	v3 =	vmul.f32 $1.442695020e+00, v3  }
0xc0: {  	v5 =	vmul.f32 v59, v59;
	v1 =	vmul.f32 $1.442695020e+00, v1  }
0xc1: {  	v2 =	vmul.f32 $-8.000000000e+00, v2;
	(erf) = vpow2.f32 v3  }
0xc2: {  	v3 =	vmul.f32 $-8.000000000e+00, v5;
	(erf) = vpow2.f32 v1  }
0xc3: {  	v1 =	vmul.f32 v60, v60;
	v2 =	vmul.f32 $1.442695020e+00, v2  }
0xc4: {  	v5 =	vmul.f32 v61, v61;
	v3 =	vmul.f32 $1.442695020e+00, v3  }
0xc5: {  	v1 =	vmul.f32 $-8.000000000e+00, v1;
	(erf) = vpow2.f32 v2  }
0xc6: {  	v2 =	vmul.f32 $-8.000000000e+00, v5;
	v5 =	vmul.f32 v63, v63  }
0xc7: {  	(erf) = vpow2.f32 v3;
	v3 =	vmul.f32 v62, v62  }
0xc8: {  	v1 =	vmul.f32 $1.442695020e+00, v1;
	v2 =	vmul.f32 $1.442695020e+00, v2  }
0xc9: {  	v4 =	vmul.f32 $-8.000000000e+00, v4;
	v3 =	vmul.f32 $-8.000000000e+00, v3  }
0xca: {  	s28 =	sand.u32 $0x1C00, s11;
	s30 =	sand.u32 $0x70, s11;
	(erf) = vpow2.f32 v1;
	v1 =	vmul.f32 $-8.000000000e+00, v5  }
0xcb: {  	s0 =	sor.u32 s30, s28;
	v0 =	vmul.f32 $-8.000000000e+00, v0;
	v5 =	vpop (erf);
	(erf) = vpow2.f32 v2  }
0xcc: {  	[tilespmem:s0+$0x9380] =	vst v5;
	v3 =	vmul.f32 $1.442695020e+00, v3;
	v2 =	vpop (erf);
	v1 =	vmul.f32 $1.442695020e+00, v1  }
0xcd: {  	v0 =	vmul.f32 $1.442695020e+00, v0;
	v5 =	vpop (erf);
	[tilespmem:s0+$0x9300] =	vst v2  }
0xce: {  	[tilespmem:s0+$0x9280] =	vst v5;
	v2 =	vpop (erf);
	(erf) = vpow2.f32 v3;
	v3 =	vmul.f32 $1.442695020e+00, v4  }
0xcf: {  	[tilespmem:s0+$0x9200] =	vst v2;
	v2 =	vpop (erf);
	(erf) = vpow2.f32 v1  }
0xd0: {  	[tilespmem:s0+$0x9180] =	vst v2;
	v1 =	vpop (erf);
	(erf) = vpow2.f32 v3  }
0xd1: {  	[tilespmem:s0+$0x9100] =	vst v1;
	v1 =	vpop (erf);
	(erf) = vpow2.f32 v0  }
0xd2: {  	v0 =	vpop (erf);
	[tilespmem:s0+$0x9080] =	vst v1  }
0xd3: {  	v1 =	vpop (erf);
	[tilespmem:s0+$0x9000] =	vst v0  }
0xd4: {  	v0 =	vpop (erf);
	[tilespmem:s0+$0x7380] =	vst v1  }
0xd5: {  	[tilespmem:s0+$0x7300] =	vst v0;
	v0 =	vpop (erf)  }
0xd6: {  	[tilespmem:s0+$0x7280] =	vst v0;
	v0 =	vpop (erf)  }
0xd7: {  	[tilespmem:s0+$0x7200] =	vst v0;
	v0 =	vpop (erf)  }
0xd8: {  	[tilespmem:s0+$0x7180] =	vst v0;
	v0 =	vpop (erf)  }
0xd9: {  	[tilespmem:s0+$0x7100] =	vst v0;
	v0 =	vpop (erf)  }
0xda: {  	[tilespmem:s0+$0x7000] =	vst v0;
	v0 =	vpop (erf)  }
0xdb: {  	s25 =	simm.s32 $0x5810;
	[tilespmem:s0+$0x7080] =	vst v0  }
0xdc: {  	s2 =	simm.s32 $0x4810;
	v0 =	vld [tilespmem:s25+$0x0]  }
0xdd: {  	s8 =	simm.s32 $0x6010;
	v1 =	vld [tilespmem:s2+$0x0]  }
0xde: {  	s0 =	simm.s32 $0x4010;
	v2 =	vld [tilespmem:s8+$0x0]  }
0xdf: {  	s1 =	simm.s32 $0x5010;
	s10 =	simm.s32 $0x20;
	s16 =	simm.s32 $0x10;
	v3 =	vld [tilespmem:s0+$0x0]  }
.LBB2_6:
0xe0: {  	p1 =	sne.s32 s10, $0x3F0;
	v4 =	vld [tilespmem:s1+$0x0];
	s15 =	sadd.s32 $0x10, s15  }
0xe1: {  	v5 =	vld [tilespmem:s15+$0x0];
	_ =	sdelay $0x2  }
0xe2: {  	v1 =	vsub.f32 v1, v2;
	v0 =	vsub.f32 v3, v0;
	_ =	sdelay $0x1  }
0xe3: {  	v1 =	vmul.f32 v1, v1;
	v2 =	vsub.f32 v4, v5;
	v0 =	vmul.f32 v0, v0;
	_ =	sdelay $0x1  }
0xe4: {  	v0 =	vadd.f32 v1, v0;
	v1 =	vmul.f32 v2, v2;
	_ =	sdelay $0x1  }
0xe5: {  	v0 =	vadd.f32 v1, v0;
	_ =	sdelay $0x1  }
0xe6: {  	v1 =	vshrl.u32 v0, $0x1;
	v2 =	vmul.f32 $5.000000000e-01, v0  }
0xe7: {  	v1 =	vsub.s32 $0x5F3759DF, v1  }
0xe8: {  	v3 =	vmul.f32 v1, v2;
	_ =	sdelay $0x1  }
0xe9: {  	v3 =	vmul.f32 v1, v3;
	_ =	sdelay $0x1  }
0xea: {  	v3 =	vsub.f32 $1.500000000e+00, v3;
	_ =	sdelay $0x1  }
0xeb: {  	v1 =	vmul.f32 v1, v3;
	_ =	sdelay $0x1  }
0xec: {  	v3 =	vmul.f32 v1, v2;
	_ =	sdelay $0x1  }
0xed: {  	v3 =	vmul.f32 v3, v1;
	_ =	sdelay $0x1  }
0xee: {  	v3 =	vsub.f32 $1.500000000e+00, v3;
	_ =	sdelay $0x1  }
0xef: {  	v1 =	vmul.f32 v3, v1;
	_ =	sdelay $0x1  }
0xf0: {  	v2 =	vmul.f32 v1, v2;
	_ =	sdelay $0x1  }
0xf1: {  	v2 =	vmul.f32 v2, v1;
	_ =	sdelay $0x1  }
0xf2: {  	v2 =	vsub.f32 $1.500000000e+00, v2;
	_ =	sdelay $0x1  }
0xf3: {  	v1 =	vmul.f32 v2, v1;
	_ =	sdelay $0x1  }
0xf4: {  	v0 =	vmul.f32 v1, v0;
	_ =	sdelay $0x1  }
0xf5: {  	v1 =	vmul.f32 v0, v0;
	v2 =	vadd.f32 $-3.733333590e+00, v0;
	v3 =	vadd.f32 $-4.000000000e+00, v0  }
0xf6: {  	v4 =	vadd.f32 $-3.200000290e+00, v0;
	v5 =	vadd.f32 $-3.466666940e+00, v0  }
0xf7: {  	v6 =	vadd.f32 $-2.933333400e+00, v0;
	v2 =	vmul.f32 v2, v2;
	v3 =	vmul.f32 v3, v3  }
0xf8: {  	v7 =	vadd.f32 $-2.666666750e+00, v0;
	v4 =	vmul.f32 v4, v4;
	v5 =	vmul.f32 v5, v5  }
0xf9: {  	v8 =	vadd.f32 $-2.400000100e+00, v0;
	v2 =	vmul.f32 $-8.000000000e+00, v2;
	v3 =	vmul.f32 $-8.000000000e+00, v3  }
0xfa: {  	v9 =	vadd.f32 $-2.133333440e+00, v0;
	v4 =	vmul.f32 $-8.000000000e+00, v4;
	v5 =	vmul.f32 $-8.000000000e+00, v5  }
0xfb: {  	v10 =	vadd.f32 $-1.866666790e+00, v0;
	v2 =	vmul.f32 $1.442695020e+00, v2;
	v3 =	vmul.f32 $1.442695020e+00, v3  }
0xfc: {  	v11 =	vadd.f32 $-1.600000140e+00, v0;
	v4 =	vmul.f32 $1.442695020e+00, v4;
	v5 =	vmul.f32 $1.442695020e+00, v5  }
0xfd: {  	v12 =	vadd.f32 $-1.333333370e+00, v0;
	v6 =	vmul.f32 v6, v6;
	(erf) = vpow2.f32 v3  }
0xfe: {  	v7 =	vmul.f32 v7, v7;
	v3 =	vadd.f32 $-1.066666720e+00, v0;
	(erf) = vpow2.f32 v2  }
0xff: {  	v6 =	vmul.f32 $-8.000000000e+00, v6;
	v2 =	vadd.f32 $-8.000000710e-01, v0;
	(erf) = vpow2.f32 v5  }
0x100: {  	v7 =	vmul.f32 $-8.000000000e+00, v7;
	v5 =	vadd.f32 $-5.333333610e-01, v0;
	(erf) = vpow2.f32 v4  }
0x101: {  	v6 =	vmul.f32 $1.442695020e+00, v6;
	v0 =	vadd.f32 $-2.666666810e-01, v0;
	v4 =	vmul.f32 v8, v8  }
0x102: {  	v7 =	vmul.f32 $1.442695020e+00, v7;
	v8 =	vmul.f32 v9, v9  }
0x103: {  	v4 =	vmul.f32 $-8.000000000e+00, v4;
	(erf) = vpow2.f32 v6  }
0x104: {  	s11 =	sadd.s32 $0x80, s11;
	v6 =	vmul.f32 $-8.000000000e+00, v8;
	(erf) = vpow2.f32 v7  }
0x105: {  	s18 =	sand.u32 $0x70, s16;
	s16 =	smov.u32 s10;
	s7 =	sand.u32 $0x1C00, s11;
	v7 =	vmul.f32 v10, v10;
	v10 =	vmul.f32 $1.442695020e+00, v4  }
0x106: {  	s18 =	sor.u32 s18, s7;
	v8 =	vmul.f32 v11, v11;
	v6 =	vmul.f32 $1.442695020e+00, v6;
	v9 =	vpop (erf)  }
0x107: {  	v7 =	vmul.f32 $-8.000000000e+00, v7;
	[tilespmem:s18+$0x9380] =	vst v9;
	(erf) = vpow2.f32 v10;
	v4 =	vpop (erf)  }
0x108: {  	v8 =	vmul.f32 $-8.000000000e+00, v8;
	[tilespmem:s18+$0x9300] =	vst v4;
	(erf) = vpow2.f32 v6;
	v4 =	vpop (erf)  }
0x109: {  	v9 =	vmul.f32 v12, v12;
	v7 =	vmul.f32 $1.442695020e+00, v7;
	[tilespmem:s18+$0x9280] =	vst v4;
	v4 =	vpop (erf)  }
0x10a: {  	v3 =	vmul.f32 v3, v3;
	v8 =	vmul.f32 $1.442695020e+00, v8;
	[tilespmem:s18+$0x9200] =	vst v4  }
0x10b: {  	v4 =	vmul.f32 $-8.000000000e+00, v9;
	(erf) = vpow2.f32 v7  }
0x10c: {  	v3 =	vmul.f32 $-8.000000000e+00, v3;
	(erf) = vpow2.f32 v8;
	v6 =	vpop (erf)  }
0x10d: {  	v2 =	vmul.f32 v2, v2;
	v4 =	vmul.f32 $1.442695020e+00, v4;
	[tilespmem:s18+$0x9180] =	vst v6;
	v6 =	vpop (erf)  }
0x10e: {  	v5 =	vmul.f32 v5, v5;
	v7 =	vmul.f32 $1.442695020e+00, v3;
	[tilespmem:s18+$0x9100] =	vst v6  }
0x10f: {  	v2 =	vmul.f32 $-8.000000000e+00, v2;
	(erf) = vpow2.f32 v4  }
0x110: {  	v4 =	vmul.f32 $-8.000000000e+00, v5;
	(erf) = vpow2.f32 v7;
	v3 =	vpop (erf)  }
0x111: {  	v0 =	vmul.f32 v0, v0;
	v5 =	vmul.f32 $1.442695020e+00, v2;
	[tilespmem:s18+$0x9080] =	vst v3;
	v3 =	vpop (erf)  }
0x112: {  	v1 =	vmul.f32 $-8.000000000e+00, v1;
	v4 =	vmul.f32 $1.442695020e+00, v4;
	[tilespmem:s18+$0x9000] =	vst v3  }
0x113: {  	v0 =	vmul.f32 $-8.000000000e+00, v0;
	(erf) = vpow2.f32 v5  }
0x114: {  	v1 =	vmul.f32 $1.442695020e+00, v1;
	(erf) = vpow2.f32 v4;
	v2 =	vpop (erf)  }
0x115: {  	v3 =	vmul.f32 $1.442695020e+00, v0;
	[tilespmem:s18+$0x7380] =	vst v2;
	v2 =	vpop (erf)  }
0x116: {  	[tilespmem:s18+$0x7300] =	vst v2;
	(erf) = vpow2.f32 v1  }
0x117: {  	(erf) = vpow2.f32 v3  }
0x118: {  	v0 =	vpop (erf)  }
0x119: {  	[tilespmem:s18+$0x7280] =	vst v0;
	v0 =	vpop (erf)  }
0x11a: {  	[tilespmem:s18+$0x7200] =	vst v0;
	_ =	sdelay $0x1  }
0x11b: {  	v0 =	vpop (erf)  }
0x11c: {  	[tilespmem:s18+$0x7180] =	vst v0;
	v0 =	vpop (erf)  }
0x11d: {  	[tilespmem:s18+$0x7100] =	vst v0  }
0x11e: {  	v0 =	vpop (erf)  }
0x11f: {  	[tilespmem:s18+$0x7000] =	vst v0;
	v0 =	vpop (erf)  }
.Ltmp2:
0x120: {  	s25 =	sadd.s32 $0x10, s25;
	[tilespmem:s18+$0x7080] =	vst v0;
	(pc) =	sbr.rel @p1 .LBB2_6-.Ltmp2, $4  }
0x121: {  	s2 =	sadd.s32 $0x10, s2;
	v0 =	vld [tilespmem:s25+$0x0]  }
0x122: {  	s8 =	sadd.s32 $0x10, s8;
	v1 =	vld [tilespmem:s2+$0x0]  }
0x123: {  	s0 =	sadd.s32 $0x10, s0;
	v2 =	vld [tilespmem:s8+$0x0]  }
0x124: {  	s10 =	sadd.s32 $0x10, s10;
	s1 =	sadd.s32 $0x10, s1;
	v3 =	vld [tilespmem:s0+$0x0]  }
0x125: {  	v4 =	vld [tilespmem:s1+$0x0];
	s0 =	sadd.s32 $0x10, s15  }
0x126: {  	v5 =	vld [tilespmem:s0+$0x0];
	_ =	sdelay $0x2  }
0x127: {  	v1 =	vsub.f32 v1, v2;
	v0 =	vsub.f32 v3, v0;
	_ =	sdelay $0x1  }
0x128: {  	v1 =	vmul.f32 v1, v1;
	v2 =	vsub.f32 v4, v5;
	v0 =	vmul.f32 v0, v0;
	_ =	sdelay $0x1  }
0x129: {  	v0 =	vadd.f32 v1, v0;
	v1 =	vmul.f32 v2, v2;
	_ =	sdelay $0x1  }
0x12a: {  	v0 =	vadd.f32 v1, v0;
	_ =	sdelay $0x1  }
0x12b: {  	v1 =	vshrl.u32 v0, $0x1;
	v2 =	vmul.f32 $5.000000000e-01, v0  }
0x12c: {  	v1 =	vsub.s32 $0x5F3759DF, v1  }
0x12d: {  	v3 =	vmul.f32 v1, v2;
	_ =	sdelay $0x1  }
0x12e: {  	v3 =	vmul.f32 v1, v3;
	_ =	sdelay $0x1  }
0x12f: {  	v3 =	vsub.f32 $1.500000000e+00, v3;
	_ =	sdelay $0x1  }
0x130: {  	v1 =	vmul.f32 v1, v3;
	_ =	sdelay $0x1  }
0x131: {  	v3 =	vmul.f32 v1, v2;
	_ =	sdelay $0x1  }
0x132: {  	v3 =	vmul.f32 v3, v1;
	_ =	sdelay $0x1  }
0x133: {  	v3 =	vsub.f32 $1.500000000e+00, v3;
	_ =	sdelay $0x1  }
0x134: {  	v1 =	vmul.f32 v3, v1;
	_ =	sdelay $0x1  }
0x135: {  	v2 =	vmul.f32 v1, v2;
	_ =	sdelay $0x1  }
0x136: {  	v2 =	vmul.f32 v2, v1;
	_ =	sdelay $0x1  }
0x137: {  	v2 =	vsub.f32 $1.500000000e+00, v2;
	_ =	sdelay $0x1  }
0x138: {  	v1 =	vmul.f32 v2, v1;
	_ =	sdelay $0x1  }
0x139: {  	v0 =	vmul.f32 v1, v0;
	_ =	sdelay $0x1  }
0x13a: {  	v1 =	vadd.f32 $-3.733333590e+00, v0;
	v2 =	vadd.f32 $-4.000000000e+00, v0  }
0x13b: {  	v3 =	vadd.f32 $-3.200000290e+00, v0;
	v48 =	vmul.f32 v0, v0;
	v49 =	vadd.f32 $-3.466666940e+00, v0  }
0x13c: {  	v6 =	vadd.f32 $-2.933333400e+00, v0;
	v51 =	vadd.f32 $-2.133333440e+00, v0;
	v1 =	vmul.f32 v1, v1  }
0x13d: {  	v54 =	vadd.f32 $-1.600000140e+00, v0;
	v2 =	vmul.f32 v2, v2;
	v3 =	vmul.f32 v3, v3  }
0x13e: {  	v5 =	vmul.f32 v49, v49;
	v6 =	vmul.f32 v6, v6  }
0x13f: {  	v52 =	vmul.f32 v51, v51;
	v55 =	vmul.f32 v54, v54  }
0x140: {  	v1 =	vmul.f32 $-8.000000000e+00, v1;
	v2 =	vmul.f32 $-8.000000000e+00, v2  }
0x141: {  	v3 =	vmul.f32 $-8.000000000e+00, v3;
	v5 =	vmul.f32 $-8.000000000e+00, v5  }
0x142: {  	v7 =	vadd.f32 $-2.666666750e+00, v0;
	v1 =	vmul.f32 $1.442695020e+00, v1;
	v2 =	vmul.f32 $1.442695020e+00, v2  }
0x143: {  	v3 =	vmul.f32 $1.442695020e+00, v3;
	v5 =	vmul.f32 $1.442695020e+00, v5  }
0x144: {  	(erf) = vpow2.f32 v2;
	v2 =	vmul.f32 v7, v7  }
0x145: {  	v50 =	vadd.f32 $-2.400000100e+00, v0;
	(erf) = vpow2.f32 v1;
	v1 =	vmul.f32 $-8.000000000e+00, v6  }
0x146: {  	v57 =	vadd.f32 $-1.066666720e+00, v0;
	(erf) = vpow2.f32 v5;
	v2 =	vmul.f32 $-8.000000000e+00, v2  }
0x147: {  	(erf) = vpow2.f32 v3;
	v3 =	vmul.f32 v50, v50  }
0x148: {  	v58 =	vmul.f32 v57, v57;
	v1 =	vmul.f32 $1.442695020e+00, v1  }
0x149: {  	v53 =	vadd.f32 $-1.866666790e+00, v0;
	v2 =	vmul.f32 $1.442695020e+00, v2;
	v3 =	vmul.f32 $-8.000000000e+00, v3  }
0x14a: {  	v60 =	vadd.f32 $-5.333333610e-01, v0;
	(erf) = vpow2.f32 v1;
	v1 =	vmul.f32 $-8.000000000e+00, v52  }
0x14b: {  	(erf) = vpow2.f32 v2;
	v2 =	vmul.f32 v53, v53  }
0x14c: {  	v56 =	vadd.f32 $-1.333333370e+00, v0;
	v61 =	vmul.f32 v60, v60;
	v3 =	vmul.f32 $1.442695020e+00, v3  }
0x14d: {  	v59 =	vadd.f32 $-8.000000710e-01, v0;
	v1 =	vmul.f32 $1.442695020e+00, v1;
	v2 =	vmul.f32 $-8.000000000e+00, v2  }
0x14e: {  	v0 =	vadd.f32 $-2.666666810e-01, v0;
	(erf) = vpow2.f32 v3;
	v3 =	vmul.f32 $-8.000000000e+00, v55  }
0x14f: {  	(erf) = vpow2.f32 v1;
	v1 =	vmul.f32 v56, v56  }
0x150: {  	v0 =	vmul.f32 v0, v0;
	v2 =	vmul.f32 $1.442695020e+00, v2  }
0x151: {  	v3 =	vmul.f32 $1.442695020e+00, v3;
	v1 =	vmul.f32 $-8.000000000e+00, v1  }
0x152: {  	(erf) = vpow2.f32 v2;
	v2 =	vmul.f32 $-8.000000000e+00, v58  }
0x153: {  	(erf) = vpow2.f32 v3;
	v3 =	vmul.f32 v59, v59  }
0x154: {  	v1 =	vmul.f32 $1.442695020e+00, v1;
	v2 =	vmul.f32 $1.442695020e+00, v2  }
0x155: {  	s20 =	sadd.s32 $0x80, s11;
	v4 =	vmul.f32 $-8.000000000e+00, v48;
	v3 =	vmul.f32 $-8.000000000e+00, v3  }
0x156: {  	s25 =	sand.u32 $0x70, s16;
	s0 =	sand.u32 $0x1C00, s20;
	(erf) = vpow2.f32 v1;
	v1 =	vmul.f32 $-8.000000000e+00, v61  }
0x157: {  	s0 =	sor.u32 s25, s0;
	v0 =	vmul.f32 $-8.000000000e+00, v0;
	v62 =	vpop (erf);
	(erf) = vpow2.f32 v2  }
0x158: {  	[tilespmem:s0+$0x9380] =	vst v62;
	v3 =	vmul.f32 $1.442695020e+00, v3;
	v2 =	vpop (erf);
	v1 =	vmul.f32 $1.442695020e+00, v1  }
0x159: {  	v0 =	vmul.f32 $1.442695020e+00, v0;
	v63 =	vpop (erf);
	[tilespmem:s0+$0x9300] =	vst v2  }
0x15a: {  	[tilespmem:s0+$0x9280] =	vst v63;
	v2 =	vpop (erf);
	(erf) = vpow2.f32 v3;
	v3 =	vmul.f32 $1.442695020e+00, v4  }
0x15b: {  	[tilespmem:s0+$0x9200] =	vst v2;
	v2 =	vpop (erf);
	(erf) = vpow2.f32 v1  }
0x15c: {  	[tilespmem:s0+$0x9180] =	vst v2;
	v1 =	vpop (erf);
	(erf) = vpow2.f32 v3  }
0x15d: {  	[tilespmem:s0+$0x9100] =	vst v1;
	v1 =	vpop (erf);
	(erf) = vpow2.f32 v0  }
0x15e: {  	v0 =	vpop (erf);
	[tilespmem:s0+$0x9080] =	vst v1  }
0x15f: {  	v1 =	vpop (erf);
	[tilespmem:s0+$0x9000] =	vst v0  }
0x160: {  	v0 =	vpop (erf);
	[tilespmem:s0+$0x7380] =	vst v1  }
0x161: {  	[tilespmem:s0+$0x7300] =	vst v0;
	v0 =	vpop (erf)  }
0x162: {  	[tilespmem:s0+$0x7280] =	vst v0;
	v0 =	vpop (erf)  }
0x163: {  	[tilespmem:s0+$0x7200] =	vst v0;
	v0 =	vpop (erf)  }
0x164: {  	[tilespmem:s0+$0x7180] =	vst v0;
	v0 =	vpop (erf)  }
0x165: {  	[tilespmem:s0+$0x7100] =	vst v0;
	v0 =	vpop (erf)  }
0x166: {  	[tilespmem:s0+$0x7000] =	vst v0;
	v0 =	vpop (erf)  }
0x167: {  	s28 =	simm.s32 $0x7;
	[tilespmem:s0+$0x7080] =	vst v0  }
0x168: {  	_ =	swait.ge [sflag:s28], $0x4000  }
0x169: {  	[sflag:s28] =	ssyncset.done $0x0  }
0x16a: {  	s30 =	simm.s32 $0x0;
	s2 =	rddreg [dreg:$0xb];
	[sflag:s28] =	ssyncadd.s32 $0xFFFFC000  }
0x16b: {  	[hbm4b:s2+s30] =	stream.linear.scatter [tilespmem:s22], [sflag:$0x9], $0x4000, $0x38;
	[tilespmem:$0x1B940] =	vst v63  }
0x16c: {  	s7 =	rddreg [dreg:$0xc];
	s2 =	simm.s32 $0x7000  }
0x16d: {  	[hbm4b:s7+s30] =	stream.linear.scatter [tilespmem:s2], [sflag:$0x5], $0x2000, $0x38;
	[tilespmem:$0x1B940] =	vst v63  }
0x16e: {  	s10 =	simm.s32 $0x9000;
	s8 =	rddreg [dreg:$0xd]  }
0x16f: {  	[hbm4b:s8+s30] =	stream.linear.scatter [tilespmem:s10], [sflag:$0x5], $0x2000, $0x38;
	[tilespmem:$0x1B940] =	vst v63  }
0x170: {  	_ =	swait.ge [sflag:s23], $0x400  }
0x171: {  	[sflag:s23] =	ssyncset.done $0x0  }
0x172: {  	[sflag:s23] =	ssyncadd.s32 $0xFFFFFC00  }
0x173: {  	_ =	swait.ge [sflag:s23], $0x400  }
0x174: {  	[sflag:s23] =	ssyncset.done $0x0  }
0x175: {  	[sflag:s23] =	ssyncadd.s32 $0xFFFFFC00  }
0x176: {  	_ =	swait.ge [sflag:s23], $0x400  }
0x177: {  	[sflag:s23] =	ssyncset.done $0x0  }
0x178: {  	[sflag:s23] =	ssyncadd.s32 $0xFFFFFC00  }
0x179: {  	_ =	swait.ge [sflag:s23], $0x400  }
0x17a: {  	[sflag:s23] =	ssyncset.done $0x0  }
0x17b: {  	[sflag:s23] =	ssyncadd.s32 $0xFFFFFC00  }
0x17c: {  	_ =	swait.ge [sflag:s23], $0x400  }
0x17d: {  	[sflag:s23] =	ssyncset.done $0x0  }
0x17e: {  	[sflag:s23] =	ssyncadd.s32 $0xFFFFFC00  }
0x17f: {  	_ =	swait.ge [sflag:s23], $0x400  }
0x180: {  	[sflag:s23] =	ssyncset.done $0x0  }
0x181: {  	s11 =	simm.s32 $0x1;
	[sflag:s23] =	ssyncadd.s32 $0xFFFFFC00  }
0x182: {  	s16 =	simm.s32 $0x13000;
	_ =	swait.ge [sflag:s11], $0x800  }
0x183: {  	s18 =	sand.u32 $0x700, s30;
	s0 =	sand.u32 $0x70, s30;
	[sflag:s11] =	ssyncset.done $0x0  }
0x184: {  	s0 =	sor.u32 s0, s18;
	s15 =	rddreg [dreg:$0xe];
	[sflag:s11] =	ssyncadd.s32 $0xFFFFF800  }
0x185: {  	[tilespmem:s16], [sflag:$0x8] =	stream.linear.gather [hbm4b:s15+s30], $0x4000, $0x38;
	[tilespmem:$0x1B940] =	vst v63  }
0x186: {  	v0 =	vld [tilespmem:s0+$0x0];
	_ =	sdelay $0x2  }
0x187: {  	v1 =	vld [tilespmem:s0+$0x80];
	_ =	sdelay $0x1  }
0x188: {  	v0 =	vmul.u32 $0x3, v0  }
0x189: {  	s20 =	simm.s32 $0x1000  }
0x18a: {  	s1 =	simm.s32 $0x1810;
	s25 =	simm.s32 $0x1800;
	s28 =	simm.s32 $0x2000;
	[tilespmem:s20+$0x0] =	vst v0;
	v2 =	vadd.s32 $0x1, v0  }
0x18b: {  	s7 =	simm.s32 $0x3000;
	s2 =	simm.s32 $0x2810;
	s8 =	simm.s32 $0x2800;
	v1 =	vmul.u32 $0x3, v1;
	v0 =	vadd.s32 $0x2, v0;
	[tilespmem:s25+$0x0] =	vst v2  }
0x18c: {  	s10 =	simm.s32 $0x1010;
	s11 =	simm.s32 $0x3010;
	s30 =	simm.s32 $0x20;
	[tilespmem:s28+$0x0] =	vst v0  }
0x18d: {  	s16 =	simm.s32 $0x40;
	s15 =	simm.s32 $0x10;
	s0 =	simm.s32 $0x3800;
	v0 =	vadd.s32 $0x1, v1;
	[tilespmem:s8+$0x0] =	vst v1  }
0x18e: {  	s18 =	sand.u32 $0x700, s30;
	s20 =	sand.u32 $0x70, s15;
	s8 =	simm.s32 $0x2010;
	[tilespmem:s7+$0x0] =	vst v0;
	v0 =	vadd.s32 $0x2, v1  }
.LBB2_8:
0x18f: {  	s7 =	sor.u32 s20, s18  }
0x190: {  	[tilespmem:s0+$0x0] =	vst v0;
	s0 =	sadd.s32 $0x10, s0;
	s18 =	smov.u32 s16;
	s25 =	sadd.s32 $0x20, s16  }
0x191: {  	p1 =	sne.s32 s16, $0x7E0;
	v0 =	vld [tilespmem:s7+$0x0];
	_ =	sdelay $0x2  }
0x192: {  	v1 =	vld [tilespmem:s7+$0x80];
	_ =	sdelay $0x1  }
0x193: {  	v0 =	vmul.u32 $0x3, v0;
	_ =	sdelay $0x1  }
.Ltmp3:
0x194: {  	[tilespmem:s10+$0x0] =	vst v0;
	v2 =	vadd.s32 $0x1, v0;
	(pc) =	sbr.rel @p1 .LBB2_8-.Ltmp3, $4  }
0x195: {  	v0 =	vadd.s32 $0x2, v0;
	v1 =	vmul.u32 $0x3, v1;
	[tilespmem:s1+$0x0] =	vst v2  }
0x196: {  	s15 =	sadd.s32 $0x10, s15;
	s10 =	sadd.s32 $0x10, s10;
	s1 =	sadd.s32 $0x10, s1;
	[tilespmem:s8+$0x0] =	vst v0  }
0x197: {  	s18 =	sand.u32 $0x700, s18;
	s8 =	sadd.s32 $0x10, s8;
	[tilespmem:s2+$0x0] =	vst v1;
	v0 =	vadd.s32 $0x1, v1;
	s2 =	sadd.s32 $0x10, s2  }
0x198: {  	s20 =	sand.u32 $0x70, s15;
	s16 =	smov.u32 s25;
	[tilespmem:s11+$0x0] =	vst v0;
	v0 =	vadd.s32 $0x2, v1;
	s11 =	sadd.s32 $0x10, s11  }
0x199: {  	s7 =	sor.u32 s20, s18;
	[tilespmem:s0+$0x0] =	vst v0  }
0x19a: {  	v0 =	vld [tilespmem:s7+$0x0];
	_ =	sdelay $0x2  }
0x19b: {  	v1 =	vld [tilespmem:s7+$0x80];
	_ =	sdelay $0x1  }
0x19c: {  	v0 =	vmul.u32 $0x3, v0;
	_ =	sdelay $0x1  }
0x19d: {  	[tilespmem:s10+$0x0] =	vst v0;
	v2 =	vadd.s32 $0x1, v0  }
0x19e: {  	v1 =	vmul.u32 $0x3, v1;
	v0 =	vadd.s32 $0x2, v0;
	[tilespmem:s1+$0x0] =	vst v2  }
0x19f: {  	[tilespmem:s8+$0x0] =	vst v0  }
0x1a0: {  	v0 =	vadd.s32 $0x1, v1;
	[tilespmem:s2+$0x0] =	vst v1  }
0x1a1: {  	s7 =	sadd.s32 $0x10, s0;
	[tilespmem:s11+$0x0] =	vst v0;
	v0 =	vadd.s32 $0x2, v1  }
0x1a2: {  	s10 =	simm.s32 $0x4000;
	s8 =	simm.s32 $0x1000;
	[tilespmem:s7+$0x0] =	vst v0  }
0x1a3: {  	[tilespmem:s10], [sflag:$0x3] =	stream.indirect.gather [spmem:s3], $0x1, s8, s24, $0xb8;
	[tilespmem:$0x1B940] =	vst v63  }
0x1a4: {  	s15 =	simm.s32 $0x4800;
	s11 =	simm.s32 $0x1800  }
0x1a5: {  	[tilespmem:s15], [sflag:$0x3] =	stream.indirect.gather [spmem:s3], $0x1, s11, s24, $0xb8;
	[tilespmem:$0x1B940] =	vst v63  }
0x1a6: {  	s16 =	simm.s32 $0x2000;
	s18 =	simm.s32 $0x5000  }
0x1a7: {  	[tilespmem:s18], [sflag:$0x3] =	stream.indirect.gather [spmem:s3], $0x1, s16, s24, $0xb8;
	[tilespmem:$0x1B940] =	vst v63  }
0x1a8: {  	s20 =	simm.s32 $0x2800;
	s25 =	simm.s32 $0x5800  }
0x1a9: {  	[tilespmem:s25], [sflag:$0x3] =	stream.indirect.gather [spmem:s3], $0x1, s20, s24, $0xb8;
	[tilespmem:$0x1B940] =	vst v63  }
0x1aa: {  	s28 =	simm.s32 $0x3000;
	s30 =	simm.s32 $0x6000  }
0x1ab: {  	[tilespmem:s30], [sflag:$0x3] =	stream.indirect.gather [spmem:s3], $0x1, s28, s24, $0xb8;
	[tilespmem:$0x1B940] =	vst v63  }
0x1ac: {  	s2 =	simm.s32 $0x3800;
	s7 =	simm.s32 $0x6800;
	s8 =	rddreg [dreg:$0xf]  }
0x1ad: {  	[tilespmem:s7], [sflag:$0x3] =	stream.indirect.gather [spmem:s3], $0x1, s2, s24, $0xb8;
	[tilespmem:$0x1B940] =	vst v63  }
0x1ae: {  	s10 =	simm.s32 $0x800;
	s11 =	simm.s32 $0x0;
	s15 =	simm.s32 $0x5C00  }
0x1af: {  	[tilespmem:s10], [sflag:$0x2] =	stream.linear.gather [hbm4b:s8+s11], $0x800, $0x38;
	[tilespmem:$0x1B940] =	vst v63  }
0x1b0: {  	s16 =	simm.s32 $0x4C00;
	v0 =	vld [tilespmem:s15+$0x0]  }
0x1b1: {  	s18 =	simm.s32 $0x6400;
	v1 =	vld [tilespmem:s16+$0x0]  }
0x1b2: {  	s20 =	simm.s32 $0x4400;
	v2 =	vld [tilespmem:s18+$0x0]  }
0x1b3: {  	s25 =	simm.s32 $0x5400;
	v3 =	vld [tilespmem:s20+$0x0]  }
0x1b4: {  	s15 =	simm.s32 $0x6C00;
	v4 =	vld [tilespmem:s25+$0x0]  }
0x1b5: {  	v5 =	vld [tilespmem:s15+$0x0];
	_ =	sdelay $0x2  }
0x1b6: {  	v0 =	vsub.f32 v3, v0;
	v1 =	vsub.f32 v1, v2;
	_ =	sdelay $0x1  }
0x1b7: {  	v2 =	vsub.f32 v4, v5;
	v0 =	vmul.f32 v0, v0;
	v1 =	vmul.f32 v1, v1;
	_ =	sdelay $0x1  }
0x1b8: {  	v0 =	vadd.f32 v1, v0;
	v1 =	vmul.f32 v2, v2;
	_ =	sdelay $0x1  }
0x1b9: {  	v0 =	vadd.f32 v1, v0;
	_ =	sdelay $0x1  }
0x1ba: {  	v1 =	vshrl.u32 v0, $0x1;
	v2 =	vmul.f32 $5.000000000e-01, v0  }
0x1bb: {  	v1 =	vsub.s32 $0x5F3759DF, v1  }
0x1bc: {  	v3 =	vmul.f32 v1, v2;
	_ =	sdelay $0x1  }
0x1bd: {  	v3 =	vmul.f32 v1, v3;
	_ =	sdelay $0x1  }
0x1be: {  	v3 =	vsub.f32 $1.500000000e+00, v3;
	_ =	sdelay $0x1  }
0x1bf: {  	v1 =	vmul.f32 v1, v3;
	_ =	sdelay $0x1  }
0x1c0: {  	v3 =	vmul.f32 v1, v2;
	_ =	sdelay $0x1  }
0x1c1: {  	v3 =	vmul.f32 v3, v1;
	_ =	sdelay $0x1  }
0x1c2: {  	v3 =	vsub.f32 $1.500000000e+00, v3;
	_ =	sdelay $0x1  }
0x1c3: {  	v1 =	vmul.f32 v3, v1;
	_ =	sdelay $0x1  }
0x1c4: {  	v2 =	vmul.f32 v1, v2;
	_ =	sdelay $0x1  }
0x1c5: {  	v2 =	vmul.f32 v2, v1;
	_ =	sdelay $0x1  }
0x1c6: {  	v2 =	vsub.f32 $1.500000000e+00, v2;
	_ =	sdelay $0x1  }
0x1c7: {  	v1 =	vmul.f32 v2, v1;
	_ =	sdelay $0x1  }
0x1c8: {  	v0 =	vmul.f32 v1, v0;
	_ =	sdelay $0x1  }
0x1c9: {  	v1 =	vadd.f32 $-3.733333590e+00, v0;
	v2 =	vadd.f32 $-4.000000000e+00, v0  }
0x1ca: {  	v3 =	vadd.f32 $-3.200000290e+00, v0;
	v5 =	vadd.f32 $-3.466666940e+00, v0  }
0x1cb: {  	v6 =	vadd.f32 $-2.933333400e+00, v0;
	v7 =	vadd.f32 $-2.666666750e+00, v0  }
0x1cc: {  	v56 =	vadd.f32 $-2.400000100e+00, v0;
	v57 =	vadd.f32 $-2.133333440e+00, v0  }
0x1cd: {  	v58 =	vadd.f32 $-1.866666790e+00, v0;
	v59 =	vadd.f32 $-1.600000140e+00, v0  }
0x1ce: {  	v4 =	vmul.f32 v0, v0;
	v60 =	vadd.f32 $-1.333333370e+00, v0;
	v61 =	vadd.f32 $-1.066666720e+00, v0  }
0x1cf: {  	v62 =	vadd.f32 $-8.000000710e-01, v0;
	v63 =	vadd.f32 $-5.333333610e-01, v0;
	v1 =	vmul.f32 v1, v1  }
0x1d0: {  	v0 =	vadd.f32 $-2.666666810e-01, v0;
	v2 =	vmul.f32 v2, v2;
	v3 =	vmul.f32 v3, v3  }
0x1d1: {  	v5 =	vmul.f32 v5, v5;
	v6 =	vmul.f32 v6, v6  }
0x1d2: {  	v0 =	vmul.f32 v0, v0;
	v2 =	vmul.f32 $-8.000000000e+00, v2  }
0x1d3: {  	v1 =	vmul.f32 $-8.000000000e+00, v1;
	v3 =	vmul.f32 $-8.000000000e+00, v3  }
0x1d4: {  	v5 =	vmul.f32 $-8.000000000e+00, v5;
	v2 =	vmul.f32 $1.442695020e+00, v2  }
0x1d5: {  	v1 =	vmul.f32 $1.442695020e+00, v1;
	v3 =	vmul.f32 $1.442695020e+00, v3  }
0x1d6: {  	v5 =	vmul.f32 $1.442695020e+00, v5;
	(erf) = vpow2.f32 v2  }
0x1d7: {  	v2 =	vmul.f32 v7, v7;
	(erf) = vpow2.f32 v1  }
0x1d8: {  	v1 =	vmul.f32 $-8.000000000e+00, v6;
	(erf) = vpow2.f32 v5  }
0x1d9: {  	v2 =	vmul.f32 $-8.000000000e+00, v2;
	(erf) = vpow2.f32 v3  }
0x1da: {  	v3 =	vmul.f32 v56, v56;
	v1 =	vmul.f32 $1.442695020e+00, v1  }
0x1db: {  	v5 =	vmul.f32 v57, v57;
	v2 =	vmul.f32 $1.442695020e+00, v2  }
0x1dc: {  	v3 =	vmul.f32 $-8.000000000e+00, v3;
	(erf) = vpow2.f32 v1  }
0x1dd: {  	v1 =	vmul.f32 $-8.000000000e+00, v5;
	(erf) = vpow2.f32 v2  }
0x1de: {  	v2 =	vmul.f32 v58, v58;
	v3 =	vmul.f32 $1.442695020e+00, v3  }
0x1df: {  	v5 =	vmul.f32 v59, v59;
	v1 =	vmul.f32 $1.442695020e+00, v1  }
0x1e0: {  	v2 =	vmul.f32 $-8.000000000e+00, v2;
	(erf) = vpow2.f32 v3  }
0x1e1: {  	v3 =	vmul.f32 $-8.000000000e+00, v5;
	(erf) = vpow2.f32 v1  }
0x1e2: {  	v1 =	vmul.f32 v60, v60;
	v2 =	vmul.f32 $1.442695020e+00, v2  }
0x1e3: {  	v5 =	vmul.f32 v61, v61;
	v3 =	vmul.f32 $1.442695020e+00, v3  }
0x1e4: {  	v1 =	vmul.f32 $-8.000000000e+00, v1;
	(erf) = vpow2.f32 v2  }
0x1e5: {  	v2 =	vmul.f32 $-8.000000000e+00, v5;
	v5 =	vmul.f32 v63, v63  }
0x1e6: {  	(erf) = vpow2.f32 v3;
	v3 =	vmul.f32 v62, v62  }
0x1e7: {  	v1 =	vmul.f32 $1.442695020e+00, v1;
	v2 =	vmul.f32 $1.442695020e+00, v2  }
0x1e8: {  	v4 =	vmul.f32 $-8.000000000e+00, v4;
	v3 =	vmul.f32 $-8.000000000e+00, v3  }
0x1e9: {  	s28 =	sand.u32 $0x1C00, s11;
	s30 =	sand.u32 $0x70, s11;
	(erf) = vpow2.f32 v1;
	v1 =	vmul.f32 $-8.000000000e+00, v5  }
0x1ea: {  	s0 =	sor.u32 s30, s28;
	v0 =	vmul.f32 $-8.000000000e+00, v0;
	v5 =	vpop (erf);
	(erf) = vpow2.f32 v2  }
0x1eb: {  	[tilespmem:s0+$0xD380] =	vst v5;
	v3 =	vmul.f32 $1.442695020e+00, v3;
	v2 =	vpop (erf);
	v1 =	vmul.f32 $1.442695020e+00, v1  }
0x1ec: {  	v0 =	vmul.f32 $1.442695020e+00, v0;
	v5 =	vpop (erf);
	[tilespmem:s0+$0xD300] =	vst v2  }
0x1ed: {  	[tilespmem:s0+$0xD280] =	vst v5;
	v2 =	vpop (erf);
	(erf) = vpow2.f32 v3;
	v3 =	vmul.f32 $1.442695020e+00, v4  }
0x1ee: {  	[tilespmem:s0+$0xD200] =	vst v2;
	v2 =	vpop (erf);
	(erf) = vpow2.f32 v1  }
0x1ef: {  	[tilespmem:s0+$0xD180] =	vst v2;
	v1 =	vpop (erf);
	(erf) = vpow2.f32 v3  }
0x1f0: {  	[tilespmem:s0+$0xD100] =	vst v1;
	v1 =	vpop (erf);
	(erf) = vpow2.f32 v0  }
0x1f1: {  	v0 =	vpop (erf);
	[tilespmem:s0+$0xD080] =	vst v1  }
0x1f2: {  	v1 =	vpop (erf);
	[tilespmem:s0+$0xD000] =	vst v0  }
0x1f3: {  	v0 =	vpop (erf);
	[tilespmem:s0+$0xB380] =	vst v1  }
0x1f4: {  	[tilespmem:s0+$0xB300] =	vst v0;
	v0 =	vpop (erf)  }
0x1f5: {  	[tilespmem:s0+$0xB280] =	vst v0;
	v0 =	vpop (erf)  }
0x1f6: {  	[tilespmem:s0+$0xB200] =	vst v0;
	v0 =	vpop (erf)  }
0x1f7: {  	[tilespmem:s0+$0xB180] =	vst v0;
	v0 =	vpop (erf)  }
0x1f8: {  	[tilespmem:s0+$0xB100] =	vst v0;
	v0 =	vpop (erf)  }
0x1f9: {  	[tilespmem:s0+$0xB000] =	vst v0;
	v0 =	vpop (erf)  }
0x1fa: {  	s25 =	simm.s32 $0x5C10;
	[tilespmem:s0+$0xB080] =	vst v0  }
0x1fb: {  	s2 =	simm.s32 $0x4C10;
	v0 =	vld [tilespmem:s25+$0x0]  }
0x1fc: {  	s8 =	simm.s32 $0x6410;
	v1 =	vld [tilespmem:s2+$0x0]  }
0x1fd: {  	s0 =	simm.s32 $0x4410;
	v2 =	vld [tilespmem:s8+$0x0]  }
0x1fe: {  	s1 =	simm.s32 $0x5410;
	s10 =	simm.s32 $0x20;
	s16 =	simm.s32 $0x10;
	v3 =	vld [tilespmem:s0+$0x0]  }
.LBB2_10:
0x1ff: {  	p1 =	sne.s32 s10, $0x3F0;
	v4 =	vld [tilespmem:s1+$0x0];
	s15 =	sadd.s32 $0x10, s15  }
0x200: {  	v5 =	vld [tilespmem:s15+$0x0];
	_ =	sdelay $0x2  }
0x201: {  	v1 =	vsub.f32 v1, v2;
	v0 =	vsub.f32 v3, v0;
	_ =	sdelay $0x1  }
0x202: {  	v1 =	vmul.f32 v1, v1;
	v2 =	vsub.f32 v4, v5;
	v0 =	vmul.f32 v0, v0;
	_ =	sdelay $0x1  }
0x203: {  	v0 =	vadd.f32 v1, v0;
	v1 =	vmul.f32 v2, v2;
	_ =	sdelay $0x1  }
0x204: {  	v0 =	vadd.f32 v1, v0;
	_ =	sdelay $0x1  }
0x205: {  	v1 =	vshrl.u32 v0, $0x1;
	v2 =	vmul.f32 $5.000000000e-01, v0  }
0x206: {  	v1 =	vsub.s32 $0x5F3759DF, v1  }
0x207: {  	v3 =	vmul.f32 v1, v2;
	_ =	sdelay $0x1  }
0x208: {  	v3 =	vmul.f32 v1, v3;
	_ =	sdelay $0x1  }
0x209: {  	v3 =	vsub.f32 $1.500000000e+00, v3;
	_ =	sdelay $0x1  }
0x20a: {  	v1 =	vmul.f32 v1, v3;
	_ =	sdelay $0x1  }
0x20b: {  	v3 =	vmul.f32 v1, v2;
	_ =	sdelay $0x1  }
0x20c: {  	v3 =	vmul.f32 v3, v1;
	_ =	sdelay $0x1  }
0x20d: {  	v3 =	vsub.f32 $1.500000000e+00, v3;
	_ =	sdelay $0x1  }
0x20e: {  	v1 =	vmul.f32 v3, v1;
	_ =	sdelay $0x1  }
0x20f: {  	v2 =	vmul.f32 v1, v2;
	_ =	sdelay $0x1  }
0x210: {  	v2 =	vmul.f32 v2, v1;
	_ =	sdelay $0x1  }
0x211: {  	v2 =	vsub.f32 $1.500000000e+00, v2;
	_ =	sdelay $0x1  }
0x212: {  	v1 =	vmul.f32 v2, v1;
	_ =	sdelay $0x1  }
0x213: {  	v0 =	vmul.f32 v1, v0;
	_ =	sdelay $0x1  }
0x214: {  	v1 =	vmul.f32 v0, v0;
	v2 =	vadd.f32 $-3.733333590e+00, v0;
	v3 =	vadd.f32 $-4.000000000e+00, v0  }
0x215: {  	v4 =	vadd.f32 $-3.200000290e+00, v0;
	v5 =	vadd.f32 $-3.466666940e+00, v0  }
0x216: {  	v6 =	vadd.f32 $-2.933333400e+00, v0;
	v2 =	vmul.f32 v2, v2;
	v3 =	vmul.f32 v3, v3  }
0x217: {  	v7 =	vadd.f32 $-2.666666750e+00, v0;
	v4 =	vmul.f32 v4, v4;
	v5 =	vmul.f32 v5, v5  }
0x218: {  	v8 =	vadd.f32 $-2.400000100e+00, v0;
	v2 =	vmul.f32 $-8.000000000e+00, v2;
	v3 =	vmul.f32 $-8.000000000e+00, v3  }
0x219: {  	v9 =	vadd.f32 $-2.133333440e+00, v0;
	v4 =	vmul.f32 $-8.000000000e+00, v4;
	v5 =	vmul.f32 $-8.000000000e+00, v5  }
0x21a: {  	v10 =	vadd.f32 $-1.866666790e+00, v0;
	v2 =	vmul.f32 $1.442695020e+00, v2;
	v3 =	vmul.f32 $1.442695020e+00, v3  }
0x21b: {  	v11 =	vadd.f32 $-1.600000140e+00, v0;
	v4 =	vmul.f32 $1.442695020e+00, v4;
	v5 =	vmul.f32 $1.442695020e+00, v5  }
0x21c: {  	v12 =	vadd.f32 $-1.333333370e+00, v0;
	v6 =	vmul.f32 v6, v6;
	(erf) = vpow2.f32 v3  }
0x21d: {  	v7 =	vmul.f32 v7, v7;
	v3 =	vadd.f32 $-1.066666720e+00, v0;
	(erf) = vpow2.f32 v2  }
0x21e: {  	v6 =	vmul.f32 $-8.000000000e+00, v6;
	v2 =	vadd.f32 $-8.000000710e-01, v0;
	(erf) = vpow2.f32 v5  }
0x21f: {  	v7 =	vmul.f32 $-8.000000000e+00, v7;
	v5 =	vadd.f32 $-5.333333610e-01, v0;
	(erf) = vpow2.f32 v4  }
0x220: {  	v6 =	vmul.f32 $1.442695020e+00, v6;
	v0 =	vadd.f32 $-2.666666810e-01, v0;
	v4 =	vmul.f32 v8, v8  }
0x221: {  	v7 =	vmul.f32 $1.442695020e+00, v7;
	v8 =	vmul.f32 v9, v9  }
0x222: {  	v4 =	vmul.f32 $-8.000000000e+00, v4;
	(erf) = vpow2.f32 v6  }
0x223: {  	s11 =	sadd.s32 $0x80, s11;
	v6 =	vmul.f32 $-8.000000000e+00, v8;
	(erf) = vpow2.f32 v7  }
0x224: {  	s18 =	sand.u32 $0x70, s16;
	s16 =	smov.u32 s10;
	s7 =	sand.u32 $0x1C00, s11;
	v7 =	vmul.f32 v10, v10;
	v10 =	vmul.f32 $1.442695020e+00, v4  }
0x225: {  	s18 =	sor.u32 s18, s7;
	v8 =	vmul.f32 v11, v11;
	v6 =	vmul.f32 $1.442695020e+00, v6;
	v9 =	vpop (erf)  }
0x226: {  	v7 =	vmul.f32 $-8.000000000e+00, v7;
	[tilespmem:s18+$0xD380] =	vst v9;
	(erf) = vpow2.f32 v10;
	v4 =	vpop (erf)  }
0x227: {  	v8 =	vmul.f32 $-8.000000000e+00, v8;
	[tilespmem:s18+$0xD300] =	vst v4;
	(erf) = vpow2.f32 v6;
	v4 =	vpop (erf)  }
0x228: {  	v9 =	vmul.f32 v12, v12;
	v7 =	vmul.f32 $1.442695020e+00, v7;
	[tilespmem:s18+$0xD280] =	vst v4;
	v4 =	vpop (erf)  }
0x229: {  	v3 =	vmul.f32 v3, v3;
	v8 =	vmul.f32 $1.442695020e+00, v8;
	[tilespmem:s18+$0xD200] =	vst v4  }
0x22a: {  	v4 =	vmul.f32 $-8.000000000e+00, v9;
	(erf) = vpow2.f32 v7  }
0x22b: {  	v3 =	vmul.f32 $-8.000000000e+00, v3;
	(erf) = vpow2.f32 v8;
	v6 =	vpop (erf)  }
0x22c: {  	v2 =	vmul.f32 v2, v2;
	v4 =	vmul.f32 $1.442695020e+00, v4;
	[tilespmem:s18+$0xD180] =	vst v6;
	v6 =	vpop (erf)  }
0x22d: {  	v5 =	vmul.f32 v5, v5;
	v7 =	vmul.f32 $1.442695020e+00, v3;
	[tilespmem:s18+$0xD100] =	vst v6  }
0x22e: {  	v2 =	vmul.f32 $-8.000000000e+00, v2;
	(erf) = vpow2.f32 v4  }
0x22f: {  	v4 =	vmul.f32 $-8.000000000e+00, v5;
	(erf) = vpow2.f32 v7;
	v3 =	vpop (erf)  }
0x230: {  	v0 =	vmul.f32 v0, v0;
	v5 =	vmul.f32 $1.442695020e+00, v2;
	[tilespmem:s18+$0xD080] =	vst v3;
	v3 =	vpop (erf)  }
0x231: {  	v1 =	vmul.f32 $-8.000000000e+00, v1;
	v4 =	vmul.f32 $1.442695020e+00, v4;
	[tilespmem:s18+$0xD000] =	vst v3  }
0x232: {  	v0 =	vmul.f32 $-8.000000000e+00, v0;
	(erf) = vpow2.f32 v5  }
0x233: {  	v1 =	vmul.f32 $1.442695020e+00, v1;
	(erf) = vpow2.f32 v4;
	v2 =	vpop (erf)  }
0x234: {  	v3 =	vmul.f32 $1.442695020e+00, v0;
	[tilespmem:s18+$0xB380] =	vst v2;
	v2 =	vpop (erf)  }
0x235: {  	[tilespmem:s18+$0xB300] =	vst v2;
	(erf) = vpow2.f32 v1  }
0x236: {  	(erf) = vpow2.f32 v3  }
0x237: {  	v0 =	vpop (erf)  }
0x238: {  	[tilespmem:s18+$0xB280] =	vst v0;
	v0 =	vpop (erf)  }
0x239: {  	[tilespmem:s18+$0xB200] =	vst v0;
	_ =	sdelay $0x1  }
0x23a: {  	v0 =	vpop (erf)  }
0x23b: {  	[tilespmem:s18+$0xB180] =	vst v0;
	v0 =	vpop (erf)  }
0x23c: {  	[tilespmem:s18+$0xB100] =	vst v0  }
0x23d: {  	v0 =	vpop (erf)  }
0x23e: {  	[tilespmem:s18+$0xB000] =	vst v0;
	v0 =	vpop (erf)  }
.Ltmp4:
0x23f: {  	s25 =	sadd.s32 $0x10, s25;
	[tilespmem:s18+$0xB080] =	vst v0;
	(pc) =	sbr.rel @p1 .LBB2_10-.Ltmp4, $4  }
0x240: {  	s2 =	sadd.s32 $0x10, s2;
	v0 =	vld [tilespmem:s25+$0x0]  }
0x241: {  	s8 =	sadd.s32 $0x10, s8;
	v1 =	vld [tilespmem:s2+$0x0]  }
0x242: {  	s0 =	sadd.s32 $0x10, s0;
	v2 =	vld [tilespmem:s8+$0x0]  }
0x243: {  	s10 =	sadd.s32 $0x10, s10;
	s1 =	sadd.s32 $0x10, s1;
	v3 =	vld [tilespmem:s0+$0x0]  }
0x244: {  	v4 =	vld [tilespmem:s1+$0x0];
	s0 =	sadd.s32 $0x10, s15  }
0x245: {  	v5 =	vld [tilespmem:s0+$0x0];
	_ =	sdelay $0x2  }
0x246: {  	v1 =	vsub.f32 v1, v2;
	v0 =	vsub.f32 v3, v0;
	_ =	sdelay $0x1  }
0x247: {  	v1 =	vmul.f32 v1, v1;
	v17 =	vsub.f32 v4, v5;
	v0 =	vmul.f32 v0, v0;
	_ =	sdelay $0x1  }
0x248: {  	v0 =	vadd.f32 v1, v0;
	v18 =	vmul.f32 v17, v17;
	_ =	sdelay $0x1  }
0x249: {  	v0 =	vadd.f32 v18, v0;
	_ =	sdelay $0x1  }
0x24a: {  	v1 =	vshrl.u32 v0, $0x1;
	v19 =	vmul.f32 $5.000000000e-01, v0  }
0x24b: {  	v1 =	vsub.s32 $0x5F3759DF, v1  }
0x24c: {  	v20 =	vmul.f32 v1, v19;
	_ =	sdelay $0x1  }
0x24d: {  	v3 =	vmul.f32 v1, v20;
	_ =	sdelay $0x1  }
0x24e: {  	v3 =	vsub.f32 $1.500000000e+00, v3;
	_ =	sdelay $0x1  }
0x24f: {  	v1 =	vmul.f32 v1, v3;
	_ =	sdelay $0x1  }
0x250: {  	v3 =	vmul.f32 v1, v19;
	_ =	sdelay $0x1  }
0x251: {  	v3 =	vmul.f32 v3, v1;
	_ =	sdelay $0x1  }
0x252: {  	v3 =	vsub.f32 $1.500000000e+00, v3;
	_ =	sdelay $0x1  }
0x253: {  	v1 =	vmul.f32 v3, v1;
	_ =	sdelay $0x1  }
0x254: {  	v2 =	vmul.f32 v1, v19;
	_ =	sdelay $0x1  }
0x255: {  	v2 =	vmul.f32 v2, v1;
	_ =	sdelay $0x1  }
0x256: {  	v2 =	vsub.f32 $1.500000000e+00, v2;
	_ =	sdelay $0x1  }
0x257: {  	v1 =	vmul.f32 v2, v1;
	_ =	sdelay $0x1  }
0x258: {  	v0 =	vmul.f32 v1, v0;
	_ =	sdelay $0x1  }
0x259: {  	v1 =	vadd.f32 $-3.733333590e+00, v0;
	v21 =	vadd.f32 $-4.000000000e+00, v0  }
0x25a: {  	v22 =	vadd.f32 $-3.200000290e+00, v0;
	v24 =	vadd.f32 $-3.466666940e+00, v0  }
0x25b: {  	v6 =	vadd.f32 $-2.933333400e+00, v0;
	v7 =	vadd.f32 $-2.666666750e+00, v0  }
0x25c: {  	v23 =	vmul.f32 v0, v0;
	v26 =	vadd.f32 $-2.400000100e+00, v0;
	v28 =	vadd.f32 $-2.133333440e+00, v0  }
0x25d: {  	v31 =	vadd.f32 $-1.866666790e+00, v0;
	v32 =	vadd.f32 $-1.600000140e+00, v0;
	v1 =	vmul.f32 v1, v1  }
0x25e: {  	v36 =	vadd.f32 $-1.333333370e+00, v0;
	v2 =	vmul.f32 v21, v21;
	v3 =	vmul.f32 v22, v22  }
0x25f: {  	v37 =	vadd.f32 $-1.066666720e+00, v0;
	v5 =	vmul.f32 v24, v24;
	v6 =	vmul.f32 v6, v6  }
0x260: {  	v41 =	vadd.f32 $-8.000000710e-01, v0;
	v25 =	vmul.f32 v7, v7;
	v29 =	vmul.f32 v26, v26  }
0x261: {  	v42 =	vadd.f32 $-5.333333610e-01, v0;
	v30 =	vmul.f32 v28, v28;
	v34 =	vmul.f32 v31, v31  }
0x262: {  	v0 =	vadd.f32 $-2.666666810e-01, v0;
	v35 =	vmul.f32 v32, v32;
	v39 =	vmul.f32 v36, v36  }
0x263: {  	v40 =	vmul.f32 v37, v37;
	v44 =	vmul.f32 v41, v41  }
0x264: {  	v45 =	vmul.f32 v42, v42;
	v0 =	vmul.f32 v0, v0  }
0x265: {  	v4 =	vmul.f32 $-8.000000000e+00, v23;
	v1 =	vmul.f32 $-8.000000000e+00, v1  }
0x266: {  	v2 =	vmul.f32 $-8.000000000e+00, v2;
	v3 =	vmul.f32 $-8.000000000e+00, v3  }
0x267: {  	v5 =	vmul.f32 $-8.000000000e+00, v5;
	v27 =	vmul.f32 $-8.000000000e+00, v6  }
0x268: {  	v33 =	vmul.f32 $-8.000000000e+00, v30;
	v2 =	vmul.f32 $1.442695020e+00, v2  }
0x269: {  	v1 =	vmul.f32 $1.442695020e+00, v1;
	v3 =	vmul.f32 $1.442695020e+00, v3  }
0x26a: {  	v5 =	vmul.f32 $1.442695020e+00, v5;
	(erf) = vpow2.f32 v2  }
0x26b: {  	v2 =	vmul.f32 $-8.000000000e+00, v25;
	(erf) = vpow2.f32 v1  }
0x26c: {  	v1 =	vmul.f32 $1.442695020e+00, v27;
	(erf) = vpow2.f32 v5  }
0x26d: {  	v2 =	vmul.f32 $1.442695020e+00, v2;
	(erf) = vpow2.f32 v3  }
0x26e: {  	v3 =	vmul.f32 $-8.000000000e+00, v29;
	(erf) = vpow2.f32 v1  }
0x26f: {  	v38 =	vmul.f32 $-8.000000000e+00, v35;
	(erf) = vpow2.f32 v2  }
0x270: {  	v3 =	vmul.f32 $1.442695020e+00, v3;
	v2 =	vmul.f32 $-8.000000000e+00, v34  }
0x271: {  	v43 =	vmul.f32 $-8.000000000e+00, v40;
	v1 =	vmul.f32 $1.442695020e+00, v33  }
0x272: {  	(erf) = vpow2.f32 v3;
	v2 =	vmul.f32 $1.442695020e+00, v2  }
0x273: {  	v3 =	vmul.f32 $1.442695020e+00, v38;
	(erf) = vpow2.f32 v1  }
0x274: {  	v1 =	vmul.f32 $-8.000000000e+00, v39;
	(erf) = vpow2.f32 v2  }
0x275: {  	s11 =	sadd.s32 $0x80, s11;
	v46 =	vmul.f32 $-8.000000000e+00, v45;
	(erf) = vpow2.f32 v3  }
0x276: {  	s15 =	sand.u32 $0x70, s16;
	s0 =	sand.u32 $0x1C00, s11;
	v1 =	vmul.f32 $1.442695020e+00, v1;
	v3 =	vmul.f32 $-8.000000000e+00, v44  }
0x277: {  	s0 =	sor.u32 s15, s0;
	v0 =	vmul.f32 $-8.000000000e+00, v0;
	v2 =	vmul.f32 $1.442695020e+00, v43;
	v47 =	vpop (erf)  }
0x278: {  	v48 =	vpop (erf);
	[tilespmem:s0+$0xD380] =	vst v47;
	(erf) = vpow2.f32 v1;
	v3 =	vmul.f32 $1.442695020e+00, v3  }
0x279: {  	v49 =	vpop (erf);
	[tilespmem:s0+$0xD300] =	vst v48;
	v1 =	vmul.f32 $1.442695020e+00, v46;
	(erf) = vpow2.f32 v2  }
0x27a: {  	v51 =	vmul.f32 $1.442695020e+00, v4;
	[tilespmem:s0+$0xD280] =	vst v49;
	v50 =	vpop (erf);
	(erf) = vpow2.f32 v3  }
0x27b: {  	v0 =	vmul.f32 $1.442695020e+00, v0;
	[tilespmem:s0+$0xD200] =	vst v50;
	v52 =	vpop (erf);
	(erf) = vpow2.f32 v1  }
0x27c: {  	[tilespmem:s0+$0xD180] =	vst v52;
	v53 =	vpop (erf);
	(erf) = vpow2.f32 v51  }
0x27d: {  	[tilespmem:s0+$0xD100] =	vst v53;
	v54 =	vpop (erf);
	(erf) = vpow2.f32 v0  }
0x27e: {  	v55 =	vpop (erf);
	[tilespmem:s0+$0xD080] =	vst v54  }
0x27f: {  	v56 =	vpop (erf);
	[tilespmem:s0+$0xD000] =	vst v55  }
0x280: {  	v57 =	vpop (erf);
	[tilespmem:s0+$0xB380] =	vst v56  }
0x281: {  	[tilespmem:s0+$0xB300] =	vst v57;
	v58 =	vpop (erf)  }
0x282: {  	[tilespmem:s0+$0xB280] =	vst v58;
	v59 =	vpop (erf)  }
0x283: {  	[tilespmem:s0+$0xB200] =	vst v59;
	v60 =	vpop (erf)  }
0x284: {  	[tilespmem:s0+$0xB180] =	vst v60;
	v61 =	vpop (erf)  }
0x285: {  	[tilespmem:s0+$0xB100] =	vst v61;
	v62 =	vpop (erf)  }
0x286: {  	[tilespmem:s0+$0xB000] =	vst v62;
	v63 =	vpop (erf)  }
0x287: {  	[tilespmem:s0+$0xB080] =	vst v63  }
0x288: {  	_ =	swait.ge [sflag:s26], $0x4000  }
0x289: {  	[sflag:s26] =	ssyncset.done $0x0  }
0x28a: {  	s18 =	simm.s32 $0x13000;
	s16 =	rddreg [dreg:$0x10];
	[sflag:s26] =	ssyncadd.s32 $0xFFFFC000  }
0x28b: {  	[hbm4b:s16+s4] =	stream.linear.scatter [tilespmem:s18], [sflag:$0xA], $0x4000, $0x38;
	[tilespmem:$0x1B940] =	vst v63  }
0x28c: {  	s25 =	simm.s32 $0xB000;
	s20 =	rddreg [dreg:$0x11]  }
0x28d: {  	[hbm4b:s20+s4] =	stream.linear.scatter [tilespmem:s25], [sflag:$0x6], $0x2000, $0x38;
	[tilespmem:$0x1B940] =	vst v63  }
0x28e: {  	s30 =	simm.s32 $0xD000;
	s11 =	simm.s32 $0x1;
	s28 =	rddreg [dreg:$0x12]  }
0x28f: {  	[hbm4b:s28+s4] =	stream.linear.scatter [tilespmem:s30], [sflag:$0x6], $0x2000, $0x38;
	[tilespmem:$0x1B940] =	vst v63  }
.LBB2_12:
0x290: {  	_ =	swait.ge [sflag:s17], $0x400  }
0x291: {  	[sflag:s17] =	ssyncset.done $0x0  }
0x292: {  	[sflag:s17] =	ssyncadd.s32 $0xFFFFFC00  }
0x293: {  	_ =	swait.ge [sflag:s17], $0x400  }
0x294: {  	[sflag:s17] =	ssyncset.done $0x0  }
0x295: {  	[sflag:s17] =	ssyncadd.s32 $0xFFFFFC00  }
0x296: {  	_ =	swait.ge [sflag:s17], $0x400  }
0x297: {  	[sflag:s17] =	ssyncset.done $0x0  }
0x298: {  	[sflag:s17] =	ssyncadd.s32 $0xFFFFFC00  }
0x299: {  	_ =	swait.ge [sflag:s17], $0x400  }
0x29a: {  	[sflag:s17] =	ssyncset.done $0x0  }
0x29b: {  	[sflag:s17] =	ssyncadd.s32 $0xFFFFFC00  }
0x29c: {  	_ =	swait.ge [sflag:s17], $0x400  }
0x29d: {  	[sflag:s17] =	ssyncset.done $0x0  }
0x29e: {  	[sflag:s17] =	ssyncadd.s32 $0xFFFFFC00  }
0x29f: {  	_ =	swait.ge [sflag:s17], $0x400  }
0x2a0: {  	[sflag:s17] =	ssyncset.done $0x0  }
0x2a1: {  	[sflag:s17] =	ssyncadd.s32 $0xFFFFFC00  }
0x2a2: {  	_ =	swait.ge [sflag:s19], $0x800  }
0x2a3: {  	[sflag:s19] =	ssyncset.done $0x0  }
0x2a4: {  	s0 =	sshll.u32 s11, $0xF;
	[sflag:s19] =	ssyncadd.s32 $0xFFFFF800  }
0x2a5: {  	s0 =	sadd.s32 s5, s0;
	_ =	swait.ge [sflag:s29], $0x4000  }
0x2a6: {  	s16 =	sshrl.u32 s0, $0x3;
	[sflag:s29] =	ssyncset.done $0x0  }
0x2a7: {  	s1 =	simm.s32 $0x0;
	s0 =	sadd.s32 s21, s16;
	[sflag:s29] =	ssyncadd.s32 $0xFFFFC000  }
0x2a8: {  	[tilespmem:s22], [sflag:$0x7] =	stream.linear.gather [hbm4b:s0+s1], $0x4000, $0x38;
	[tilespmem:$0x1B940] =	vst v63  }
0x2a9: {  	s20 =	sand.u32 $0x700, s1;
	s1 =	sand.u32 $0x70, s1  }
0x2aa: {  	s0 =	sor.u32 s1, s20  }
0x2ab: {  	v0 =	vld [tilespmem:s0+$0x800];
	_ =	sdelay $0x2  }
0x2ac: {  	v1 =	vld [tilespmem:s0+$0x880];
	_ =	sdelay $0x1  }
0x2ad: {  	v0 =	vmul.u32 $0x3, v0  }
0x2ae: {  	s25 =	simm.s32 $0x1400  }
0x2af: {  	s7 =	simm.s32 $0x3400;
	s2 =	simm.s32 $0x1C00;
	s8 =	simm.s32 $0x2C00;
	[tilespmem:s25+$0x0] =	vst v0;
	v2 =	vadd.s32 $0x1, v0  }
0x2b0: {  	s30 =	simm.s32 $0x2400;
	s15 =	simm.s32 $0x20;
	s18 =	simm.s32 $0x10;
	v1 =	vmul.u32 $0x3, v1;
	v0 =	vadd.s32 $0x2, v0;
	[tilespmem:s2+$0x0] =	vst v2  }
0x2b1: {  	s10 =	simm.s32 $0x1410;
	s28 =	sand.u32 $0x70, s18;
	s20 =	simm.s32 $0x40;
	[tilespmem:s30+$0x0] =	vst v0  }
0x2b2: {  	s1 =	simm.s32 $0x1C10;
	s0 =	simm.s32 $0x3C00;
	s25 =	sand.u32 $0x700, s15;
	v0 =	vadd.s32 $0x1, v1;
	[tilespmem:s8+$0x0] =	vst v1  }
0x2b3: {  	s15 =	simm.s32 $0x3410;
	s2 =	simm.s32 $0x2C10;
	s8 =	simm.s32 $0x2410;
	[tilespmem:s7+$0x0] =	vst v0;
	v0 =	vadd.s32 $0x2, v1  }
.LBB2_13:
0x2b4: {  	s7 =	sor.u32 s28, s25  }
0x2b5: {  	[tilespmem:s0+$0x0] =	vst v0;
	s0 =	sadd.s32 $0x10, s0;
	s25 =	smov.u32 s20;
	s30 =	sadd.s32 $0x20, s20  }
0x2b6: {  	p1 =	sne.s32 s20, $0x7E0;
	v0 =	vld [tilespmem:s7+$0x800];
	_ =	sdelay $0x2  }
0x2b7: {  	v1 =	vld [tilespmem:s7+$0x880];
	_ =	sdelay $0x1  }
0x2b8: {  	v0 =	vmul.u32 $0x3, v0;
	_ =	sdelay $0x1  }
.Ltmp5:
0x2b9: {  	[tilespmem:s10+$0x0] =	vst v0;
	v2 =	vadd.s32 $0x1, v0;
	(pc) =	sbr.rel @p1 .LBB2_13-.Ltmp5, $4  }
0x2ba: {  	v0 =	vadd.s32 $0x2, v0;
	v1 =	vmul.u32 $0x3, v1;
	[tilespmem:s1+$0x0] =	vst v2  }
0x2bb: {  	s18 =	sadd.s32 $0x10, s18;
	s10 =	sadd.s32 $0x10, s10;
	s1 =	sadd.s32 $0x10, s1;
	[tilespmem:s8+$0x0] =	vst v0  }
0x2bc: {  	s25 =	sand.u32 $0x700, s25;
	s8 =	sadd.s32 $0x10, s8;
	[tilespmem:s2+$0x0] =	vst v1;
	v0 =	vadd.s32 $0x1, v1;
	s2 =	sadd.s32 $0x10, s2  }
0x2bd: {  	s28 =	sand.u32 $0x70, s18;
	s20 =	smov.u32 s30;
	[tilespmem:s15+$0x0] =	vst v0;
	v0 =	vadd.s32 $0x2, v1;
	s15 =	sadd.s32 $0x10, s15  }
0x2be: {  	s7 =	sor.u32 s28, s25;
	[tilespmem:s0+$0x0] =	vst v0  }
0x2bf: {  	v0 =	vld [tilespmem:s7+$0x800];
	_ =	sdelay $0x2  }
0x2c0: {  	v1 =	vld [tilespmem:s7+$0x880];
	_ =	sdelay $0x1  }
0x2c1: {  	v0 =	vmul.u32 $0x3, v0;
	_ =	sdelay $0x1  }
0x2c2: {  	[tilespmem:s10+$0x0] =	vst v0;
	v2 =	vadd.s32 $0x1, v0  }
0x2c3: {  	v1 =	vmul.u32 $0x3, v1;
	v0 =	vadd.s32 $0x2, v0;
	[tilespmem:s1+$0x0] =	vst v2  }
0x2c4: {  	[tilespmem:s8+$0x0] =	vst v0  }
0x2c5: {  	v0 =	vadd.s32 $0x1, v1;
	[tilespmem:s2+$0x0] =	vst v1  }
0x2c6: {  	s7 =	sadd.s32 $0x10, s0;
	[tilespmem:s15+$0x0] =	vst v0;
	v0 =	vadd.s32 $0x2, v1  }
0x2c7: {  	s10 =	simm.s32 $0x4400;
	s8 =	simm.s32 $0x1400;
	[tilespmem:s7+$0x0] =	vst v0  }
0x2c8: {  	[tilespmem:s10], [sflag:$0x4] =	stream.indirect.gather [spmem:s3], $0x1, s8, s24, $0xb8;
	[tilespmem:$0x1B940] =	vst v63  }
0x2c9: {  	s18 =	simm.s32 $0x4C00;
	s15 =	simm.s32 $0x1C00  }
0x2ca: {  	[tilespmem:s18], [sflag:$0x4] =	stream.indirect.gather [spmem:s3], $0x1, s15, s24, $0xb8;
	[tilespmem:$0x1B940] =	vst v63  }
0x2cb: {  	s20 =	simm.s32 $0x2400;
	s25 =	simm.s32 $0x5400;
	s1 =	simm.s32 $0x2C00  }
0x2cc: {  	[tilespmem:s25], [sflag:$0x4] =	stream.indirect.gather [spmem:s3], $0x1, s20, s24, $0xb8;
	[tilespmem:$0x1B940] =	vst v63  }
0x2cd: {  	s2 =	simm.s32 $0x5C00;
	s7 =	simm.s32 $0x3400;
	s15 =	sshll.u32 s11, $0x1  }
0x2ce: {  	[tilespmem:s2], [sflag:$0x4] =	stream.indirect.gather [spmem:s3], $0x1, s1, s24, $0xb8;
	[tilespmem:$0x1B940] =	vst v63  }
0x2cf: {  	s8 =	simm.s32 $0x6400;
	s18 =	simm.s32 $0x3C00;
	s10 =	smin.u32 s15, $0x5F  }
0x2d0: {  	[tilespmem:s8], [sflag:$0x4] =	stream.indirect.gather [spmem:s3], $0x1, s7, s24, $0xb8;
	[tilespmem:$0x1B940] =	vst v63  }
0x2d1: {  	s20 =	simm.s32 $0x6C00;
	s0 =	sshll.u32 s10, $0x8;
	s25 =	rddreg [dreg:$0xa]  }
0x2d2: {  	[tilespmem:s20], [sflag:$0x4] =	stream.indirect.gather [spmem:s3], $0x1, s18, s24, $0xb8;
	[tilespmem:$0x1B940] =	vst v63  }
0x2d3: {  	s0 =	sadd.s32 s0, s25;
	s25 =	simm.s32 $0x0  }
0x2d4: {  	[tilespmem:s25], [sflag:$0x1] =	stream.linear.gather [hbm4b:s0+s25], $0x800, $0x38;
	[tilespmem:$0x1B940] =	vst v63  }
0x2d5: {  	_ =	swait.ge [sflag:s31], $0x2000  }
0x2d6: {  	[sflag:s31] =	ssyncset.done $0x0  }
0x2d7: {  	[sflag:s31] =	ssyncadd.s32 $0xFFFFE000  }
0x2d8: {  	_ =	swait.ge [sflag:s31], $0x2000  }
0x2d9: {  	[sflag:s31] =	ssyncset.done $0x0  }
0x2da: {  	s1 =	simm.s32 $0x5800;
	[sflag:s31] =	ssyncadd.s32 $0xFFFFE000  }
0x2db: {  	s2 =	simm.s32 $0x4800;
	v0 =	vld [tilespmem:s1+$0x0]  }
0x2dc: {  	s7 =	simm.s32 $0x6000;
	v1 =	vld [tilespmem:s2+$0x0]  }
0x2dd: {  	s8 =	simm.s32 $0x4000;
	v2 =	vld [tilespmem:s7+$0x0]  }
0x2de: {  	s10 =	simm.s32 $0x5000;
	v3 =	vld [tilespmem:s8+$0x0]  }
0x2df: {  	s28 =	simm.s32 $0x6800;
	v4 =	vld [tilespmem:s10+$0x0]  }
0x2e0: {  	v5 =	vld [tilespmem:s28+$0x0];
	_ =	sdelay $0x2  }
0x2e1: {  	v0 =	vsub.f32 v3, v0;
	v1 =	vsub.f32 v1, v2;
	_ =	sdelay $0x1  }
0x2e2: {  	v2 =	vsub.f32 v4, v5;
	v0 =	vmul.f32 v0, v0;
	v1 =	vmul.f32 v1, v1;
	_ =	sdelay $0x1  }
0x2e3: {  	v0 =	vadd.f32 v1, v0;
	v1 =	vmul.f32 v2, v2;
	_ =	sdelay $0x1  }
0x2e4: {  	v0 =	vadd.f32 v1, v0;
	_ =	sdelay $0x1  }
0x2e5: {  	v1 =	vshrl.u32 v0, $0x1;
	v2 =	vmul.f32 $5.000000000e-01, v0  }
0x2e6: {  	v1 =	vsub.s32 $0x5F3759DF, v1  }
0x2e7: {  	v3 =	vmul.f32 v1, v2;
	_ =	sdelay $0x1  }
0x2e8: {  	v3 =	vmul.f32 v1, v3;
	_ =	sdelay $0x1  }
0x2e9: {  	v3 =	vsub.f32 $1.500000000e+00, v3;
	_ =	sdelay $0x1  }
0x2ea: {  	v1 =	vmul.f32 v1, v3;
	_ =	sdelay $0x1  }
0x2eb: {  	v3 =	vmul.f32 v1, v2;
	_ =	sdelay $0x1  }
0x2ec: {  	v3 =	vmul.f32 v3, v1;
	_ =	sdelay $0x1  }
0x2ed: {  	v3 =	vsub.f32 $1.500000000e+00, v3;
	_ =	sdelay $0x1  }
0x2ee: {  	v1 =	vmul.f32 v3, v1;
	_ =	sdelay $0x1  }
0x2ef: {  	v2 =	vmul.f32 v1, v2;
	_ =	sdelay $0x1  }
0x2f0: {  	v2 =	vmul.f32 v2, v1;
	_ =	sdelay $0x1  }
0x2f1: {  	v2 =	vsub.f32 $1.500000000e+00, v2;
	_ =	sdelay $0x1  }
0x2f2: {  	v1 =	vmul.f32 v2, v1;
	_ =	sdelay $0x1  }
0x2f3: {  	v0 =	vmul.f32 v1, v0;
	_ =	sdelay $0x1  }
0x2f4: {  	v1 =	vadd.f32 $-3.733333590e+00, v0;
	v2 =	vadd.f32 $-4.000000000e+00, v0  }
0x2f5: {  	v3 =	vadd.f32 $-3.200000290e+00, v0;
	v5 =	vadd.f32 $-3.466666940e+00, v0  }
0x2f6: {  	v6 =	vadd.f32 $-2.933333400e+00, v0;
	v7 =	vadd.f32 $-2.666666750e+00, v0  }
0x2f7: {  	v56 =	vadd.f32 $-2.400000100e+00, v0;
	v57 =	vadd.f32 $-2.133333440e+00, v0  }
0x2f8: {  	v58 =	vadd.f32 $-1.866666790e+00, v0;
	v59 =	vadd.f32 $-1.600000140e+00, v0  }
0x2f9: {  	v4 =	vmul.f32 v0, v0;
	v60 =	vadd.f32 $-1.333333370e+00, v0;
	v61 =	vadd.f32 $-1.066666720e+00, v0  }
0x2fa: {  	v62 =	vadd.f32 $-8.000000710e-01, v0;
	v63 =	vadd.f32 $-5.333333610e-01, v0;
	v1 =	vmul.f32 v1, v1  }
0x2fb: {  	v0 =	vadd.f32 $-2.666666810e-01, v0;
	v2 =	vmul.f32 v2, v2;
	v3 =	vmul.f32 v3, v3  }
0x2fc: {  	v5 =	vmul.f32 v5, v5;
	v6 =	vmul.f32 v6, v6  }
0x2fd: {  	v0 =	vmul.f32 v0, v0;
	v2 =	vmul.f32 $-8.000000000e+00, v2  }
0x2fe: {  	v1 =	vmul.f32 $-8.000000000e+00, v1;
	v3 =	vmul.f32 $-8.000000000e+00, v3  }
0x2ff: {  	v5 =	vmul.f32 $-8.000000000e+00, v5;
	v2 =	vmul.f32 $1.442695020e+00, v2  }
0x300: {  	v1 =	vmul.f32 $1.442695020e+00, v1;
	v3 =	vmul.f32 $1.442695020e+00, v3  }
0x301: {  	v5 =	vmul.f32 $1.442695020e+00, v5;
	(erf) = vpow2.f32 v2  }
0x302: {  	v2 =	vmul.f32 v7, v7;
	(erf) = vpow2.f32 v1  }
0x303: {  	v1 =	vmul.f32 $-8.000000000e+00, v6;
	(erf) = vpow2.f32 v5  }
0x304: {  	v2 =	vmul.f32 $-8.000000000e+00, v2;
	(erf) = vpow2.f32 v3  }
0x305: {  	v3 =	vmul.f32 v56, v56;
	v1 =	vmul.f32 $1.442695020e+00, v1  }
0x306: {  	v5 =	vmul.f32 v57, v57;
	v2 =	vmul.f32 $1.442695020e+00, v2  }
0x307: {  	v3 =	vmul.f32 $-8.000000000e+00, v3;
	(erf) = vpow2.f32 v1  }
0x308: {  	v1 =	vmul.f32 $-8.000000000e+00, v5;
	(erf) = vpow2.f32 v2  }
0x309: {  	v2 =	vmul.f32 v58, v58;
	v3 =	vmul.f32 $1.442695020e+00, v3  }
0x30a: {  	v5 =	vmul.f32 v59, v59;
	v1 =	vmul.f32 $1.442695020e+00, v1  }
0x30b: {  	v2 =	vmul.f32 $-8.000000000e+00, v2;
	(erf) = vpow2.f32 v3  }
0x30c: {  	v3 =	vmul.f32 $-8.000000000e+00, v5;
	(erf) = vpow2.f32 v1  }
0x30d: {  	v1 =	vmul.f32 v60, v60;
	v2 =	vmul.f32 $1.442695020e+00, v2  }
0x30e: {  	v5 =	vmul.f32 v61, v61;
	v3 =	vmul.f32 $1.442695020e+00, v3  }
0x30f: {  	v1 =	vmul.f32 $-8.000000000e+00, v1;
	(erf) = vpow2.f32 v2  }
0x310: {  	v2 =	vmul.f32 $-8.000000000e+00, v5;
	v5 =	vmul.f32 v63, v63  }
0x311: {  	(erf) = vpow2.f32 v3;
	v3 =	vmul.f32 v62, v62  }
0x312: {  	v1 =	vmul.f32 $1.442695020e+00, v1;
	v2 =	vmul.f32 $1.442695020e+00, v2  }
0x313: {  	v4 =	vmul.f32 $-8.000000000e+00, v4;
	v3 =	vmul.f32 $-8.000000000e+00, v3  }
0x314: {  	s18 =	sand.u32 $0x1C00, s25;
	s20 =	sand.u32 $0x70, s25;
	(erf) = vpow2.f32 v1;
	v1 =	vmul.f32 $-8.000000000e+00, v5  }
0x315: {  	s0 =	sor.u32 s20, s18;
	v0 =	vmul.f32 $-8.000000000e+00, v0;
	v5 =	vpop (erf);
	(erf) = vpow2.f32 v2  }
0x316: {  	[tilespmem:s0+$0x9380] =	vst v5;
	v3 =	vmul.f32 $1.442695020e+00, v3;
	v2 =	vpop (erf);
	v1 =	vmul.f32 $1.442695020e+00, v1  }
0x317: {  	v0 =	vmul.f32 $1.442695020e+00, v0;
	v5 =	vpop (erf);
	[tilespmem:s0+$0x9300] =	vst v2  }
0x318: {  	[tilespmem:s0+$0x9280] =	vst v5;
	v2 =	vpop (erf);
	(erf) = vpow2.f32 v3;
	v3 =	vmul.f32 $1.442695020e+00, v4  }
0x319: {  	[tilespmem:s0+$0x9200] =	vst v2;
	v2 =	vpop (erf);
	(erf) = vpow2.f32 v1  }
0x31a: {  	[tilespmem:s0+$0x9180] =	vst v2;
	v1 =	vpop (erf);
	(erf) = vpow2.f32 v3  }
0x31b: {  	[tilespmem:s0+$0x9100] =	vst v1;
	v1 =	vpop (erf);
	(erf) = vpow2.f32 v0  }
0x31c: {  	v0 =	vpop (erf);
	[tilespmem:s0+$0x9080] =	vst v1  }
0x31d: {  	v1 =	vpop (erf);
	[tilespmem:s0+$0x9000] =	vst v0  }
0x31e: {  	v0 =	vpop (erf);
	[tilespmem:s0+$0x7380] =	vst v1  }
0x31f: {  	[tilespmem:s0+$0x7300] =	vst v0;
	v0 =	vpop (erf)  }
0x320: {  	[tilespmem:s0+$0x7280] =	vst v0;
	v0 =	vpop (erf)  }
0x321: {  	[tilespmem:s0+$0x7200] =	vst v0;
	v0 =	vpop (erf)  }
0x322: {  	[tilespmem:s0+$0x7180] =	vst v0;
	v0 =	vpop (erf)  }
0x323: {  	[tilespmem:s0+$0x7100] =	vst v0;
	v0 =	vpop (erf)  }
0x324: {  	[tilespmem:s0+$0x7000] =	vst v0;
	v0 =	vpop (erf)  }
0x325: {  	s2 =	simm.s32 $0x5810;
	[tilespmem:s0+$0x7080] =	vst v0  }
0x326: {  	s8 =	simm.s32 $0x4810;
	v0 =	vld [tilespmem:s2+$0x0]  }
0x327: {  	s0 =	simm.s32 $0x6010;
	v1 =	vld [tilespmem:s8+$0x0]  }
0x328: {  	s1 =	simm.s32 $0x4010;
	v2 =	vld [tilespmem:s0+$0x0]  }
0x329: {  	s30 =	simm.s32 $0x10;
	s18 =	simm.s32 $0x20;
	s10 =	simm.s32 $0x5010;
	v3 =	vld [tilespmem:s1+$0x0]  }
.LBB2_15:
0x32a: {  	p1 =	sne.s32 s18, $0x3F0;
	v4 =	vld [tilespmem:s10+$0x0];
	s28 =	sadd.s32 $0x10, s28  }
0x32b: {  	v5 =	vld [tilespmem:s28+$0x0];
	_ =	sdelay $0x2  }
0x32c: {  	v1 =	vsub.f32 v1, v2;
	v0 =	vsub.f32 v3, v0;
	_ =	sdelay $0x1  }
0x32d: {  	v1 =	vmul.f32 v1, v1;
	v2 =	vsub.f32 v4, v5;
	v0 =	vmul.f32 v0, v0;
	_ =	sdelay $0x1  }
0x32e: {  	v0 =	vadd.f32 v1, v0;
	v1 =	vmul.f32 v2, v2;
	_ =	sdelay $0x1  }
0x32f: {  	v0 =	vadd.f32 v1, v0;
	_ =	sdelay $0x1  }
0x330: {  	v1 =	vshrl.u32 v0, $0x1;
	v2 =	vmul.f32 $5.000000000e-01, v0  }
0x331: {  	v1 =	vsub.s32 $0x5F3759DF, v1  }
0x332: {  	v3 =	vmul.f32 v1, v2;
	_ =	sdelay $0x1  }
0x333: {  	v3 =	vmul.f32 v1, v3;
	_ =	sdelay $0x1  }
0x334: {  	v3 =	vsub.f32 $1.500000000e+00, v3;
	_ =	sdelay $0x1  }
0x335: {  	v1 =	vmul.f32 v1, v3;
	_ =	sdelay $0x1  }
0x336: {  	v3 =	vmul.f32 v1, v2;
	_ =	sdelay $0x1  }
0x337: {  	v3 =	vmul.f32 v3, v1;
	_ =	sdelay $0x1  }
0x338: {  	v3 =	vsub.f32 $1.500000000e+00, v3;
	_ =	sdelay $0x1  }
0x339: {  	v1 =	vmul.f32 v3, v1;
	_ =	sdelay $0x1  }
0x33a: {  	v2 =	vmul.f32 v1, v2;
	_ =	sdelay $0x1  }
0x33b: {  	v2 =	vmul.f32 v2, v1;
	_ =	sdelay $0x1  }
0x33c: {  	v2 =	vsub.f32 $1.500000000e+00, v2;
	_ =	sdelay $0x1  }
0x33d: {  	v1 =	vmul.f32 v2, v1;
	_ =	sdelay $0x1  }
0x33e: {  	v0 =	vmul.f32 v1, v0;
	_ =	sdelay $0x1  }
0x33f: {  	v1 =	vmul.f32 v0, v0;
	v2 =	vadd.f32 $-3.733333590e+00, v0;
	v3 =	vadd.f32 $-4.000000000e+00, v0  }
0x340: {  	v4 =	vadd.f32 $-3.200000290e+00, v0;
	v5 =	vadd.f32 $-3.466666940e+00, v0  }
0x341: {  	v6 =	vadd.f32 $-2.933333400e+00, v0;
	v2 =	vmul.f32 v2, v2;
	v3 =	vmul.f32 v3, v3  }
0x342: {  	v7 =	vadd.f32 $-2.666666750e+00, v0;
	v4 =	vmul.f32 v4, v4;
	v5 =	vmul.f32 v5, v5  }
0x343: {  	v8 =	vadd.f32 $-2.400000100e+00, v0;
	v2 =	vmul.f32 $-8.000000000e+00, v2;
	v3 =	vmul.f32 $-8.000000000e+00, v3  }
0x344: {  	v9 =	vadd.f32 $-2.133333440e+00, v0;
	v4 =	vmul.f32 $-8.000000000e+00, v4;
	v5 =	vmul.f32 $-8.000000000e+00, v5  }
0x345: {  	v10 =	vadd.f32 $-1.866666790e+00, v0;
	v2 =	vmul.f32 $1.442695020e+00, v2;
	v3 =	vmul.f32 $1.442695020e+00, v3  }
0x346: {  	v11 =	vadd.f32 $-1.600000140e+00, v0;
	v4 =	vmul.f32 $1.442695020e+00, v4;
	v5 =	vmul.f32 $1.442695020e+00, v5  }
0x347: {  	v12 =	vadd.f32 $-1.333333370e+00, v0;
	v6 =	vmul.f32 v6, v6;
	(erf) = vpow2.f32 v3  }
0x348: {  	v7 =	vmul.f32 v7, v7;
	v3 =	vadd.f32 $-1.066666720e+00, v0;
	(erf) = vpow2.f32 v2  }
0x349: {  	v6 =	vmul.f32 $-8.000000000e+00, v6;
	v2 =	vadd.f32 $-8.000000710e-01, v0;
	(erf) = vpow2.f32 v5  }
0x34a: {  	v7 =	vmul.f32 $-8.000000000e+00, v7;
	v5 =	vadd.f32 $-5.333333610e-01, v0;
	(erf) = vpow2.f32 v4  }
0x34b: {  	v6 =	vmul.f32 $1.442695020e+00, v6;
	v0 =	vadd.f32 $-2.666666810e-01, v0;
	v4 =	vmul.f32 v8, v8  }
0x34c: {  	v7 =	vmul.f32 $1.442695020e+00, v7;
	v8 =	vmul.f32 v9, v9  }
0x34d: {  	v4 =	vmul.f32 $-8.000000000e+00, v4;
	(erf) = vpow2.f32 v6  }
0x34e: {  	s25 =	sadd.s32 $0x80, s25;
	v6 =	vmul.f32 $-8.000000000e+00, v8;
	(erf) = vpow2.f32 v7  }
0x34f: {  	s20 =	sand.u32 $0x70, s30;
	s30 =	smov.u32 s18;
	s7 =	sand.u32 $0x1C00, s25;
	v7 =	vmul.f32 v10, v10;
	v10 =	vmul.f32 $1.442695020e+00, v4  }
0x350: {  	s20 =	sor.u32 s20, s7;
	v8 =	vmul.f32 v11, v11;
	v6 =	vmul.f32 $1.442695020e+00, v6;
	v9 =	vpop (erf)  }
0x351: {  	v7 =	vmul.f32 $-8.000000000e+00, v7;
	[tilespmem:s20+$0x9380] =	vst v9;
	(erf) = vpow2.f32 v10;
	v4 =	vpop (erf)  }
0x352: {  	v8 =	vmul.f32 $-8.000000000e+00, v8;
	[tilespmem:s20+$0x9300] =	vst v4;
	(erf) = vpow2.f32 v6;
	v4 =	vpop (erf)  }
0x353: {  	v9 =	vmul.f32 v12, v12;
	v7 =	vmul.f32 $1.442695020e+00, v7;
	[tilespmem:s20+$0x9280] =	vst v4;
	v4 =	vpop (erf)  }
0x354: {  	v3 =	vmul.f32 v3, v3;
	v8 =	vmul.f32 $1.442695020e+00, v8;
	[tilespmem:s20+$0x9200] =	vst v4  }
0x355: {  	v4 =	vmul.f32 $-8.000000000e+00, v9;
	(erf) = vpow2.f32 v7  }
0x356: {  	v3 =	vmul.f32 $-8.000000000e+00, v3;
	(erf) = vpow2.f32 v8;
	v6 =	vpop (erf)  }
0x357: {  	v2 =	vmul.f32 v2, v2;
	v4 =	vmul.f32 $1.442695020e+00, v4;
	[tilespmem:s20+$0x9180] =	vst v6;
	v6 =	vpop (erf)  }
0x358: {  	v5 =	vmul.f32 v5, v5;
	v7 =	vmul.f32 $1.442695020e+00, v3;
	[tilespmem:s20+$0x9100] =	vst v6  }
0x359: {  	v2 =	vmul.f32 $-8.000000000e+00, v2;
	(erf) = vpow2.f32 v4  }
0x35a: {  	v4 =	vmul.f32 $-8.000000000e+00, v5;
	(erf) = vpow2.f32 v7;
	v3 =	vpop (erf)  }
0x35b: {  	v0 =	vmul.f32 v0, v0;
	v5 =	vmul.f32 $1.442695020e+00, v2;
	[tilespmem:s20+$0x9080] =	vst v3;
	v3 =	vpop (erf)  }
0x35c: {  	v1 =	vmul.f32 $-8.000000000e+00, v1;
	v4 =	vmul.f32 $1.442695020e+00, v4;
	[tilespmem:s20+$0x9000] =	vst v3  }
0x35d: {  	v0 =	vmul.f32 $-8.000000000e+00, v0;
	(erf) = vpow2.f32 v5  }
0x35e: {  	v1 =	vmul.f32 $1.442695020e+00, v1;
	(erf) = vpow2.f32 v4;
	v2 =	vpop (erf)  }
0x35f: {  	v3 =	vmul.f32 $1.442695020e+00, v0;
	[tilespmem:s20+$0x7380] =	vst v2;
	v2 =	vpop (erf)  }
0x360: {  	[tilespmem:s20+$0x7300] =	vst v2;
	(erf) = vpow2.f32 v1  }
0x361: {  	(erf) = vpow2.f32 v3  }
0x362: {  	v0 =	vpop (erf)  }
0x363: {  	[tilespmem:s20+$0x7280] =	vst v0;
	v0 =	vpop (erf)  }
0x364: {  	[tilespmem:s20+$0x7200] =	vst v0;
	_ =	sdelay $0x1  }
0x365: {  	v0 =	vpop (erf)  }
0x366: {  	[tilespmem:s20+$0x7180] =	vst v0;
	v0 =	vpop (erf)  }
0x367: {  	[tilespmem:s20+$0x7100] =	vst v0  }
0x368: {  	v0 =	vpop (erf)  }
0x369: {  	[tilespmem:s20+$0x7000] =	vst v0;
	v0 =	vpop (erf)  }
.Ltmp6:
0x36a: {  	s2 =	sadd.s32 $0x10, s2;
	[tilespmem:s20+$0x7080] =	vst v0;
	(pc) =	sbr.rel @p1 .LBB2_15-.Ltmp6, $4  }
0x36b: {  	s8 =	sadd.s32 $0x10, s8;
	v0 =	vld [tilespmem:s2+$0x0]  }
0x36c: {  	s0 =	sadd.s32 $0x10, s0;
	v1 =	vld [tilespmem:s8+$0x0]  }
0x36d: {  	s1 =	sadd.s32 $0x10, s1;
	v2 =	vld [tilespmem:s0+$0x0]  }
0x36e: {  	s18 =	sadd.s32 $0x10, s18;
	s10 =	sadd.s32 $0x10, s10;
	v3 =	vld [tilespmem:s1+$0x0]  }
0x36f: {  	v4 =	vld [tilespmem:s10+$0x0];
	s0 =	sadd.s32 $0x10, s28  }
0x370: {  	v5 =	vld [tilespmem:s0+$0x0];
	_ =	sdelay $0x2  }
0x371: {  	v1 =	vsub.f32 v1, v2;
	v0 =	vsub.f32 v3, v0;
	_ =	sdelay $0x1  }
0x372: {  	v1 =	vmul.f32 v1, v1;
	v2 =	vsub.f32 v4, v5;
	v0 =	vmul.f32 v0, v0;
	_ =	sdelay $0x1  }
0x373: {  	v0 =	vadd.f32 v1, v0;
	v1 =	vmul.f32 v2, v2;
	_ =	sdelay $0x1  }
0x374: {  	v0 =	vadd.f32 v1, v0;
	_ =	sdelay $0x1  }
0x375: {  	v1 =	vshrl.u32 v0, $0x1;
	v2 =	vmul.f32 $5.000000000e-01, v0  }
0x376: {  	v1 =	vsub.s32 $0x5F3759DF, v1  }
0x377: {  	v3 =	vmul.f32 v1, v2;
	_ =	sdelay $0x1  }
0x378: {  	v3 =	vmul.f32 v1, v3;
	_ =	sdelay $0x1  }
0x379: {  	v3 =	vsub.f32 $1.500000000e+00, v3;
	_ =	sdelay $0x1  }
0x37a: {  	v1 =	vmul.f32 v1, v3;
	_ =	sdelay $0x1  }
0x37b: {  	v3 =	vmul.f32 v1, v2;
	_ =	sdelay $0x1  }
0x37c: {  	v3 =	vmul.f32 v3, v1;
	_ =	sdelay $0x1  }
0x37d: {  	v3 =	vsub.f32 $1.500000000e+00, v3;
	_ =	sdelay $0x1  }
0x37e: {  	v1 =	vmul.f32 v3, v1;
	_ =	sdelay $0x1  }
0x37f: {  	v2 =	vmul.f32 v1, v2;
	_ =	sdelay $0x1  }
0x380: {  	v2 =	vmul.f32 v2, v1;
	_ =	sdelay $0x1  }
0x381: {  	v2 =	vsub.f32 $1.500000000e+00, v2;
	_ =	sdelay $0x1  }
0x382: {  	v1 =	vmul.f32 v2, v1;
	_ =	sdelay $0x1  }
0x383: {  	v0 =	vmul.f32 v1, v0;
	_ =	sdelay $0x1  }
0x384: {  	v1 =	vadd.f32 $-3.733333590e+00, v0;
	v2 =	vadd.f32 $-4.000000000e+00, v0  }
0x385: {  	v3 =	vadd.f32 $-3.200000290e+00, v0;
	v48 =	vmul.f32 v0, v0;
	v49 =	vadd.f32 $-3.466666940e+00, v0  }
0x386: {  	v6 =	vadd.f32 $-2.933333400e+00, v0;
	v51 =	vadd.f32 $-2.133333440e+00, v0;
	v1 =	vmul.f32 v1, v1  }
0x387: {  	v54 =	vadd.f32 $-1.600000140e+00, v0;
	v2 =	vmul.f32 v2, v2;
	v3 =	vmul.f32 v3, v3  }
0x388: {  	v5 =	vmul.f32 v49, v49;
	v6 =	vmul.f32 v6, v6  }
0x389: {  	v52 =	vmul.f32 v51, v51;
	v55 =	vmul.f32 v54, v54  }
0x38a: {  	v1 =	vmul.f32 $-8.000000000e+00, v1;
	v2 =	vmul.f32 $-8.000000000e+00, v2  }
0x38b: {  	v3 =	vmul.f32 $-8.000000000e+00, v3;
	v5 =	vmul.f32 $-8.000000000e+00, v5  }
0x38c: {  	v7 =	vadd.f32 $-2.666666750e+00, v0;
	v1 =	vmul.f32 $1.442695020e+00, v1;
	v2 =	vmul.f32 $1.442695020e+00, v2  }
0x38d: {  	v3 =	vmul.f32 $1.442695020e+00, v3;
	v5 =	vmul.f32 $1.442695020e+00, v5  }
0x38e: {  	(erf) = vpow2.f32 v2;
	v2 =	vmul.f32 v7, v7  }
0x38f: {  	v50 =	vadd.f32 $-2.400000100e+00, v0;
	(erf) = vpow2.f32 v1;
	v1 =	vmul.f32 $-8.000000000e+00, v6  }
0x390: {  	v57 =	vadd.f32 $-1.066666720e+00, v0;
	(erf) = vpow2.f32 v5;
	v2 =	vmul.f32 $-8.000000000e+00, v2  }
0x391: {  	(erf) = vpow2.f32 v3;
	v3 =	vmul.f32 v50, v50  }
0x392: {  	v58 =	vmul.f32 v57, v57;
	v1 =	vmul.f32 $1.442695020e+00, v1  }
0x393: {  	v53 =	vadd.f32 $-1.866666790e+00, v0;
	v2 =	vmul.f32 $1.442695020e+00, v2;
	v3 =	vmul.f32 $-8.000000000e+00, v3  }
0x394: {  	v60 =	vadd.f32 $-5.333333610e-01, v0;
	(erf) = vpow2.f32 v1;
	v1 =	vmul.f32 $-8.000000000e+00, v52  }
0x395: {  	(erf) = vpow2.f32 v2;
	v2 =	vmul.f32 v53, v53  }
0x396: {  	v56 =	vadd.f32 $-1.333333370e+00, v0;
	v61 =	vmul.f32 v60, v60;
	v3 =	vmul.f32 $1.442695020e+00, v3  }
0x397: {  	v59 =	vadd.f32 $-8.000000710e-01, v0;
	v1 =	vmul.f32 $1.442695020e+00, v1;
	v2 =	vmul.f32 $-8.000000000e+00, v2  }
0x398: {  	v0 =	vadd.f32 $-2.666666810e-01, v0;
	(erf) = vpow2.f32 v3;
	v3 =	vmul.f32 $-8.000000000e+00, v55  }
0x399: {  	(erf) = vpow2.f32 v1;
	v1 =	vmul.f32 v56, v56  }
0x39a: {  	v0 =	vmul.f32 v0, v0;
	v2 =	vmul.f32 $1.442695020e+00, v2  }
0x39b: {  	v3 =	vmul.f32 $1.442695020e+00, v3;
	v1 =	vmul.f32 $-8.000000000e+00, v1  }
0x39c: {  	(erf) = vpow2.f32 v2;
	v2 =	vmul.f32 $-8.000000000e+00, v58  }
0x39d: {  	(erf) = vpow2.f32 v3;
	v3 =	vmul.f32 v59, v59  }
0x39e: {  	v1 =	vmul.f32 $1.442695020e+00, v1;
	v2 =	vmul.f32 $1.442695020e+00, v2  }
0x39f: {  	s2 =	sadd.s32 $0x80, s25;
	v4 =	vmul.f32 $-8.000000000e+00, v48;
	v3 =	vmul.f32 $-8.000000000e+00, v3  }
0x3a0: {  	s1 =	sand.u32 $0x70, s30;
	s0 =	sand.u32 $0x1C00, s2;
	(erf) = vpow2.f32 v1;
	v1 =	vmul.f32 $-8.000000000e+00, v61  }
0x3a1: {  	s0 =	sor.u32 s1, s0;
	v0 =	vmul.f32 $-8.000000000e+00, v0;
	v62 =	vpop (erf);
	(erf) = vpow2.f32 v2  }
0x3a2: {  	[tilespmem:s0+$0x9380] =	vst v62;
	v3 =	vmul.f32 $1.442695020e+00, v3;
	v2 =	vpop (erf);
	v1 =	vmul.f32 $1.442695020e+00, v1  }
0x3a3: {  	v0 =	vmul.f32 $1.442695020e+00, v0;
	v63 =	vpop (erf);
	[tilespmem:s0+$0x9300] =	vst v2  }
0x3a4: {  	[tilespmem:s0+$0x9280] =	vst v63;
	v2 =	vpop (erf);
	(erf) = vpow2.f32 v3;
	v3 =	vmul.f32 $1.442695020e+00, v4  }
0x3a5: {  	[tilespmem:s0+$0x9200] =	vst v2;
	v2 =	vpop (erf);
	(erf) = vpow2.f32 v1  }
0x3a6: {  	[tilespmem:s0+$0x9180] =	vst v2;
	v1 =	vpop (erf);
	(erf) = vpow2.f32 v3  }
0x3a7: {  	[tilespmem:s0+$0x9100] =	vst v1;
	v1 =	vpop (erf);
	(erf) = vpow2.f32 v0  }
0x3a8: {  	v0 =	vpop (erf);
	[tilespmem:s0+$0x9080] =	vst v1  }
0x3a9: {  	v1 =	vpop (erf);
	[tilespmem:s0+$0x9000] =	vst v0  }
0x3aa: {  	v0 =	vpop (erf);
	[tilespmem:s0+$0x7380] =	vst v1  }
0x3ab: {  	[tilespmem:s0+$0x7300] =	vst v0;
	v0 =	vpop (erf)  }
0x3ac: {  	[tilespmem:s0+$0x7280] =	vst v0;
	v0 =	vpop (erf)  }
0x3ad: {  	[tilespmem:s0+$0x7200] =	vst v0;
	v0 =	vpop (erf)  }
0x3ae: {  	[tilespmem:s0+$0x7180] =	vst v0;
	v0 =	vpop (erf)  }
0x3af: {  	[tilespmem:s0+$0x7100] =	vst v0;
	v0 =	vpop (erf)  }
0x3b0: {  	[tilespmem:s0+$0x7000] =	vst v0;
	v0 =	vpop (erf)  }
0x3b1: {  	s7 =	simm.s32 $0x7;
	[tilespmem:s0+$0x7080] =	vst v0  }
0x3b2: {  	_ =	swait.ge [sflag:s7], $0x4000  }
0x3b3: {  	[sflag:s7] =	ssyncset.done $0x0  }
0x3b4: {  	[sflag:s7] =	ssyncadd.s32 $0xFFFFC000  }
0x3b5: {  	s0 =	rddreg [dreg:$0x3]  }
0x3b6: {  	s8 =	simm.s32 $0x0;
	s10 =	sshll.u32 s11, $0xB;
	s0 =	sadd.s32 s0, s16  }
0x3b7: {  	[hbm4b:s0+s8] =	stream.linear.scatter [tilespmem:s22], [sflag:$0x9], $0x4000, $0x38;
	[tilespmem:$0x1B940] =	vst v63  }
0x3b8: {  	s0 =	sadd.s32 s13, s10  }
0x3b9: {  	s7 =	simm.s32 $0x7000;
	s2 =	sadd.s32 s0, s12  }
0x3ba: {  	[hbm4b:s2+s8] =	stream.linear.scatter [tilespmem:s7], [sflag:$0x5], $0x2000, $0x38;
	[tilespmem:$0x1B940] =	vst v63  }
0x3bb: {  	s16 =	simm.s32 $0x9000;
	s0 =	sadd.s32 s0, s14  }
0x3bc: {  	[hbm4b:s0+s8] =	stream.linear.scatter [tilespmem:s16], [sflag:$0x5], $0x2000, $0x38;
	[tilespmem:$0x1B940] =	vst v63  }
0x3bd: {  	_ =	swait.ge [sflag:s23], $0x400  }
0x3be: {  	[sflag:s23] =	ssyncset.done $0x0  }
0x3bf: {  	[sflag:s23] =	ssyncadd.s32 $0xFFFFFC00  }
0x3c0: {  	_ =	swait.ge [sflag:s23], $0x400  }
0x3c1: {  	[sflag:s23] =	ssyncset.done $0x0  }
0x3c2: {  	[sflag:s23] =	ssyncadd.s32 $0xFFFFFC00  }
0x3c3: {  	_ =	swait.ge [sflag:s23], $0x400  }
0x3c4: {  	[sflag:s23] =	ssyncset.done $0x0  }
0x3c5: {  	[sflag:s23] =	ssyncadd.s32 $0xFFFFFC00  }
0x3c6: {  	_ =	swait.ge [sflag:s23], $0x400  }
0x3c7: {  	[sflag:s23] =	ssyncset.done $0x0  }
0x3c8: {  	[sflag:s23] =	ssyncadd.s32 $0xFFFFFC00  }
0x3c9: {  	_ =	swait.ge [sflag:s23], $0x400  }
0x3ca: {  	[sflag:s23] =	ssyncset.done $0x0  }
0x3cb: {  	[sflag:s23] =	ssyncadd.s32 $0xFFFFFC00  }
0x3cc: {  	_ =	swait.ge [sflag:s23], $0x400  }
0x3cd: {  	[sflag:s23] =	ssyncset.done $0x0  }
0x3ce: {  	s18 =	simm.s32 $0x1;
	[sflag:s23] =	ssyncadd.s32 $0xFFFFFC00  }
0x3cf: {  	s16 =	sor.u32 $0x1, s15;
	_ =	swait.ge [sflag:s18], $0x800  }
0x3d0: {  	s20 =	sshll.u32 s16, $0xE;
	[sflag:s18] =	ssyncset.done $0x0  }
0x3d1: {  	s1 =	sand.u32 $0x70, s8;
	s0 =	smin.u32 s20, $0x182A00;
	[sflag:s18] =	ssyncadd.s32 $0xFFFFF800  }
0x3d2: {  	s22 =	smov.u32 s21;
	s0 =	sadd.s32 s5, s0;
	_ =	swait.ge [sflag:s6], $0x4000  }
0x3d3: {  	s7 =	sand.u32 $0x700, s8;
	s25 =	sshrl.u32 s0, $0x3;
	[sflag:s6] =	ssyncset.done $0x0  }
0x3d4: {  	s0 =	sadd.s32 s21, s25;
	s21 =	simm.s32 $0x13000;
	[sflag:s6] =	ssyncadd.s32 $0xFFFFC000  }
0x3d5: {  	[tilespmem:s21], [sflag:$0x8] =	stream.linear.gather [hbm4b:s0+s8], $0x4000, $0x38;
	[tilespmem:$0x1B940] =	vst v63  }
0x3d6: {  	s0 =	sor.u32 s1, s7  }
0x3d7: {  	v0 =	vld [tilespmem:s0+$0x0];
	_ =	sdelay $0x2  }
0x3d8: {  	v1 =	vld [tilespmem:s0+$0x80];
	_ =	sdelay $0x1  }
0x3d9: {  	v0 =	vmul.u32 $0x3, v0  }
0x3da: {  	s8 =	simm.s32 $0x1000  }
0x3db: {  	s30 =	simm.s32 $0x20;
	s28 =	simm.s32 $0x40;
	s10 =	simm.s32 $0x1800;
	[tilespmem:s8+$0x0] =	vst v0;
	v2 =	vadd.s32 $0x1, v0  }
0x3dc: {  	s30 =	sand.u32 $0x700, s30;
	s2 =	simm.s32 $0x2810;
	s21 =	simm.s32 $0x2000;
	v1 =	vmul.u32 $0x3, v1;
	v0 =	vadd.s32 $0x2, v0;
	[tilespmem:s10+$0x0] =	vst v2  }
0x3dd: {  	s20 =	simm.s32 $0x2800;
	s18 =	simm.s32 $0x3000;
	s1 =	simm.s32 $0x1810;
	[tilespmem:s21+$0x0] =	vst v0  }
0x3de: {  	s0 =	simm.s32 $0x3800;
	s8 =	simm.s32 $0x2010;
	v0 =	vadd.s32 $0x1, v1;
	[tilespmem:s20+$0x0] =	vst v1;
	s20 =	simm.s32 $0x10  }
0x3df: {  	s10 =	simm.s32 $0x1010;
	s7 =	sand.u32 $0x70, s20;
	[tilespmem:s18+$0x0] =	vst v0;
	v0 =	vadd.s32 $0x2, v1;
	s18 =	simm.s32 $0x3010  }
.LBB2_17:
0x3e0: {  	s7 =	sor.u32 s7, s30  }
0x3e1: {  	[tilespmem:s0+$0x0] =	vst v0;
	s0 =	sadd.s32 $0x10, s0;
	s30 =	smov.u32 s28;
	s21 =	sadd.s32 $0x20, s28  }
0x3e2: {  	p1 =	sne.s32 s28, $0x7E0;
	v0 =	vld [tilespmem:s7+$0x0];
	_ =	sdelay $0x2  }
0x3e3: {  	v1 =	vld [tilespmem:s7+$0x80];
	_ =	sdelay $0x1  }
0x3e4: {  	v0 =	vmul.u32 $0x3, v0;
	_ =	sdelay $0x1  }
.Ltmp7:
0x3e5: {  	[tilespmem:s10+$0x0] =	vst v0;
	v2 =	vadd.s32 $0x1, v0;
	(pc) =	sbr.rel @p1 .LBB2_17-.Ltmp7, $4  }
0x3e6: {  	v0 =	vadd.s32 $0x2, v0;
	v1 =	vmul.u32 $0x3, v1;
	[tilespmem:s1+$0x0] =	vst v2  }
0x3e7: {  	s20 =	sadd.s32 $0x10, s20;
	s10 =	sadd.s32 $0x10, s10;
	s1 =	sadd.s32 $0x10, s1;
	[tilespmem:s8+$0x0] =	vst v0  }
0x3e8: {  	s30 =	sand.u32 $0x700, s30;
	s8 =	sadd.s32 $0x10, s8;
	[tilespmem:s2+$0x0] =	vst v1;
	v0 =	vadd.s32 $0x1, v1;
	s2 =	sadd.s32 $0x10, s2  }
0x3e9: {  	s28 =	smov.u32 s21;
	s7 =	sand.u32 $0x70, s20;
	[tilespmem:s18+$0x0] =	vst v0;
	v0 =	vadd.s32 $0x2, v1;
	s18 =	sadd.s32 $0x10, s18  }
0x3ea: {  	s7 =	sor.u32 s7, s30;
	[tilespmem:s0+$0x0] =	vst v0  }
0x3eb: {  	v0 =	vld [tilespmem:s7+$0x0];
	_ =	sdelay $0x2  }
0x3ec: {  	v1 =	vld [tilespmem:s7+$0x80];
	_ =	sdelay $0x1  }
0x3ed: {  	v0 =	vmul.u32 $0x3, v0;
	_ =	sdelay $0x1  }
0x3ee: {  	[tilespmem:s10+$0x0] =	vst v0;
	v2 =	vadd.s32 $0x1, v0  }
0x3ef: {  	v1 =	vmul.u32 $0x3, v1;
	v0 =	vadd.s32 $0x2, v0;
	[tilespmem:s1+$0x0] =	vst v2  }
0x3f0: {  	[tilespmem:s8+$0x0] =	vst v0  }
0x3f1: {  	v0 =	vadd.s32 $0x1, v1;
	[tilespmem:s2+$0x0] =	vst v1  }
0x3f2: {  	s2 =	sadd.s32 $0x10, s0;
	[tilespmem:s18+$0x0] =	vst v0;
	v0 =	vadd.s32 $0x2, v1  }
0x3f3: {  	s7 =	simm.s32 $0x1000;
	s8 =	simm.s32 $0x4000;
	[tilespmem:s2+$0x0] =	vst v0  }
0x3f4: {  	[tilespmem:s8], [sflag:$0x3] =	stream.indirect.gather [spmem:s3], $0x1, s7, s24, $0xb8;
	[tilespmem:$0x1B940] =	vst v63  }
0x3f5: {  	s10 =	simm.s32 $0x1800;
	s18 =	simm.s32 $0x4800  }
0x3f6: {  	[tilespmem:s18], [sflag:$0x3] =	stream.indirect.gather [spmem:s3], $0x1, s10, s24, $0xb8;
	[tilespmem:$0x1B940] =	vst v63  }
0x3f7: {  	s20 =	simm.s32 $0x2000;
	s21 =	simm.s32 $0x5000  }
0x3f8: {  	[tilespmem:s21], [sflag:$0x3] =	stream.indirect.gather [spmem:s3], $0x1, s20, s24, $0xb8;
	[tilespmem:$0x1B940] =	vst v63  }
0x3f9: {  	s1 =	simm.s32 $0x2800;
	s2 =	simm.s32 $0x5800;
	s7 =	simm.s32 $0x3000  }
0x3fa: {  	[tilespmem:s2], [sflag:$0x3] =	stream.indirect.gather [spmem:s3], $0x1, s1, s24, $0xb8;
	[tilespmem:$0x1B940] =	vst v63  }
0x3fb: {  	s8 =	simm.s32 $0x6000;
	s10 =	smin.u32 s15, $0x5E;
	s15 =	simm.s32 $0x3800  }
0x3fc: {  	[tilespmem:s8], [sflag:$0x3] =	stream.indirect.gather [spmem:s3], $0x1, s7, s24, $0xb8;
	[tilespmem:$0x1B940] =	vst v63  }
0x3fd: {  	s18 =	simm.s32 $0x6800;
	s0 =	sshll.u32 s10, $0x8;
	s20 =	rddreg [dreg:$0xf]  }
0x3fe: {  	[tilespmem:s18], [sflag:$0x3] =	stream.indirect.gather [spmem:s3], $0x1, s15, s24, $0xb8;
	[tilespmem:$0x1B940] =	vst v63  }
0x3ff: {  	s21 =	simm.s32 $0x800;
	s0 =	sadd.s32 s0, s20;
	s15 =	simm.s32 $0x0  }
0x400: {  	[tilespmem:s21], [sflag:$0x2] =	stream.linear.gather [hbm4b:s0+s15], $0x800, $0x38;
	[tilespmem:$0x1B940] =	vst v63  }
0x401: {  	_ =	swait.ge [sflag:s9], $0x2000  }
0x402: {  	[sflag:s9] =	ssyncset.done $0x0  }
0x403: {  	[sflag:s9] =	ssyncadd.s32 $0xFFFFE000  }
0x404: {  	_ =	swait.ge [sflag:s9], $0x2000  }
0x405: {  	[sflag:s9] =	ssyncset.done $0x0  }
0x406: {  	s2 =	simm.s32 $0x5C00;
	[sflag:s9] =	ssyncadd.s32 $0xFFFFE000  }
0x407: {  	s7 =	simm.s32 $0x4C00;
	v0 =	vld [tilespmem:s2+$0x0]  }
0x408: {  	s8 =	simm.s32 $0x6400;
	v1 =	vld [tilespmem:s7+$0x0]  }
0x409: {  	s10 =	simm.s32 $0x4400;
	v2 =	vld [tilespmem:s8+$0x0]  }
0x40a: {  	s18 =	simm.s32 $0x5400;
	v3 =	vld [tilespmem:s10+$0x0]  }
0x40b: {  	s28 =	simm.s32 $0x6C00;
	v4 =	vld [tilespmem:s18+$0x0]  }
0x40c: {  	v5 =	vld [tilespmem:s28+$0x0];
	_ =	sdelay $0x2  }
0x40d: {  	v0 =	vsub.f32 v3, v0;
	v1 =	vsub.f32 v1, v2;
	_ =	sdelay $0x1  }
0x40e: {  	v2 =	vsub.f32 v4, v5;
	v0 =	vmul.f32 v0, v0;
	v1 =	vmul.f32 v1, v1;
	_ =	sdelay $0x1  }
0x40f: {  	v0 =	vadd.f32 v1, v0;
	v1 =	vmul.f32 v2, v2;
	_ =	sdelay $0x1  }
0x410: {  	v0 =	vadd.f32 v1, v0;
	_ =	sdelay $0x1  }
0x411: {  	v1 =	vshrl.u32 v0, $0x1;
	v2 =	vmul.f32 $5.000000000e-01, v0  }
0x412: {  	v1 =	vsub.s32 $0x5F3759DF, v1  }
0x413: {  	v3 =	vmul.f32 v1, v2;
	_ =	sdelay $0x1  }
0x414: {  	v3 =	vmul.f32 v1, v3;
	_ =	sdelay $0x1  }
0x415: {  	v3 =	vsub.f32 $1.500000000e+00, v3;
	_ =	sdelay $0x1  }
0x416: {  	v1 =	vmul.f32 v1, v3;
	_ =	sdelay $0x1  }
0x417: {  	v3 =	vmul.f32 v1, v2;
	_ =	sdelay $0x1  }
0x418: {  	v3 =	vmul.f32 v3, v1;
	_ =	sdelay $0x1  }
0x419: {  	v3 =	vsub.f32 $1.500000000e+00, v3;
	_ =	sdelay $0x1  }
0x41a: {  	v1 =	vmul.f32 v3, v1;
	_ =	sdelay $0x1  }
0x41b: {  	v2 =	vmul.f32 v1, v2;
	_ =	sdelay $0x1  }
0x41c: {  	v2 =	vmul.f32 v2, v1;
	_ =	sdelay $0x1  }
0x41d: {  	v2 =	vsub.f32 $1.500000000e+00, v2;
	_ =	sdelay $0x1  }
0x41e: {  	v1 =	vmul.f32 v2, v1;
	_ =	sdelay $0x1  }
0x41f: {  	v0 =	vmul.f32 v1, v0;
	_ =	sdelay $0x1  }
0x420: {  	v1 =	vadd.f32 $-3.733333590e+00, v0;
	v2 =	vadd.f32 $-4.000000000e+00, v0  }
0x421: {  	v3 =	vadd.f32 $-3.200000290e+00, v0;
	v5 =	vadd.f32 $-3.466666940e+00, v0  }
0x422: {  	v6 =	vadd.f32 $-2.933333400e+00, v0;
	v7 =	vadd.f32 $-2.666666750e+00, v0  }
0x423: {  	v56 =	vadd.f32 $-2.400000100e+00, v0;
	v57 =	vadd.f32 $-2.133333440e+00, v0  }
0x424: {  	v58 =	vadd.f32 $-1.866666790e+00, v0;
	v59 =	vadd.f32 $-1.600000140e+00, v0  }
0x425: {  	v4 =	vmul.f32 v0, v0;
	v60 =	vadd.f32 $-1.333333370e+00, v0;
	v61 =	vadd.f32 $-1.066666720e+00, v0  }
0x426: {  	v62 =	vadd.f32 $-8.000000710e-01, v0;
	v63 =	vadd.f32 $-5.333333610e-01, v0;
	v1 =	vmul.f32 v1, v1  }
0x427: {  	v0 =	vadd.f32 $-2.666666810e-01, v0;
	v2 =	vmul.f32 v2, v2;
	v3 =	vmul.f32 v3, v3  }
0x428: {  	v5 =	vmul.f32 v5, v5;
	v6 =	vmul.f32 v6, v6  }
0x429: {  	v0 =	vmul.f32 v0, v0;
	v2 =	vmul.f32 $-8.000000000e+00, v2  }
0x42a: {  	v1 =	vmul.f32 $-8.000000000e+00, v1;
	v3 =	vmul.f32 $-8.000000000e+00, v3  }
0x42b: {  	v5 =	vmul.f32 $-8.000000000e+00, v5;
	v2 =	vmul.f32 $1.442695020e+00, v2  }
0x42c: {  	v1 =	vmul.f32 $1.442695020e+00, v1;
	v3 =	vmul.f32 $1.442695020e+00, v3  }
0x42d: {  	v5 =	vmul.f32 $1.442695020e+00, v5;
	(erf) = vpow2.f32 v2  }
0x42e: {  	v2 =	vmul.f32 v7, v7;
	(erf) = vpow2.f32 v1  }
0x42f: {  	v1 =	vmul.f32 $-8.000000000e+00, v6;
	(erf) = vpow2.f32 v5  }
0x430: {  	v2 =	vmul.f32 $-8.000000000e+00, v2;
	(erf) = vpow2.f32 v3  }
0x431: {  	v3 =	vmul.f32 v56, v56;
	v1 =	vmul.f32 $1.442695020e+00, v1  }
0x432: {  	v5 =	vmul.f32 v57, v57;
	v2 =	vmul.f32 $1.442695020e+00, v2  }
0x433: {  	v3 =	vmul.f32 $-8.000000000e+00, v3;
	(erf) = vpow2.f32 v1  }
0x434: {  	v1 =	vmul.f32 $-8.000000000e+00, v5;
	(erf) = vpow2.f32 v2  }
0x435: {  	v2 =	vmul.f32 v58, v58;
	v3 =	vmul.f32 $1.442695020e+00, v3  }
0x436: {  	v5 =	vmul.f32 v59, v59;
	v1 =	vmul.f32 $1.442695020e+00, v1  }
0x437: {  	v2 =	vmul.f32 $-8.000000000e+00, v2;
	(erf) = vpow2.f32 v3  }
0x438: {  	v3 =	vmul.f32 $-8.000000000e+00, v5;
	(erf) = vpow2.f32 v1  }
0x439: {  	v1 =	vmul.f32 v60, v60;
	v2 =	vmul.f32 $1.442695020e+00, v2  }
0x43a: {  	v5 =	vmul.f32 v61, v61;
	v3 =	vmul.f32 $1.442695020e+00, v3  }
0x43b: {  	v1 =	vmul.f32 $-8.000000000e+00, v1;
	(erf) = vpow2.f32 v2  }
0x43c: {  	v2 =	vmul.f32 $-8.000000000e+00, v5;
	v5 =	vmul.f32 v63, v63  }
0x43d: {  	(erf) = vpow2.f32 v3;
	v3 =	vmul.f32 v62, v62  }
0x43e: {  	v1 =	vmul.f32 $1.442695020e+00, v1;
	v2 =	vmul.f32 $1.442695020e+00, v2  }
0x43f: {  	v4 =	vmul.f32 $-8.000000000e+00, v4;
	v3 =	vmul.f32 $-8.000000000e+00, v3  }
0x440: {  	s20 =	sand.u32 $0x1C00, s15;
	s21 =	sand.u32 $0x70, s15;
	(erf) = vpow2.f32 v1;
	v1 =	vmul.f32 $-8.000000000e+00, v5  }
0x441: {  	s0 =	sor.u32 s21, s20;
	v0 =	vmul.f32 $-8.000000000e+00, v0;
	v5 =	vpop (erf);
	(erf) = vpow2.f32 v2  }
0x442: {  	[tilespmem:s0+$0xD380] =	vst v5;
	v3 =	vmul.f32 $1.442695020e+00, v3;
	v2 =	vpop (erf);
	v1 =	vmul.f32 $1.442695020e+00, v1  }
0x443: {  	v0 =	vmul.f32 $1.442695020e+00, v0;
	v5 =	vpop (erf);
	[tilespmem:s0+$0xD300] =	vst v2  }
0x444: {  	[tilespmem:s0+$0xD280] =	vst v5;
	v2 =	vpop (erf);
	(erf) = vpow2.f32 v3;
	v3 =	vmul.f32 $1.442695020e+00, v4  }
0x445: {  	[tilespmem:s0+$0xD200] =	vst v2;
	v2 =	vpop (erf);
	(erf) = vpow2.f32 v1  }
0x446: {  	[tilespmem:s0+$0xD180] =	vst v2;
	v1 =	vpop (erf);
	(erf) = vpow2.f32 v3  }
0x447: {  	[tilespmem:s0+$0xD100] =	vst v1;
	v1 =	vpop (erf);
	(erf) = vpow2.f32 v0  }
0x448: {  	v0 =	vpop (erf);
	[tilespmem:s0+$0xD080] =	vst v1  }
0x449: {  	v1 =	vpop (erf);
	[tilespmem:s0+$0xD000] =	vst v0  }
0x44a: {  	v0 =	vpop (erf);
	[tilespmem:s0+$0xB380] =	vst v1  }
0x44b: {  	[tilespmem:s0+$0xB300] =	vst v0;
	v0 =	vpop (erf)  }
0x44c: {  	[tilespmem:s0+$0xB280] =	vst v0;
	v0 =	vpop (erf)  }
0x44d: {  	[tilespmem:s0+$0xB200] =	vst v0;
	v0 =	vpop (erf)  }
0x44e: {  	[tilespmem:s0+$0xB180] =	vst v0;
	v0 =	vpop (erf)  }
0x44f: {  	[tilespmem:s0+$0xB100] =	vst v0;
	v0 =	vpop (erf)  }
0x450: {  	[tilespmem:s0+$0xB000] =	vst v0;
	v0 =	vpop (erf)  }
0x451: {  	s2 =	simm.s32 $0x5C10;
	[tilespmem:s0+$0xB080] =	vst v0  }
0x452: {  	s8 =	simm.s32 $0x4C10;
	v0 =	vld [tilespmem:s2+$0x0]  }
0x453: {  	s0 =	simm.s32 $0x6410;
	v1 =	vld [tilespmem:s8+$0x0]  }
0x454: {  	s1 =	simm.s32 $0x4410;
	v2 =	vld [tilespmem:s0+$0x0]  }
0x455: {  	s30 =	simm.s32 $0x10;
	s18 =	simm.s32 $0x20;
	s10 =	simm.s32 $0x5410;
	v3 =	vld [tilespmem:s1+$0x0]  }
.LBB2_19:
0x456: {  	p1 =	sne.s32 s18, $0x3F0;
	v4 =	vld [tilespmem:s10+$0x0];
	s28 =	sadd.s32 $0x10, s28  }
0x457: {  	v5 =	vld [tilespmem:s28+$0x0];
	_ =	sdelay $0x2  }
0x458: {  	v1 =	vsub.f32 v1, v2;
	v0 =	vsub.f32 v3, v0;
	_ =	sdelay $0x1  }
0x459: {  	v1 =	vmul.f32 v1, v1;
	v2 =	vsub.f32 v4, v5;
	v0 =	vmul.f32 v0, v0;
	_ =	sdelay $0x1  }
0x45a: {  	v0 =	vadd.f32 v1, v0;
	v1 =	vmul.f32 v2, v2;
	_ =	sdelay $0x1  }
0x45b: {  	v0 =	vadd.f32 v1, v0;
	_ =	sdelay $0x1  }
0x45c: {  	v1 =	vshrl.u32 v0, $0x1;
	v2 =	vmul.f32 $5.000000000e-01, v0  }
0x45d: {  	v1 =	vsub.s32 $0x5F3759DF, v1  }
0x45e: {  	v3 =	vmul.f32 v1, v2;
	_ =	sdelay $0x1  }
0x45f: {  	v3 =	vmul.f32 v1, v3;
	_ =	sdelay $0x1  }
0x460: {  	v3 =	vsub.f32 $1.500000000e+00, v3;
	_ =	sdelay $0x1  }
0x461: {  	v1 =	vmul.f32 v1, v3;
	_ =	sdelay $0x1  }
0x462: {  	v3 =	vmul.f32 v1, v2;
	_ =	sdelay $0x1  }
0x463: {  	v3 =	vmul.f32 v3, v1;
	_ =	sdelay $0x1  }
0x464: {  	v3 =	vsub.f32 $1.500000000e+00, v3;
	_ =	sdelay $0x1  }
0x465: {  	v1 =	vmul.f32 v3, v1;
	_ =	sdelay $0x1  }
0x466: {  	v2 =	vmul.f32 v1, v2;
	_ =	sdelay $0x1  }
0x467: {  	v2 =	vmul.f32 v2, v1;
	_ =	sdelay $0x1  }
0x468: {  	v2 =	vsub.f32 $1.500000000e+00, v2;
	_ =	sdelay $0x1  }
0x469: {  	v1 =	vmul.f32 v2, v1;
	_ =	sdelay $0x1  }
0x46a: {  	v0 =	vmul.f32 v1, v0;
	_ =	sdelay $0x1  }
0x46b: {  	v1 =	vmul.f32 v0, v0;
	v2 =	vadd.f32 $-3.733333590e+00, v0;
	v3 =	vadd.f32 $-4.000000000e+00, v0  }
0x46c: {  	v4 =	vadd.f32 $-3.200000290e+00, v0;
	v5 =	vadd.f32 $-3.466666940e+00, v0  }
0x46d: {  	v6 =	vadd.f32 $-2.933333400e+00, v0;
	v2 =	vmul.f32 v2, v2;
	v3 =	vmul.f32 v3, v3  }
0x46e: {  	v7 =	vadd.f32 $-2.666666750e+00, v0;
	v4 =	vmul.f32 v4, v4;
	v5 =	vmul.f32 v5, v5  }
0x46f: {  	v8 =	vadd.f32 $-2.400000100e+00, v0;
	v2 =	vmul.f32 $-8.000000000e+00, v2;
	v3 =	vmul.f32 $-8.000000000e+00, v3  }
0x470: {  	v9 =	vadd.f32 $-2.133333440e+00, v0;
	v4 =	vmul.f32 $-8.000000000e+00, v4;
	v5 =	vmul.f32 $-8.000000000e+00, v5  }
0x471: {  	v10 =	vadd.f32 $-1.866666790e+00, v0;
	v2 =	vmul.f32 $1.442695020e+00, v2;
	v3 =	vmul.f32 $1.442695020e+00, v3  }
0x472: {  	v11 =	vadd.f32 $-1.600000140e+00, v0;
	v4 =	vmul.f32 $1.442695020e+00, v4;
	v5 =	vmul.f32 $1.442695020e+00, v5  }
0x473: {  	v12 =	vadd.f32 $-1.333333370e+00, v0;
	v6 =	vmul.f32 v6, v6;
	(erf) = vpow2.f32 v3  }
0x474: {  	v7 =	vmul.f32 v7, v7;
	v3 =	vadd.f32 $-1.066666720e+00, v0;
	(erf) = vpow2.f32 v2  }
0x475: {  	v6 =	vmul.f32 $-8.000000000e+00, v6;
	v2 =	vadd.f32 $-8.000000710e-01, v0;
	(erf) = vpow2.f32 v5  }
0x476: {  	v7 =	vmul.f32 $-8.000000000e+00, v7;
	v5 =	vadd.f32 $-5.333333610e-01, v0;
	(erf) = vpow2.f32 v4  }
0x477: {  	v6 =	vmul.f32 $1.442695020e+00, v6;
	v0 =	vadd.f32 $-2.666666810e-01, v0;
	v4 =	vmul.f32 v8, v8  }
0x478: {  	v7 =	vmul.f32 $1.442695020e+00, v7;
	v8 =	vmul.f32 v9, v9  }
0x479: {  	v4 =	vmul.f32 $-8.000000000e+00, v4;
	(erf) = vpow2.f32 v6  }
0x47a: {  	s15 =	sadd.s32 $0x80, s15;
	v6 =	vmul.f32 $-8.000000000e+00, v8;
	(erf) = vpow2.f32 v7  }
0x47b: {  	s20 =	sand.u32 $0x70, s30;
	s30 =	smov.u32 s18;
	s7 =	sand.u32 $0x1C00, s15;
	v7 =	vmul.f32 v10, v10;
	v10 =	vmul.f32 $1.442695020e+00, v4  }
0x47c: {  	s20 =	sor.u32 s20, s7;
	v8 =	vmul.f32 v11, v11;
	v6 =	vmul.f32 $1.442695020e+00, v6;
	v9 =	vpop (erf)  }
0x47d: {  	v7 =	vmul.f32 $-8.000000000e+00, v7;
	[tilespmem:s20+$0xD380] =	vst v9;
	(erf) = vpow2.f32 v10;
	v4 =	vpop (erf)  }
0x47e: {  	v8 =	vmul.f32 $-8.000000000e+00, v8;
	[tilespmem:s20+$0xD300] =	vst v4;
	(erf) = vpow2.f32 v6;
	v4 =	vpop (erf)  }
0x47f: {  	v9 =	vmul.f32 v12, v12;
	v7 =	vmul.f32 $1.442695020e+00, v7;
	[tilespmem:s20+$0xD280] =	vst v4;
	v4 =	vpop (erf)  }
0x480: {  	v3 =	vmul.f32 v3, v3;
	v8 =	vmul.f32 $1.442695020e+00, v8;
	[tilespmem:s20+$0xD200] =	vst v4  }
0x481: {  	v4 =	vmul.f32 $-8.000000000e+00, v9;
	(erf) = vpow2.f32 v7  }
0x482: {  	v3 =	vmul.f32 $-8.000000000e+00, v3;
	(erf) = vpow2.f32 v8;
	v6 =	vpop (erf)  }
0x483: {  	v2 =	vmul.f32 v2, v2;
	v4 =	vmul.f32 $1.442695020e+00, v4;
	[tilespmem:s20+$0xD180] =	vst v6;
	v6 =	vpop (erf)  }
0x484: {  	v5 =	vmul.f32 v5, v5;
	v7 =	vmul.f32 $1.442695020e+00, v3;
	[tilespmem:s20+$0xD100] =	vst v6  }
0x485: {  	v2 =	vmul.f32 $-8.000000000e+00, v2;
	(erf) = vpow2.f32 v4  }
0x486: {  	v4 =	vmul.f32 $-8.000000000e+00, v5;
	(erf) = vpow2.f32 v7;
	v3 =	vpop (erf)  }
0x487: {  	v0 =	vmul.f32 v0, v0;
	v5 =	vmul.f32 $1.442695020e+00, v2;
	[tilespmem:s20+$0xD080] =	vst v3;
	v3 =	vpop (erf)  }
0x488: {  	v1 =	vmul.f32 $-8.000000000e+00, v1;
	v4 =	vmul.f32 $1.442695020e+00, v4;
	[tilespmem:s20+$0xD000] =	vst v3  }
0x489: {  	v0 =	vmul.f32 $-8.000000000e+00, v0;
	(erf) = vpow2.f32 v5  }
0x48a: {  	v1 =	vmul.f32 $1.442695020e+00, v1;
	(erf) = vpow2.f32 v4;
	v2 =	vpop (erf)  }
0x48b: {  	v3 =	vmul.f32 $1.442695020e+00, v0;
	[tilespmem:s20+$0xB380] =	vst v2;
	v2 =	vpop (erf)  }
0x48c: {  	[tilespmem:s20+$0xB300] =	vst v2;
	(erf) = vpow2.f32 v1  }
0x48d: {  	(erf) = vpow2.f32 v3  }
0x48e: {  	v0 =	vpop (erf)  }
0x48f: {  	[tilespmem:s20+$0xB280] =	vst v0;
	v0 =	vpop (erf)  }
0x490: {  	[tilespmem:s20+$0xB200] =	vst v0;
	_ =	sdelay $0x1  }
0x491: {  	v0 =	vpop (erf)  }
0x492: {  	[tilespmem:s20+$0xB180] =	vst v0;
	v0 =	vpop (erf)  }
0x493: {  	[tilespmem:s20+$0xB100] =	vst v0  }
0x494: {  	v0 =	vpop (erf)  }
0x495: {  	[tilespmem:s20+$0xB000] =	vst v0;
	v0 =	vpop (erf)  }
.Ltmp8:
0x496: {  	s2 =	sadd.s32 $0x10, s2;
	[tilespmem:s20+$0xB080] =	vst v0;
	(pc) =	sbr.rel @p1 .LBB2_19-.Ltmp8, $4  }
0x497: {  	s8 =	sadd.s32 $0x10, s8;
	v0 =	vld [tilespmem:s2+$0x0]  }
0x498: {  	s0 =	sadd.s32 $0x10, s0;
	v1 =	vld [tilespmem:s8+$0x0]  }
0x499: {  	s1 =	sadd.s32 $0x10, s1;
	v2 =	vld [tilespmem:s0+$0x0]  }
0x49a: {  	s18 =	sadd.s32 $0x10, s18;
	s10 =	sadd.s32 $0x10, s10;
	v3 =	vld [tilespmem:s1+$0x0]  }
0x49b: {  	v4 =	vld [tilespmem:s10+$0x0];
	s0 =	sadd.s32 $0x10, s28  }
0x49c: {  	v5 =	vld [tilespmem:s0+$0x0];
	_ =	sdelay $0x2  }
0x49d: {  	v1 =	vsub.f32 v1, v2;
	v0 =	vsub.f32 v3, v0;
	_ =	sdelay $0x1  }
0x49e: {  	v1 =	vmul.f32 v1, v1;
	v17 =	vsub.f32 v4, v5;
	v0 =	vmul.f32 v0, v0;
	_ =	sdelay $0x1  }
0x49f: {  	v0 =	vadd.f32 v1, v0;
	v18 =	vmul.f32 v17, v17;
	_ =	sdelay $0x1  }
0x4a0: {  	v0 =	vadd.f32 v18, v0;
	_ =	sdelay $0x1  }
0x4a1: {  	v1 =	vshrl.u32 v0, $0x1;
	v19 =	vmul.f32 $5.000000000e-01, v0  }
0x4a2: {  	v1 =	vsub.s32 $0x5F3759DF, v1  }
0x4a3: {  	v20 =	vmul.f32 v1, v19;
	_ =	sdelay $0x1  }
0x4a4: {  	v3 =	vmul.f32 v1, v20;
	_ =	sdelay $0x1  }
0x4a5: {  	v3 =	vsub.f32 $1.500000000e+00, v3;
	_ =	sdelay $0x1  }
0x4a6: {  	v1 =	vmul.f32 v1, v3;
	_ =	sdelay $0x1  }
0x4a7: {  	v3 =	vmul.f32 v1, v19;
	_ =	sdelay $0x1  }
0x4a8: {  	v3 =	vmul.f32 v3, v1;
	_ =	sdelay $0x1  }
0x4a9: {  	v3 =	vsub.f32 $1.500000000e+00, v3;
	_ =	sdelay $0x1  }
0x4aa: {  	v1 =	vmul.f32 v3, v1;
	_ =	sdelay $0x1  }
0x4ab: {  	v2 =	vmul.f32 v1, v19;
	_ =	sdelay $0x1  }
0x4ac: {  	v2 =	vmul.f32 v2, v1;
	_ =	sdelay $0x1  }
0x4ad: {  	v2 =	vsub.f32 $1.500000000e+00, v2;
	_ =	sdelay $0x1  }
0x4ae: {  	v1 =	vmul.f32 v2, v1;
	_ =	sdelay $0x1  }
0x4af: {  	v0 =	vmul.f32 v1, v0;
	_ =	sdelay $0x1  }
0x4b0: {  	v1 =	vadd.f32 $-3.733333590e+00, v0;
	v21 =	vadd.f32 $-4.000000000e+00, v0  }
0x4b1: {  	v22 =	vadd.f32 $-3.200000290e+00, v0;
	v24 =	vadd.f32 $-3.466666940e+00, v0  }
0x4b2: {  	v6 =	vadd.f32 $-2.933333400e+00, v0;
	v7 =	vadd.f32 $-2.666666750e+00, v0  }
0x4b3: {  	v23 =	vmul.f32 v0, v0;
	v26 =	vadd.f32 $-2.400000100e+00, v0;
	v28 =	vadd.f32 $-2.133333440e+00, v0  }
0x4b4: {  	v31 =	vadd.f32 $-1.866666790e+00, v0;
	v32 =	vadd.f32 $-1.600000140e+00, v0;
	v1 =	vmul.f32 v1, v1  }
0x4b5: {  	v36 =	vadd.f32 $-1.333333370e+00, v0;
	v2 =	vmul.f32 v21, v21;
	v3 =	vmul.f32 v22, v22  }
0x4b6: {  	v37 =	vadd.f32 $-1.066666720e+00, v0;
	v5 =	vmul.f32 v24, v24;
	v6 =	vmul.f32 v6, v6  }
0x4b7: {  	v41 =	vadd.f32 $-8.000000710e-01, v0;
	v25 =	vmul.f32 v7, v7;
	v29 =	vmul.f32 v26, v26  }
0x4b8: {  	v42 =	vadd.f32 $-5.333333610e-01, v0;
	v30 =	vmul.f32 v28, v28;
	v34 =	vmul.f32 v31, v31  }
0x4b9: {  	v0 =	vadd.f32 $-2.666666810e-01, v0;
	v35 =	vmul.f32 v32, v32;
	v39 =	vmul.f32 v36, v36  }
0x4ba: {  	v40 =	vmul.f32 v37, v37;
	v44 =	vmul.f32 v41, v41  }
0x4bb: {  	v45 =	vmul.f32 v42, v42;
	v0 =	vmul.f32 v0, v0  }
0x4bc: {  	v4 =	vmul.f32 $-8.000000000e+00, v23;
	v1 =	vmul.f32 $-8.000000000e+00, v1  }
0x4bd: {  	v2 =	vmul.f32 $-8.000000000e+00, v2;
	v3 =	vmul.f32 $-8.000000000e+00, v3  }
0x4be: {  	v5 =	vmul.f32 $-8.000000000e+00, v5;
	v27 =	vmul.f32 $-8.000000000e+00, v6  }
0x4bf: {  	v33 =	vmul.f32 $-8.000000000e+00, v30;
	v2 =	vmul.f32 $1.442695020e+00, v2  }
0x4c0: {  	v1 =	vmul.f32 $1.442695020e+00, v1;
	v3 =	vmul.f32 $1.442695020e+00, v3  }
0x4c1: {  	v5 =	vmul.f32 $1.442695020e+00, v5;
	(erf) = vpow2.f32 v2  }
0x4c2: {  	v2 =	vmul.f32 $-8.000000000e+00, v25;
	(erf) = vpow2.f32 v1  }
0x4c3: {  	v1 =	vmul.f32 $1.442695020e+00, v27;
	(erf) = vpow2.f32 v5  }
0x4c4: {  	v2 =	vmul.f32 $1.442695020e+00, v2;
	(erf) = vpow2.f32 v3  }
0x4c5: {  	v3 =	vmul.f32 $-8.000000000e+00, v29;
	(erf) = vpow2.f32 v1  }
0x4c6: {  	v38 =	vmul.f32 $-8.000000000e+00, v35;
	(erf) = vpow2.f32 v2  }
0x4c7: {  	v3 =	vmul.f32 $1.442695020e+00, v3;
	v2 =	vmul.f32 $-8.000000000e+00, v34  }
0x4c8: {  	v43 =	vmul.f32 $-8.000000000e+00, v40;
	v1 =	vmul.f32 $1.442695020e+00, v33  }
0x4c9: {  	(erf) = vpow2.f32 v3;
	v2 =	vmul.f32 $1.442695020e+00, v2  }
0x4ca: {  	v3 =	vmul.f32 $1.442695020e+00, v38;
	(erf) = vpow2.f32 v1  }
0x4cb: {  	v1 =	vmul.f32 $-8.000000000e+00, v39;
	(erf) = vpow2.f32 v2  }
0x4cc: {  	s18 =	sadd.s32 $0x80, s15;
	v46 =	vmul.f32 $-8.000000000e+00, v45;
	(erf) = vpow2.f32 v3  }
0x4cd: {  	s1 =	sand.u32 $0x70, s30;
	s0 =	sand.u32 $0x1C00, s18;
	v1 =	vmul.f32 $1.442695020e+00, v1;
	v3 =	vmul.f32 $-8.000000000e+00, v44  }
0x4ce: {  	s0 =	sor.u32 s1, s0;
	v0 =	vmul.f32 $-8.000000000e+00, v0;
	v2 =	vmul.f32 $1.442695020e+00, v43;
	v47 =	vpop (erf)  }
0x4cf: {  	v48 =	vpop (erf);
	[tilespmem:s0+$0xD380] =	vst v47;
	(erf) = vpow2.f32 v1;
	v3 =	vmul.f32 $1.442695020e+00, v3  }
0x4d0: {  	v49 =	vpop (erf);
	[tilespmem:s0+$0xD300] =	vst v48;
	v1 =	vmul.f32 $1.442695020e+00, v46;
	(erf) = vpow2.f32 v2  }
0x4d1: {  	v51 =	vmul.f32 $1.442695020e+00, v4;
	[tilespmem:s0+$0xD280] =	vst v49;
	v50 =	vpop (erf);
	(erf) = vpow2.f32 v3  }
0x4d2: {  	v0 =	vmul.f32 $1.442695020e+00, v0;
	[tilespmem:s0+$0xD200] =	vst v50;
	v52 =	vpop (erf);
	(erf) = vpow2.f32 v1  }
0x4d3: {  	[tilespmem:s0+$0xD180] =	vst v52;
	v53 =	vpop (erf);
	(erf) = vpow2.f32 v51  }
0x4d4: {  	[tilespmem:s0+$0xD100] =	vst v53;
	v54 =	vpop (erf);
	(erf) = vpow2.f32 v0  }
0x4d5: {  	v55 =	vpop (erf);
	[tilespmem:s0+$0xD080] =	vst v54  }
0x4d6: {  	v56 =	vpop (erf);
	[tilespmem:s0+$0xD000] =	vst v55  }
0x4d7: {  	v57 =	vpop (erf);
	[tilespmem:s0+$0xB380] =	vst v56  }
0x4d8: {  	[tilespmem:s0+$0xB300] =	vst v57;
	v58 =	vpop (erf)  }
0x4d9: {  	[tilespmem:s0+$0xB280] =	vst v58;
	v59 =	vpop (erf)  }
0x4da: {  	[tilespmem:s0+$0xB200] =	vst v59;
	v60 =	vpop (erf)  }
0x4db: {  	[tilespmem:s0+$0xB180] =	vst v60;
	v61 =	vpop (erf)  }
0x4dc: {  	[tilespmem:s0+$0xB100] =	vst v61;
	v62 =	vpop (erf)  }
0x4dd: {  	[tilespmem:s0+$0xB000] =	vst v62;
	v63 =	vpop (erf)  }
0x4de: {  	[tilespmem:s0+$0xB080] =	vst v63  }
0x4df: {  	_ =	swait.ge [sflag:s26], $0x4000  }
0x4e0: {  	[sflag:s26] =	ssyncset.done $0x0  }
0x4e1: {  	[sflag:s26] =	ssyncadd.s32 $0xFFFFC000  }
0x4e2: {  	s21 =	simm.s32 $0x13000;
	s11 =	sadd.s32 $0x1, s11;
	s20 =	rddreg [dreg:$0x3]  }
0x4e3: {  	p1 =	sne.s32 s11, $0x31;
	s0 =	sadd.s32 s20, s25;
	s25 =	sshll.u32 s16, $0xA  }
0x4e4: {  	[hbm4b:s0+s4] =	stream.linear.scatter [tilespmem:s21], [sflag:$0xA], $0x4000, $0x38;
	[tilespmem:$0x1B940] =	vst v63  }
.Ltmp9:
0x4e5: {  	s0 =	sadd.s32 s13, s25;
	(pc) =	sbr.rel @p1 .LBB2_12-.Ltmp9, $4  }
0x4e6: {  	s2 =	simm.s32 $0xB000;
	s30 =	simm.s32 $0xD000;
	s28 =	sadd.s32 s0, s12  }
0x4e7: {  	[hbm4b:s28+s4] =	stream.linear.scatter [tilespmem:s2], [sflag:$0x6], $0x2000, $0x38;
	[tilespmem:$0x1B940] =	vst v63  }
0x4e8: {  	s21 =	smov.u32 s22;
	s22 =	simm.s32 $0xF000;
	s0 =	sadd.s32 s0, s14  }
0x4e9: {  	[hbm4b:s0+s4] =	stream.linear.scatter [tilespmem:s30], [sflag:$0x6], $0x2000, $0x38;
	[tilespmem:$0x1B940] =	vst v63  }
0x4ea: {  	_ =	swait.ge [sflag:s17], $0x400  }
0x4eb: {  	[sflag:s17] =	ssyncset.done $0x0  }
0x4ec: {  	[sflag:s17] =	ssyncadd.s32 $0xFFFFFC00  }
0x4ed: {  	_ =	swait.ge [sflag:s17], $0x400  }
0x4ee: {  	[sflag:s17] =	ssyncset.done $0x0  }
0x4ef: {  	[sflag:s17] =	ssyncadd.s32 $0xFFFFFC00  }
0x4f0: {  	_ =	swait.ge [sflag:s17], $0x400  }
0x4f1: {  	[sflag:s17] =	ssyncset.done $0x0  }
0x4f2: {  	[sflag:s17] =	ssyncadd.s32 $0xFFFFFC00  }
0x4f3: {  	_ =	swait.ge [sflag:s17], $0x400  }
0x4f4: {  	[sflag:s17] =	ssyncset.done $0x0  }
0x4f5: {  	[sflag:s17] =	ssyncadd.s32 $0xFFFFFC00  }
0x4f6: {  	_ =	swait.ge [sflag:s17], $0x400  }
0x4f7: {  	[sflag:s17] =	ssyncset.done $0x0  }
0x4f8: {  	[sflag:s17] =	ssyncadd.s32 $0xFFFFFC00  }
0x4f9: {  	_ =	swait.ge [sflag:s17], $0x400  }
0x4fa: {  	[sflag:s17] =	ssyncset.done $0x0  }
0x4fb: {  	[sflag:s17] =	ssyncadd.s32 $0xFFFFFC00  }
0x4fc: {  	_ =	swait.ge [sflag:s19], $0x800  }
0x4fd: {  	[sflag:s19] =	ssyncset.done $0x0  }
0x4fe: {  	[sflag:s19] =	ssyncadd.s32 $0xFFFFF800  }
0x4ff: {  	_ =	swait.ge [sflag:s9], $0x2000  }
0x500: {  	[sflag:s9] =	ssyncset.done $0x0  }
0x501: {  	[sflag:s9] =	ssyncadd.s32 $0xFFFFE000  }
0x502: {  	_ =	swait.ge [sflag:s9], $0x2000  }
0x503: {  	[sflag:s9] =	ssyncset.done $0x0  }
0x504: {  	[sflag:s9] =	ssyncadd.s32 $0xFFFFE000  }
0x505: {  	_ =	swait.ge [sflag:s31], $0x2000  }
0x506: {  	[sflag:s31] =	ssyncset.done $0x0  }
0x507: {  	[sflag:s31] =	ssyncadd.s32 $0xFFFFE000  }
0x508: {  	_ =	swait.ge [sflag:s31], $0x2000  }
0x509: {  	[sflag:s31] =	ssyncset.done $0x0  }
0x50a: {  	[sflag:s31] =	ssyncadd.s32 $0xFFFFE000  }
0x50b: {  	_ =	swait.ge [sflag:s29], $0x4000  }
0x50c: {  	[sflag:s29] =	ssyncset.done $0x0  }
0x50d: {  	[sflag:s29] =	ssyncadd.s32 $0xFFFFC000  }
0x50e: {  	_ =	swait.ge [sflag:s6], $0x4000  }
0x50f: {  	s1 =	rddreg [dreg:$0x14]  }
0x510: {  	s0 =	rddreg [dreg:$0x13];
	s1 =	sadd.s32 $0x1, s1  }
0x511: {  	p1 =	sne.s32 s1, s0  }
.Ltmp10:
0x512: {  	_ = 	snop;
	(pc) =	sbr.rel @p1 .LBB2_1-.Ltmp10, $3  }
0x513: {  	_ =	sdelay $0x1  }
0x514: {  	[sflag:s6] =	ssyncset.done $0x0  }
0x515: {  	[sflag:s6] =	ssyncadd.s32 $0xFFFFC000  }
0x516: {  	_ =	sfence.sel $0x180000  }
0x517: {  	[bflag:$0x0] =	sbarrier.arrive $0xFFFF  }
0x518: {  	_ =	strace $0x90000047  }
0x519: {  	[bflag:$0x2] =	sbarrier.arrive $0xFFFF  }
0x51a: {  	s0 =	rddreg [dreg:$0x5]  }
0x51b: {  	s0 =	sadd.s32 @!p0 $0x100000, s0  }
0x51c: {  	[sflag:s0] =	ssyncadd.tile.s32 @!p0 $0x1;
	_ =	shalt  }
.Lfunc_end2:
_tile_overlayer_lowered:
.L_overlay_start_2:
0x51d: {  	(tag) =	ssettag $0x2  }
0x51e: {  	s0 =	rddreg [dreg:$0x0];
	s2 =	stileid.u32  }
0x51f: {  	s1 =	rddreg [dreg:$0x1];
	p0 =	sne.s32 s2, $0x0  }
0x520: {  	s3 =	rddreg [dreg:$0x2];
	[bflag:$0x3] =	sbarrier.arrive $0xFFFF;
	s2 =	simm.s32 @!p0 $0x1C0B  }
0x521: {  	[timem:s3], [sflag:s2] =	dma.local @!p0 [hbm:s0], s1  }
0x522: {  	s0 =	simm.s32 @!p0 $0xB  }
0x523: {  	_ =	swait.ge @!p0 [sflag:s0], s1  }
0x524: {  	s1 =	ssub.s32 @!p0 $0x0, s1;
	[sflag:s0] =	ssyncset.done @!p0 $0x0  }
0x525: {  	[sflag:s0] =	ssyncadd.s32 @!p0 s1  }
0x526: {  	[bflag:$0x3] =	sbarrier.arrive $0xFFFF  }
0x527: {  	_ =	shalt  }

</sc_bundles>
